<compile_context>
chip_gen: v7x
topology: tpu7x:2x2x1
jax: 0.10.2.dev20260603
libtpu: 0.0.44.dev20260713+nightly
codegen_flags: <defaults>
</compile_context>

<pallas_src>
import functools

import jax
import jax.numpy as jnp
from jax import lax
from jax.experimental import pallas as pl
from jax.experimental.pallas import tpu as pltpu
from jax.experimental.pallas import tpu_sc as plsc

N = 10000
E = 320000
D = 128

NC = 2
NS = 16
NW = NC * NS
E_PER_TILE = E // NW
K = 72
NFULL = E_PER_TILE // K
TAIL = E_PER_TILE - NFULL * K
ROWS_PER_SUBCORE = N // NS
NB = 4
NR = 8
UN = 8


def _sc_segment_sum(hc, ef):
    mesh = plsc.VectorSubcoreMesh(core_axis_name="c", subcore_axis_name="s")

    @functools.partial(
        pl.kernel,
        out_type=jax.ShapeDtypeStruct((NC, N, D), jnp.float32),
        mesh=mesh,
        scratch_types=[
            pltpu.VMEM((NR, 2, K), jnp.int32),
            pltpu.VMEM((2, TAIL), jnp.int32),
            pltpu.VMEM((NB, K, D), jnp.float32),
            pltpu.VMEM_SHARED((N, D), jnp.float32),
        ] + [pltpu.SemaphoreType.DMA] * (2 * NB + NR + 1),
    )
    def seg(hc_hbm, ef_hbm, out_hbm, idx_v, tidx_v, rows_v, acc_sh, *sems):
        semG = sems[:NB]
        semS = sems[NB:2 * NB]
        semi = sems[2 * NB:2 * NB + NR]
        semT = sems[2 * NB + NR]
        rows = tuple(rows_v.at[i] for i in range(NB))
        cid = lax.axis_index("c")
        sid = lax.axis_index("s")
        wid = sid * NC + cid
        ebase = wid * E_PER_TILE

        def load_idx(chunk, slot, sem):
            e0 = ebase + chunk * K
            pltpu.async_copy(ef_hbm.at[pl.ds(e0, K)],
                             idx_v.at[slot, 0], sem)
            pltpu.async_copy(ef_hbm.at[pl.ds(E + e0, K)],
                             idx_v.at[slot, 1], sem)

        def wait_idx(chunk, slot, sem):
            e0 = ebase + chunk * K
            pltpu.make_async_copy(ef_hbm.at[pl.ds(e0, K)],
                                  idx_v.at[slot, 0], sem).wait()
            pltpu.make_async_copy(ef_hbm.at[pl.ds(E + e0, K)],
                                  idx_v.at[slot, 1], sem).wait()

        def gather(slot, buf, sem):
            pltpu.async_copy(hc_hbm.at[idx_v.at[slot, 0]], buf, sem)

        def wait_gather(slot, buf, sem):
            pltpu.make_async_copy(hc_hbm.at[idx_v.at[slot, 0]], buf,
                                  sem).wait()

        def scatter(slot, buf, sem):
            pltpu.async_copy(buf, acc_sh.at[idx_v.at[slot, 1]], sem,
                             add=True)

        def wait_scatter(slot, buf, sem):
            pltpu.make_async_copy(buf, acc_sh.at[idx_v.at[slot, 1]],
                                  sem).wait()

        for c0 in range(NR - 1):
            load_idx(c0, c0, semi[c0])

        zbuf = rows[NB - 1]
        zero16 = jnp.zeros((16,), jnp.float32)

        @pl.loop(0, K)
        def _(i):
            @pl.loop(0, D, step=16)
            def _(j):
                zbuf[i, pl.ds(j, 16)] = zero16

        row0 = sid * ROWS_PER_SUBCORE
        nz = ROWS_PER_SUBCORE // K
        rz = ROWS_PER_SUBCORE - nz * K

        for i in range(nz):
            pltpu.async_copy(zbuf, acc_sh.at[pl.ds(row0 + i * K, K)],
                             semS[i % NB])
        pltpu.async_copy(zbuf.at[pl.ds(0, rz)],
                         acc_sh.at[pl.ds(row0 + nz * K, rz)], semT)

        for c0 in range(NB - 1):
            wait_idx(c0, c0, semi[c0])
            gather(c0, rows[c0], semG[c0])

        for i in range(nz):
            pltpu.make_async_copy(zbuf, acc_sh.at[pl.ds(row0 + i * K, K)],
                                  semS[i % NB]).wait()
        pltpu.make_async_copy(zbuf.at[pl.ds(0, rz)],
                              acc_sh.at[pl.ds(row0 + nz * K, rz)],
                              semT).wait()
        plsc.subcore_barrier()

        @pl.loop(0, NFULL // UN)
        def _(jj):
            j0 = jj * UN
            for u in range(UN):
                c = j0 + u
                b = u % NB
                gb = (u + 3) % NB
                s3 = (u + 3) % NR
                sp = (u + NR - 1) % NR
                wait_gather(u % NR, rows[b], semG[b])
                if u == 0:
                    @pl.when(jj > 0)
                    def _():
                        wait_scatter(sp, rows[gb], semS[gb])
                else:
                    wait_scatter(sp, rows[gb], semS[gb])

                @pl.when(c + 3 < NFULL)
                def _():
                    wait_idx(c + 3, s3, semi[s3])
                    gather(s3, rows[gb], semG[gb])

                @pl.when(c + NR - 1 < NFULL)
                def _():
                    load_idx(c + NR - 1, sp, semi[sp])
                scatter(u % NR, rows[b], semS[b])

        et0 = ebase + NFULL * K
        pltpu.async_copy(ef_hbm.at[pl.ds(et0, TAIL)], tidx_v.at[0], semT)
        pltpu.async_copy(ef_hbm.at[pl.ds(E + et0, TAIL)], tidx_v.at[1],
                         semT)
        wait_gather(0, rows[0], semG[0])
        wait_scatter(NR - 1, rows[3], semS[3])
        scatter(0, rows[0], semS[0])
        wait_gather(1, rows[1], semG[1])
        pltpu.make_async_copy(ef_hbm.at[pl.ds(et0, TAIL)], tidx_v.at[0],
                              semT).wait()
        pltpu.make_async_copy(ef_hbm.at[pl.ds(E + et0, TAIL)],
                              tidx_v.at[1], semT).wait()
        pltpu.async_copy(hc_hbm.at[tidx_v.at[0]],
                         rows[2].at[pl.ds(0, TAIL)], semG[2])
        scatter(1, rows[1], semS[1])
        pltpu.make_async_copy(hc_hbm.at[tidx_v.at[0]],
                              rows[2].at[pl.ds(0, TAIL)], semG[2]).wait()
        pltpu.sync_copy(rows[2].at[pl.ds(0, TAIL)],
                        acc_sh.at[tidx_v.at[1]], add=True)
        wait_scatter(0, rows[0], semS[0])
        wait_scatter(1, rows[1], semS[1])

        plsc.subcore_barrier()

        wb = (N // NS) // 8 * 8
        pltpu.sync_copy(acc_sh.at[pl.ds(sid * wb, wb)],
                        out_hbm.at[cid, pl.ds(sid * wb, wb)])

        @pl.when(sid == 0)
        def _():
            pltpu.sync_copy(acc_sh.at[pl.ds(NS * wb, N - NS * wb)],
                            out_hbm.at[cid, pl.ds(NS * wb, N - NS * wb)])

    return seg(hc, ef)


def _tc_clip(x, ei):
    def body(x_ref, e_ref, o_ref, f_ref):
        xb = x_ref[...]
        n2 = jnp.sum(xb * xb, axis=1, keepdims=True)
        scale = 1.0 / jnp.maximum(jnp.sqrt(n2), 1.0)
        o_ref[...] = xb * scale
        f_ref[pl.ds(0, E)] = e_ref[0, :]
        f_ref[pl.ds(E, E)] = e_ref[1, :]

    return pl.pallas_call(
        body, out_shape=(jax.ShapeDtypeStruct((N, D), jnp.float32),
                         jax.ShapeDtypeStruct((2 * E,), jnp.int32)))(x, ei)


def _tc_layer0(x, hc, p, W0, b0):
    def body(x_ref, hc_ref, p_ref, w_ref, b_ref, o_ref):
        agg = hc_ref[...] + p_ref[0] + p_ref[1]
        out0 = jnp.dot(agg, w_ref[...],
                       preferred_element_type=jnp.float32,
                       precision=lax.Precision.HIGHEST)
        h = x_ref[...] + jnp.maximum(out0 + b_ref[...], 0.0)
        n2 = jnp.sum(h * h, axis=1, keepdims=True)
        scale = 1.0 / jnp.maximum(jnp.sqrt(n2), 1.0)
        o_ref[...] = h * scale

    return pl.pallas_call(
        body, out_shape=jax.ShapeDtypeStruct((N, D), jnp.float32))(
            x, hc, p, W0, b0.reshape(1, D))


def _tc_layer1(hc, p, W1, b1):
    def body(hc_ref, p_ref, w_ref, b_ref, o_ref):
        agg = hc_ref[...] + p_ref[0] + p_ref[1]
        o_ref[...] = jnp.dot(agg, w_ref[...],
                             preferred_element_type=jnp.float32,
                             precision=lax.Precision.HIGHEST) + b_ref[...]

    return pl.pallas_call(
        body, out_shape=jax.ShapeDtypeStruct((N, D), jnp.float32))(
            hc, p, W1, b1.reshape(1, D))


def kernel(x, edge_index, W0, b0, W1, b1):
    hc0, ef = _tc_clip(x, edge_index.astype(jnp.int32))
    p0 = _sc_segment_sum(hc0, ef)
    hc1 = _tc_layer0(x, hc0, p0, W0, b0)
    p1 = _sc_segment_sum(hc1, ef)
    return _tc_layer1(hc1, p1, W1, b1)

# --- scband reference (transcript-rebuilt; emitter-appended) ---
"""Pipeline reference for scband-private-graph-sage-14121852470182 (READ-ONLY COPY).

The authoritative reference and input builder live on the scoring server;
editing this copy changes nothing except your own understanding.
"""

import jax, jax.numpy as jnp
import numpy as np

N_NODES = 10000
N_EDGES = 320000
D = 128


def _clip_rows(x, c=1.0):
    # privacy_mechanism.clip(x, c=1): scale each row so its L2 norm is at most c
    norm = jnp.linalg.norm(x, axis=-1, keepdims=True)
    return x * (c / jnp.maximum(norm, c))


def setup_inputs(seed: int = 0) -> dict:
    key = jax.random.key(seed)
    k1, k2, k3, k4 = jax.random.split(key, 4)
    x = jax.random.normal(k1, (N_NODES, D), dtype=jnp.float32)
    edge_index = jax.random.randint(k2, (2, N_EDGES), 0, N_NODES)
    scale = 1.0 / np.sqrt(D)
    W0 = jax.random.normal(k3, (D, D), dtype=jnp.float32) * scale
    b0 = jnp.zeros((D,), dtype=jnp.float32)
    W1 = jax.random.normal(k4, (D, D), dtype=jnp.float32) * scale
    b1 = jnp.zeros((D,), dtype=jnp.float32)
    return {"x": x, "edge_index": edge_index, "W0": W0, "b0": b0, "W1": W1, "b1": b1}


def reference(x, edge_index, W0, b0, W1, b1):
    src = edge_index[0]
    dst = edge_index[1]

    def conv(h, W, b):
        # PrivSAGEConv with perturbation_mode='none', root_weight=False, aggr='add'
        hc = _clip_rows(h, c=1.0)
        msg = jnp.take(hc, src, axis=0)
        agg = hc + jax.ops.segment_sum(msg, dst, num_segments=h.shape[0])
        return agg @ W + b

    # layer 0 (not last): conv -> (no bn) -> identity dropout -> relu -> skipsum combine
    out0 = conv(x, W0, b0)
    h = x + jax.nn.relu(out0)
    # layer 1 (last, is_pred_module=True): conv only, then break
    out1 = conv(h, W1, b1)
    return out1

if __name__ == "__main__":
    import jax
    _d = setup_inputs()
    print(jax.jit(kernel)(*tuple(_d.values())))

</pallas_src>

<mosaic_0001>
#map = affine_map<(d0, d1) -> (0, 0)>
#map1 = affine_map<(d0, d1) -> (0)>
#map2 = affine_map<(d0, d1) -> (0, 0, 0)>
module attributes {stable_mosaic.version = 14 : i64} {
  func.func @seg(%arg0: i32, %arg1: i32, %arg2: memref<10000x128xf32, #tpu.memory_space<hbm>>, %arg3: memref<640000xi32, #tpu.memory_space<hbm>>, %arg4: memref<2x10000x128xf32, #tpu.memory_space<hbm>>, %arg5: memref<8x2x72xi32, #tpu.memory_space<vmem>>, %arg6: memref<2x64xi32, #tpu.memory_space<vmem>>, %arg7: memref<4x72x128xf32, #tpu.memory_space<vmem>>, %arg8: memref<10000x128xf32, #tpu.memory_space<vmem_shared>>, %arg9: memref<!tpu.dma_semaphore, #tpu.memory_space<semaphore_mem>>, %arg10: memref<!tpu.dma_semaphore, #tpu.memory_space<semaphore_mem>>, %arg11: memref<!tpu.dma_semaphore, #tpu.memory_space<semaphore_mem>>, %arg12: memref<!tpu.dma_semaphore, #tpu.memory_space<semaphore_mem>>, %arg13: memref<!tpu.dma_semaphore, #tpu.memory_space<semaphore_mem>>, %arg14: memref<!tpu.dma_semaphore, #tpu.memory_space<semaphore_mem>>, %arg15: memref<!tpu.dma_semaphore, #tpu.memory_space<semaphore_mem>>, %arg16: memref<!tpu.dma_semaphore, #tpu.memory_space<semaphore_mem>>, %arg17: memref<!tpu.dma_semaphore, #tpu.memory_space<semaphore_mem>>, %arg18: memref<!tpu.dma_semaphore, #tpu.memory_space<semaphore_mem>>, %arg19: memref<!tpu.dma_semaphore, #tpu.memory_space<semaphore_mem>>, %arg20: memref<!tpu.dma_semaphore, #tpu.memory_space<semaphore_mem>>, %arg21: memref<!tpu.dma_semaphore, #tpu.memory_space<semaphore_mem>>, %arg22: memref<!tpu.dma_semaphore, #tpu.memory_space<semaphore_mem>>, %arg23: memref<!tpu.dma_semaphore, #tpu.memory_space<semaphore_mem>>, %arg24: memref<!tpu.dma_semaphore, #tpu.memory_space<semaphore_mem>>, %arg25: memref<!tpu.dma_semaphore, #tpu.memory_space<semaphore_mem>>) attributes {dimension_semantics = [#tpu.dimension_semantics<core_parallel>, #tpu.dimension_semantics<subcore_parallel>], iteration_bounds = array<i64: 2, 16>, scalar_prefetch = 0 : i64, scratch_operands = 21 : i64, tpu.core_type = #tpu.core_type<sc_vector_subcore>, window_params = [{transform_indices = #map}, {transform_indices = #map1}, {transform_indices = #map2}]} {
    %mul3A = arith.constant 2 : i32
    %mul3A_0 = arith.muli %arg1, %mul3A : i32
    %add3A = arith.addi %mul3A_0, %arg0 : i32
    %mul3A_1 = arith.constant 10000 : i32
    %mul3A_2 = arith.muli %add3A, %mul3A_1 : i32
    %add3A_3 = arith.constant 0 : i32
    %add3A_4 = arith.addi %mul3A_2, %add3A_3 : i32
    %dma_start3A = arith.constant 0 : i32
    %dma_start3A_5 = arith.constant 0 : i32
    %dma_start3A_6 = arith.constant 0 : i32
    %dma_start3A_7 = tpu.memref_slice %arg5[%dma_start3A, %dma_start3A_5, %dma_start3A_6] : memref<8x2x72xi32, #tpu.memory_space<vmem>> -> memref<1x1x72xi32, #tpu.memory_space<vmem>>
    %dma_start3A_8 = tpu.memref_squeeze %dma_start3A_7 : memref<1x1x72xi32, #tpu.memory_space<vmem>> -> memref<72xi32, #tpu.memory_space<vmem>>
    %dma_start3A_9 = tpu.memref_slice %arg3[%add3A_4] : memref<640000xi32, #tpu.memory_space<hbm>> -> memref<72xi32, #tpu.memory_space<hbm>>
    %dma_start3A_10 = arith.constant 0 : i32
    %dma_start3A_11 = tpu.memref_slice %arg5[%dma_start3A, %dma_start3A_5, %dma_start3A_10] : memref<8x2x72xi32, #tpu.memory_space<vmem>> -> memref<1x1x72xi32, #tpu.memory_space<vmem>>
    %dma_start3A_12 = tpu.memref_squeeze %dma_start3A_11 : memref<1x1x72xi32, #tpu.memory_space<vmem>> -> memref<72xi32, #tpu.memory_space<vmem>>
    %dma_start3A_13 = tpu.memref_slice %arg3[%add3A_4] : memref<640000xi32, #tpu.memory_space<hbm>> -> memref<72xi32, #tpu.memory_space<hbm>>
    tpu.enqueue_dma source(%dma_start3A_13 : memref<72xi32, #tpu.memory_space<hbm>>) target(%dma_start3A_12 : memref<72xi32, #tpu.memory_space<vmem>>) target_semaphore(%arg17 : memref<!tpu.dma_semaphore, #tpu.memory_space<semaphore_mem>>)
    %add3A_14 = arith.constant 320000 : i32
    %add3A_15 = arith.addi %add3A_14, %add3A_4 : i32
    %dma_start3A_16 = arith.constant 0 : i32
    %dma_start3A_17 = arith.constant 1 : i32
    %dma_start3A_18 = arith.constant 0 : i32
    %dma_start3A_19 = tpu.memref_slice %arg5[%dma_start3A_16, %dma_start3A_17, %dma_start3A_18] : memref<8x2x72xi32, #tpu.memory_space<vmem>> -> memref<1x1x72xi32, #tpu.memory_space<vmem>>
    %dma_start3A_20 = tpu.memref_squeeze %dma_start3A_19 : memref<1x1x72xi32, #tpu.memory_space<vmem>> -> memref<72xi32, #tpu.memory_space<vmem>>
    %dma_start3A_21 = tpu.memref_slice %arg3[%add3A_15] : memref<640000xi32, #tpu.memory_space<hbm>> -> memref<72xi32, #tpu.memory_space<hbm>>
    %dma_start3A_22 = arith.constant 0 : i32
    %dma_start3A_23 = tpu.memref_slice %arg5[%dma_start3A_16, %dma_start3A_17, %dma_start3A_22] : memref<8x2x72xi32, #tpu.memory_space<vmem>> -> memref<1x1x72xi32, #tpu.memory_space<vmem>>
    %dma_start3A_24 = tpu.memref_squeeze %dma_start3A_23 : memref<1x1x72xi32, #tpu.memory_space<vmem>> -> memref<72xi32, #tpu.memory_space<vmem>>
    %dma_start3A_25 = tpu.memref_slice %arg3[%add3A_15] : memref<640000xi32, #tpu.memory_space<hbm>> -> memref<72xi32, #tpu.memory_space<hbm>>
    tpu.enqueue_dma source(%dma_start3A_25 : memref<72xi32, #tpu.memory_space<hbm>>) target(%dma_start3A_24 : memref<72xi32, #tpu.memory_space<vmem>>) target_semaphore(%arg17 : memref<!tpu.dma_semaphore, #tpu.memory_space<semaphore_mem>>)
    %add3A_26 = arith.constant 72 : i32
    %add3A_27 = arith.addi %mul3A_2, %add3A_26 : i32
    %dma_start3A_28 = arith.constant 1 : i32
    %dma_start3A_29 = arith.constant 0 : i32
    %dma_start3A_30 = arith.constant 0 : i32
    %dma_start3A_31 = tpu.memref_slice %arg5[%dma_start3A_28, %dma_start3A_29, %dma_start3A_30] : memref<8x2x72xi32, #tpu.memory_space<vmem>> -> memref<1x1x72xi32, #tpu.memory_space<vmem>>
    %dma_start3A_32 = tpu.memref_squeeze %dma_start3A_31 : memref<1x1x72xi32, #tpu.memory_space<vmem>> -> memref<72xi32, #tpu.memory_space<vmem>>
    %dma_start3A_33 = tpu.memref_slice %arg3[%add3A_27] : memref<640000xi32, #tpu.memory_space<hbm>> -> memref<72xi32, #tpu.memory_space<hbm>>
    %dma_start3A_34 = arith.constant 0 : i32
    %dma_start3A_35 = tpu.memref_slice %arg5[%dma_start3A_28, %dma_start3A_29, %dma_start3A_34] : memref<8x2x72xi32, #tpu.memory_space<vmem>> -> memref<1x1x72xi32, #tpu.memory_space<vmem>>
    %dma_start3A_36 = tpu.memref_squeeze %dma_start3A_35 : memref<1x1x72xi32, #tpu.memory_space<vmem>> -> memref<72xi32, #tpu.memory_space<vmem>>
    %dma_start3A_37 = tpu.memref_slice %arg3[%add3A_27] : memref<640000xi32, #tpu.memory_space<hbm>> -> memref<72xi32, #tpu.memory_space<hbm>>
    tpu.enqueue_dma source(%dma_start3A_37 : memref<72xi32, #tpu.memory_space<hbm>>) target(%dma_start3A_36 : memref<72xi32, #tpu.memory_space<vmem>>) target_semaphore(%arg18 : memref<!tpu.dma_semaphore, #tpu.memory_space<semaphore_mem>>)
    %add3A_38 = arith.constant 320000 : i32
    %add3A_39 = arith.addi %add3A_38, %add3A_27 : i32
    %dma_start3A_40 = arith.constant 1 : i32
    %dma_start3A_41 = arith.constant 1 : i32
    %dma_start3A_42 = arith.constant 0 : i32
    %dma_start3A_43 = tpu.memref_slice %arg5[%dma_start3A_40, %dma_start3A_41, %dma_start3A_42] : memref<8x2x72xi32, #tpu.memory_space<vmem>> -> memref<1x1x72xi32, #tpu.memory_space<vmem>>
    %dma_start3A_44 = tpu.memref_squeeze %dma_start3A_43 : memref<1x1x72xi32, #tpu.memory_space<vmem>> -> memref<72xi32, #tpu.memory_space<vmem>>
    %dma_start3A_45 = tpu.memref_slice %arg3[%add3A_39] : memref<640000xi32, #tpu.memory_space<hbm>> -> memref<72xi32, #tpu.memory_space<hbm>>
    %dma_start3A_46 = arith.constant 0 : i32
    %dma_start3A_47 = tpu.memref_slice %arg5[%dma_start3A_40, %dma_start3A_41, %dma_start3A_46] : memref<8x2x72xi32, #tpu.memory_space<vmem>> -> memref<1x1x72xi32, #tpu.memory_space<vmem>>
    %dma_start3A_48 = tpu.memref_squeeze %dma_start3A_47 : memref<1x1x72xi32, #tpu.memory_space<vmem>> -> memref<72xi32, #tpu.memory_space<vmem>>
    %dma_start3A_49 = tpu.memref_slice %arg3[%add3A_39] : memref<640000xi32, #tpu.memory_space<hbm>> -> memref<72xi32, #tpu.memory_space<hbm>>
    tpu.enqueue_dma source(%dma_start3A_49 : memref<72xi32, #tpu.memory_space<hbm>>) target(%dma_start3A_48 : memref<72xi32, #tpu.memory_space<vmem>>) target_semaphore(%arg18 : memref<!tpu.dma_semaphore, #tpu.memory_space<semaphore_mem>>)
    %add3A_50 = arith.constant 144 : i32
    %add3A_51 = arith.addi %mul3A_2, %add3A_50 : i32
    %dma_start3A_52 = arith.constant 2 : i32
    %dma_start3A_53 = arith.constant 0 : i32
    %dma_start3A_54 = arith.constant 0 : i32
    %dma_start3A_55 = tpu.memref_slice %arg5[%dma_start3A_52, %dma_start3A_53, %dma_start3A_54] : memref<8x2x72xi32, #tpu.memory_space<vmem>> -> memref<1x1x72xi32, #tpu.memory_space<vmem>>
    %dma_start3A_56 = tpu.memref_squeeze %dma_start3A_55 : memref<1x1x72xi32, #tpu.memory_space<vmem>> -> memref<72xi32, #tpu.memory_space<vmem>>
    %dma_start3A_57 = tpu.memref_slice %arg3[%add3A_51] : memref<640000xi32, #tpu.memory_space<hbm>> -> memref<72xi32, #tpu.memory_space<hbm>>
    %dma_start3A_58 = arith.constant 0 : i32
    %dma_start3A_59 = tpu.memref_slice %arg5[%dma_start3A_52, %dma_start3A_53, %dma_start3A_58] : memref<8x2x72xi32, #tpu.memory_space<vmem>> -> memref<1x1x72xi32, #tpu.memory_space<vmem>>
    %dma_start3A_60 = tpu.memref_squeeze %dma_start3A_59 : memref<1x1x72xi32, #tpu.memory_space<vmem>> -> memref<72xi32, #tpu.memory_space<vmem>>
    %dma_start3A_61 = tpu.memref_slice %arg3[%add3A_51] : memref<640000xi32, #tpu.memory_space<hbm>> -> memref<72xi32, #tpu.memory_space<hbm>>
    tpu.enqueue_dma source(%dma_start3A_61 : memref<72xi32, #tpu.memory_space<hbm>>) target(%dma_start3A_60 : memref<72xi32, #tpu.memory_space<vmem>>) target_semaphore(%arg19 : memref<!tpu.dma_semaphore, #tpu.memory_space<semaphore_mem>>)
    %add3A_62 = arith.constant 320000 : i32
    %add3A_63 = arith.addi %add3A_62, %add3A_51 : i32
    %dma_start3A_64 = arith.constant 2 : i32
    %dma_start3A_65 = arith.constant 1 : i32
    %dma_start3A_66 = arith.constant 0 : i32
    %dma_start3A_67 = tpu.memref_slice %arg5[%dma_start3A_64, %dma_start3A_65, %dma_start3A_66] : memref<8x2x72xi32, #tpu.memory_space<vmem>> -> memref<1x1x72xi32, #tpu.memory_space<vmem>>
    %dma_start3A_68 = tpu.memref_squeeze %dma_start3A_67 : memref<1x1x72xi32, #tpu.memory_space<vmem>> -> memref<72xi32, #tpu.memory_space<vmem>>
    %dma_start3A_69 = tpu.memref_slice %arg3[%add3A_63] : memref<640000xi32, #tpu.memory_space<hbm>> -> memref<72xi32, #tpu.memory_space<hbm>>
    %dma_start3A_70 = arith.constant 0 : i32
    %dma_start3A_71 = tpu.memref_slice %arg5[%dma_start3A_64, %dma_start3A_65, %dma_start3A_70] : memref<8x2x72xi32, #tpu.memory_space<vmem>> -> memref<1x1x72xi32, #tpu.memory_space<vmem>>
    %dma_start3A_72 = tpu.memref_squeeze %dma_start3A_71 : memref<1x1x72xi32, #tpu.memory_space<vmem>> -> memref<72xi32, #tpu.memory_space<vmem>>
    %dma_start3A_73 = tpu.memref_slice %arg3[%add3A_63] : memref<640000xi32, #tpu.memory_space<hbm>> -> memref<72xi32, #tpu.memory_space<hbm>>
    tpu.enqueue_dma source(%dma_start3A_73 : memref<72xi32, #tpu.memory_space<hbm>>) target(%dma_start3A_72 : memref<72xi32, #tpu.memory_space<vmem>>) target_semaphore(%arg19 : memref<!tpu.dma_semaphore, #tpu.memory_space<semaphore_mem>>)
    %add3A_74 = arith.constant 216 : i32
    %add3A_75 = arith.addi %mul3A_2, %add3A_74 : i32
    %dma_start3A_76 = arith.constant 3 : i32
    %dma_start3A_77 = arith.constant 0 : i32
    %dma_start3A_78 = arith.constant 0 : i32
    %dma_start3A_79 = tpu.memref_slice %arg5[%dma_start3A_76, %dma_start3A_77, %dma_start3A_78] : memref<8x2x72xi32, #tpu.memory_space<vmem>> -> memref<1x1x72xi32, #tpu.memory_space<vmem>>
    %dma_start3A_80 = tpu.memref_squeeze %dma_start3A_79 : memref<1x1x72xi32, #tpu.memory_space<vmem>> -> memref<72xi32, #tpu.memory_space<vmem>>
    %dma_start3A_81 = tpu.memref_slice %arg3[%add3A_75] : memref<640000xi32, #tpu.memory_space<hbm>> -> memref<72xi32, #tpu.memory_space<hbm>>
    %dma_start3A_82 = arith.constant 0 : i32
    %dma_start3A_83 = tpu.memref_slice %arg5[%dma_start3A_76, %dma_start3A_77, %dma_start3A_82] : memref<8x2x72xi32, #tpu.memory_space<vmem>> -> memref<1x1x72xi32, #tpu.memory_space<vmem>>
    %dma_start3A_84 = tpu.memref_squeeze %dma_start3A_83 : memref<1x1x72xi32, #tpu.memory_space<vmem>> -> memref<72xi32, #tpu.memory_space<vmem>>
    %dma_start3A_85 = tpu.memref_slice %arg3[%add3A_75] : memref<640000xi32, #tpu.memory_space<hbm>> -> memref<72xi32, #tpu.memory_space<hbm>>
    tpu.enqueue_dma source(%dma_start3A_85 : memref<72xi32, #tpu.memory_space<hbm>>) target(%dma_start3A_84 : memref<72xi32, #tpu.memory_space<vmem>>) target_semaphore(%arg20 : memref<!tpu.dma_semaphore, #tpu.memory_space<semaphore_mem>>)
    %add3A_86 = arith.constant 320000 : i32
    %add3A_87 = arith.addi %add3A_86, %add3A_75 : i32
    %dma_start3A_88 = arith.constant 3 : i32
    %dma_start3A_89 = arith.constant 1 : i32
    %dma_start3A_90 = arith.constant 0 : i32
    %dma_start3A_91 = tpu.memref_slice %arg5[%dma_start3A_88, %dma_start3A_89, %dma_start3A_90] : memref<8x2x72xi32, #tpu.memory_space<vmem>> -> memref<1x1x72xi32, #tpu.memory_space<vmem>>
    %dma_start3A_92 = tpu.memref_squeeze %dma_start3A_91 : memref<1x1x72xi32, #tpu.memory_space<vmem>> -> memref<72xi32, #tpu.memory_space<vmem>>
    %dma_start3A_93 = tpu.memref_slice %arg3[%add3A_87] : memref<640000xi32, #tpu.memory_space<hbm>> -> memref<72xi32, #tpu.memory_space<hbm>>
    %dma_start3A_94 = arith.constant 0 : i32
    %dma_start3A_95 = tpu.memref_slice %arg5[%dma_start3A_88, %dma_start3A_89, %dma_start3A_94] : memref<8x2x72xi32, #tpu.memory_space<vmem>> -> memref<1x1x72xi32, #tpu.memory_space<vmem>>
    %dma_start3A_96 = tpu.memref_squeeze %dma_start3A_95 : memref<1x1x72xi32, #tpu.memory_space<vmem>> -> memref<72xi32, #tpu.memory_space<vmem>>
    %dma_start3A_97 = tpu.memref_slice %arg3[%add3A_87] : memref<640000xi32, #tpu.memory_space<hbm>> -> memref<72xi32, #tpu.memory_space<hbm>>
    tpu.enqueue_dma source(%dma_start3A_97 : memref<72xi32, #tpu.memory_space<hbm>>) target(%dma_start3A_96 : memref<72xi32, #tpu.memory_space<vmem>>) target_semaphore(%arg20 : memref<!tpu.dma_semaphore, #tpu.memory_space<semaphore_mem>>)
    %add3A_98 = arith.constant 288 : i32
    %add3A_99 = arith.addi %mul3A_2, %add3A_98 : i32
    %dma_start3A_100 = arith.constant 4 : i32
    %dma_start3A_101 = arith.constant 0 : i32
    %dma_start3A_102 = arith.constant 0 : i32
    %dma_start3A_103 = tpu.memref_slice %arg5[%dma_start3A_100, %dma_start3A_101, %dma_start3A_102] : memref<8x2x72xi32, #tpu.memory_space<vmem>> -> memref<1x1x72xi32, #tpu.memory_space<vmem>>
    %dma_start3A_104 = tpu.memref_squeeze %dma_start3A_103 : memref<1x1x72xi32, #tpu.memory_space<vmem>> -> memref<72xi32, #tpu.memory_space<vmem>>
    %dma_start3A_105 = tpu.memref_slice %arg3[%add3A_99] : memref<640000xi32, #tpu.memory_space<hbm>> -> memref<72xi32, #tpu.memory_space<hbm>>
    %dma_start3A_106 = arith.constant 0 : i32
    %dma_start3A_107 = tpu.memref_slice %arg5[%dma_start3A_100, %dma_start3A_101, %dma_start3A_106] : memref<8x2x72xi32, #tpu.memory_space<vmem>> -> memref<1x1x72xi32, #tpu.memory_space<vmem>>
    %dma_start3A_108 = tpu.memref_squeeze %dma_start3A_107 : memref<1x1x72xi32, #tpu.memory_space<vmem>> -> memref<72xi32, #tpu.memory_space<vmem>>
    %dma_start3A_109 = tpu.memref_slice %arg3[%add3A_99] : memref<640000xi32, #tpu.memory_space<hbm>> -> memref<72xi32, #tpu.memory_space<hbm>>
    tpu.enqueue_dma source(%dma_start3A_109 : memref<72xi32, #tpu.memory_space<hbm>>) target(%dma_start3A_108 : memref<72xi32, #tpu.memory_space<vmem>>) target_semaphore(%arg21 : memref<!tpu.dma_semaphore, #tpu.memory_space<semaphore_mem>>)
    %add3A_110 = arith.constant 320000 : i32
    %add3A_111 = arith.addi %add3A_110, %add3A_99 : i32
    %dma_start3A_112 = arith.constant 4 : i32
    %dma_start3A_113 = arith.constant 1 : i32
    %dma_start3A_114 = arith.constant 0 : i32
    %dma_start3A_115 = tpu.memref_slice %arg5[%dma_start3A_112, %dma_start3A_113, %dma_start3A_114] : memref<8x2x72xi32, #tpu.memory_space<vmem>> -> memref<1x1x72xi32, #tpu.memory_space<vmem>>
    %dma_start3A_116 = tpu.memref_squeeze %dma_start3A_115 : memref<1x1x72xi32, #tpu.memory_space<vmem>> -> memref<72xi32, #tpu.memory_space<vmem>>
    %dma_start3A_117 = tpu.memref_slice %arg3[%add3A_111] : memref<640000xi32, #tpu.memory_space<hbm>> -> memref<72xi32, #tpu.memory_space<hbm>>
    %dma_start3A_118 = arith.constant 0 : i32
    %dma_start3A_119 = tpu.memref_slice %arg5[%dma_start3A_112, %dma_start3A_113, %dma_start3A_118] : memref<8x2x72xi32, #tpu.memory_space<vmem>> -> memref<1x1x72xi32, #tpu.memory_space<vmem>>
    %dma_start3A_120 = tpu.memref_squeeze %dma_start3A_119 : memref<1x1x72xi32, #tpu.memory_space<vmem>> -> memref<72xi32, #tpu.memory_space<vmem>>
    %dma_start3A_121 = tpu.memref_slice %arg3[%add3A_111] : memref<640000xi32, #tpu.memory_space<hbm>> -> memref<72xi32, #tpu.memory_space<hbm>>
    tpu.enqueue_dma source(%dma_start3A_121 : memref<72xi32, #tpu.memory_space<hbm>>) target(%dma_start3A_120 : memref<72xi32, #tpu.memory_space<vmem>>) target_semaphore(%arg21 : memref<!tpu.dma_semaphore, #tpu.memory_space<semaphore_mem>>)
    %add3A_122 = arith.constant 360 : i32
    %add3A_123 = arith.addi %mul3A_2, %add3A_122 : i32
    %dma_start3A_124 = arith.constant 5 : i32
    %dma_start3A_125 = arith.constant 0 : i32
    %dma_start3A_126 = arith.constant 0 : i32
    %dma_start3A_127 = tpu.memref_slice %arg5[%dma_start3A_124, %dma_start3A_125, %dma_start3A_126] : memref<8x2x72xi32, #tpu.memory_space<vmem>> -> memref<1x1x72xi32, #tpu.memory_space<vmem>>
    %dma_start3A_128 = tpu.memref_squeeze %dma_start3A_127 : memref<1x1x72xi32, #tpu.memory_space<vmem>> -> memref<72xi32, #tpu.memory_space<vmem>>
    %dma_start3A_129 = tpu.memref_slice %arg3[%add3A_123] : memref<640000xi32, #tpu.memory_space<hbm>> -> memref<72xi32, #tpu.memory_space<hbm>>
    %dma_start3A_130 = arith.constant 0 : i32
    %dma_start3A_131 = tpu.memref_slice %arg5[%dma_start3A_124, %dma_start3A_125, %dma_start3A_130] : memref<8x2x72xi32, #tpu.memory_space<vmem>> -> memref<1x1x72xi32, #tpu.memory_space<vmem>>
    %dma_start3A_132 = tpu.memref_squeeze %dma_start3A_131 : memref<1x1x72xi32, #tpu.memory_space<vmem>> -> memref<72xi32, #tpu.memory_space<vmem>>
    %dma_start3A_133 = tpu.memref_slice %arg3[%add3A_123] : memref<640000xi32, #tpu.memory_space<hbm>> -> memref<72xi32, #tpu.memory_space<hbm>>
    tpu.enqueue_dma source(%dma_start3A_133 : memref<72xi32, #tpu.memory_space<hbm>>) target(%dma_start3A_132 : memref<72xi32, #tpu.memory_space<vmem>>) target_semaphore(%arg22 : memref<!tpu.dma_semaphore, #tpu.memory_space<semaphore_mem>>)
    %add3A_134 = arith.constant 320000 : i32
    %add3A_135 = arith.addi %add3A_134, %add3A_123 : i32
    %dma_start3A_136 = arith.constant 5 : i32
    %dma_start3A_137 = arith.constant 1 : i32
    %dma_start3A_138 = arith.constant 0 : i32
    %dma_start3A_139 = tpu.memref_slice %arg5[%dma_start3A_136, %dma_start3A_137, %dma_start3A_138] : memref<8x2x72xi32, #tpu.memory_space<vmem>> -> memref<1x1x72xi32, #tpu.memory_space<vmem>>
    %dma_start3A_140 = tpu.memref_squeeze %dma_start3A_139 : memref<1x1x72xi32, #tpu.memory_space<vmem>> -> memref<72xi32, #tpu.memory_space<vmem>>
    %dma_start3A_141 = tpu.memref_slice %arg3[%add3A_135] : memref<640000xi32, #tpu.memory_space<hbm>> -> memref<72xi32, #tpu.memory_space<hbm>>
    %dma_start3A_142 = arith.constant 0 : i32
    %dma_start3A_143 = tpu.memref_slice %arg5[%dma_start3A_136, %dma_start3A_137, %dma_start3A_142] : memref<8x2x72xi32, #tpu.memory_space<vmem>> -> memref<1x1x72xi32, #tpu.memory_space<vmem>>
    %dma_start3A_144 = tpu.memref_squeeze %dma_start3A_143 : memref<1x1x72xi32, #tpu.memory_space<vmem>> -> memref<72xi32, #tpu.memory_space<vmem>>
    %dma_start3A_145 = tpu.memref_slice %arg3[%add3A_135] : memref<640000xi32, #tpu.memory_space<hbm>> -> memref<72xi32, #tpu.memory_space<hbm>>
    tpu.enqueue_dma source(%dma_start3A_145 : memref<72xi32, #tpu.memory_space<hbm>>) target(%dma_start3A_144 : memref<72xi32, #tpu.memory_space<vmem>>) target_semaphore(%arg22 : memref<!tpu.dma_semaphore, #tpu.memory_space<semaphore_mem>>)
    %add3A_146 = arith.constant 432 : i32
    %add3A_147 = arith.addi %mul3A_2, %add3A_146 : i32
    %dma_start3A_148 = arith.constant 6 : i32
    %dma_start3A_149 = arith.constant 0 : i32
    %dma_start3A_150 = arith.constant 0 : i32
    %dma_start3A_151 = tpu.memref_slice %arg5[%dma_start3A_148, %dma_start3A_149, %dma_start3A_150] : memref<8x2x72xi32, #tpu.memory_space<vmem>> -> memref<1x1x72xi32, #tpu.memory_space<vmem>>
    %dma_start3A_152 = tpu.memref_squeeze %dma_start3A_151 : memref<1x1x72xi32, #tpu.memory_space<vmem>> -> memref<72xi32, #tpu.memory_space<vmem>>
    %dma_start3A_153 = tpu.memref_slice %arg3[%add3A_147] : memref<640000xi32, #tpu.memory_space<hbm>> -> memref<72xi32, #tpu.memory_space<hbm>>
    %dma_start3A_154 = arith.constant 0 : i32
    %dma_start3A_155 = tpu.memref_slice %arg5[%dma_start3A_148, %dma_start3A_149, %dma_start3A_154] : memref<8x2x72xi32, #tpu.memory_space<vmem>> -> memref<1x1x72xi32, #tpu.memory_space<vmem>>
    %dma_start3A_156 = tpu.memref_squeeze %dma_start3A_155 : memref<1x1x72xi32, #tpu.memory_space<vmem>> -> memref<72xi32, #tpu.memory_space<vmem>>
    %dma_start3A_157 = tpu.memref_slice %arg3[%add3A_147] : memref<640000xi32, #tpu.memory_space<hbm>> -> memref<72xi32, #tpu.memory_space<hbm>>
    tpu.enqueue_dma source(%dma_start3A_157 : memref<72xi32, #tpu.memory_space<hbm>>) target(%dma_start3A_156 : memref<72xi32, #tpu.memory_space<vmem>>) target_semaphore(%arg23 : memref<!tpu.dma_semaphore, #tpu.memory_space<semaphore_mem>>)
    %add3A_158 = arith.constant 320000 : i32
    %add3A_159 = arith.addi %add3A_158, %add3A_147 : i32
    %dma_start3A_160 = arith.constant 6 : i32
    %dma_start3A_161 = arith.constant 1 : i32
    %dma_start3A_162 = arith.constant 0 : i32
    %dma_start3A_163 = tpu.memref_slice %arg5[%dma_start3A_160, %dma_start3A_161, %dma_start3A_162] : memref<8x2x72xi32, #tpu.memory_space<vmem>> -> memref<1x1x72xi32, #tpu.memory_space<vmem>>
    %dma_start3A_164 = tpu.memref_squeeze %dma_start3A_163 : memref<1x1x72xi32, #tpu.memory_space<vmem>> -> memref<72xi32, #tpu.memory_space<vmem>>
    %dma_start3A_165 = tpu.memref_slice %arg3[%add3A_159] : memref<640000xi32, #tpu.memory_space<hbm>> -> memref<72xi32, #tpu.memory_space<hbm>>
    %dma_start3A_166 = arith.constant 0 : i32
    %dma_start3A_167 = tpu.memref_slice %arg5[%dma_start3A_160, %dma_start3A_161, %dma_start3A_166] : memref<8x2x72xi32, #tpu.memory_space<vmem>> -> memref<1x1x72xi32, #tpu.memory_space<vmem>>
    %dma_start3A_168 = tpu.memref_squeeze %dma_start3A_167 : memref<1x1x72xi32, #tpu.memory_space<vmem>> -> memref<72xi32, #tpu.memory_space<vmem>>
    %dma_start3A_169 = tpu.memref_slice %arg3[%add3A_159] : memref<640000xi32, #tpu.memory_space<hbm>> -> memref<72xi32, #tpu.memory_space<hbm>>
    tpu.enqueue_dma source(%dma_start3A_169 : memref<72xi32, #tpu.memory_space<hbm>>) target(%dma_start3A_168 : memref<72xi32, #tpu.memory_space<vmem>>) target_semaphore(%arg23 : memref<!tpu.dma_semaphore, #tpu.memory_space<semaphore_mem>>)
    %broadcast_in_dim3A = arith.constant 0.000000e+00 : f32
    %broadcast_in_dim3A_170 = vector.broadcast %broadcast_in_dim3A : f32 to vector<16xf32>
    %scan3A = arith.constant 3 : i32
    %scan3A_171 = arith.constant 0 : i32
    %scan3A_172 = arith.constant 72 : i32
    %scan3A_173 = arith.addi %scan3A_171, %scan3A_172 : i32
    %scan3A_174 = arith.constant 1 : i32
    scf.for %scan3A_750 = %scan3A_171 to %scan3A_173 step %scan3A_174  : i32 {
      %mul3A_751 = arith.constant 1 : i32
      %mul3A_752 = arith.muli %scan3A_750, %mul3A_751 : i32
      %add3A_753 = arith.constant 0 : i32
      %add3A_754 = arith.addi %add3A_753, %mul3A_752 : i32
      %scan3A_755 = arith.constant 0 : i32
      %scan3A_756 = arith.constant 8 : i32
      %scan3A_757 = arith.addi %scan3A_755, %scan3A_756 : i32
      %scan3A_758 = arith.constant 1 : i32
      scf.for %scan3A_760 = %scan3A_755 to %scan3A_757 step %scan3A_758  : i32 {
        %mul3A_761 = arith.constant 16 : i32
        %mul3A_762 = arith.muli %scan3A_760, %mul3A_761 : i32
        %add3A_763 = arith.constant 0 : i32
        %add3A_764 = arith.addi %add3A_763, %mul3A_762 : i32
        %swap3A = arith.constant 0 : i32
        %swap3A_765 = arith.constant 0 : i32
        %swap3A_766 = tpu.memref_slice %arg7[%scan3A, %swap3A, %swap3A_765] : memref<4x72x128xf32, #tpu.memory_space<vmem>> -> memref<1x72x128xf32, #tpu.memory_space<vmem>>
        %swap3A_767 = tpu.memref_squeeze %swap3A_766 : memref<1x72x128xf32, #tpu.memory_space<vmem>> -> memref<72x128xf32, #tpu.memory_space<vmem>>
        %swap3A_768 = arith.index_cast %add3A_754 : i32 to index
        %swap3A_769 = arith.index_cast %add3A_764 : i32 to index
        %swap3A_770 = tpu.vector_load %swap3A_767[%swap3A_768, %swap3A_769] {strides = array<i32>} : memref<72x128xf32, #tpu.memory_space<vmem>>, vector<1x16xf32>,
        %swap3A_771 = vector.shape_cast %swap3A_770 : vector<1x16xf32> to vector<16xf32>
        %swap3A_772 = vector.shape_cast %broadcast_in_dim3A_170 : vector<16xf32> to vector<1x16xf32>
        tpu.vector_store %swap3A_767[%swap3A_768, %swap3A_769], %swap3A_772 {strides = array<i32>} : memref<72x128xf32, #tpu.memory_space<vmem>>, vector<1x16xf32>,
      }
      %scan3A_759 = arith.constant 8 : i32
    }
    %scan3A_175 = arith.constant 72 : i32
    %mul3A_176 = arith.constant 625 : i32
    %mul3A_177 = arith.muli %arg1, %mul3A_176 : i32
    %add3A_178 = arith.constant 0 : i32
    %add3A_179 = arith.addi %mul3A_177, %add3A_178 : i32
    %dma_start3A_180 = arith.constant 3 : i32
    %dma_start3A_181 = arith.constant 0 : i32
    %dma_start3A_182 = arith.constant 0 : i32
    %dma_start3A_183 = tpu.memref_slice %arg7[%dma_start3A_180, %dma_start3A_181, %dma_start3A_182] : memref<4x72x128xf32, #tpu.memory_space<vmem>> -> memref<1x72x128xf32, #tpu.memory_space<vmem>>
    %dma_start3A_184 = tpu.memref_squeeze %dma_start3A_183 : memref<1x72x128xf32, #tpu.memory_space<vmem>> -> memref<72x128xf32, #tpu.memory_space<vmem>>
    %dma_start3A_185 = arith.constant 0 : i32
    %dma_start3A_186 = tpu.memref_slice %arg8[%add3A_179, %dma_start3A_185] : memref<10000x128xf32, #tpu.memory_space<vmem_shared>> -> memref<72x128xf32, #tpu.memory_space<vmem_shared>>
    %dma_start3A_187 = arith.constant 0 : i32
    %dma_start3A_188 = tpu.memref_slice %arg8[%add3A_179, %dma_start3A_187] : memref<10000x128xf32, #tpu.memory_space<vmem_shared>> -> memref<72x128xf32, #tpu.memory_space<vmem_shared>>
    %dma_start3A_189 = arith.constant 0 : i32
    %dma_start3A_190 = arith.constant 0 : i32
    %dma_start3A_191 = tpu.memref_slice %arg7[%dma_start3A_180, %dma_start3A_189, %dma_start3A_190] : memref<4x72x128xf32, #tpu.memory_space<vmem>> -> memref<1x72x128xf32, #tpu.memory_space<vmem>>
    %dma_start3A_192 = tpu.memref_squeeze %dma_start3A_191 : memref<1x72x128xf32, #tpu.memory_space<vmem>> -> memref<72x128xf32, #tpu.memory_space<vmem>>
    tpu.enqueue_dma source(%dma_start3A_192 : memref<72x128xf32, #tpu.memory_space<vmem>>) target(%dma_start3A_188 : memref<72x128xf32, #tpu.memory_space<vmem_shared>>) target_semaphore(%arg13 : memref<!tpu.dma_semaphore, #tpu.memory_space<semaphore_mem>>)
    %add3A_193 = arith.constant 72 : i32
    %add3A_194 = arith.addi %mul3A_177, %add3A_193 : i32
    %dma_start3A_195 = arith.constant 3 : i32
    %dma_start3A_196 = arith.constant 0 : i32
    %dma_start3A_197 = arith.constant 0 : i32
    %dma_start3A_198 = tpu.memref_slice %arg7[%dma_start3A_195, %dma_start3A_196, %dma_start3A_197] : memref<4x72x128xf32, #tpu.memory_space<vmem>> -> memref<1x72x128xf32, #tpu.memory_space<vmem>>
    %dma_start3A_199 = tpu.memref_squeeze %dma_start3A_198 : memref<1x72x128xf32, #tpu.memory_space<vmem>> -> memref<72x128xf32, #tpu.memory_space<vmem>>
    %dma_start3A_200 = arith.constant 0 : i32
    %dma_start3A_201 = tpu.memref_slice %arg8[%add3A_194, %dma_start3A_200] : memref<10000x128xf32, #tpu.memory_space<vmem_shared>> -> memref<72x128xf32, #tpu.memory_space<vmem_shared>>
    %dma_start3A_202 = arith.constant 0 : i32
    %dma_start3A_203 = tpu.memref_slice %arg8[%add3A_194, %dma_start3A_202] : memref<10000x128xf32, #tpu.memory_space<vmem_shared>> -> memref<72x128xf32, #tpu.memory_space<vmem_shared>>
    %dma_start3A_204 = arith.constant 0 : i32
    %dma_start3A_205 = arith.constant 0 : i32
    %dma_start3A_206 = tpu.memref_slice %arg7[%dma_start3A_195, %dma_start3A_204, %dma_start3A_205] : memref<4x72x128xf32, #tpu.memory_space<vmem>> -> memref<1x72x128xf32, #tpu.memory_space<vmem>>
    %dma_start3A_207 = tpu.memref_squeeze %dma_start3A_206 : memref<1x72x128xf32, #tpu.memory_space<vmem>> -> memref<72x128xf32, #tpu.memory_space<vmem>>
    tpu.enqueue_dma source(%dma_start3A_207 : memref<72x128xf32, #tpu.memory_space<vmem>>) target(%dma_start3A_203 : memref<72x128xf32, #tpu.memory_space<vmem_shared>>) target_semaphore(%arg14 : memref<!tpu.dma_semaphore, #tpu.memory_space<semaphore_mem>>)
    %add3A_208 = arith.constant 144 : i32
    %add3A_209 = arith.addi %mul3A_177, %add3A_208 : i32
    %dma_start3A_210 = arith.constant 3 : i32
    %dma_start3A_211 = arith.constant 0 : i32
    %dma_start3A_212 = arith.constant 0 : i32
    %dma_start3A_213 = tpu.memref_slice %arg7[%dma_start3A_210, %dma_start3A_211, %dma_start3A_212] : memref<4x72x128xf32, #tpu.memory_space<vmem>> -> memref<1x72x128xf32, #tpu.memory_space<vmem>>
    %dma_start3A_214 = tpu.memref_squeeze %dma_start3A_213 : memref<1x72x128xf32, #tpu.memory_space<vmem>> -> memref<72x128xf32, #tpu.memory_space<vmem>>
    %dma_start3A_215 = arith.constant 0 : i32
    %dma_start3A_216 = tpu.memref_slice %arg8[%add3A_209, %dma_start3A_215] : memref<10000x128xf32, #tpu.memory_space<vmem_shared>> -> memref<72x128xf32, #tpu.memory_space<vmem_shared>>
    %dma_start3A_217 = arith.constant 0 : i32
    %dma_start3A_218 = tpu.memref_slice %arg8[%add3A_209, %dma_start3A_217] : memref<10000x128xf32, #tpu.memory_space<vmem_shared>> -> memref<72x128xf32, #tpu.memory_space<vmem_shared>>
    %dma_start3A_219 = arith.constant 0 : i32
    %dma_start3A_220 = arith.constant 0 : i32
    %dma_start3A_221 = tpu.memref_slice %arg7[%dma_start3A_210, %dma_start3A_219, %dma_start3A_220] : memref<4x72x128xf32, #tpu.memory_space<vmem>> -> memref<1x72x128xf32, #tpu.memory_space<vmem>>
    %dma_start3A_222 = tpu.memref_squeeze %dma_start3A_221 : memref<1x72x128xf32, #tpu.memory_space<vmem>> -> memref<72x128xf32, #tpu.memory_space<vmem>>
    tpu.enqueue_dma source(%dma_start3A_222 : memref<72x128xf32, #tpu.memory_space<vmem>>) target(%dma_start3A_218 : memref<72x128xf32, #tpu.memory_space<vmem_shared>>) target_semaphore(%arg15 : memref<!tpu.dma_semaphore, #tpu.memory_space<semaphore_mem>>)
    %add3A_223 = arith.constant 216 : i32
    %add3A_224 = arith.addi %mul3A_177, %add3A_223 : i32
    %dma_start3A_225 = arith.constant 3 : i32
    %dma_start3A_226 = arith.constant 0 : i32
    %dma_start3A_227 = arith.constant 0 : i32
    %dma_start3A_228 = tpu.memref_slice %arg7[%dma_start3A_225, %dma_start3A_226, %dma_start3A_227] : memref<4x72x128xf32, #tpu.memory_space<vmem>> -> memref<1x72x128xf32, #tpu.memory_space<vmem>>
    %dma_start3A_229 = tpu.memref_squeeze %dma_start3A_228 : memref<1x72x128xf32, #tpu.memory_space<vmem>> -> memref<72x128xf32, #tpu.memory_space<vmem>>
    %dma_start3A_230 = arith.constant 0 : i32
    %dma_start3A_231 = tpu.memref_slice %arg8[%add3A_224, %dma_start3A_230] : memref<10000x128xf32, #tpu.memory_space<vmem_shared>> -> memref<72x128xf32, #tpu.memory_space<vmem_shared>>
    %dma_start3A_232 = arith.constant 0 : i32
    %dma_start3A_233 = tpu.memref_slice %arg8[%add3A_224, %dma_start3A_232] : memref<10000x128xf32, #tpu.memory_space<vmem_shared>> -> memref<72x128xf32, #tpu.memory_space<vmem_shared>>
    %dma_start3A_234 = arith.constant 0 : i32
    %dma_start3A_235 = arith.constant 0 : i32
    %dma_start3A_236 = tpu.memref_slice %arg7[%dma_start3A_225, %dma_start3A_234, %dma_start3A_235] : memref<4x72x128xf32, #tpu.memory_space<vmem>> -> memref<1x72x128xf32, #tpu.memory_space<vmem>>
    %dma_start3A_237 = tpu.memref_squeeze %dma_start3A_236 : memref<1x72x128xf32, #tpu.memory_space<vmem>> -> memref<72x128xf32, #tpu.memory_space<vmem>>
    tpu.enqueue_dma source(%dma_start3A_237 : memref<72x128xf32, #tpu.memory_space<vmem>>) target(%dma_start3A_233 : memref<72x128xf32, #tpu.memory_space<vmem_shared>>) target_semaphore(%arg16 : memref<!tpu.dma_semaphore, #tpu.memory_space<semaphore_mem>>)
    %add3A_238 = arith.constant 288 : i32
    %add3A_239 = arith.addi %mul3A_177, %add3A_238 : i32
    %dma_start3A_240 = arith.constant 3 : i32
    %dma_start3A_241 = arith.constant 0 : i32
    %dma_start3A_242 = arith.constant 0 : i32
    %dma_start3A_243 = tpu.memref_slice %arg7[%dma_start3A_240, %dma_start3A_241, %dma_start3A_242] : memref<4x72x128xf32, #tpu.memory_space<vmem>> -> memref<1x72x128xf32, #tpu.memory_space<vmem>>
    %dma_start3A_244 = tpu.memref_squeeze %dma_start3A_243 : memref<1x72x128xf32, #tpu.memory_space<vmem>> -> memref<72x128xf32, #tpu.memory_space<vmem>>
    %dma_start3A_245 = arith.constant 0 : i32
    %dma_start3A_246 = tpu.memref_slice %arg8[%add3A_239, %dma_start3A_245] : memref<10000x128xf32, #tpu.memory_space<vmem_shared>> -> memref<72x128xf32, #tpu.memory_space<vmem_shared>>
    %dma_start3A_247 = arith.constant 0 : i32
    %dma_start3A_248 = tpu.memref_slice %arg8[%add3A_239, %dma_start3A_247] : memref<10000x128xf32, #tpu.memory_space<vmem_shared>> -> memref<72x128xf32, #tpu.memory_space<vmem_shared>>
    %dma_start3A_249 = arith.constant 0 : i32
    %dma_start3A_250 = arith.constant 0 : i32
    %dma_start3A_251 = tpu.memref_slice %arg7[%dma_start3A_240, %dma_start3A_249, %dma_start3A_250] : memref<4x72x128xf32, #tpu.memory_space<vmem>> -> memref<1x72x128xf32, #tpu.memory_space<vmem>>
    %dma_start3A_252 = tpu.memref_squeeze %dma_start3A_251 : memref<1x72x128xf32, #tpu.memory_space<vmem>> -> memref<72x128xf32, #tpu.memory_space<vmem>>
    tpu.enqueue_dma source(%dma_start3A_252 : memref<72x128xf32, #tpu.memory_space<vmem>>) target(%dma_start3A_248 : memref<72x128xf32, #tpu.memory_space<vmem_shared>>) target_semaphore(%arg13 : memref<!tpu.dma_semaphore, #tpu.memory_space<semaphore_mem>>)
    %add3A_253 = arith.constant 360 : i32
    %add3A_254 = arith.addi %mul3A_177, %add3A_253 : i32
    %dma_start3A_255 = arith.constant 3 : i32
    %dma_start3A_256 = arith.constant 0 : i32
    %dma_start3A_257 = arith.constant 0 : i32
    %dma_start3A_258 = tpu.memref_slice %arg7[%dma_start3A_255, %dma_start3A_256, %dma_start3A_257] : memref<4x72x128xf32, #tpu.memory_space<vmem>> -> memref<1x72x128xf32, #tpu.memory_space<vmem>>
    %dma_start3A_259 = tpu.memref_squeeze %dma_start3A_258 : memref<1x72x128xf32, #tpu.memory_space<vmem>> -> memref<72x128xf32, #tpu.memory_space<vmem>>
    %dma_start3A_260 = arith.constant 0 : i32
    %dma_start3A_261 = tpu.memref_slice %arg8[%add3A_254, %dma_start3A_260] : memref<10000x128xf32, #tpu.memory_space<vmem_shared>> -> memref<72x128xf32, #tpu.memory_space<vmem_shared>>
    %dma_start3A_262 = arith.constant 0 : i32
    %dma_start3A_263 = tpu.memref_slice %arg8[%add3A_254, %dma_start3A_262] : memref<10000x128xf32, #tpu.memory_space<vmem_shared>> -> memref<72x128xf32, #tpu.memory_space<vmem_shared>>
    %dma_start3A_264 = arith.constant 0 : i32
    %dma_start3A_265 = arith.constant 0 : i32
    %dma_start3A_266 = tpu.memref_slice %arg7[%dma_start3A_255, %dma_start3A_264, %dma_start3A_265] : memref<4x72x128xf32, #tpu.memory_space<vmem>> -> memref<1x72x128xf32, #tpu.memory_space<vmem>>
    %dma_start3A_267 = tpu.memref_squeeze %dma_start3A_266 : memref<1x72x128xf32, #tpu.memory_space<vmem>> -> memref<72x128xf32, #tpu.memory_space<vmem>>
    tpu.enqueue_dma source(%dma_start3A_267 : memref<72x128xf32, #tpu.memory_space<vmem>>) target(%dma_start3A_263 : memref<72x128xf32, #tpu.memory_space<vmem_shared>>) target_semaphore(%arg14 : memref<!tpu.dma_semaphore, #tpu.memory_space<semaphore_mem>>)
    %add3A_268 = arith.constant 432 : i32
    %add3A_269 = arith.addi %mul3A_177, %add3A_268 : i32
    %dma_start3A_270 = arith.constant 3 : i32
    %dma_start3A_271 = arith.constant 0 : i32
    %dma_start3A_272 = arith.constant 0 : i32
    %dma_start3A_273 = tpu.memref_slice %arg7[%dma_start3A_270, %dma_start3A_271, %dma_start3A_272] : memref<4x72x128xf32, #tpu.memory_space<vmem>> -> memref<1x72x128xf32, #tpu.memory_space<vmem>>
    %dma_start3A_274 = tpu.memref_squeeze %dma_start3A_273 : memref<1x72x128xf32, #tpu.memory_space<vmem>> -> memref<72x128xf32, #tpu.memory_space<vmem>>
    %dma_start3A_275 = arith.constant 0 : i32
    %dma_start3A_276 = tpu.memref_slice %arg8[%add3A_269, %dma_start3A_275] : memref<10000x128xf32, #tpu.memory_space<vmem_shared>> -> memref<72x128xf32, #tpu.memory_space<vmem_shared>>
    %dma_start3A_277 = arith.constant 0 : i32
    %dma_start3A_278 = tpu.memref_slice %arg8[%add3A_269, %dma_start3A_277] : memref<10000x128xf32, #tpu.memory_space<vmem_shared>> -> memref<72x128xf32, #tpu.memory_space<vmem_shared>>
    %dma_start3A_279 = arith.constant 0 : i32
    %dma_start3A_280 = arith.constant 0 : i32
    %dma_start3A_281 = tpu.memref_slice %arg7[%dma_start3A_270, %dma_start3A_279, %dma_start3A_280] : memref<4x72x128xf32, #tpu.memory_space<vmem>> -> memref<1x72x128xf32, #tpu.memory_space<vmem>>
    %dma_start3A_282 = tpu.memref_squeeze %dma_start3A_281 : memref<1x72x128xf32, #tpu.memory_space<vmem>> -> memref<72x128xf32, #tpu.memory_space<vmem>>
    tpu.enqueue_dma source(%dma_start3A_282 : memref<72x128xf32, #tpu.memory_space<vmem>>) target(%dma_start3A_278 : memref<72x128xf32, #tpu.memory_space<vmem_shared>>) target_semaphore(%arg15 : memref<!tpu.dma_semaphore, #tpu.memory_space<semaphore_mem>>)
    %add3A_283 = arith.constant 504 : i32
    %add3A_284 = arith.addi %mul3A_177, %add3A_283 : i32
    %dma_start3A_285 = arith.constant 3 : i32
    %dma_start3A_286 = arith.constant 0 : i32
    %dma_start3A_287 = arith.constant 0 : i32
    %dma_start3A_288 = tpu.memref_slice %arg7[%dma_start3A_285, %dma_start3A_286, %dma_start3A_287] : memref<4x72x128xf32, #tpu.memory_space<vmem>> -> memref<1x72x128xf32, #tpu.memory_space<vmem>>
    %dma_start3A_289 = tpu.memref_squeeze %dma_start3A_288 : memref<1x72x128xf32, #tpu.memory_space<vmem>> -> memref<72x128xf32, #tpu.memory_space<vmem>>
    %dma_start3A_290 = arith.constant 0 : i32
    %dma_start3A_291 = tpu.memref_slice %arg8[%add3A_284, %dma_start3A_290] : memref<10000x128xf32, #tpu.memory_space<vmem_shared>> -> memref<72x128xf32, #tpu.memory_space<vmem_shared>>
    %dma_start3A_292 = arith.constant 0 : i32
    %dma_start3A_293 = tpu.memref_slice %arg8[%add3A_284, %dma_start3A_292] : memref<10000x128xf32, #tpu.memory_space<vmem_shared>> -> memref<72x128xf32, #tpu.memory_space<vmem_shared>>
    %dma_start3A_294 = arith.constant 0 : i32
    %dma_start3A_295 = arith.constant 0 : i32
    %dma_start3A_296 = tpu.memref_slice %arg7[%dma_start3A_285, %dma_start3A_294, %dma_start3A_295] : memref<4x72x128xf32, #tpu.memory_space<vmem>> -> memref<1x72x128xf32, #tpu.memory_space<vmem>>
    %dma_start3A_297 = tpu.memref_squeeze %dma_start3A_296 : memref<1x72x128xf32, #tpu.memory_space<vmem>> -> memref<72x128xf32, #tpu.memory_space<vmem>>
    tpu.enqueue_dma source(%dma_start3A_297 : memref<72x128xf32, #tpu.memory_space<vmem>>) target(%dma_start3A_293 : memref<72x128xf32, #tpu.memory_space<vmem_shared>>) target_semaphore(%arg16 : memref<!tpu.dma_semaphore, #tpu.memory_space<semaphore_mem>>)
    %add3A_298 = arith.constant 576 : i32
    %add3A_299 = arith.addi %mul3A_177, %add3A_298 : i32
    %dma_start3A_300 = arith.constant 3 : i32
    %dma_start3A_301 = arith.constant 0 : i32
    %dma_start3A_302 = arith.constant 0 : i32
    %dma_start3A_303 = tpu.memref_slice %arg7[%dma_start3A_300, %dma_start3A_301, %dma_start3A_302] : memref<4x72x128xf32, #tpu.memory_space<vmem>> -> memref<1x72x128xf32, #tpu.memory_space<vmem>>
    %dma_start3A_304 = tpu.memref_squeeze %dma_start3A_303 : memref<1x72x128xf32, #tpu.memory_space<vmem>> -> memref<72x128xf32, #tpu.memory_space<vmem>>
    %dma_start3A_305 = arith.constant 0 : i32
    %dma_start3A_306 = arith.constant 0 : i32
    %dma_start3A_307 = tpu.memref_slice %dma_start3A_304[%dma_start3A_305, %dma_start3A_306] : memref<72x128xf32, #tpu.memory_space<vmem>> -> memref<49x128xf32, #tpu.memory_space<vmem>>
    %dma_start3A_308 = arith.constant 0 : i32
    %dma_start3A_309 = tpu.memref_slice %arg8[%add3A_299, %dma_start3A_308] : memref<10000x128xf32, #tpu.memory_space<vmem_shared>> -> memref<49x128xf32, #tpu.memory_space<vmem_shared>>
    %dma_start3A_310 = arith.constant 0 : i32
    %dma_start3A_311 = tpu.memref_slice %arg8[%add3A_299, %dma_start3A_310] : memref<10000x128xf32, #tpu.memory_space<vmem_shared>> -> memref<49x128xf32, #tpu.memory_space<vmem_shared>>
    %dma_start3A_312 = arith.constant 0 : i32
    %dma_start3A_313 = arith.constant 0 : i32
    %dma_start3A_314 = tpu.memref_slice %arg7[%dma_start3A_300, %dma_start3A_312, %dma_start3A_313] : memref<4x72x128xf32, #tpu.memory_space<vmem>> -> memref<1x72x128xf32, #tpu.memory_space<vmem>>
    %dma_start3A_315 = tpu.memref_squeeze %dma_start3A_314 : memref<1x72x128xf32, #tpu.memory_space<vmem>> -> memref<72x128xf32, #tpu.memory_space<vmem>>
    %dma_start3A_316 = arith.constant 0 : i32
    %dma_start3A_317 = arith.constant 0 : i32
    %dma_start3A_318 = tpu.memref_slice %dma_start3A_315[%dma_start3A_316, %dma_start3A_317] : memref<72x128xf32, #tpu.memory_space<vmem>> -> memref<49x128xf32, #tpu.memory_space<vmem>>
    tpu.enqueue_dma source(%dma_start3A_318 : memref<49x128xf32, #tpu.memory_space<vmem>>) target(%dma_start3A_311 : memref<49x128xf32, #tpu.memory_space<vmem_shared>>) target_semaphore(%arg25 : memref<!tpu.dma_semaphore, #tpu.memory_space<semaphore_mem>>)
    %add3A_319 = arith.constant 0 : i32
    %add3A_320 = arith.addi %mul3A_2, %add3A_319 : i32
    %dma_wait3A = arith.constant 0 : i32
    %dma_wait3A_321 = arith.constant 0 : i32
    %dma_wait3A_322 = arith.constant 0 : i32
    %dma_wait3A_323 = tpu.memref_slice %arg5[%dma_wait3A, %dma_wait3A_321, %dma_wait3A_322] : memref<8x2x72xi32, #tpu.memory_space<vmem>> -> memref<1x1x72xi32, #tpu.memory_space<vmem>>
    %dma_wait3A_324 = tpu.memref_squeeze %dma_wait3A_323 : memref<1x1x72xi32, #tpu.memory_space<vmem>> -> memref<72xi32, #tpu.memory_space<vmem>>
    %dma_wait3A_325 = tpu.memref_slice %arg3[%add3A_320] : memref<640000xi32, #tpu.memory_space<hbm>> -> memref<72xi32, #tpu.memory_space<hbm>>
    %dma_wait3A_326 = arith.constant 0 : i32
    %dma_wait3A_327 = tpu.memref_slice %arg5[%dma_wait3A, %dma_wait3A_321, %dma_wait3A_326] : memref<8x2x72xi32, #tpu.memory_space<vmem>> -> memref<1x1x72xi32, #tpu.memory_space<vmem>>
    %dma_wait3A_328 = tpu.memref_squeeze %dma_wait3A_327 : memref<1x1x72xi32, #tpu.memory_space<vmem>> -> memref<72xi32, #tpu.memory_space<vmem>>
    %dma_wait3A_329 = tpu.memref_slice %arg3[%add3A_320] : memref<640000xi32, #tpu.memory_space<hbm>> -> memref<72xi32, #tpu.memory_space<hbm>>
    tpu.wait_dma2 semaphore(%arg17 : memref<!tpu.dma_semaphore, #tpu.memory_space<semaphore_mem>>) src(%dma_wait3A_329 : memref<72xi32, #tpu.memory_space<hbm>>) dst(%dma_wait3A_328 : memref<72xi32, #tpu.memory_space<vmem>>)
    %add3A_330 = arith.constant 320000 : i32
    %add3A_331 = arith.addi %add3A_330, %add3A_320 : i32
    %dma_wait3A_332 = arith.constant 0 : i32
    %dma_wait3A_333 = arith.constant 1 : i32
    %dma_wait3A_334 = arith.constant 0 : i32
    %dma_wait3A_335 = tpu.memref_slice %arg5[%dma_wait3A_332, %dma_wait3A_333, %dma_wait3A_334] : memref<8x2x72xi32, #tpu.memory_space<vmem>> -> memref<1x1x72xi32, #tpu.memory_space<vmem>>
    %dma_wait3A_336 = tpu.memref_squeeze %dma_wait3A_335 : memref<1x1x72xi32, #tpu.memory_space<vmem>> -> memref<72xi32, #tpu.memory_space<vmem>>
    %dma_wait3A_337 = tpu.memref_slice %arg3[%add3A_331] : memref<640000xi32, #tpu.memory_space<hbm>> -> memref<72xi32, #tpu.memory_space<hbm>>
    %dma_wait3A_338 = arith.constant 0 : i32
    %dma_wait3A_339 = tpu.memref_slice %arg5[%dma_wait3A_332, %dma_wait3A_333, %dma_wait3A_338] : memref<8x2x72xi32, #tpu.memory_space<vmem>> -> memref<1x1x72xi32, #tpu.memory_space<vmem>>
    %dma_wait3A_340 = tpu.memref_squeeze %dma_wait3A_339 : memref<1x1x72xi32, #tpu.memory_space<vmem>> -> memref<72xi32, #tpu.memory_space<vmem>>
    %dma_wait3A_341 = tpu.memref_slice %arg3[%add3A_331] : memref<640000xi32, #tpu.memory_space<hbm>> -> memref<72xi32, #tpu.memory_space<hbm>>
    tpu.wait_dma2 semaphore(%arg17 : memref<!tpu.dma_semaphore, #tpu.memory_space<semaphore_mem>>) src(%dma_wait3A_341 : memref<72xi32, #tpu.memory_space<hbm>>) dst(%dma_wait3A_340 : memref<72xi32, #tpu.memory_space<vmem>>)
    %dma_start3A_342 = arith.constant 0 : i32
    %dma_start3A_343 = arith.constant 0 : i32
    %dma_start3A_344 = arith.constant 0 : i32
    %dma_start3A_345 = arith.constant 0 : i32
    %dma_start3A_346 = arith.constant 0 : i32
    %dma_start3A_347 = tpu.memref_slice %arg7[%dma_start3A_344, %dma_start3A_345, %dma_start3A_346] : memref<4x72x128xf32, #tpu.memory_space<vmem>> -> memref<1x72x128xf32, #tpu.memory_space<vmem>>
    %dma_start3A_348 = tpu.memref_squeeze %dma_start3A_347 : memref<1x72x128xf32, #tpu.memory_space<vmem>> -> memref<72x128xf32, #tpu.memory_space<vmem>>
    %dma_start3A_349 = arith.constant 0 : i32
    %dma_start3A_350 = tpu.memref_slice %arg5[%dma_start3A_342, %dma_start3A_343, %dma_start3A_349] : memref<8x2x72xi32, #tpu.memory_space<vmem>> -> memref<1x1x72xi32, #tpu.memory_space<vmem>>
    %dma_start3A_351 = tpu.memref_squeeze %dma_start3A_350 : memref<1x1x72xi32, #tpu.memory_space<vmem>> -> memref<72xi32, #tpu.memory_space<vmem>>
    %dma_start3A_352 = arith.constant 0 : i32
    %dma_start3A_353 = arith.constant 0 : i32
    %dma_start3A_354 = tpu.memref_slice %arg2[%dma_start3A_352, %dma_start3A_353] : memref<10000x128xf32, #tpu.memory_space<hbm>> -> memref<10000x128xf32, #tpu.memory_space<hbm>>
    tpu.enqueue_indirect_dma source(%dma_start3A_354 : memref<10000x128xf32, #tpu.memory_space<hbm>>) target(%dma_start3A_348 : memref<72x128xf32, #tpu.memory_space<vmem>>) offsets(%dma_start3A_351 : memref<72xi32, #tpu.memory_space<vmem>>) semaphore(%arg9 : memref<!tpu.dma_semaphore, #tpu.memory_space<semaphore_mem>>)
    %add3A_355 = arith.constant 72 : i32
    %add3A_356 = arith.addi %mul3A_2, %add3A_355 : i32
    %dma_wait3A_357 = arith.constant 1 : i32
    %dma_wait3A_358 = arith.constant 0 : i32
    %dma_wait3A_359 = arith.constant 0 : i32
    %dma_wait3A_360 = tpu.memref_slice %arg5[%dma_wait3A_357, %dma_wait3A_358, %dma_wait3A_359] : memref<8x2x72xi32, #tpu.memory_space<vmem>> -> memref<1x1x72xi32, #tpu.memory_space<vmem>>
    %dma_wait3A_361 = tpu.memref_squeeze %dma_wait3A_360 : memref<1x1x72xi32, #tpu.memory_space<vmem>> -> memref<72xi32, #tpu.memory_space<vmem>>
    %dma_wait3A_362 = tpu.memref_slice %arg3[%add3A_356] : memref<640000xi32, #tpu.memory_space<hbm>> -> memref<72xi32, #tpu.memory_space<hbm>>
    %dma_wait3A_363 = arith.constant 0 : i32
    %dma_wait3A_364 = tpu.memref_slice %arg5[%dma_wait3A_357, %dma_wait3A_358, %dma_wait3A_363] : memref<8x2x72xi32, #tpu.memory_space<vmem>> -> memref<1x1x72xi32, #tpu.memory_space<vmem>>
    %dma_wait3A_365 = tpu.memref_squeeze %dma_wait3A_364 : memref<1x1x72xi32, #tpu.memory_space<vmem>> -> memref<72xi32, #tpu.memory_space<vmem>>
    %dma_wait3A_366 = tpu.memref_slice %arg3[%add3A_356] : memref<640000xi32, #tpu.memory_space<hbm>> -> memref<72xi32, #tpu.memory_space<hbm>>
    tpu.wait_dma2 semaphore(%arg18 : memref<!tpu.dma_semaphore, #tpu.memory_space<semaphore_mem>>) src(%dma_wait3A_366 : memref<72xi32, #tpu.memory_space<hbm>>) dst(%dma_wait3A_365 : memref<72xi32, #tpu.memory_space<vmem>>)
    %add3A_367 = arith.constant 320000 : i32
    %add3A_368 = arith.addi %add3A_367, %add3A_356 : i32
    %dma_wait3A_369 = arith.constant 1 : i32
    %dma_wait3A_370 = arith.constant 1 : i32
    %dma_wait3A_371 = arith.constant 0 : i32
    %dma_wait3A_372 = tpu.memref_slice %arg5[%dma_wait3A_369, %dma_wait3A_370, %dma_wait3A_371] : memref<8x2x72xi32, #tpu.memory_space<vmem>> -> memref<1x1x72xi32, #tpu.memory_space<vmem>>
    %dma_wait3A_373 = tpu.memref_squeeze %dma_wait3A_372 : memref<1x1x72xi32, #tpu.memory_space<vmem>> -> memref<72xi32, #tpu.memory_space<vmem>>
    %dma_wait3A_374 = tpu.memref_slice %arg3[%add3A_368] : memref<640000xi32, #tpu.memory_space<hbm>> -> memref<72xi32, #tpu.memory_space<hbm>>
    %dma_wait3A_375 = arith.constant 0 : i32
    %dma_wait3A_376 = tpu.memref_slice %arg5[%dma_wait3A_369, %dma_wait3A_370, %dma_wait3A_375] : memref<8x2x72xi32, #tpu.memory_space<vmem>> -> memref<1x1x72xi32, #tpu.memory_space<vmem>>
    %dma_wait3A_377 = tpu.memref_squeeze %dma_wait3A_376 : memref<1x1x72xi32, #tpu.memory_space<vmem>> -> memref<72xi32, #tpu.memory_space<vmem>>
    %dma_wait3A_378 = tpu.memref_slice %arg3[%add3A_368] : memref<640000xi32, #tpu.memory_space<hbm>> -> memref<72xi32, #tpu.memory_space<hbm>>
    tpu.wait_dma2 semaphore(%arg18 : memref<!tpu.dma_semaphore, #tpu.memory_space<semaphore_mem>>) src(%dma_wait3A_378 : memref<72xi32, #tpu.memory_space<hbm>>) dst(%dma_wait3A_377 : memref<72xi32, #tpu.memory_space<vmem>>)
    %dma_start3A_379 = arith.constant 1 : i32
    %dma_start3A_380 = arith.constant 0 : i32
    %dma_start3A_381 = arith.constant 1 : i32
    %dma_start3A_382 = arith.constant 0 : i32
    %dma_start3A_383 = arith.constant 0 : i32
    %dma_start3A_384 = tpu.memref_slice %arg7[%dma_start3A_381, %dma_start3A_382, %dma_start3A_383] : memref<4x72x128xf32, #tpu.memory_space<vmem>> -> memref<1x72x128xf32, #tpu.memory_space<vmem>>
    %dma_start3A_385 = tpu.memref_squeeze %dma_start3A_384 : memref<1x72x128xf32, #tpu.memory_space<vmem>> -> memref<72x128xf32, #tpu.memory_space<vmem>>
    %dma_start3A_386 = arith.constant 0 : i32
    %dma_start3A_387 = tpu.memref_slice %arg5[%dma_start3A_379, %dma_start3A_380, %dma_start3A_386] : memref<8x2x72xi32, #tpu.memory_space<vmem>> -> memref<1x1x72xi32, #tpu.memory_space<vmem>>
    %dma_start3A_388 = tpu.memref_squeeze %dma_start3A_387 : memref<1x1x72xi32, #tpu.memory_space<vmem>> -> memref<72xi32, #tpu.memory_space<vmem>>
    %dma_start3A_389 = arith.constant 0 : i32
    %dma_start3A_390 = arith.constant 0 : i32
    %dma_start3A_391 = tpu.memref_slice %arg2[%dma_start3A_389, %dma_start3A_390] : memref<10000x128xf32, #tpu.memory_space<hbm>> -> memref<10000x128xf32, #tpu.memory_space<hbm>>
    tpu.enqueue_indirect_dma source(%dma_start3A_391 : memref<10000x128xf32, #tpu.memory_space<hbm>>) target(%dma_start3A_385 : memref<72x128xf32, #tpu.memory_space<vmem>>) offsets(%dma_start3A_388 : memref<72xi32, #tpu.memory_space<vmem>>) semaphore(%arg10 : memref<!tpu.dma_semaphore, #tpu.memory_space<semaphore_mem>>)
    %add3A_392 = arith.constant 144 : i32
    %add3A_393 = arith.addi %mul3A_2, %add3A_392 : i32
    %dma_wait3A_394 = arith.constant 2 : i32
    %dma_wait3A_395 = arith.constant 0 : i32
    %dma_wait3A_396 = arith.constant 0 : i32
    %dma_wait3A_397 = tpu.memref_slice %arg5[%dma_wait3A_394, %dma_wait3A_395, %dma_wait3A_396] : memref<8x2x72xi32, #tpu.memory_space<vmem>> -> memref<1x1x72xi32, #tpu.memory_space<vmem>>
    %dma_wait3A_398 = tpu.memref_squeeze %dma_wait3A_397 : memref<1x1x72xi32, #tpu.memory_space<vmem>> -> memref<72xi32, #tpu.memory_space<vmem>>
    %dma_wait3A_399 = tpu.memref_slice %arg3[%add3A_393] : memref<640000xi32, #tpu.memory_space<hbm>> -> memref<72xi32, #tpu.memory_space<hbm>>
    %dma_wait3A_400 = arith.constant 0 : i32
    %dma_wait3A_401 = tpu.memref_slice %arg5[%dma_wait3A_394, %dma_wait3A_395, %dma_wait3A_400] : memref<8x2x72xi32, #tpu.memory_space<vmem>> -> memref<1x1x72xi32, #tpu.memory_space<vmem>>
    %dma_wait3A_402 = tpu.memref_squeeze %dma_wait3A_401 : memref<1x1x72xi32, #tpu.memory_space<vmem>> -> memref<72xi32, #tpu.memory_space<vmem>>
    %dma_wait3A_403 = tpu.memref_slice %arg3[%add3A_393] : memref<640000xi32, #tpu.memory_space<hbm>> -> memref<72xi32, #tpu.memory_space<hbm>>
    tpu.wait_dma2 semaphore(%arg19 : memref<!tpu.dma_semaphore, #tpu.memory_space<semaphore_mem>>) src(%dma_wait3A_403 : memref<72xi32, #tpu.memory_space<hbm>>) dst(%dma_wait3A_402 : memref<72xi32, #tpu.memory_space<vmem>>)
    %add3A_404 = arith.constant 320000 : i32
    %add3A_405 = arith.addi %add3A_404, %add3A_393 : i32
    %dma_wait3A_406 = arith.constant 2 : i32
    %dma_wait3A_407 = arith.constant 1 : i32
    %dma_wait3A_408 = arith.constant 0 : i32
    %dma_wait3A_409 = tpu.memref_slice %arg5[%dma_wait3A_406, %dma_wait3A_407, %dma_wait3A_408] : memref<8x2x72xi32, #tpu.memory_space<vmem>> -> memref<1x1x72xi32, #tpu.memory_space<vmem>>
    %dma_wait3A_410 = tpu.memref_squeeze %dma_wait3A_409 : memref<1x1x72xi32, #tpu.memory_space<vmem>> -> memref<72xi32, #tpu.memory_space<vmem>>
    %dma_wait3A_411 = tpu.memref_slice %arg3[%add3A_405] : memref<640000xi32, #tpu.memory_space<hbm>> -> memref<72xi32, #tpu.memory_space<hbm>>
    %dma_wait3A_412 = arith.constant 0 : i32
    %dma_wait3A_413 = tpu.memref_slice %arg5[%dma_wait3A_406, %dma_wait3A_407, %dma_wait3A_412] : memref<8x2x72xi32, #tpu.memory_space<vmem>> -> memref<1x1x72xi32, #tpu.memory_space<vmem>>
    %dma_wait3A_414 = tpu.memref_squeeze %dma_wait3A_413 : memref<1x1x72xi32, #tpu.memory_space<vmem>> -> memref<72xi32, #tpu.memory_space<vmem>>
    %dma_wait3A_415 = tpu.memref_slice %arg3[%add3A_405] : memref<640000xi32, #tpu.memory_space<hbm>> -> memref<72xi32, #tpu.memory_space<hbm>>
    tpu.wait_dma2 semaphore(%arg19 : memref<!tpu.dma_semaphore, #tpu.memory_space<semaphore_mem>>) src(%dma_wait3A_415 : memref<72xi32, #tpu.memory_space<hbm>>) dst(%dma_wait3A_414 : memref<72xi32, #tpu.memory_space<vmem>>)
    %dma_start3A_416 = arith.constant 2 : i32
    %dma_start3A_417 = arith.constant 0 : i32
    %dma_start3A_418 = arith.constant 2 : i32
    %dma_start3A_419 = arith.constant 0 : i32
    %dma_start3A_420 = arith.constant 0 : i32
    %dma_start3A_421 = tpu.memref_slice %arg7[%dma_start3A_418, %dma_start3A_419, %dma_start3A_420] : memref<4x72x128xf32, #tpu.memory_space<vmem>> -> memref<1x72x128xf32, #tpu.memory_space<vmem>>
    %dma_start3A_422 = tpu.memref_squeeze %dma_start3A_421 : memref<1x72x128xf32, #tpu.memory_space<vmem>> -> memref<72x128xf32, #tpu.memory_space<vmem>>
    %dma_start3A_423 = arith.constant 0 : i32
    %dma_start3A_424 = tpu.memref_slice %arg5[%dma_start3A_416, %dma_start3A_417, %dma_start3A_423] : memref<8x2x72xi32, #tpu.memory_space<vmem>> -> memref<1x1x72xi32, #tpu.memory_space<vmem>>
    %dma_start3A_425 = tpu.memref_squeeze %dma_start3A_424 : memref<1x1x72xi32, #tpu.memory_space<vmem>> -> memref<72xi32, #tpu.memory_space<vmem>>
    %dma_start3A_426 = arith.constant 0 : i32
    %dma_start3A_427 = arith.constant 0 : i32
    %dma_start3A_428 = tpu.memref_slice %arg2[%dma_start3A_426, %dma_start3A_427] : memref<10000x128xf32, #tpu.memory_space<hbm>> -> memref<10000x128xf32, #tpu.memory_space<hbm>>
    tpu.enqueue_indirect_dma source(%dma_start3A_428 : memref<10000x128xf32, #tpu.memory_space<hbm>>) target(%dma_start3A_422 : memref<72x128xf32, #tpu.memory_space<vmem>>) offsets(%dma_start3A_425 : memref<72xi32, #tpu.memory_space<vmem>>) semaphore(%arg11 : memref<!tpu.dma_semaphore, #tpu.memory_space<semaphore_mem>>)
    %add3A_429 = arith.constant 0 : i32
    %add3A_430 = arith.addi %mul3A_177, %add3A_429 : i32
    %dma_wait3A_431 = arith.constant 3 : i32
    %dma_wait3A_432 = arith.constant 0 : i32
    %dma_wait3A_433 = arith.constant 0 : i32
    %dma_wait3A_434 = tpu.memref_slice %arg7[%dma_wait3A_431, %dma_wait3A_432, %dma_wait3A_433] : memref<4x72x128xf32, #tpu.memory_space<vmem>> -> memref<1x72x128xf32, #tpu.memory_space<vmem>>
    %dma_wait3A_435 = tpu.memref_squeeze %dma_wait3A_434 : memref<1x72x128xf32, #tpu.memory_space<vmem>> -> memref<72x128xf32, #tpu.memory_space<vmem>>
    %dma_wait3A_436 = arith.constant 0 : i32
    %dma_wait3A_437 = tpu.memref_slice %arg8[%add3A_430, %dma_wait3A_436] : memref<10000x128xf32, #tpu.memory_space<vmem_shared>> -> memref<72x128xf32, #tpu.memory_space<vmem_shared>>
    %dma_wait3A_438 = arith.constant 0 : i32
    %dma_wait3A_439 = tpu.memref_slice %arg8[%add3A_430, %dma_wait3A_438] : memref<10000x128xf32, #tpu.memory_space<vmem_shared>> -> memref<72x128xf32, #tpu.memory_space<vmem_shared>>
    %dma_wait3A_440 = arith.constant 0 : i32
    %dma_wait3A_441 = arith.constant 0 : i32
    %dma_wait3A_442 = tpu.memref_slice %arg7[%dma_wait3A_431, %dma_wait3A_440, %dma_wait3A_441] : memref<4x72x128xf32, #tpu.memory_space<vmem>> -> memref<1x72x128xf32, #tpu.memory_space<vmem>>
    %dma_wait3A_443 = tpu.memref_squeeze %dma_wait3A_442 : memref<1x72x128xf32, #tpu.memory_space<vmem>> -> memref<72x128xf32, #tpu.memory_space<vmem>>
    tpu.wait_dma2 semaphore(%arg13 : memref<!tpu.dma_semaphore, #tpu.memory_space<semaphore_mem>>) src(%dma_wait3A_443 : memref<72x128xf32, #tpu.memory_space<vmem>>) dst(%dma_wait3A_439 : memref<72x128xf32, #tpu.memory_space<vmem_shared>>)
    %add3A_444 = arith.constant 72 : i32
    %add3A_445 = arith.addi %mul3A_177, %add3A_444 : i32
    %dma_wait3A_446 = arith.constant 3 : i32
    %dma_wait3A_447 = arith.constant 0 : i32
    %dma_wait3A_448 = arith.constant 0 : i32
    %dma_wait3A_449 = tpu.memref_slice %arg7[%dma_wait3A_446, %dma_wait3A_447, %dma_wait3A_448] : memref<4x72x128xf32, #tpu.memory_space<vmem>> -> memref<1x72x128xf32, #tpu.memory_space<vmem>>
    %dma_wait3A_450 = tpu.memref_squeeze %dma_wait3A_449 : memref<1x72x128xf32, #tpu.memory_space<vmem>> -> memref<72x128xf32, #tpu.memory_space<vmem>>
    %dma_wait3A_451 = arith.constant 0 : i32
    %dma_wait3A_452 = tpu.memref_slice %arg8[%add3A_445, %dma_wait3A_451] : memref<10000x128xf32, #tpu.memory_space<vmem_shared>> -> memref<72x128xf32, #tpu.memory_space<vmem_shared>>
    %dma_wait3A_453 = arith.constant 0 : i32
    %dma_wait3A_454 = tpu.memref_slice %arg8[%add3A_445, %dma_wait3A_453] : memref<10000x128xf32, #tpu.memory_space<vmem_shared>> -> memref<72x128xf32, #tpu.memory_space<vmem_shared>>
    %dma_wait3A_455 = arith.constant 0 : i32
    %dma_wait3A_456 = arith.constant 0 : i32
    %dma_wait3A_457 = tpu.memref_slice %arg7[%dma_wait3A_446, %dma_wait3A_455, %dma_wait3A_456] : memref<4x72x128xf32, #tpu.memory_space<vmem>> -> memref<1x72x128xf32, #tpu.memory_space<vmem>>
    %dma_wait3A_458 = tpu.memref_squeeze %dma_wait3A_457 : memref<1x72x128xf32, #tpu.memory_space<vmem>> -> memref<72x128xf32, #tpu.memory_space<vmem>>
    tpu.wait_dma2 semaphore(%arg14 : memref<!tpu.dma_semaphore, #tpu.memory_space<semaphore_mem>>) src(%dma_wait3A_458 : memref<72x128xf32, #tpu.memory_space<vmem>>) dst(%dma_wait3A_454 : memref<72x128xf32, #tpu.memory_space<vmem_shared>>)
    %add3A_459 = arith.constant 144 : i32
    %add3A_460 = arith.addi %mul3A_177, %add3A_459 : i32
    %dma_wait3A_461 = arith.constant 3 : i32
    %dma_wait3A_462 = arith.constant 0 : i32
    %dma_wait3A_463 = arith.constant 0 : i32
    %dma_wait3A_464 = tpu.memref_slice %arg7[%dma_wait3A_461, %dma_wait3A_462, %dma_wait3A_463] : memref<4x72x128xf32, #tpu.memory_space<vmem>> -> memref<1x72x128xf32, #tpu.memory_space<vmem>>
    %dma_wait3A_465 = tpu.memref_squeeze %dma_wait3A_464 : memref<1x72x128xf32, #tpu.memory_space<vmem>> -> memref<72x128xf32, #tpu.memory_space<vmem>>
    %dma_wait3A_466 = arith.constant 0 : i32
    %dma_wait3A_467 = tpu.memref_slice %arg8[%add3A_460, %dma_wait3A_466] : memref<10000x128xf32, #tpu.memory_space<vmem_shared>> -> memref<72x128xf32, #tpu.memory_space<vmem_shared>>
    %dma_wait3A_468 = arith.constant 0 : i32
    %dma_wait3A_469 = tpu.memref_slice %arg8[%add3A_460, %dma_wait3A_468] : memref<10000x128xf32, #tpu.memory_space<vmem_shared>> -> memref<72x128xf32, #tpu.memory_space<vmem_shared>>
    %dma_wait3A_470 = arith.constant 0 : i32
    %dma_wait3A_471 = arith.constant 0 : i32
    %dma_wait3A_472 = tpu.memref_slice %arg7[%dma_wait3A_461, %dma_wait3A_470, %dma_wait3A_471] : memref<4x72x128xf32, #tpu.memory_space<vmem>> -> memref<1x72x128xf32, #tpu.memory_space<vmem>>
    %dma_wait3A_473 = tpu.memref_squeeze %dma_wait3A_472 : memref<1x72x128xf32, #tpu.memory_space<vmem>> -> memref<72x128xf32, #tpu.memory_space<vmem>>
    tpu.wait_dma2 semaphore(%arg15 : memref<!tpu.dma_semaphore, #tpu.memory_space<semaphore_mem>>) src(%dma_wait3A_473 : memref<72x128xf32, #tpu.memory_space<vmem>>) dst(%dma_wait3A_469 : memref<72x128xf32, #tpu.memory_space<vmem_shared>>)
    %add3A_474 = arith.constant 216 : i32
    %add3A_475 = arith.addi %mul3A_177, %add3A_474 : i32
    %dma_wait3A_476 = arith.constant 3 : i32
    %dma_wait3A_477 = arith.constant 0 : i32
    %dma_wait3A_478 = arith.constant 0 : i32
    %dma_wait3A_479 = tpu.memref_slice %arg7[%dma_wait3A_476, %dma_wait3A_477, %dma_wait3A_478] : memref<4x72x128xf32, #tpu.memory_space<vmem>> -> memref<1x72x128xf32, #tpu.memory_space<vmem>>
    %dma_wait3A_480 = tpu.memref_squeeze %dma_wait3A_479 : memref<1x72x128xf32, #tpu.memory_space<vmem>> -> memref<72x128xf32, #tpu.memory_space<vmem>>
    %dma_wait3A_481 = arith.constant 0 : i32
    %dma_wait3A_482 = tpu.memref_slice %arg8[%add3A_475, %dma_wait3A_481] : memref<10000x128xf32, #tpu.memory_space<vmem_shared>> -> memref<72x128xf32, #tpu.memory_space<vmem_shared>>
    %dma_wait3A_483 = arith.constant 0 : i32
    %dma_wait3A_484 = tpu.memref_slice %arg8[%add3A_475, %dma_wait3A_483] : memref<10000x128xf32, #tpu.memory_space<vmem_shared>> -> memref<72x128xf32, #tpu.memory_space<vmem_shared>>
    %dma_wait3A_485 = arith.constant 0 : i32
    %dma_wait3A_486 = arith.constant 0 : i32
    %dma_wait3A_487 = tpu.memref_slice %arg7[%dma_wait3A_476, %dma_wait3A_485, %dma_wait3A_486] : memref<4x72x128xf32, #tpu.memory_space<vmem>> -> memref<1x72x128xf32, #tpu.memory_space<vmem>>
    %dma_wait3A_488 = tpu.memref_squeeze %dma_wait3A_487 : memref<1x72x128xf32, #tpu.memory_space<vmem>> -> memref<72x128xf32, #tpu.memory_space<vmem>>
    tpu.wait_dma2 semaphore(%arg16 : memref<!tpu.dma_semaphore, #tpu.memory_space<semaphore_mem>>) src(%dma_wait3A_488 : memref<72x128xf32, #tpu.memory_space<vmem>>) dst(%dma_wait3A_484 : memref<72x128xf32, #tpu.memory_space<vmem_shared>>)
    %add3A_489 = arith.constant 288 : i32
    %add3A_490 = arith.addi %mul3A_177, %add3A_489 : i32
    %dma_wait3A_491 = arith.constant 3 : i32
    %dma_wait3A_492 = arith.constant 0 : i32
    %dma_wait3A_493 = arith.constant 0 : i32
    %dma_wait3A_494 = tpu.memref_slice %arg7[%dma_wait3A_491, %dma_wait3A_492, %dma_wait3A_493] : memref<4x72x128xf32, #tpu.memory_space<vmem>> -> memref<1x72x128xf32, #tpu.memory_space<vmem>>
    %dma_wait3A_495 = tpu.memref_squeeze %dma_wait3A_494 : memref<1x72x128xf32, #tpu.memory_space<vmem>> -> memref<72x128xf32, #tpu.memory_space<vmem>>
    %dma_wait3A_496 = arith.constant 0 : i32
    %dma_wait3A_497 = tpu.memref_slice %arg8[%add3A_490, %dma_wait3A_496] : memref<10000x128xf32, #tpu.memory_space<vmem_shared>> -> memref<72x128xf32, #tpu.memory_space<vmem_shared>>
    %dma_wait3A_498 = arith.constant 0 : i32
    %dma_wait3A_499 = tpu.memref_slice %arg8[%add3A_490, %dma_wait3A_498] : memref<10000x128xf32, #tpu.memory_space<vmem_shared>> -> memref<72x128xf32, #tpu.memory_space<vmem_shared>>
    %dma_wait3A_500 = arith.constant 0 : i32
    %dma_wait3A_501 = arith.constant 0 : i32
    %dma_wait3A_502 = tpu.memref_slice %arg7[%dma_wait3A_491, %dma_wait3A_500, %dma_wait3A_501] : memref<4x72x128xf32, #tpu.memory_space<vmem>> -> memref<1x72x128xf32, #tpu.memory_space<vmem>>
    %dma_wait3A_503 = tpu.memref_squeeze %dma_wait3A_502 : memref<1x72x128xf32, #tpu.memory_space<vmem>> -> memref<72x128xf32, #tpu.memory_space<vmem>>
    tpu.wait_dma2 semaphore(%arg13 : memref<!tpu.dma_semaphore, #tpu.memory_space<semaphore_mem>>) src(%dma_wait3A_503 : memref<72x128xf32, #tpu.memory_space<vmem>>) dst(%dma_wait3A_499 : memref<72x128xf32, #tpu.memory_space<vmem_shared>>)
    %add3A_504 = arith.constant 360 : i32
    %add3A_505 = arith.addi %mul3A_177, %add3A_504 : i32
    %dma_wait3A_506 = arith.constant 3 : i32
    %dma_wait3A_507 = arith.constant 0 : i32
    %dma_wait3A_508 = arith.constant 0 : i32
    %dma_wait3A_509 = tpu.memref_slice %arg7[%dma_wait3A_506, %dma_wait3A_507, %dma_wait3A_508] : memref<4x72x128xf32, #tpu.memory_space<vmem>> -> memref<1x72x128xf32, #tpu.memory_space<vmem>>
    %dma_wait3A_510 = tpu.memref_squeeze %dma_wait3A_509 : memref<1x72x128xf32, #tpu.memory_space<vmem>> -> memref<72x128xf32, #tpu.memory_space<vmem>>
    %dma_wait3A_511 = arith.constant 0 : i32
    %dma_wait3A_512 = tpu.memref_slice %arg8[%add3A_505, %dma_wait3A_511] : memref<10000x128xf32, #tpu.memory_space<vmem_shared>> -> memref<72x128xf32, #tpu.memory_space<vmem_shared>>
    %dma_wait3A_513 = arith.constant 0 : i32
    %dma_wait3A_514 = tpu.memref_slice %arg8[%add3A_505, %dma_wait3A_513] : memref<10000x128xf32, #tpu.memory_space<vmem_shared>> -> memref<72x128xf32, #tpu.memory_space<vmem_shared>>
    %dma_wait3A_515 = arith.constant 0 : i32
    %dma_wait3A_516 = arith.constant 0 : i32
    %dma_wait3A_517 = tpu.memref_slice %arg7[%dma_wait3A_506, %dma_wait3A_515, %dma_wait3A_516] : memref<4x72x128xf32, #tpu.memory_space<vmem>> -> memref<1x72x128xf32, #tpu.memory_space<vmem>>
    %dma_wait3A_518 = tpu.memref_squeeze %dma_wait3A_517 : memref<1x72x128xf32, #tpu.memory_space<vmem>> -> memref<72x128xf32, #tpu.memory_space<vmem>>
    tpu.wait_dma2 semaphore(%arg14 : memref<!tpu.dma_semaphore, #tpu.memory_space<semaphore_mem>>) src(%dma_wait3A_518 : memref<72x128xf32, #tpu.memory_space<vmem>>) dst(%dma_wait3A_514 : memref<72x128xf32, #tpu.memory_space<vmem_shared>>)
    %add3A_519 = arith.constant 432 : i32
    %add3A_520 = arith.addi %mul3A_177, %add3A_519 : i32
    %dma_wait3A_521 = arith.constant 3 : i32
    %dma_wait3A_522 = arith.constant 0 : i32
    %dma_wait3A_523 = arith.constant 0 : i32
    %dma_wait3A_524 = tpu.memref_slice %arg7[%dma_wait3A_521, %dma_wait3A_522, %dma_wait3A_523] : memref<4x72x128xf32, #tpu.memory_space<vmem>> -> memref<1x72x128xf32, #tpu.memory_space<vmem>>
    %dma_wait3A_525 = tpu.memref_squeeze %dma_wait3A_524 : memref<1x72x128xf32, #tpu.memory_space<vmem>> -> memref<72x128xf32, #tpu.memory_space<vmem>>
    %dma_wait3A_526 = arith.constant 0 : i32
    %dma_wait3A_527 = tpu.memref_slice %arg8[%add3A_520, %dma_wait3A_526] : memref<10000x128xf32, #tpu.memory_space<vmem_shared>> -> memref<72x128xf32, #tpu.memory_space<vmem_shared>>
    %dma_wait3A_528 = arith.constant 0 : i32
    %dma_wait3A_529 = tpu.memref_slice %arg8[%add3A_520, %dma_wait3A_528] : memref<10000x128xf32, #tpu.memory_space<vmem_shared>> -> memref<72x128xf32, #tpu.memory_space<vmem_shared>>
    %dma_wait3A_530 = arith.constant 0 : i32
    %dma_wait3A_531 = arith.constant 0 : i32
    %dma_wait3A_532 = tpu.memref_slice %arg7[%dma_wait3A_521, %dma_wait3A_530, %dma_wait3A_531] : memref<4x72x128xf32, #tpu.memory_space<vmem>> -> memref<1x72x128xf32, #tpu.memory_space<vmem>>
    %dma_wait3A_533 = tpu.memref_squeeze %dma_wait3A_532 : memref<1x72x128xf32, #tpu.memory_space<vmem>> -> memref<72x128xf32, #tpu.memory_space<vmem>>
    tpu.wait_dma2 semaphore(%arg15 : memref<!tpu.dma_semaphore, #tpu.memory_space<semaphore_mem>>) src(%dma_wait3A_533 : memref<72x128xf32, #tpu.memory_space<vmem>>) dst(%dma_wait3A_529 : memref<72x128xf32, #tpu.memory_space<vmem_shared>>)
    %add3A_534 = arith.constant 504 : i32
    %add3A_535 = arith.addi %mul3A_177, %add3A_534 : i32
    %dma_wait3A_536 = arith.constant 3 : i32
    %dma_wait3A_537 = arith.constant 0 : i32
    %dma_wait3A_538 = arith.constant 0 : i32
    %dma_wait3A_539 = tpu.memref_slice %arg7[%dma_wait3A_536, %dma_wait3A_537, %dma_wait3A_538] : memref<4x72x128xf32, #tpu.memory_space<vmem>> -> memref<1x72x128xf32, #tpu.memory_space<vmem>>
    %dma_wait3A_540 = tpu.memref_squeeze %dma_wait3A_539 : memref<1x72x128xf32, #tpu.memory_space<vmem>> -> memref<72x128xf32, #tpu.memory_space<vmem>>
    %dma_wait3A_541 = arith.constant 0 : i32
    %dma_wait3A_542 = tpu.memref_slice %arg8[%add3A_535, %dma_wait3A_541] : memref<10000x128xf32, #tpu.memory_space<vmem_shared>> -> memref<72x128xf32, #tpu.memory_space<vmem_shared>>
    %dma_wait3A_543 = arith.constant 0 : i32
    %dma_wait3A_544 = tpu.memref_slice %arg8[%add3A_535, %dma_wait3A_543] : memref<10000x128xf32, #tpu.memory_space<vmem_shared>> -> memref<72x128xf32, #tpu.memory_space<vmem_shared>>
    %dma_wait3A_545 = arith.constant 0 : i32
    %dma_wait3A_546 = arith.constant 0 : i32
    %dma_wait3A_547 = tpu.memref_slice %arg7[%dma_wait3A_536, %dma_wait3A_545, %dma_wait3A_546] : memref<4x72x128xf32, #tpu.memory_space<vmem>> -> memref<1x72x128xf32, #tpu.memory_space<vmem>>
    %dma_wait3A_548 = tpu.memref_squeeze %dma_wait3A_547 : memref<1x72x128xf32, #tpu.memory_space<vmem>> -> memref<72x128xf32, #tpu.memory_space<vmem>>
    tpu.wait_dma2 semaphore(%arg16 : memref<!tpu.dma_semaphore, #tpu.memory_space<semaphore_mem>>) src(%dma_wait3A_548 : memref<72x128xf32, #tpu.memory_space<vmem>>) dst(%dma_wait3A_544 : memref<72x128xf32, #tpu.memory_space<vmem_shared>>)
    %add3A_549 = arith.constant 576 : i32
    %add3A_550 = arith.addi %mul3A_177, %add3A_549 : i32
    %dma_wait3A_551 = arith.constant 3 : i32
    %dma_wait3A_552 = arith.constant 0 : i32
    %dma_wait3A_553 = arith.constant 0 : i32
    %dma_wait3A_554 = tpu.memref_slice %arg7[%dma_wait3A_551, %dma_wait3A_552, %dma_wait3A_553] : memref<4x72x128xf32, #tpu.memory_space<vmem>> -> memref<1x72x128xf32, #tpu.memory_space<vmem>>
    %dma_wait3A_555 = tpu.memref_squeeze %dma_wait3A_554 : memref<1x72x128xf32, #tpu.memory_space<vmem>> -> memref<72x128xf32, #tpu.memory_space<vmem>>
    %dma_wait3A_556 = arith.constant 0 : i32
    %dma_wait3A_557 = arith.constant 0 : i32
    %dma_wait3A_558 = tpu.memref_slice %dma_wait3A_555[%dma_wait3A_556, %dma_wait3A_557] : memref<72x128xf32, #tpu.memory_space<vmem>> -> memref<49x128xf32, #tpu.memory_space<vmem>>
    %dma_wait3A_559 = arith.constant 0 : i32
    %dma_wait3A_560 = tpu.memref_slice %arg8[%add3A_550, %dma_wait3A_559] : memref<10000x128xf32, #tpu.memory_space<vmem_shared>> -> memref<49x128xf32, #tpu.memory_space<vmem_shared>>
    %dma_wait3A_561 = arith.constant 0 : i32
    %dma_wait3A_562 = tpu.memref_slice %arg8[%add3A_550, %dma_wait3A_561] : memref<10000x128xf32, #tpu.memory_space<vmem_shared>> -> memref<49x128xf32, #tpu.memory_space<vmem_shared>>
    %dma_wait3A_563 = arith.constant 0 : i32
    %dma_wait3A_564 = arith.constant 0 : i32
    %dma_wait3A_565 = tpu.memref_slice %arg7[%dma_wait3A_551, %dma_wait3A_563, %dma_wait3A_564] : memref<4x72x128xf32, #tpu.memory_space<vmem>> -> memref<1x72x128xf32, #tpu.memory_space<vmem>>
    %dma_wait3A_566 = tpu.memref_squeeze %dma_wait3A_565 : memref<1x72x128xf32, #tpu.memory_space<vmem>> -> memref<72x128xf32, #tpu.memory_space<vmem>>
    %dma_wait3A_567 = arith.constant 0 : i32
    %dma_wait3A_568 = arith.constant 0 : i32
    %dma_wait3A_569 = tpu.memref_slice %dma_wait3A_566[%dma_wait3A_567, %dma_wait3A_568] : memref<72x128xf32, #tpu.memory_space<vmem>> -> memref<49x128xf32, #tpu.memory_space<vmem>>
    tpu.wait_dma2 semaphore(%arg25 : memref<!tpu.dma_semaphore, #tpu.memory_space<semaphore_mem>>) src(%dma_wait3A_569 : memref<49x128xf32, #tpu.memory_space<vmem>>) dst(%dma_wait3A_562 : memref<49x128xf32, #tpu.memory_space<vmem_shared>>)
    %barrier3A = arith.constant 0 : index
    tpu.barrier barrier_id(%barrier3A)
    %scan3A_570 = arith.constant 0 : i32
    %scan3A_571 = arith.constant 3 : i32
    %scan3A_572 = arith.constant 1 : i32
    %scan3A_573 = arith.constant 2 : i32
    %scan3A_574 = arith.constant 0 : i32
    %scan3A_575 = arith.constant 17 : i32
    %scan3A_576 = arith.addi %scan3A_574, %scan3A_575 : i32
    %scan3A_577 = arith.constant 1 : i32
    scf.for %scan3A_750 = %scan3A_574 to %scan3A_576 step %scan3A_577  : i32 {
      %mul3A_751 = arith.constant 1 : i32
      %mul3A_752 = arith.muli %scan3A_750, %mul3A_751 : i32
      %add3A_753 = arith.constant 0 : i32
      %add3A_754 = arith.addi %add3A_753, %mul3A_752 : i32
      %mul3A_755 = arith.constant 8 : i32
      %mul3A_756 = arith.muli %add3A_754, %mul3A_755 : i32
      %add3A_757 = arith.constant 0 : i32
      %add3A_758 = arith.addi %mul3A_756, %add3A_757 : i32
      %dma_wait3A_759 = arith.constant 0 : i32
      %dma_wait3A_760 = arith.constant 0 : i32
      %dma_wait3A_761 = arith.constant 0 : i32
      %dma_wait3A_762 = arith.constant 0 : i32
      %dma_wait3A_763 = tpu.memref_slice %arg7[%scan3A_570, %dma_wait3A_761, %dma_wait3A_762] : memref<4x72x128xf32, #tpu.memory_space<vmem>> -> memref<1x72x128xf32, #tpu.memory_space<vmem>>
      %dma_wait3A_764 = tpu.memref_squeeze %dma_wait3A_763 : memref<1x72x128xf32, #tpu.memory_space<vmem>> -> memref<72x128xf32, #tpu.memory_space<vmem>>
      %dma_wait3A_765 = arith.constant 0 : i32
      %dma_wait3A_766 = tpu.memref_slice %arg5[%dma_wait3A_759, %dma_wait3A_760, %dma_wait3A_765] : memref<8x2x72xi32, #tpu.memory_space<vmem>> -> memref<1x1x72xi32, #tpu.memory_space<vmem>>
      %dma_wait3A_767 = tpu.memref_squeeze %dma_wait3A_766 : memref<1x1x72xi32, #tpu.memory_space<vmem>> -> memref<72xi32, #tpu.memory_space<vmem>>
      %dma_wait3A_768 = arith.constant 0 : i32
      %dma_wait3A_769 = arith.constant 0 : i32
      %dma_wait3A_770 = tpu.memref_slice %arg2[%dma_wait3A_768, %dma_wait3A_769] : memref<10000x128xf32, #tpu.memory_space<hbm>> -> memref<10000x128xf32, #tpu.memory_space<hbm>>
      tpu.wait_indirect_dma semaphore(%arg9 : memref<!tpu.dma_semaphore, #tpu.memory_space<semaphore_mem>>) src(%dma_wait3A_770 : memref<10000x128xf32, #tpu.memory_space<hbm>>) dst(%dma_wait3A_764 : memref<72x128xf32, #tpu.memory_space<vmem>>)
      %gt3A = arith.constant 0 : i32
      %gt3A_771 = arith.cmpi sgt, %add3A_754, %gt3A : i32
      %convert_element_type3A_772 = arith.extui %gt3A_771 : i1 to i32
      %cond3A_773 = arith.constant 0 : i32
      %cond3A_774 = arith.cmpi ne, %convert_element_type3A_772, %cond3A_773 : i32
      scf.if %cond3A_774 {
        %dma_wait3A_1179 = arith.constant 7 : i32
        %dma_wait3A_1180 = arith.constant 1 : i32
        %dma_wait3A_1181 = arith.constant 0 : i32
        %dma_wait3A_1182 = arith.constant 0 : i32
        %dma_wait3A_1183 = tpu.memref_slice %arg7[%scan3A_571, %dma_wait3A_1181, %dma_wait3A_1182] : memref<4x72x128xf32, #tpu.memory_space<vmem>> -> memref<1x72x128xf32, #tpu.memory_space<vmem>>
        %dma_wait3A_1184 = tpu.memref_squeeze %dma_wait3A_1183 : memref<1x72x128xf32, #tpu.memory_space<vmem>> -> memref<72x128xf32, #tpu.memory_space<vmem>>
        %dma_wait3A_1185 = arith.constant 0 : i32
        %dma_wait3A_1186 = tpu.memref_slice %arg5[%dma_wait3A_1179, %dma_wait3A_1180, %dma_wait3A_1185] : memref<8x2x72xi32, #tpu.memory_space<vmem>> -> memref<1x1x72xi32, #tpu.memory_space<vmem>>
        %dma_wait3A_1187 = tpu.memref_squeeze %dma_wait3A_1186 : memref<1x1x72xi32, #tpu.memory_space<vmem>> -> memref<72xi32, #tpu.memory_space<vmem>>
        %dma_wait3A_1188 = arith.constant 0 : i32
        %dma_wait3A_1189 = arith.constant 0 : i32
        %dma_wait3A_1190 = tpu.memref_slice %arg8[%dma_wait3A_1188, %dma_wait3A_1189] : memref<10000x128xf32, #tpu.memory_space<vmem_shared>> -> memref<10000x128xf32, #tpu.memory_space<vmem_shared>>
        tpu.wait_indirect_dma semaphore(%arg16 : memref<!tpu.dma_semaphore, #tpu.memory_space<semaphore_mem>>) src(%dma_wait3A_1184 : memref<72x128xf32, #tpu.memory_space<vmem>>) dst(%dma_wait3A_1190 : memref<10000x128xf32, #tpu.memory_space<vmem_shared>>)
      } else {
      }
      %add3A_775 = arith.constant 3 : i32
      %add3A_776 = arith.addi %add3A_758, %add3A_775 : i32
      %lt3A = arith.constant 138 : i32
      %lt3A_777 = arith.cmpi slt, %add3A_776, %lt3A : i32
      %convert_element_type3A_778 = arith.extui %lt3A_777 : i1 to i32
      %cond3A_779 = arith.constant 0 : i32
      %cond3A_780 = arith.cmpi ne, %convert_element_type3A_778, %cond3A_779 : i32
      scf.if %cond3A_780 {
        %add3A_1179 = arith.constant 3 : i32
        %add3A_1180 = arith.addi %add3A_758, %add3A_1179 : i32
        %mul3A_1181 = arith.constant 72 : i32
        %mul3A_1182 = arith.muli %add3A_1180, %mul3A_1181 : i32
        %add3A_1183 = arith.addi %mul3A_2, %mul3A_1182 : i32
        %dma_wait3A_1184 = arith.constant 3 : i32
        %dma_wait3A_1185 = arith.constant 0 : i32
        %dma_wait3A_1186 = arith.constant 0 : i32
        %dma_wait3A_1187 = tpu.memref_slice %arg5[%dma_wait3A_1184, %dma_wait3A_1185, %dma_wait3A_1186] : memref<8x2x72xi32, #tpu.memory_space<vmem>> -> memref<1x1x72xi32, #tpu.memory_space<vmem>>
        %dma_wait3A_1188 = tpu.memref_squeeze %dma_wait3A_1187 : memref<1x1x72xi32, #tpu.memory_space<vmem>> -> memref<72xi32, #tpu.memory_space<vmem>>
        %dma_wait3A_1189 = tpu.memref_slice %arg3[%add3A_1183] : memref<640000xi32, #tpu.memory_space<hbm>> -> memref<72xi32, #tpu.memory_space<hbm>>
        %dma_wait3A_1190 = arith.constant 0 : i32
        %dma_wait3A_1191 = tpu.memref_slice %arg5[%dma_wait3A_1184, %dma_wait3A_1185, %dma_wait3A_1190] : memref<8x2x72xi32, #tpu.memory_space<vmem>> -> memref<1x1x72xi32, #tpu.memory_space<vmem>>
        %dma_wait3A_1192 = tpu.memref_squeeze %dma_wait3A_1191 : memref<1x1x72xi32, #tpu.memory_space<vmem>> -> memref<72xi32, #tpu.memory_space<vmem>>
        %dma_wait3A_1193 = tpu.memref_slice %arg3[%add3A_1183] : memref<640000xi32, #tpu.memory_space<hbm>> -> memref<72xi32, #tpu.memory_space<hbm>>
        tpu.wait_dma2 semaphore(%arg20 : memref<!tpu.dma_semaphore, #tpu.memory_space<semaphore_mem>>) src(%dma_wait3A_1193 : memref<72xi32, #tpu.memory_space<hbm>>) dst(%dma_wait3A_1192 : memref<72xi32, #tpu.memory_space<vmem>>)
        %add3A_1194 = arith.constant 320000 : i32
        %add3A_1195 = arith.addi %add3A_1194, %add3A_1183 : i32
        %dma_wait3A_1196 = arith.constant 3 : i32
        %dma_wait3A_1197 = arith.constant 1 : i32
        %dma_wait3A_1198 = arith.constant 0 : i32
        %dma_wait3A_1199 = tpu.memref_slice %arg5[%dma_wait3A_1196, %dma_wait3A_1197, %dma_wait3A_1198] : memref<8x2x72xi32, #tpu.memory_space<vmem>> -> memref<1x1x72xi32, #tpu.memory_space<vmem>>
        %dma_wait3A_1200 = tpu.memref_squeeze %dma_wait3A_1199 : memref<1x1x72xi32, #tpu.memory_space<vmem>> -> memref<72xi32, #tpu.memory_space<vmem>>
        %dma_wait3A_1201 = tpu.memref_slice %arg3[%add3A_1195] : memref<640000xi32, #tpu.memory_space<hbm>> -> memref<72xi32, #tpu.memory_space<hbm>>
        %dma_wait3A_1202 = arith.constant 0 : i32
        %dma_wait3A_1203 = tpu.memref_slice %arg5[%dma_wait3A_1196, %dma_wait3A_1197, %dma_wait3A_1202] : memref<8x2x72xi32, #tpu.memory_space<vmem>> -> memref<1x1x72xi32, #tpu.memory_space<vmem>>
        %dma_wait3A_1204 = tpu.memref_squeeze %dma_wait3A_1203 : memref<1x1x72xi32, #tpu.memory_space<vmem>> -> memref<72xi32, #tpu.memory_space<vmem>>
        %dma_wait3A_1205 = tpu.memref_slice %arg3[%add3A_1195] : memref<640000xi32, #tpu.memory_space<hbm>> -> memref<72xi32, #tpu.memory_space<hbm>>
        tpu.wait_dma2 semaphore(%arg20 : memref<!tpu.dma_semaphore, #tpu.memory_space<semaphore_mem>>) src(%dma_wait3A_1205 : memref<72xi32, #tpu.memory_space<hbm>>) dst(%dma_wait3A_1204 : memref<72xi32, #tpu.memory_space<vmem>>)
        %dma_start3A_1206 = arith.constant 3 : i32
        %dma_start3A_1207 = arith.constant 0 : i32
        %dma_start3A_1208 = arith.constant 0 : i32
        %dma_start3A_1209 = arith.constant 0 : i32
        %dma_start3A_1210 = tpu.memref_slice %arg7[%scan3A_571, %dma_start3A_1208, %dma_start3A_1209] : memref<4x72x128xf32, #tpu.memory_space<vmem>> -> memref<1x72x128xf32, #tpu.memory_space<vmem>>
        %dma_start3A_1211 = tpu.memref_squeeze %dma_start3A_1210 : memref<1x72x128xf32, #tpu.memory_space<vmem>> -> memref<72x128xf32, #tpu.memory_space<vmem>>
        %dma_start3A_1212 = arith.constant 0 : i32
        %dma_start3A_1213 = tpu.memref_slice %arg5[%dma_start3A_1206, %dma_start3A_1207, %dma_start3A_1212] : memref<8x2x72xi32, #tpu.memory_space<vmem>> -> memref<1x1x72xi32, #tpu.memory_space<vmem>>
        %dma_start3A_1214 = tpu.memref_squeeze %dma_start3A_1213 : memref<1x1x72xi32, #tpu.memory_space<vmem>> -> memref<72xi32, #tpu.memory_space<vmem>>
        %dma_start3A_1215 = arith.constant 0 : i32
        %dma_start3A_1216 = arith.constant 0 : i32
        %dma_start3A_1217 = tpu.memref_slice %arg2[%dma_start3A_1215, %dma_start3A_1216] : memref<10000x128xf32, #tpu.memory_space<hbm>> -> memref<10000x128xf32, #tpu.memory_space<hbm>>
        tpu.enqueue_indirect_dma source(%dma_start3A_1217 : memref<10000x128xf32, #tpu.memory_space<hbm>>) target(%dma_start3A_1211 : memref<72x128xf32, #tpu.memory_space<vmem>>) offsets(%dma_start3A_1214 : memref<72xi32, #tpu.memory_space<vmem>>) semaphore(%arg12 : memref<!tpu.dma_semaphore, #tpu.memory_space<semaphore_mem>>)
      } else {
      }
      %add3A_781 = arith.constant 8 : i32
      %add3A_782 = arith.addi %add3A_758, %add3A_781 : i32
      %sub3A = arith.constant 1 : i32
      %sub3A_783 = arith.subi %add3A_782, %sub3A : i32
      %lt3A_784 = arith.constant 138 : i32
      %lt3A_785 = arith.cmpi slt, %sub3A_783, %lt3A_784 : i32
      %convert_element_type3A_786 = arith.extui %lt3A_785 : i1 to i32
      %cond3A_787 = arith.constant 0 : i32
      %cond3A_788 = arith.cmpi ne, %convert_element_type3A_786, %cond3A_787 : i32
      scf.if %cond3A_788 {
        %add3A_1179 = arith.constant 8 : i32
        %add3A_1180 = arith.addi %add3A_758, %add3A_1179 : i32
        %sub3A_1181 = arith.constant 1 : i32
        %sub3A_1182 = arith.subi %add3A_1180, %sub3A_1181 : i32
        %mul3A_1183 = arith.constant 72 : i32
        %mul3A_1184 = arith.muli %sub3A_1182, %mul3A_1183 : i32
        %add3A_1185 = arith.addi %mul3A_2, %mul3A_1184 : i32
        %dma_start3A_1186 = arith.constant 7 : i32
        %dma_start3A_1187 = arith.constant 0 : i32
        %dma_start3A_1188 = arith.constant 0 : i32
        %dma_start3A_1189 = tpu.memref_slice %arg5[%dma_start3A_1186, %dma_start3A_1187, %dma_start3A_1188] : memref<8x2x72xi32, #tpu.memory_space<vmem>> -> memref<1x1x72xi32, #tpu.memory_space<vmem>>
        %dma_start3A_1190 = tpu.memref_squeeze %dma_start3A_1189 : memref<1x1x72xi32, #tpu.memory_space<vmem>> -> memref<72xi32, #tpu.memory_space<vmem>>
        %dma_start3A_1191 = tpu.memref_slice %arg3[%add3A_1185] : memref<640000xi32, #tpu.memory_space<hbm>> -> memref<72xi32, #tpu.memory_space<hbm>>
        %dma_start3A_1192 = arith.constant 0 : i32
        %dma_start3A_1193 = tpu.memref_slice %arg5[%dma_start3A_1186, %dma_start3A_1187, %dma_start3A_1192] : memref<8x2x72xi32, #tpu.memory_space<vmem>> -> memref<1x1x72xi32, #tpu.memory_space<vmem>>
        %dma_start3A_1194 = tpu.memref_squeeze %dma_start3A_1193 : memref<1x1x72xi32, #tpu.memory_space<vmem>> -> memref<72xi32, #tpu.memory_space<vmem>>
        %dma_start3A_1195 = tpu.memref_slice %arg3[%add3A_1185] : memref<640000xi32, #tpu.memory_space<hbm>> -> memref<72xi32, #tpu.memory_space<hbm>>
        tpu.enqueue_dma source(%dma_start3A_1195 : memref<72xi32, #tpu.memory_space<hbm>>) target(%dma_start3A_1194 : memref<72xi32, #tpu.memory_space<vmem>>) target_semaphore(%arg24 : memref<!tpu.dma_semaphore, #tpu.memory_space<semaphore_mem>>)
        %add3A_1196 = arith.constant 320000 : i32
        %add3A_1197 = arith.addi %add3A_1196, %add3A_1185 : i32
        %dma_start3A_1198 = arith.constant 7 : i32
        %dma_start3A_1199 = arith.constant 1 : i32
        %dma_start3A_1200 = arith.constant 0 : i32
        %dma_start3A_1201 = tpu.memref_slice %arg5[%dma_start3A_1198, %dma_start3A_1199, %dma_start3A_1200] : memref<8x2x72xi32, #tpu.memory_space<vmem>> -> memref<1x1x72xi32, #tpu.memory_space<vmem>>
        %dma_start3A_1202 = tpu.memref_squeeze %dma_start3A_1201 : memref<1x1x72xi32, #tpu.memory_space<vmem>> -> memref<72xi32, #tpu.memory_space<vmem>>
        %dma_start3A_1203 = tpu.memref_slice %arg3[%add3A_1197] : memref<640000xi32, #tpu.memory_space<hbm>> -> memref<72xi32, #tpu.memory_space<hbm>>
        %dma_start3A_1204 = arith.constant 0 : i32
        %dma_start3A_1205 = tpu.memref_slice %arg5[%dma_start3A_1198, %dma_start3A_1199, %dma_start3A_1204] : memref<8x2x72xi32, #tpu.memory_space<vmem>> -> memref<1x1x72xi32, #tpu.memory_space<vmem>>
        %dma_start3A_1206 = tpu.memref_squeeze %dma_start3A_1205 : memref<1x1x72xi32, #tpu.memory_space<vmem>> -> memref<72xi32, #tpu.memory_space<vmem>>
        %dma_start3A_1207 = tpu.memref_slice %arg3[%add3A_1197] : memref<640000xi32, #tpu.memory_space<hbm>> -> memref<72xi32, #tpu.memory_space<hbm>>
        tpu.enqueue_dma source(%dma_start3A_1207 : memref<72xi32, #tpu.memory_space<hbm>>) target(%dma_start3A_1206 : memref<72xi32, #tpu.memory_space<vmem>>) target_semaphore(%arg24 : memref<!tpu.dma_semaphore, #tpu.memory_space<semaphore_mem>>)
      } else {
      }
      %dma_start3A_789 = arith.constant 0 : i32
      %dma_start3A_790 = arith.constant 1 : i32
      %dma_start3A_791 = arith.constant 0 : i32
      %dma_start3A_792 = arith.constant 0 : i32
      %dma_start3A_793 = tpu.memref_slice %arg7[%scan3A_570, %dma_start3A_791, %dma_start3A_792] : memref<4x72x128xf32, #tpu.memory_space<vmem>> -> memref<1x72x128xf32, #tpu.memory_space<vmem>>
      %dma_start3A_794 = tpu.memref_squeeze %dma_start3A_793 : memref<1x72x128xf32, #tpu.memory_space<vmem>> -> memref<72x128xf32, #tpu.memory_space<vmem>>
      %dma_start3A_795 = arith.constant 0 : i32
      %dma_start3A_796 = tpu.memref_slice %arg5[%dma_start3A_789, %dma_start3A_790, %dma_start3A_795] : memref<8x2x72xi32, #tpu.memory_space<vmem>> -> memref<1x1x72xi32, #tpu.memory_space<vmem>>
      %dma_start3A_797 = tpu.memref_squeeze %dma_start3A_796 : memref<1x1x72xi32, #tpu.memory_space<vmem>> -> memref<72xi32, #tpu.memory_space<vmem>>
      %dma_start3A_798 = arith.constant 0 : i32
      %dma_start3A_799 = arith.constant 0 : i32
      %dma_start3A_800 = tpu.memref_slice %arg8[%dma_start3A_798, %dma_start3A_799] : memref<10000x128xf32, #tpu.memory_space<vmem_shared>> -> memref<10000x128xf32, #tpu.memory_space<vmem_shared>>
      tpu.enqueue_indirect_dma source(%dma_start3A_794 : memref<72x128xf32, #tpu.memory_space<vmem>>) target(%dma_start3A_800 : memref<10000x128xf32, #tpu.memory_space<vmem_shared>>) offsets(%dma_start3A_797 : memref<72xi32, #tpu.memory_space<vmem>>) semaphore(%arg13 : memref<!tpu.dma_semaphore, #tpu.memory_space<semaphore_mem>>) {add = true}
      %add3A_801 = arith.constant 1 : i32
      %add3A_802 = arith.addi %mul3A_756, %add3A_801 : i32
      %dma_wait3A_803 = arith.constant 1 : i32
      %dma_wait3A_804 = arith.constant 0 : i32
      %dma_wait3A_805 = arith.constant 0 : i32
      %dma_wait3A_806 = arith.constant 0 : i32
      %dma_wait3A_807 = tpu.memref_slice %arg7[%scan3A_572, %dma_wait3A_805, %dma_wait3A_806] : memref<4x72x128xf32, #tpu.memory_space<vmem>> -> memref<1x72x128xf32, #tpu.memory_space<vmem>>
      %dma_wait3A_808 = tpu.memref_squeeze %dma_wait3A_807 : memref<1x72x128xf32, #tpu.memory_space<vmem>> -> memref<72x128xf32, #tpu.memory_space<vmem>>
      %dma_wait3A_809 = arith.constant 0 : i32
      %dma_wait3A_810 = tpu.memref_slice %arg5[%dma_wait3A_803, %dma_wait3A_804, %dma_wait3A_809] : memref<8x2x72xi32, #tpu.memory_space<vmem>> -> memref<1x1x72xi32, #tpu.memory_space<vmem>>
      %dma_wait3A_811 = tpu.memref_squeeze %dma_wait3A_810 : memref<1x1x72xi32, #tpu.memory_space<vmem>> -> memref<72xi32, #tpu.memory_space<vmem>>
      %dma_wait3A_812 = arith.constant 0 : i32
      %dma_wait3A_813 = arith.constant 0 : i32
      %dma_wait3A_814 = tpu.memref_slice %arg2[%dma_wait3A_812, %dma_wait3A_813] : memref<10000x128xf32, #tpu.memory_space<hbm>> -> memref<10000x128xf32, #tpu.memory_space<hbm>>
      tpu.wait_indirect_dma semaphore(%arg10 : memref<!tpu.dma_semaphore, #tpu.memory_space<semaphore_mem>>) src(%dma_wait3A_814 : memref<10000x128xf32, #tpu.memory_space<hbm>>) dst(%dma_wait3A_808 : memref<72x128xf32, #tpu.memory_space<vmem>>)
      %dma_wait3A_815 = arith.constant 0 : i32
      %dma_wait3A_816 = arith.constant 1 : i32
      %dma_wait3A_817 = arith.constant 0 : i32
      %dma_wait3A_818 = arith.constant 0 : i32
      %dma_wait3A_819 = tpu.memref_slice %arg7[%scan3A_570, %dma_wait3A_817, %dma_wait3A_818] : memref<4x72x128xf32, #tpu.memory_space<vmem>> -> memref<1x72x128xf32, #tpu.memory_space<vmem>>
      %dma_wait3A_820 = tpu.memref_squeeze %dma_wait3A_819 : memref<1x72x128xf32, #tpu.memory_space<vmem>> -> memref<72x128xf32, #tpu.memory_space<vmem>>
      %dma_wait3A_821 = arith.constant 0 : i32
      %dma_wait3A_822 = tpu.memref_slice %arg5[%dma_wait3A_815, %dma_wait3A_816, %dma_wait3A_821] : memref<8x2x72xi32, #tpu.memory_space<vmem>> -> memref<1x1x72xi32, #tpu.memory_space<vmem>>
      %dma_wait3A_823 = tpu.memref_squeeze %dma_wait3A_822 : memref<1x1x72xi32, #tpu.memory_space<vmem>> -> memref<72xi32, #tpu.memory_space<vmem>>
      %dma_wait3A_824 = arith.constant 0 : i32
      %dma_wait3A_825 = arith.constant 0 : i32
      %dma_wait3A_826 = tpu.memref_slice %arg8[%dma_wait3A_824, %dma_wait3A_825] : memref<10000x128xf32, #tpu.memory_space<vmem_shared>> -> memref<10000x128xf32, #tpu.memory_space<vmem_shared>>
      tpu.wait_indirect_dma semaphore(%arg13 : memref<!tpu.dma_semaphore, #tpu.memory_space<semaphore_mem>>) src(%dma_wait3A_820 : memref<72x128xf32, #tpu.memory_space<vmem>>) dst(%dma_wait3A_826 : memref<10000x128xf32, #tpu.memory_space<vmem_shared>>)
      %add3A_827 = arith.constant 3 : i32
      %add3A_828 = arith.addi %add3A_802, %add3A_827 : i32
      %lt3A_829 = arith.constant 138 : i32
      %lt3A_830 = arith.cmpi slt, %add3A_828, %lt3A_829 : i32
      %convert_element_type3A_831 = arith.extui %lt3A_830 : i1 to i32
      %cond3A_832 = arith.constant 0 : i32
      %cond3A_833 = arith.cmpi ne, %convert_element_type3A_831, %cond3A_832 : i32
      scf.if %cond3A_833 {
        %add3A_1179 = arith.constant 3 : i32
        %add3A_1180 = arith.addi %add3A_802, %add3A_1179 : i32
        %mul3A_1181 = arith.constant 72 : i32
        %mul3A_1182 = arith.muli %add3A_1180, %mul3A_1181 : i32
        %add3A_1183 = arith.addi %mul3A_2, %mul3A_1182 : i32
        %dma_wait3A_1184 = arith.constant 4 : i32
        %dma_wait3A_1185 = arith.constant 0 : i32
        %dma_wait3A_1186 = arith.constant 0 : i32
        %dma_wait3A_1187 = tpu.memref_slice %arg5[%dma_wait3A_1184, %dma_wait3A_1185, %dma_wait3A_1186] : memref<8x2x72xi32, #tpu.memory_space<vmem>> -> memref<1x1x72xi32, #tpu.memory_space<vmem>>
        %dma_wait3A_1188 = tpu.memref_squeeze %dma_wait3A_1187 : memref<1x1x72xi32, #tpu.memory_space<vmem>> -> memref<72xi32, #tpu.memory_space<vmem>>
        %dma_wait3A_1189 = tpu.memref_slice %arg3[%add3A_1183] : memref<640000xi32, #tpu.memory_space<hbm>> -> memref<72xi32, #tpu.memory_space<hbm>>
        %dma_wait3A_1190 = arith.constant 0 : i32
        %dma_wait3A_1191 = tpu.memref_slice %arg5[%dma_wait3A_1184, %dma_wait3A_1185, %dma_wait3A_1190] : memref<8x2x72xi32, #tpu.memory_space<vmem>> -> memref<1x1x72xi32, #tpu.memory_space<vmem>>
        %dma_wait3A_1192 = tpu.memref_squeeze %dma_wait3A_1191 : memref<1x1x72xi32, #tpu.memory_space<vmem>> -> memref<72xi32, #tpu.memory_space<vmem>>
        %dma_wait3A_1193 = tpu.memref_slice %arg3[%add3A_1183] : memref<640000xi32, #tpu.memory_space<hbm>> -> memref<72xi32, #tpu.memory_space<hbm>>
        tpu.wait_dma2 semaphore(%arg21 : memref<!tpu.dma_semaphore, #tpu.memory_space<semaphore_mem>>) src(%dma_wait3A_1193 : memref<72xi32, #tpu.memory_space<hbm>>) dst(%dma_wait3A_1192 : memref<72xi32, #tpu.memory_space<vmem>>)
        %add3A_1194 = arith.constant 320000 : i32
        %add3A_1195 = arith.addi %add3A_1194, %add3A_1183 : i32
        %dma_wait3A_1196 = arith.constant 4 : i32
        %dma_wait3A_1197 = arith.constant 1 : i32
        %dma_wait3A_1198 = arith.constant 0 : i32
        %dma_wait3A_1199 = tpu.memref_slice %arg5[%dma_wait3A_1196, %dma_wait3A_1197, %dma_wait3A_1198] : memref<8x2x72xi32, #tpu.memory_space<vmem>> -> memref<1x1x72xi32, #tpu.memory_space<vmem>>
        %dma_wait3A_1200 = tpu.memref_squeeze %dma_wait3A_1199 : memref<1x1x72xi32, #tpu.memory_space<vmem>> -> memref<72xi32, #tpu.memory_space<vmem>>
        %dma_wait3A_1201 = tpu.memref_slice %arg3[%add3A_1195] : memref<640000xi32, #tpu.memory_space<hbm>> -> memref<72xi32, #tpu.memory_space<hbm>>
        %dma_wait3A_1202 = arith.constant 0 : i32
        %dma_wait3A_1203 = tpu.memref_slice %arg5[%dma_wait3A_1196, %dma_wait3A_1197, %dma_wait3A_1202] : memref<8x2x72xi32, #tpu.memory_space<vmem>> -> memref<1x1x72xi32, #tpu.memory_space<vmem>>
        %dma_wait3A_1204 = tpu.memref_squeeze %dma_wait3A_1203 : memref<1x1x72xi32, #tpu.memory_space<vmem>> -> memref<72xi32, #tpu.memory_space<vmem>>
        %dma_wait3A_1205 = tpu.memref_slice %arg3[%add3A_1195] : memref<640000xi32, #tpu.memory_space<hbm>> -> memref<72xi32, #tpu.memory_space<hbm>>
        tpu.wait_dma2 semaphore(%arg21 : memref<!tpu.dma_semaphore, #tpu.memory_space<semaphore_mem>>) src(%dma_wait3A_1205 : memref<72xi32, #tpu.memory_space<hbm>>) dst(%dma_wait3A_1204 : memref<72xi32, #tpu.memory_space<vmem>>)
        %dma_start3A_1206 = arith.constant 4 : i32
        %dma_start3A_1207 = arith.constant 0 : i32
        %dma_start3A_1208 = arith.constant 0 : i32
        %dma_start3A_1209 = arith.constant 0 : i32
        %dma_start3A_1210 = tpu.memref_slice %arg7[%scan3A_570, %dma_start3A_1208, %dma_start3A_1209] : memref<4x72x128xf32, #tpu.memory_space<vmem>> -> memref<1x72x128xf32, #tpu.memory_space<vmem>>
        %dma_start3A_1211 = tpu.memref_squeeze %dma_start3A_1210 : memref<1x72x128xf32, #tpu.memory_space<vmem>> -> memref<72x128xf32, #tpu.memory_space<vmem>>
        %dma_start3A_1212 = arith.constant 0 : i32
        %dma_start3A_1213 = tpu.memref_slice %arg5[%dma_start3A_1206, %dma_start3A_1207, %dma_start3A_1212] : memref<8x2x72xi32, #tpu.memory_space<vmem>> -> memref<1x1x72xi32, #tpu.memory_space<vmem>>
        %dma_start3A_1214 = tpu.memref_squeeze %dma_start3A_1213 : memref<1x1x72xi32, #tpu.memory_space<vmem>> -> memref<72xi32, #tpu.memory_space<vmem>>
        %dma_start3A_1215 = arith.constant 0 : i32
        %dma_start3A_1216 = arith.constant 0 : i32
        %dma_start3A_1217 = tpu.memref_slice %arg2[%dma_start3A_1215, %dma_start3A_1216] : memref<10000x128xf32, #tpu.memory_space<hbm>> -> memref<10000x128xf32, #tpu.memory_space<hbm>>
        tpu.enqueue_indirect_dma source(%dma_start3A_1217 : memref<10000x128xf32, #tpu.memory_space<hbm>>) target(%dma_start3A_1211 : memref<72x128xf32, #tpu.memory_space<vmem>>) offsets(%dma_start3A_1214 : memref<72xi32, #tpu.memory_space<vmem>>) semaphore(%arg9 : memref<!tpu.dma_semaphore, #tpu.memory_space<semaphore_mem>>)
      } else {
      }
      %add3A_834 = arith.constant 8 : i32
      %add3A_835 = arith.addi %add3A_802, %add3A_834 : i32
      %sub3A_836 = arith.constant 1 : i32
      %sub3A_837 = arith.subi %add3A_835, %sub3A_836 : i32
      %lt3A_838 = arith.constant 138 : i32
      %lt3A_839 = arith.cmpi slt, %sub3A_837, %lt3A_838 : i32
      %convert_element_type3A_840 = arith.extui %lt3A_839 : i1 to i32
      %cond3A_841 = arith.constant 0 : i32
      %cond3A_842 = arith.cmpi ne, %convert_element_type3A_840, %cond3A_841 : i32
      scf.if %cond3A_842 {
        %add3A_1179 = arith.constant 8 : i32
        %add3A_1180 = arith.addi %add3A_802, %add3A_1179 : i32
        %sub3A_1181 = arith.constant 1 : i32
        %sub3A_1182 = arith.subi %add3A_1180, %sub3A_1181 : i32
        %mul3A_1183 = arith.constant 72 : i32
        %mul3A_1184 = arith.muli %sub3A_1182, %mul3A_1183 : i32
        %add3A_1185 = arith.addi %mul3A_2, %mul3A_1184 : i32
        %dma_start3A_1186 = arith.constant 0 : i32
        %dma_start3A_1187 = arith.constant 0 : i32
        %dma_start3A_1188 = arith.constant 0 : i32
        %dma_start3A_1189 = tpu.memref_slice %arg5[%dma_start3A_1186, %dma_start3A_1187, %dma_start3A_1188] : memref<8x2x72xi32, #tpu.memory_space<vmem>> -> memref<1x1x72xi32, #tpu.memory_space<vmem>>
        %dma_start3A_1190 = tpu.memref_squeeze %dma_start3A_1189 : memref<1x1x72xi32, #tpu.memory_space<vmem>> -> memref<72xi32, #tpu.memory_space<vmem>>
        %dma_start3A_1191 = tpu.memref_slice %arg3[%add3A_1185] : memref<640000xi32, #tpu.memory_space<hbm>> -> memref<72xi32, #tpu.memory_space<hbm>>
        %dma_start3A_1192 = arith.constant 0 : i32
        %dma_start3A_1193 = tpu.memref_slice %arg5[%dma_start3A_1186, %dma_start3A_1187, %dma_start3A_1192] : memref<8x2x72xi32, #tpu.memory_space<vmem>> -> memref<1x1x72xi32, #tpu.memory_space<vmem>>
        %dma_start3A_1194 = tpu.memref_squeeze %dma_start3A_1193 : memref<1x1x72xi32, #tpu.memory_space<vmem>> -> memref<72xi32, #tpu.memory_space<vmem>>
        %dma_start3A_1195 = tpu.memref_slice %arg3[%add3A_1185] : memref<640000xi32, #tpu.memory_space<hbm>> -> memref<72xi32, #tpu.memory_space<hbm>>
        tpu.enqueue_dma source(%dma_start3A_1195 : memref<72xi32, #tpu.memory_space<hbm>>) target(%dma_start3A_1194 : memref<72xi32, #tpu.memory_space<vmem>>) target_semaphore(%arg17 : memref<!tpu.dma_semaphore, #tpu.memory_space<semaphore_mem>>)
        %add3A_1196 = arith.constant 320000 : i32
        %add3A_1197 = arith.addi %add3A_1196, %add3A_1185 : i32
        %dma_start3A_1198 = arith.constant 0 : i32
        %dma_start3A_1199 = arith.constant 1 : i32
        %dma_start3A_1200 = arith.constant 0 : i32
        %dma_start3A_1201 = tpu.memref_slice %arg5[%dma_start3A_1198, %dma_start3A_1199, %dma_start3A_1200] : memref<8x2x72xi32, #tpu.memory_space<vmem>> -> memref<1x1x72xi32, #tpu.memory_space<vmem>>
        %dma_start3A_1202 = tpu.memref_squeeze %dma_start3A_1201 : memref<1x1x72xi32, #tpu.memory_space<vmem>> -> memref<72xi32, #tpu.memory_space<vmem>>
        %dma_start3A_1203 = tpu.memref_slice %arg3[%add3A_1197] : memref<640000xi32, #tpu.memory_space<hbm>> -> memref<72xi32, #tpu.memory_space<hbm>>
        %dma_start3A_1204 = arith.constant 0 : i32
        %dma_start3A_1205 = tpu.memref_slice %arg5[%dma_start3A_1198, %dma_start3A_1199, %dma_start3A_1204] : memref<8x2x72xi32, #tpu.memory_space<vmem>> -> memref<1x1x72xi32, #tpu.memory_space<vmem>>
        %dma_start3A_1206 = tpu.memref_squeeze %dma_start3A_1205 : memref<1x1x72xi32, #tpu.memory_space<vmem>> -> memref<72xi32, #tpu.memory_space<vmem>>
        %dma_start3A_1207 = tpu.memref_slice %arg3[%add3A_1197] : memref<640000xi32, #tpu.memory_space<hbm>> -> memref<72xi32, #tpu.memory_space<hbm>>
        tpu.enqueue_dma source(%dma_start3A_1207 : memref<72xi32, #tpu.memory_space<hbm>>) target(%dma_start3A_1206 : memref<72xi32, #tpu.memory_space<vmem>>) target_semaphore(%arg17 : memref<!tpu.dma_semaphore, #tpu.memory_space<semaphore_mem>>)
      } else {
      }
      %dma_start3A_843 = arith.constant 1 : i32
      %dma_start3A_844 = arith.constant 1 : i32
      %dma_start3A_845 = arith.constant 0 : i32
      %dma_start3A_846 = arith.constant 0 : i32
      %dma_start3A_847 = tpu.memref_slice %arg7[%scan3A_572, %dma_start3A_845, %dma_start3A_846] : memref<4x72x128xf32, #tpu.memory_space<vmem>> -> memref<1x72x128xf32, #tpu.memory_space<vmem>>
      %dma_start3A_848 = tpu.memref_squeeze %dma_start3A_847 : memref<1x72x128xf32, #tpu.memory_space<vmem>> -> memref<72x128xf32, #tpu.memory_space<vmem>>
      %dma_start3A_849 = arith.constant 0 : i32
      %dma_start3A_850 = tpu.memref_slice %arg5[%dma_start3A_843, %dma_start3A_844, %dma_start3A_849] : memref<8x2x72xi32, #tpu.memory_space<vmem>> -> memref<1x1x72xi32, #tpu.memory_space<vmem>>
      %dma_start3A_851 = tpu.memref_squeeze %dma_start3A_850 : memref<1x1x72xi32, #tpu.memory_space<vmem>> -> memref<72xi32, #tpu.memory_space<vmem>>
      %dma_start3A_852 = arith.constant 0 : i32
      %dma_start3A_853 = arith.constant 0 : i32
      %dma_start3A_854 = tpu.memref_slice %arg8[%dma_start3A_852, %dma_start3A_853] : memref<10000x128xf32, #tpu.memory_space<vmem_shared>> -> memref<10000x128xf32, #tpu.memory_space<vmem_shared>>
      tpu.enqueue_indirect_dma source(%dma_start3A_848 : memref<72x128xf32, #tpu.memory_space<vmem>>) target(%dma_start3A_854 : memref<10000x128xf32, #tpu.memory_space<vmem_shared>>) offsets(%dma_start3A_851 : memref<72xi32, #tpu.memory_space<vmem>>) semaphore(%arg14 : memref<!tpu.dma_semaphore, #tpu.memory_space<semaphore_mem>>) {add = true}
      %add3A_855 = arith.constant 2 : i32
      %add3A_856 = arith.addi %mul3A_756, %add3A_855 : i32
      %dma_wait3A_857 = arith.constant 2 : i32
      %dma_wait3A_858 = arith.constant 0 : i32
      %dma_wait3A_859 = arith.constant 0 : i32
      %dma_wait3A_860 = arith.constant 0 : i32
      %dma_wait3A_861 = tpu.memref_slice %arg7[%scan3A_573, %dma_wait3A_859, %dma_wait3A_860] : memref<4x72x128xf32, #tpu.memory_space<vmem>> -> memref<1x72x128xf32, #tpu.memory_space<vmem>>
      %dma_wait3A_862 = tpu.memref_squeeze %dma_wait3A_861 : memref<1x72x128xf32, #tpu.memory_space<vmem>> -> memref<72x128xf32, #tpu.memory_space<vmem>>
      %dma_wait3A_863 = arith.constant 0 : i32
      %dma_wait3A_864 = tpu.memref_slice %arg5[%dma_wait3A_857, %dma_wait3A_858, %dma_wait3A_863] : memref<8x2x72xi32, #tpu.memory_space<vmem>> -> memref<1x1x72xi32, #tpu.memory_space<vmem>>
      %dma_wait3A_865 = tpu.memref_squeeze %dma_wait3A_864 : memref<1x1x72xi32, #tpu.memory_space<vmem>> -> memref<72xi32, #tpu.memory_space<vmem>>
      %dma_wait3A_866 = arith.constant 0 : i32
      %dma_wait3A_867 = arith.constant 0 : i32
      %dma_wait3A_868 = tpu.memref_slice %arg2[%dma_wait3A_866, %dma_wait3A_867] : memref<10000x128xf32, #tpu.memory_space<hbm>> -> memref<10000x128xf32, #tpu.memory_space<hbm>>
      tpu.wait_indirect_dma semaphore(%arg11 : memref<!tpu.dma_semaphore, #tpu.memory_space<semaphore_mem>>) src(%dma_wait3A_868 : memref<10000x128xf32, #tpu.memory_space<hbm>>) dst(%dma_wait3A_862 : memref<72x128xf32, #tpu.memory_space<vmem>>)
      %dma_wait3A_869 = arith.constant 1 : i32
      %dma_wait3A_870 = arith.constant 1 : i32
      %dma_wait3A_871 = arith.constant 0 : i32
      %dma_wait3A_872 = arith.constant 0 : i32
      %dma_wait3A_873 = tpu.memref_slice %arg7[%scan3A_572, %dma_wait3A_871, %dma_wait3A_872] : memref<4x72x128xf32, #tpu.memory_space<vmem>> -> memref<1x72x128xf32, #tpu.memory_space<vmem>>
      %dma_wait3A_874 = tpu.memref_squeeze %dma_wait3A_873 : memref<1x72x128xf32, #tpu.memory_space<vmem>> -> memref<72x128xf32, #tpu.memory_space<vmem>>
      %dma_wait3A_875 = arith.constant 0 : i32
      %dma_wait3A_876 = tpu.memref_slice %arg5[%dma_wait3A_869, %dma_wait3A_870, %dma_wait3A_875] : memref<8x2x72xi32, #tpu.memory_space<vmem>> -> memref<1x1x72xi32, #tpu.memory_space<vmem>>
      %dma_wait3A_877 = tpu.memref_squeeze %dma_wait3A_876 : memref<1x1x72xi32, #tpu.memory_space<vmem>> -> memref<72xi32, #tpu.memory_space<vmem>>
      %dma_wait3A_878 = arith.constant 0 : i32
      %dma_wait3A_879 = arith.constant 0 : i32
      %dma_wait3A_880 = tpu.memref_slice %arg8[%dma_wait3A_878, %dma_wait3A_879] : memref<10000x128xf32, #tpu.memory_space<vmem_shared>> -> memref<10000x128xf32, #tpu.memory_space<vmem_shared>>
      tpu.wait_indirect_dma semaphore(%arg14 : memref<!tpu.dma_semaphore, #tpu.memory_space<semaphore_mem>>) src(%dma_wait3A_874 : memref<72x128xf32, #tpu.memory_space<vmem>>) dst(%dma_wait3A_880 : memref<10000x128xf32, #tpu.memory_space<vmem_shared>>)
      %add3A_881 = arith.constant 3 : i32
      %add3A_882 = arith.addi %add3A_856, %add3A_881 : i32
      %lt3A_883 = arith.constant 138 : i32
      %lt3A_884 = arith.cmpi slt, %add3A_882, %lt3A_883 : i32
      %convert_element_type3A_885 = arith.extui %lt3A_884 : i1 to i32
      %cond3A_886 = arith.constant 0 : i32
      %cond3A_887 = arith.cmpi ne, %convert_element_type3A_885, %cond3A_886 : i32
      scf.if %cond3A_887 {
        %add3A_1179 = arith.constant 3 : i32
        %add3A_1180 = arith.addi %add3A_856, %add3A_1179 : i32
        %mul3A_1181 = arith.constant 72 : i32
        %mul3A_1182 = arith.muli %add3A_1180, %mul3A_1181 : i32
        %add3A_1183 = arith.addi %mul3A_2, %mul3A_1182 : i32
        %dma_wait3A_1184 = arith.constant 5 : i32
        %dma_wait3A_1185 = arith.constant 0 : i32
        %dma_wait3A_1186 = arith.constant 0 : i32
        %dma_wait3A_1187 = tpu.memref_slice %arg5[%dma_wait3A_1184, %dma_wait3A_1185, %dma_wait3A_1186] : memref<8x2x72xi32, #tpu.memory_space<vmem>> -> memref<1x1x72xi32, #tpu.memory_space<vmem>>
        %dma_wait3A_1188 = tpu.memref_squeeze %dma_wait3A_1187 : memref<1x1x72xi32, #tpu.memory_space<vmem>> -> memref<72xi32, #tpu.memory_space<vmem>>
        %dma_wait3A_1189 = tpu.memref_slice %arg3[%add3A_1183] : memref<640000xi32, #tpu.memory_space<hbm>> -> memref<72xi32, #tpu.memory_space<hbm>>
        %dma_wait3A_1190 = arith.constant 0 : i32
        %dma_wait3A_1191 = tpu.memref_slice %arg5[%dma_wait3A_1184, %dma_wait3A_1185, %dma_wait3A_1190] : memref<8x2x72xi32, #tpu.memory_space<vmem>> -> memref<1x1x72xi32, #tpu.memory_space<vmem>>
        %dma_wait3A_1192 = tpu.memref_squeeze %dma_wait3A_1191 : memref<1x1x72xi32, #tpu.memory_space<vmem>> -> memref<72xi32, #tpu.memory_space<vmem>>
        %dma_wait3A_1193 = tpu.memref_slice %arg3[%add3A_1183] : memref<640000xi32, #tpu.memory_space<hbm>> -> memref<72xi32, #tpu.memory_space<hbm>>
        tpu.wait_dma2 semaphore(%arg22 : memref<!tpu.dma_semaphore, #tpu.memory_space<semaphore_mem>>) src(%dma_wait3A_1193 : memref<72xi32, #tpu.memory_space<hbm>>) dst(%dma_wait3A_1192 : memref<72xi32, #tpu.memory_space<vmem>>)
        %add3A_1194 = arith.constant 320000 : i32
        %add3A_1195 = arith.addi %add3A_1194, %add3A_1183 : i32
        %dma_wait3A_1196 = arith.constant 5 : i32
        %dma_wait3A_1197 = arith.constant 1 : i32
        %dma_wait3A_1198 = arith.constant 0 : i32
        %dma_wait3A_1199 = tpu.memref_slice %arg5[%dma_wait3A_1196, %dma_wait3A_1197, %dma_wait3A_1198] : memref<8x2x72xi32, #tpu.memory_space<vmem>> -> memref<1x1x72xi32, #tpu.memory_space<vmem>>
        %dma_wait3A_1200 = tpu.memref_squeeze %dma_wait3A_1199 : memref<1x1x72xi32, #tpu.memory_space<vmem>> -> memref<72xi32, #tpu.memory_space<vmem>>
        %dma_wait3A_1201 = tpu.memref_slice %arg3[%add3A_1195] : memref<640000xi32, #tpu.memory_space<hbm>> -> memref<72xi32, #tpu.memory_space<hbm>>
        %dma_wait3A_1202 = arith.constant 0 : i32
        %dma_wait3A_1203 = tpu.memref_slice %arg5[%dma_wait3A_1196, %dma_wait3A_1197, %dma_wait3A_1202] : memref<8x2x72xi32, #tpu.memory_space<vmem>> -> memref<1x1x72xi32, #tpu.memory_space<vmem>>
        %dma_wait3A_1204 = tpu.memref_squeeze %dma_wait3A_1203 : memref<1x1x72xi32, #tpu.memory_space<vmem>> -> memref<72xi32, #tpu.memory_space<vmem>>
        %dma_wait3A_1205 = tpu.memref_slice %arg3[%add3A_1195] : memref<640000xi32, #tpu.memory_space<hbm>> -> memref<72xi32, #tpu.memory_space<hbm>>
        tpu.wait_dma2 semaphore(%arg22 : memref<!tpu.dma_semaphore, #tpu.memory_space<semaphore_mem>>) src(%dma_wait3A_1205 : memref<72xi32, #tpu.memory_space<hbm>>) dst(%dma_wait3A_1204 : memref<72xi32, #tpu.memory_space<vmem>>)
        %dma_start3A_1206 = arith.constant 5 : i32
        %dma_start3A_1207 = arith.constant 0 : i32
        %dma_start3A_1208 = arith.constant 0 : i32
        %dma_start3A_1209 = arith.constant 0 : i32
        %dma_start3A_1210 = tpu.memref_slice %arg7[%scan3A_572, %dma_start3A_1208, %dma_start3A_1209] : memref<4x72x128xf32, #tpu.memory_space<vmem>> -> memref<1x72x128xf32, #tpu.memory_space<vmem>>
        %dma_start3A_1211 = tpu.memref_squeeze %dma_start3A_1210 : memref<1x72x128xf32, #tpu.memory_space<vmem>> -> memref<72x128xf32, #tpu.memory_space<vmem>>
        %dma_start3A_1212 = arith.constant 0 : i32
        %dma_start3A_1213 = tpu.memref_slice %arg5[%dma_start3A_1206, %dma_start3A_1207, %dma_start3A_1212] : memref<8x2x72xi32, #tpu.memory_space<vmem>> -> memref<1x1x72xi32, #tpu.memory_space<vmem>>
        %dma_start3A_1214 = tpu.memref_squeeze %dma_start3A_1213 : memref<1x1x72xi32, #tpu.memory_space<vmem>> -> memref<72xi32, #tpu.memory_space<vmem>>
        %dma_start3A_1215 = arith.constant 0 : i32
        %dma_start3A_1216 = arith.constant 0 : i32
        %dma_start3A_1217 = tpu.memref_slice %arg2[%dma_start3A_1215, %dma_start3A_1216] : memref<10000x128xf32, #tpu.memory_space<hbm>> -> memref<10000x128xf32, #tpu.memory_space<hbm>>
        tpu.enqueue_indirect_dma source(%dma_start3A_1217 : memref<10000x128xf32, #tpu.memory_space<hbm>>) target(%dma_start3A_1211 : memref<72x128xf32, #tpu.memory_space<vmem>>) offsets(%dma_start3A_1214 : memref<72xi32, #tpu.memory_space<vmem>>) semaphore(%arg10 : memref<!tpu.dma_semaphore, #tpu.memory_space<semaphore_mem>>)
      } else {
      }
      %add3A_888 = arith.constant 8 : i32
      %add3A_889 = arith.addi %add3A_856, %add3A_888 : i32
      %sub3A_890 = arith.constant 1 : i32
      %sub3A_891 = arith.subi %add3A_889, %sub3A_890 : i32
      %lt3A_892 = arith.constant 138 : i32
      %lt3A_893 = arith.cmpi slt, %sub3A_891, %lt3A_892 : i32
      %convert_element_type3A_894 = arith.extui %lt3A_893 : i1 to i32
      %cond3A_895 = arith.constant 0 : i32
      %cond3A_896 = arith.cmpi ne, %convert_element_type3A_894, %cond3A_895 : i32
      scf.if %cond3A_896 {
        %add3A_1179 = arith.constant 8 : i32
        %add3A_1180 = arith.addi %add3A_856, %add3A_1179 : i32
        %sub3A_1181 = arith.constant 1 : i32
        %sub3A_1182 = arith.subi %add3A_1180, %sub3A_1181 : i32
        %mul3A_1183 = arith.constant 72 : i32
        %mul3A_1184 = arith.muli %sub3A_1182, %mul3A_1183 : i32
        %add3A_1185 = arith.addi %mul3A_2, %mul3A_1184 : i32
        %dma_start3A_1186 = arith.constant 1 : i32
        %dma_start3A_1187 = arith.constant 0 : i32
        %dma_start3A_1188 = arith.constant 0 : i32
        %dma_start3A_1189 = tpu.memref_slice %arg5[%dma_start3A_1186, %dma_start3A_1187, %dma_start3A_1188] : memref<8x2x72xi32, #tpu.memory_space<vmem>> -> memref<1x1x72xi32, #tpu.memory_space<vmem>>
        %dma_start3A_1190 = tpu.memref_squeeze %dma_start3A_1189 : memref<1x1x72xi32, #tpu.memory_space<vmem>> -> memref<72xi32, #tpu.memory_space<vmem>>
        %dma_start3A_1191 = tpu.memref_slice %arg3[%add3A_1185] : memref<640000xi32, #tpu.memory_space<hbm>> -> memref<72xi32, #tpu.memory_space<hbm>>
        %dma_start3A_1192 = arith.constant 0 : i32
        %dma_start3A_1193 = tpu.memref_slice %arg5[%dma_start3A_1186, %dma_start3A_1187, %dma_start3A_1192] : memref<8x2x72xi32, #tpu.memory_space<vmem>> -> memref<1x1x72xi32, #tpu.memory_space<vmem>>
        %dma_start3A_1194 = tpu.memref_squeeze %dma_start3A_1193 : memref<1x1x72xi32, #tpu.memory_space<vmem>> -> memref<72xi32, #tpu.memory_space<vmem>>
        %dma_start3A_1195 = tpu.memref_slice %arg3[%add3A_1185] : memref<640000xi32, #tpu.memory_space<hbm>> -> memref<72xi32, #tpu.memory_space<hbm>>
        tpu.enqueue_dma source(%dma_start3A_1195 : memref<72xi32, #tpu.memory_space<hbm>>) target(%dma_start3A_1194 : memref<72xi32, #tpu.memory_space<vmem>>) target_semaphore(%arg18 : memref<!tpu.dma_semaphore, #tpu.memory_space<semaphore_mem>>)
        %add3A_1196 = arith.constant 320000 : i32
        %add3A_1197 = arith.addi %add3A_1196, %add3A_1185 : i32
        %dma_start3A_1198 = arith.constant 1 : i32
        %dma_start3A_1199 = arith.constant 1 : i32
        %dma_start3A_1200 = arith.constant 0 : i32
        %dma_start3A_1201 = tpu.memref_slice %arg5[%dma_start3A_1198, %dma_start3A_1199, %dma_start3A_1200] : memref<8x2x72xi32, #tpu.memory_space<vmem>> -> memref<1x1x72xi32, #tpu.memory_space<vmem>>
        %dma_start3A_1202 = tpu.memref_squeeze %dma_start3A_1201 : memref<1x1x72xi32, #tpu.memory_space<vmem>> -> memref<72xi32, #tpu.memory_space<vmem>>
        %dma_start3A_1203 = tpu.memref_slice %arg3[%add3A_1197] : memref<640000xi32, #tpu.memory_space<hbm>> -> memref<72xi32, #tpu.memory_space<hbm>>
        %dma_start3A_1204 = arith.constant 0 : i32
        %dma_start3A_1205 = tpu.memref_slice %arg5[%dma_start3A_1198, %dma_start3A_1199, %dma_start3A_1204] : memref<8x2x72xi32, #tpu.memory_space<vmem>> -> memref<1x1x72xi32, #tpu.memory_space<vmem>>
        %dma_start3A_1206 = tpu.memref_squeeze %dma_start3A_1205 : memref<1x1x72xi32, #tpu.memory_space<vmem>> -> memref<72xi32, #tpu.memory_space<vmem>>
        %dma_start3A_1207 = tpu.memref_slice %arg3[%add3A_1197] : memref<640000xi32, #tpu.memory_space<hbm>> -> memref<72xi32, #tpu.memory_space<hbm>>
        tpu.enqueue_dma source(%dma_start3A_1207 : memref<72xi32, #tpu.memory_space<hbm>>) target(%dma_start3A_1206 : memref<72xi32, #tpu.memory_space<vmem>>) target_semaphore(%arg18 : memref<!tpu.dma_semaphore, #tpu.memory_space<semaphore_mem>>)
      } else {
      }
      %dma_start3A_897 = arith.constant 2 : i32
      %dma_start3A_898 = arith.constant 1 : i32
      %dma_start3A_899 = arith.constant 0 : i32
      %dma_start3A_900 = arith.constant 0 : i32
      %dma_start3A_901 = tpu.memref_slice %arg7[%scan3A_573, %dma_start3A_899, %dma_start3A_900] : memref<4x72x128xf32, #tpu.memory_space<vmem>> -> memref<1x72x128xf32, #tpu.memory_space<vmem>>
      %dma_start3A_902 = tpu.memref_squeeze %dma_start3A_901 : memref<1x72x128xf32, #tpu.memory_space<vmem>> -> memref<72x128xf32, #tpu.memory_space<vmem>>
      %dma_start3A_903 = arith.constant 0 : i32
      %dma_start3A_904 = tpu.memref_slice %arg5[%dma_start3A_897, %dma_start3A_898, %dma_start3A_903] : memref<8x2x72xi32, #tpu.memory_space<vmem>> -> memref<1x1x72xi32, #tpu.memory_space<vmem>>
      %dma_start3A_905 = tpu.memref_squeeze %dma_start3A_904 : memref<1x1x72xi32, #tpu.memory_space<vmem>> -> memref<72xi32, #tpu.memory_space<vmem>>
      %dma_start3A_906 = arith.constant 0 : i32
      %dma_start3A_907 = arith.constant 0 : i32
      %dma_start3A_908 = tpu.memref_slice %arg8[%dma_start3A_906, %dma_start3A_907] : memref<10000x128xf32, #tpu.memory_space<vmem_shared>> -> memref<10000x128xf32, #tpu.memory_space<vmem_shared>>
      tpu.enqueue_indirect_dma source(%dma_start3A_902 : memref<72x128xf32, #tpu.memory_space<vmem>>) target(%dma_start3A_908 : memref<10000x128xf32, #tpu.memory_space<vmem_shared>>) offsets(%dma_start3A_905 : memref<72xi32, #tpu.memory_space<vmem>>) semaphore(%arg15 : memref<!tpu.dma_semaphore, #tpu.memory_space<semaphore_mem>>) {add = true}
      %add3A_909 = arith.constant 3 : i32
      %add3A_910 = arith.addi %mul3A_756, %add3A_909 : i32
      %dma_wait3A_911 = arith.constant 3 : i32
      %dma_wait3A_912 = arith.constant 0 : i32
      %dma_wait3A_913 = arith.constant 0 : i32
      %dma_wait3A_914 = arith.constant 0 : i32
      %dma_wait3A_915 = tpu.memref_slice %arg7[%scan3A_571, %dma_wait3A_913, %dma_wait3A_914] : memref<4x72x128xf32, #tpu.memory_space<vmem>> -> memref<1x72x128xf32, #tpu.memory_space<vmem>>
      %dma_wait3A_916 = tpu.memref_squeeze %dma_wait3A_915 : memref<1x72x128xf32, #tpu.memory_space<vmem>> -> memref<72x128xf32, #tpu.memory_space<vmem>>
      %dma_wait3A_917 = arith.constant 0 : i32
      %dma_wait3A_918 = tpu.memref_slice %arg5[%dma_wait3A_911, %dma_wait3A_912, %dma_wait3A_917] : memref<8x2x72xi32, #tpu.memory_space<vmem>> -> memref<1x1x72xi32, #tpu.memory_space<vmem>>
      %dma_wait3A_919 = tpu.memref_squeeze %dma_wait3A_918 : memref<1x1x72xi32, #tpu.memory_space<vmem>> -> memref<72xi32, #tpu.memory_space<vmem>>
      %dma_wait3A_920 = arith.constant 0 : i32
      %dma_wait3A_921 = arith.constant 0 : i32
      %dma_wait3A_922 = tpu.memref_slice %arg2[%dma_wait3A_920, %dma_wait3A_921] : memref<10000x128xf32, #tpu.memory_space<hbm>> -> memref<10000x128xf32, #tpu.memory_space<hbm>>
      tpu.wait_indirect_dma semaphore(%arg12 : memref<!tpu.dma_semaphore, #tpu.memory_space<semaphore_mem>>) src(%dma_wait3A_922 : memref<10000x128xf32, #tpu.memory_space<hbm>>) dst(%dma_wait3A_916 : memref<72x128xf32, #tpu.memory_space<vmem>>)
      %dma_wait3A_923 = arith.constant 2 : i32
      %dma_wait3A_924 = arith.constant 1 : i32
      %dma_wait3A_925 = arith.constant 0 : i32
      %dma_wait3A_926 = arith.constant 0 : i32
      %dma_wait3A_927 = tpu.memref_slice %arg7[%scan3A_573, %dma_wait3A_925, %dma_wait3A_926] : memref<4x72x128xf32, #tpu.memory_space<vmem>> -> memref<1x72x128xf32, #tpu.memory_space<vmem>>
      %dma_wait3A_928 = tpu.memref_squeeze %dma_wait3A_927 : memref<1x72x128xf32, #tpu.memory_space<vmem>> -> memref<72x128xf32, #tpu.memory_space<vmem>>
      %dma_wait3A_929 = arith.constant 0 : i32
      %dma_wait3A_930 = tpu.memref_slice %arg5[%dma_wait3A_923, %dma_wait3A_924, %dma_wait3A_929] : memref<8x2x72xi32, #tpu.memory_space<vmem>> -> memref<1x1x72xi32, #tpu.memory_space<vmem>>
      %dma_wait3A_931 = tpu.memref_squeeze %dma_wait3A_930 : memref<1x1x72xi32, #tpu.memory_space<vmem>> -> memref<72xi32, #tpu.memory_space<vmem>>
      %dma_wait3A_932 = arith.constant 0 : i32
      %dma_wait3A_933 = arith.constant 0 : i32
      %dma_wait3A_934 = tpu.memref_slice %arg8[%dma_wait3A_932, %dma_wait3A_933] : memref<10000x128xf32, #tpu.memory_space<vmem_shared>> -> memref<10000x128xf32, #tpu.memory_space<vmem_shared>>
      tpu.wait_indirect_dma semaphore(%arg15 : memref<!tpu.dma_semaphore, #tpu.memory_space<semaphore_mem>>) src(%dma_wait3A_928 : memref<72x128xf32, #tpu.memory_space<vmem>>) dst(%dma_wait3A_934 : memref<10000x128xf32, #tpu.memory_space<vmem_shared>>)
      %add3A_935 = arith.constant 3 : i32
      %add3A_936 = arith.addi %add3A_910, %add3A_935 : i32
      %lt3A_937 = arith.constant 138 : i32
      %lt3A_938 = arith.cmpi slt, %add3A_936, %lt3A_937 : i32
      %convert_element_type3A_939 = arith.extui %lt3A_938 : i1 to i32
      %cond3A_940 = arith.constant 0 : i32
      %cond3A_941 = arith.cmpi ne, %convert_element_type3A_939, %cond3A_940 : i32
      scf.if %cond3A_941 {
        %add3A_1179 = arith.constant 3 : i32
        %add3A_1180 = arith.addi %add3A_910, %add3A_1179 : i32
        %mul3A_1181 = arith.constant 72 : i32
        %mul3A_1182 = arith.muli %add3A_1180, %mul3A_1181 : i32
        %add3A_1183 = arith.addi %mul3A_2, %mul3A_1182 : i32
        %dma_wait3A_1184 = arith.constant 6 : i32
        %dma_wait3A_1185 = arith.constant 0 : i32
        %dma_wait3A_1186 = arith.constant 0 : i32
        %dma_wait3A_1187 = tpu.memref_slice %arg5[%dma_wait3A_1184, %dma_wait3A_1185, %dma_wait3A_1186] : memref<8x2x72xi32, #tpu.memory_space<vmem>> -> memref<1x1x72xi32, #tpu.memory_space<vmem>>
        %dma_wait3A_1188 = tpu.memref_squeeze %dma_wait3A_1187 : memref<1x1x72xi32, #tpu.memory_space<vmem>> -> memref<72xi32, #tpu.memory_space<vmem>>
        %dma_wait3A_1189 = tpu.memref_slice %arg3[%add3A_1183] : memref<640000xi32, #tpu.memory_space<hbm>> -> memref<72xi32, #tpu.memory_space<hbm>>
        %dma_wait3A_1190 = arith.constant 0 : i32
        %dma_wait3A_1191 = tpu.memref_slice %arg5[%dma_wait3A_1184, %dma_wait3A_1185, %dma_wait3A_1190] : memref<8x2x72xi32, #tpu.memory_space<vmem>> -> memref<1x1x72xi32, #tpu.memory_space<vmem>>
        %dma_wait3A_1192 = tpu.memref_squeeze %dma_wait3A_1191 : memref<1x1x72xi32, #tpu.memory_space<vmem>> -> memref<72xi32, #tpu.memory_space<vmem>>
        %dma_wait3A_1193 = tpu.memref_slice %arg3[%add3A_1183] : memref<640000xi32, #tpu.memory_space<hbm>> -> memref<72xi32, #tpu.memory_space<hbm>>
        tpu.wait_dma2 semaphore(%arg23 : memref<!tpu.dma_semaphore, #tpu.memory_space<semaphore_mem>>) src(%dma_wait3A_1193 : memref<72xi32, #tpu.memory_space<hbm>>) dst(%dma_wait3A_1192 : memref<72xi32, #tpu.memory_space<vmem>>)
        %add3A_1194 = arith.constant 320000 : i32
        %add3A_1195 = arith.addi %add3A_1194, %add3A_1183 : i32
        %dma_wait3A_1196 = arith.constant 6 : i32
        %dma_wait3A_1197 = arith.constant 1 : i32
        %dma_wait3A_1198 = arith.constant 0 : i32
        %dma_wait3A_1199 = tpu.memref_slice %arg5[%dma_wait3A_1196, %dma_wait3A_1197, %dma_wait3A_1198] : memref<8x2x72xi32, #tpu.memory_space<vmem>> -> memref<1x1x72xi32, #tpu.memory_space<vmem>>
        %dma_wait3A_1200 = tpu.memref_squeeze %dma_wait3A_1199 : memref<1x1x72xi32, #tpu.memory_space<vmem>> -> memref<72xi32, #tpu.memory_space<vmem>>
        %dma_wait3A_1201 = tpu.memref_slice %arg3[%add3A_1195] : memref<640000xi32, #tpu.memory_space<hbm>> -> memref<72xi32, #tpu.memory_space<hbm>>
        %dma_wait3A_1202 = arith.constant 0 : i32
        %dma_wait3A_1203 = tpu.memref_slice %arg5[%dma_wait3A_1196, %dma_wait3A_1197, %dma_wait3A_1202] : memref<8x2x72xi32, #tpu.memory_space<vmem>> -> memref<1x1x72xi32, #tpu.memory_space<vmem>>
        %dma_wait3A_1204 = tpu.memref_squeeze %dma_wait3A_1203 : memref<1x1x72xi32, #tpu.memory_space<vmem>> -> memref<72xi32, #tpu.memory_space<vmem>>
        %dma_wait3A_1205 = tpu.memref_slice %arg3[%add3A_1195] : memref<640000xi32, #tpu.memory_space<hbm>> -> memref<72xi32, #tpu.memory_space<hbm>>
        tpu.wait_dma2 semaphore(%arg23 : memref<!tpu.dma_semaphore, #tpu.memory_space<semaphore_mem>>) src(%dma_wait3A_1205 : memref<72xi32, #tpu.memory_space<hbm>>) dst(%dma_wait3A_1204 : memref<72xi32, #tpu.memory_space<vmem>>)
        %dma_start3A_1206 = arith.constant 6 : i32
        %dma_start3A_1207 = arith.constant 0 : i32
        %dma_start3A_1208 = arith.constant 0 : i32
        %dma_start3A_1209 = arith.constant 0 : i32
        %dma_start3A_1210 = tpu.memref_slice %arg7[%scan3A_573, %dma_start3A_1208, %dma_start3A_1209] : memref<4x72x128xf32, #tpu.memory_space<vmem>> -> memref<1x72x128xf32, #tpu.memory_space<vmem>>
        %dma_start3A_1211 = tpu.memref_squeeze %dma_start3A_1210 : memref<1x72x128xf32, #tpu.memory_space<vmem>> -> memref<72x128xf32, #tpu.memory_space<vmem>>
        %dma_start3A_1212 = arith.constant 0 : i32
        %dma_start3A_1213 = tpu.memref_slice %arg5[%dma_start3A_1206, %dma_start3A_1207, %dma_start3A_1212] : memref<8x2x72xi32, #tpu.memory_space<vmem>> -> memref<1x1x72xi32, #tpu.memory_space<vmem>>
        %dma_start3A_1214 = tpu.memref_squeeze %dma_start3A_1213 : memref<1x1x72xi32, #tpu.memory_space<vmem>> -> memref<72xi32, #tpu.memory_space<vmem>>
        %dma_start3A_1215 = arith.constant 0 : i32
        %dma_start3A_1216 = arith.constant 0 : i32
        %dma_start3A_1217 = tpu.memref_slice %arg2[%dma_start3A_1215, %dma_start3A_1216] : memref<10000x128xf32, #tpu.memory_space<hbm>> -> memref<10000x128xf32, #tpu.memory_space<hbm>>
        tpu.enqueue_indirect_dma source(%dma_start3A_1217 : memref<10000x128xf32, #tpu.memory_space<hbm>>) target(%dma_start3A_1211 : memref<72x128xf32, #tpu.memory_space<vmem>>) offsets(%dma_start3A_1214 : memref<72xi32, #tpu.memory_space<vmem>>) semaphore(%arg11 : memref<!tpu.dma_semaphore, #tpu.memory_space<semaphore_mem>>)
      } else {
      }
      %add3A_942 = arith.constant 8 : i32
      %add3A_943 = arith.addi %add3A_910, %add3A_942 : i32
      %sub3A_944 = arith.constant 1 : i32
      %sub3A_945 = arith.subi %add3A_943, %sub3A_944 : i32
      %lt3A_946 = arith.constant 138 : i32
      %lt3A_947 = arith.cmpi slt, %sub3A_945, %lt3A_946 : i32
      %convert_element_type3A_948 = arith.extui %lt3A_947 : i1 to i32
      %cond3A_949 = arith.constant 0 : i32
      %cond3A_950 = arith.cmpi ne, %convert_element_type3A_948, %cond3A_949 : i32
      scf.if %cond3A_950 {
        %add3A_1179 = arith.constant 8 : i32
        %add3A_1180 = arith.addi %add3A_910, %add3A_1179 : i32
        %sub3A_1181 = arith.constant 1 : i32
        %sub3A_1182 = arith.subi %add3A_1180, %sub3A_1181 : i32
        %mul3A_1183 = arith.constant 72 : i32
        %mul3A_1184 = arith.muli %sub3A_1182, %mul3A_1183 : i32
        %add3A_1185 = arith.addi %mul3A_2, %mul3A_1184 : i32
        %dma_start3A_1186 = arith.constant 2 : i32
        %dma_start3A_1187 = arith.constant 0 : i32
        %dma_start3A_1188 = arith.constant 0 : i32
        %dma_start3A_1189 = tpu.memref_slice %arg5[%dma_start3A_1186, %dma_start3A_1187, %dma_start3A_1188] : memref<8x2x72xi32, #tpu.memory_space<vmem>> -> memref<1x1x72xi32, #tpu.memory_space<vmem>>
        %dma_start3A_1190 = tpu.memref_squeeze %dma_start3A_1189 : memref<1x1x72xi32, #tpu.memory_space<vmem>> -> memref<72xi32, #tpu.memory_space<vmem>>
        %dma_start3A_1191 = tpu.memref_slice %arg3[%add3A_1185] : memref<640000xi32, #tpu.memory_space<hbm>> -> memref<72xi32, #tpu.memory_space<hbm>>
        %dma_start3A_1192 = arith.constant 0 : i32
        %dma_start3A_1193 = tpu.memref_slice %arg5[%dma_start3A_1186, %dma_start3A_1187, %dma_start3A_1192] : memref<8x2x72xi32, #tpu.memory_space<vmem>> -> memref<1x1x72xi32, #tpu.memory_space<vmem>>
        %dma_start3A_1194 = tpu.memref_squeeze %dma_start3A_1193 : memref<1x1x72xi32, #tpu.memory_space<vmem>> -> memref<72xi32, #tpu.memory_space<vmem>>
        %dma_start3A_1195 = tpu.memref_slice %arg3[%add3A_1185] : memref<640000xi32, #tpu.memory_space<hbm>> -> memref<72xi32, #tpu.memory_space<hbm>>
        tpu.enqueue_dma source(%dma_start3A_1195 : memref<72xi32, #tpu.memory_space<hbm>>) target(%dma_start3A_1194 : memref<72xi32, #tpu.memory_space<vmem>>) target_semaphore(%arg19 : memref<!tpu.dma_semaphore, #tpu.memory_space<semaphore_mem>>)
        %add3A_1196 = arith.constant 320000 : i32
        %add3A_1197 = arith.addi %add3A_1196, %add3A_1185 : i32
        %dma_start3A_1198 = arith.constant 2 : i32
        %dma_start3A_1199 = arith.constant 1 : i32
        %dma_start3A_1200 = arith.constant 0 : i32
        %dma_start3A_1201 = tpu.memref_slice %arg5[%dma_start3A_1198, %dma_start3A_1199, %dma_start3A_1200] : memref<8x2x72xi32, #tpu.memory_space<vmem>> -> memref<1x1x72xi32, #tpu.memory_space<vmem>>
        %dma_start3A_1202 = tpu.memref_squeeze %dma_start3A_1201 : memref<1x1x72xi32, #tpu.memory_space<vmem>> -> memref<72xi32, #tpu.memory_space<vmem>>
        %dma_start3A_1203 = tpu.memref_slice %arg3[%add3A_1197] : memref<640000xi32, #tpu.memory_space<hbm>> -> memref<72xi32, #tpu.memory_space<hbm>>
        %dma_start3A_1204 = arith.constant 0 : i32
        %dma_start3A_1205 = tpu.memref_slice %arg5[%dma_start3A_1198, %dma_start3A_1199, %dma_start3A_1204] : memref<8x2x72xi32, #tpu.memory_space<vmem>> -> memref<1x1x72xi32, #tpu.memory_space<vmem>>
        %dma_start3A_1206 = tpu.memref_squeeze %dma_start3A_1205 : memref<1x1x72xi32, #tpu.memory_space<vmem>> -> memref<72xi32, #tpu.memory_space<vmem>>
        %dma_start3A_1207 = tpu.memref_slice %arg3[%add3A_1197] : memref<640000xi32, #tpu.memory_space<hbm>> -> memref<72xi32, #tpu.memory_space<hbm>>
        tpu.enqueue_dma source(%dma_start3A_1207 : memref<72xi32, #tpu.memory_space<hbm>>) target(%dma_start3A_1206 : memref<72xi32, #tpu.memory_space<vmem>>) target_semaphore(%arg19 : memref<!tpu.dma_semaphore, #tpu.memory_space<semaphore_mem>>)
      } else {
      }
      %dma_start3A_951 = arith.constant 3 : i32
      %dma_start3A_952 = arith.constant 1 : i32
      %dma_start3A_953 = arith.constant 0 : i32
      %dma_start3A_954 = arith.constant 0 : i32
      %dma_start3A_955 = tpu.memref_slice %arg7[%scan3A_571, %dma_start3A_953, %dma_start3A_954] : memref<4x72x128xf32, #tpu.memory_space<vmem>> -> memref<1x72x128xf32, #tpu.memory_space<vmem>>
      %dma_start3A_956 = tpu.memref_squeeze %dma_start3A_955 : memref<1x72x128xf32, #tpu.memory_space<vmem>> -> memref<72x128xf32, #tpu.memory_space<vmem>>
      %dma_start3A_957 = arith.constant 0 : i32
      %dma_start3A_958 = tpu.memref_slice %arg5[%dma_start3A_951, %dma_start3A_952, %dma_start3A_957] : memref<8x2x72xi32, #tpu.memory_space<vmem>> -> memref<1x1x72xi32, #tpu.memory_space<vmem>>
      %dma_start3A_959 = tpu.memref_squeeze %dma_start3A_958 : memref<1x1x72xi32, #tpu.memory_space<vmem>> -> memref<72xi32, #tpu.memory_space<vmem>>
      %dma_start3A_960 = arith.constant 0 : i32
      %dma_start3A_961 = arith.constant 0 : i32
      %dma_start3A_962 = tpu.memref_slice %arg8[%dma_start3A_960, %dma_start3A_961] : memref<10000x128xf32, #tpu.memory_space<vmem_shared>> -> memref<10000x128xf32, #tpu.memory_space<vmem_shared>>
      tpu.enqueue_indirect_dma source(%dma_start3A_956 : memref<72x128xf32, #tpu.memory_space<vmem>>) target(%dma_start3A_962 : memref<10000x128xf32, #tpu.memory_space<vmem_shared>>) offsets(%dma_start3A_959 : memref<72xi32, #tpu.memory_space<vmem>>) semaphore(%arg16 : memref<!tpu.dma_semaphore, #tpu.memory_space<semaphore_mem>>) {add = true}
      %add3A_963 = arith.constant 4 : i32
      %add3A_964 = arith.addi %mul3A_756, %add3A_963 : i32
      %dma_wait3A_965 = arith.constant 4 : i32
      %dma_wait3A_966 = arith.constant 0 : i32
      %dma_wait3A_967 = arith.constant 0 : i32
      %dma_wait3A_968 = arith.constant 0 : i32
      %dma_wait3A_969 = tpu.memref_slice %arg7[%scan3A_570, %dma_wait3A_967, %dma_wait3A_968] : memref<4x72x128xf32, #tpu.memory_space<vmem>> -> memref<1x72x128xf32, #tpu.memory_space<vmem>>
      %dma_wait3A_970 = tpu.memref_squeeze %dma_wait3A_969 : memref<1x72x128xf32, #tpu.memory_space<vmem>> -> memref<72x128xf32, #tpu.memory_space<vmem>>
      %dma_wait3A_971 = arith.constant 0 : i32
      %dma_wait3A_972 = tpu.memref_slice %arg5[%dma_wait3A_965, %dma_wait3A_966, %dma_wait3A_971] : memref<8x2x72xi32, #tpu.memory_space<vmem>> -> memref<1x1x72xi32, #tpu.memory_space<vmem>>
      %dma_wait3A_973 = tpu.memref_squeeze %dma_wait3A_972 : memref<1x1x72xi32, #tpu.memory_space<vmem>> -> memref<72xi32, #tpu.memory_space<vmem>>
      %dma_wait3A_974 = arith.constant 0 : i32
      %dma_wait3A_975 = arith.constant 0 : i32
      %dma_wait3A_976 = tpu.memref_slice %arg2[%dma_wait3A_974, %dma_wait3A_975] : memref<10000x128xf32, #tpu.memory_space<hbm>> -> memref<10000x128xf32, #tpu.memory_space<hbm>>
      tpu.wait_indirect_dma semaphore(%arg9 : memref<!tpu.dma_semaphore, #tpu.memory_space<semaphore_mem>>) src(%dma_wait3A_976 : memref<10000x128xf32, #tpu.memory_space<hbm>>) dst(%dma_wait3A_970 : memref<72x128xf32, #tpu.memory_space<vmem>>)
      %dma_wait3A_977 = arith.constant 3 : i32
      %dma_wait3A_978 = arith.constant 1 : i32
      %dma_wait3A_979 = arith.constant 0 : i32
      %dma_wait3A_980 = arith.constant 0 : i32
      %dma_wait3A_981 = tpu.memref_slice %arg7[%scan3A_571, %dma_wait3A_979, %dma_wait3A_980] : memref<4x72x128xf32, #tpu.memory_space<vmem>> -> memref<1x72x128xf32, #tpu.memory_space<vmem>>
      %dma_wait3A_982 = tpu.memref_squeeze %dma_wait3A_981 : memref<1x72x128xf32, #tpu.memory_space<vmem>> -> memref<72x128xf32, #tpu.memory_space<vmem>>
      %dma_wait3A_983 = arith.constant 0 : i32
      %dma_wait3A_984 = tpu.memref_slice %arg5[%dma_wait3A_977, %dma_wait3A_978, %dma_wait3A_983] : memref<8x2x72xi32, #tpu.memory_space<vmem>> -> memref<1x1x72xi32, #tpu.memory_space<vmem>>
      %dma_wait3A_985 = tpu.memref_squeeze %dma_wait3A_984 : memref<1x1x72xi32, #tpu.memory_space<vmem>> -> memref<72xi32, #tpu.memory_space<vmem>>
      %dma_wait3A_986 = arith.constant 0 : i32
      %dma_wait3A_987 = arith.constant 0 : i32
      %dma_wait3A_988 = tpu.memref_slice %arg8[%dma_wait3A_986, %dma_wait3A_987] : memref<10000x128xf32, #tpu.memory_space<vmem_shared>> -> memref<10000x128xf32, #tpu.memory_space<vmem_shared>>
      tpu.wait_indirect_dma semaphore(%arg16 : memref<!tpu.dma_semaphore, #tpu.memory_space<semaphore_mem>>) src(%dma_wait3A_982 : memref<72x128xf32, #tpu.memory_space<vmem>>) dst(%dma_wait3A_988 : memref<10000x128xf32, #tpu.memory_space<vmem_shared>>)
      %add3A_989 = arith.constant 3 : i32
      %add3A_990 = arith.addi %add3A_964, %add3A_989 : i32
      %lt3A_991 = arith.constant 138 : i32
      %lt3A_992 = arith.cmpi slt, %add3A_990, %lt3A_991 : i32
      %convert_element_type3A_993 = arith.extui %lt3A_992 : i1 to i32
      %cond3A_994 = arith.constant 0 : i32
      %cond3A_995 = arith.cmpi ne, %convert_element_type3A_993, %cond3A_994 : i32
      scf.if %cond3A_995 {
        %add3A_1179 = arith.constant 3 : i32
        %add3A_1180 = arith.addi %add3A_964, %add3A_1179 : i32
        %mul3A_1181 = arith.constant 72 : i32
        %mul3A_1182 = arith.muli %add3A_1180, %mul3A_1181 : i32
        %add3A_1183 = arith.addi %mul3A_2, %mul3A_1182 : i32
        %dma_wait3A_1184 = arith.constant 7 : i32
        %dma_wait3A_1185 = arith.constant 0 : i32
        %dma_wait3A_1186 = arith.constant 0 : i32
        %dma_wait3A_1187 = tpu.memref_slice %arg5[%dma_wait3A_1184, %dma_wait3A_1185, %dma_wait3A_1186] : memref<8x2x72xi32, #tpu.memory_space<vmem>> -> memref<1x1x72xi32, #tpu.memory_space<vmem>>
        %dma_wait3A_1188 = tpu.memref_squeeze %dma_wait3A_1187 : memref<1x1x72xi32, #tpu.memory_space<vmem>> -> memref<72xi32, #tpu.memory_space<vmem>>
        %dma_wait3A_1189 = tpu.memref_slice %arg3[%add3A_1183] : memref<640000xi32, #tpu.memory_space<hbm>> -> memref<72xi32, #tpu.memory_space<hbm>>
        %dma_wait3A_1190 = arith.constant 0 : i32
        %dma_wait3A_1191 = tpu.memref_slice %arg5[%dma_wait3A_1184, %dma_wait3A_1185, %dma_wait3A_1190] : memref<8x2x72xi32, #tpu.memory_space<vmem>> -> memref<1x1x72xi32, #tpu.memory_space<vmem>>
        %dma_wait3A_1192 = tpu.memref_squeeze %dma_wait3A_1191 : memref<1x1x72xi32, #tpu.memory_space<vmem>> -> memref<72xi32, #tpu.memory_space<vmem>>
        %dma_wait3A_1193 = tpu.memref_slice %arg3[%add3A_1183] : memref<640000xi32, #tpu.memory_space<hbm>> -> memref<72xi32, #tpu.memory_space<hbm>>
        tpu.wait_dma2 semaphore(%arg24 : memref<!tpu.dma_semaphore, #tpu.memory_space<semaphore_mem>>) src(%dma_wait3A_1193 : memref<72xi32, #tpu.memory_space<hbm>>) dst(%dma_wait3A_1192 : memref<72xi32, #tpu.memory_space<vmem>>)
        %add3A_1194 = arith.constant 320000 : i32
        %add3A_1195 = arith.addi %add3A_1194, %add3A_1183 : i32
        %dma_wait3A_1196 = arith.constant 7 : i32
        %dma_wait3A_1197 = arith.constant 1 : i32
        %dma_wait3A_1198 = arith.constant 0 : i32
        %dma_wait3A_1199 = tpu.memref_slice %arg5[%dma_wait3A_1196, %dma_wait3A_1197, %dma_wait3A_1198] : memref<8x2x72xi32, #tpu.memory_space<vmem>> -> memref<1x1x72xi32, #tpu.memory_space<vmem>>
        %dma_wait3A_1200 = tpu.memref_squeeze %dma_wait3A_1199 : memref<1x1x72xi32, #tpu.memory_space<vmem>> -> memref<72xi32, #tpu.memory_space<vmem>>
        %dma_wait3A_1201 = tpu.memref_slice %arg3[%add3A_1195] : memref<640000xi32, #tpu.memory_space<hbm>> -> memref<72xi32, #tpu.memory_space<hbm>>
        %dma_wait3A_1202 = arith.constant 0 : i32
        %dma_wait3A_1203 = tpu.memref_slice %arg5[%dma_wait3A_1196, %dma_wait3A_1197, %dma_wait3A_1202] : memref<8x2x72xi32, #tpu.memory_space<vmem>> -> memref<1x1x72xi32, #tpu.memory_space<vmem>>
        %dma_wait3A_1204 = tpu.memref_squeeze %dma_wait3A_1203 : memref<1x1x72xi32, #tpu.memory_space<vmem>> -> memref<72xi32, #tpu.memory_space<vmem>>
        %dma_wait3A_1205 = tpu.memref_slice %arg3[%add3A_1195] : memref<640000xi32, #tpu.memory_space<hbm>> -> memref<72xi32, #tpu.memory_space<hbm>>
        tpu.wait_dma2 semaphore(%arg24 : memref<!tpu.dma_semaphore, #tpu.memory_space<semaphore_mem>>) src(%dma_wait3A_1205 : memref<72xi32, #tpu.memory_space<hbm>>) dst(%dma_wait3A_1204 : memref<72xi32, #tpu.memory_space<vmem>>)
        %dma_start3A_1206 = arith.constant 7 : i32
        %dma_start3A_1207 = arith.constant 0 : i32
        %dma_start3A_1208 = arith.constant 0 : i32
        %dma_start3A_1209 = arith.constant 0 : i32
        %dma_start3A_1210 = tpu.memref_slice %arg7[%scan3A_571, %dma_start3A_1208, %dma_start3A_1209] : memref<4x72x128xf32, #tpu.memory_space<vmem>> -> memref<1x72x128xf32, #tpu.memory_space<vmem>>
        %dma_start3A_1211 = tpu.memref_squeeze %dma_start3A_1210 : memref<1x72x128xf32, #tpu.memory_space<vmem>> -> memref<72x128xf32, #tpu.memory_space<vmem>>
        %dma_start3A_1212 = arith.constant 0 : i32
        %dma_start3A_1213 = tpu.memref_slice %arg5[%dma_start3A_1206, %dma_start3A_1207, %dma_start3A_1212] : memref<8x2x72xi32, #tpu.memory_space<vmem>> -> memref<1x1x72xi32, #tpu.memory_space<vmem>>
        %dma_start3A_1214 = tpu.memref_squeeze %dma_start3A_1213 : memref<1x1x72xi32, #tpu.memory_space<vmem>> -> memref<72xi32, #tpu.memory_space<vmem>>
        %dma_start3A_1215 = arith.constant 0 : i32
        %dma_start3A_1216 = arith.constant 0 : i32
        %dma_start3A_1217 = tpu.memref_slice %arg2[%dma_start3A_1215, %dma_start3A_1216] : memref<10000x128xf32, #tpu.memory_space<hbm>> -> memref<10000x128xf32, #tpu.memory_space<hbm>>
        tpu.enqueue_indirect_dma source(%dma_start3A_1217 : memref<10000x128xf32, #tpu.memory_space<hbm>>) target(%dma_start3A_1211 : memref<72x128xf32, #tpu.memory_space<vmem>>) offsets(%dma_start3A_1214 : memref<72xi32, #tpu.memory_space<vmem>>) semaphore(%arg12 : memref<!tpu.dma_semaphore, #tpu.memory_space<semaphore_mem>>)
      } else {
      }
      %add3A_996 = arith.constant 8 : i32
      %add3A_997 = arith.addi %add3A_964, %add3A_996 : i32
      %sub3A_998 = arith.constant 1 : i32
      %sub3A_999 = arith.subi %add3A_997, %sub3A_998 : i32
      %lt3A_1000 = arith.constant 138 : i32
      %lt3A_1001 = arith.cmpi slt, %sub3A_999, %lt3A_1000 : i32
      %convert_element_type3A_1002 = arith.extui %lt3A_1001 : i1 to i32
      %cond3A_1003 = arith.constant 0 : i32
      %cond3A_1004 = arith.cmpi ne, %convert_element_type3A_1002, %cond3A_1003 : i32
      scf.if %cond3A_1004 {
        %add3A_1179 = arith.constant 8 : i32
        %add3A_1180 = arith.addi %add3A_964, %add3A_1179 : i32
        %sub3A_1181 = arith.constant 1 : i32
        %sub3A_1182 = arith.subi %add3A_1180, %sub3A_1181 : i32
        %mul3A_1183 = arith.constant 72 : i32
        %mul3A_1184 = arith.muli %sub3A_1182, %mul3A_1183 : i32
        %add3A_1185 = arith.addi %mul3A_2, %mul3A_1184 : i32
        %dma_start3A_1186 = arith.constant 3 : i32
        %dma_start3A_1187 = arith.constant 0 : i32
        %dma_start3A_1188 = arith.constant 0 : i32
        %dma_start3A_1189 = tpu.memref_slice %arg5[%dma_start3A_1186, %dma_start3A_1187, %dma_start3A_1188] : memref<8x2x72xi32, #tpu.memory_space<vmem>> -> memref<1x1x72xi32, #tpu.memory_space<vmem>>
        %dma_start3A_1190 = tpu.memref_squeeze %dma_start3A_1189 : memref<1x1x72xi32, #tpu.memory_space<vmem>> -> memref<72xi32, #tpu.memory_space<vmem>>
        %dma_start3A_1191 = tpu.memref_slice %arg3[%add3A_1185] : memref<640000xi32, #tpu.memory_space<hbm>> -> memref<72xi32, #tpu.memory_space<hbm>>
        %dma_start3A_1192 = arith.constant 0 : i32
        %dma_start3A_1193 = tpu.memref_slice %arg5[%dma_start3A_1186, %dma_start3A_1187, %dma_start3A_1192] : memref<8x2x72xi32, #tpu.memory_space<vmem>> -> memref<1x1x72xi32, #tpu.memory_space<vmem>>
        %dma_start3A_1194 = tpu.memref_squeeze %dma_start3A_1193 : memref<1x1x72xi32, #tpu.memory_space<vmem>> -> memref<72xi32, #tpu.memory_space<vmem>>
        %dma_start3A_1195 = tpu.memref_slice %arg3[%add3A_1185] : memref<640000xi32, #tpu.memory_space<hbm>> -> memref<72xi32, #tpu.memory_space<hbm>>
        tpu.enqueue_dma source(%dma_start3A_1195 : memref<72xi32, #tpu.memory_space<hbm>>) target(%dma_start3A_1194 : memref<72xi32, #tpu.memory_space<vmem>>) target_semaphore(%arg20 : memref<!tpu.dma_semaphore, #tpu.memory_space<semaphore_mem>>)
        %add3A_1196 = arith.constant 320000 : i32
        %add3A_1197 = arith.addi %add3A_1196, %add3A_1185 : i32
        %dma_start3A_1198 = arith.constant 3 : i32
        %dma_start3A_1199 = arith.constant 1 : i32
        %dma_start3A_1200 = arith.constant 0 : i32
        %dma_start3A_1201 = tpu.memref_slice %arg5[%dma_start3A_1198, %dma_start3A_1199, %dma_start3A_1200] : memref<8x2x72xi32, #tpu.memory_space<vmem>> -> memref<1x1x72xi32, #tpu.memory_space<vmem>>
        %dma_start3A_1202 = tpu.memref_squeeze %dma_start3A_1201 : memref<1x1x72xi32, #tpu.memory_space<vmem>> -> memref<72xi32, #tpu.memory_space<vmem>>
        %dma_start3A_1203 = tpu.memref_slice %arg3[%add3A_1197] : memref<640000xi32, #tpu.memory_space<hbm>> -> memref<72xi32, #tpu.memory_space<hbm>>
        %dma_start3A_1204 = arith.constant 0 : i32
        %dma_start3A_1205 = tpu.memref_slice %arg5[%dma_start3A_1198, %dma_start3A_1199, %dma_start3A_1204] : memref<8x2x72xi32, #tpu.memory_space<vmem>> -> memref<1x1x72xi32, #tpu.memory_space<vmem>>
        %dma_start3A_1206 = tpu.memref_squeeze %dma_start3A_1205 : memref<1x1x72xi32, #tpu.memory_space<vmem>> -> memref<72xi32, #tpu.memory_space<vmem>>
        %dma_start3A_1207 = tpu.memref_slice %arg3[%add3A_1197] : memref<640000xi32, #tpu.memory_space<hbm>> -> memref<72xi32, #tpu.memory_space<hbm>>
        tpu.enqueue_dma source(%dma_start3A_1207 : memref<72xi32, #tpu.memory_space<hbm>>) target(%dma_start3A_1206 : memref<72xi32, #tpu.memory_space<vmem>>) target_semaphore(%arg20 : memref<!tpu.dma_semaphore, #tpu.memory_space<semaphore_mem>>)
      } else {
      }
      %dma_start3A_1005 = arith.constant 4 : i32
      %dma_start3A_1006 = arith.constant 1 : i32
      %dma_start3A_1007 = arith.constant 0 : i32
      %dma_start3A_1008 = arith.constant 0 : i32
      %dma_start3A_1009 = tpu.memref_slice %arg7[%scan3A_570, %dma_start3A_1007, %dma_start3A_1008] : memref<4x72x128xf32, #tpu.memory_space<vmem>> -> memref<1x72x128xf32, #tpu.memory_space<vmem>>
      %dma_start3A_1010 = tpu.memref_squeeze %dma_start3A_1009 : memref<1x72x128xf32, #tpu.memory_space<vmem>> -> memref<72x128xf32, #tpu.memory_space<vmem>>
      %dma_start3A_1011 = arith.constant 0 : i32
      %dma_start3A_1012 = tpu.memref_slice %arg5[%dma_start3A_1005, %dma_start3A_1006, %dma_start3A_1011] : memref<8x2x72xi32, #tpu.memory_space<vmem>> -> memref<1x1x72xi32, #tpu.memory_space<vmem>>
      %dma_start3A_1013 = tpu.memref_squeeze %dma_start3A_1012 : memref<1x1x72xi32, #tpu.memory_space<vmem>> -> memref<72xi32, #tpu.memory_space<vmem>>
      %dma_start3A_1014 = arith.constant 0 : i32
      %dma_start3A_1015 = arith.constant 0 : i32
      %dma_start3A_1016 = tpu.memref_slice %arg8[%dma_start3A_1014, %dma_start3A_1015] : memref<10000x128xf32, #tpu.memory_space<vmem_shared>> -> memref<10000x128xf32, #tpu.memory_space<vmem_shared>>
      tpu.enqueue_indirect_dma source(%dma_start3A_1010 : memref<72x128xf32, #tpu.memory_space<vmem>>) target(%dma_start3A_1016 : memref<10000x128xf32, #tpu.memory_space<vmem_shared>>) offsets(%dma_start3A_1013 : memref<72xi32, #tpu.memory_space<vmem>>) semaphore(%arg13 : memref<!tpu.dma_semaphore, #tpu.memory_space<semaphore_mem>>) {add = true}
      %add3A_1017 = arith.constant 5 : i32
      %add3A_1018 = arith.addi %mul3A_756, %add3A_1017 : i32
      %dma_wait3A_1019 = arith.constant 5 : i32
      %dma_wait3A_1020 = arith.constant 0 : i32
      %dma_wait3A_1021 = arith.constant 0 : i32
      %dma_wait3A_1022 = arith.constant 0 : i32
      %dma_wait3A_1023 = tpu.memref_slice %arg7[%scan3A_572, %dma_wait3A_1021, %dma_wait3A_1022] : memref<4x72x128xf32, #tpu.memory_space<vmem>> -> memref<1x72x128xf32, #tpu.memory_space<vmem>>
      %dma_wait3A_1024 = tpu.memref_squeeze %dma_wait3A_1023 : memref<1x72x128xf32, #tpu.memory_space<vmem>> -> memref<72x128xf32, #tpu.memory_space<vmem>>
      %dma_wait3A_1025 = arith.constant 0 : i32
      %dma_wait3A_1026 = tpu.memref_slice %arg5[%dma_wait3A_1019, %dma_wait3A_1020, %dma_wait3A_1025] : memref<8x2x72xi32, #tpu.memory_space<vmem>> -> memref<1x1x72xi32, #tpu.memory_space<vmem>>
      %dma_wait3A_1027 = tpu.memref_squeeze %dma_wait3A_1026 : memref<1x1x72xi32, #tpu.memory_space<vmem>> -> memref<72xi32, #tpu.memory_space<vmem>>
      %dma_wait3A_1028 = arith.constant 0 : i32
      %dma_wait3A_1029 = arith.constant 0 : i32
      %dma_wait3A_1030 = tpu.memref_slice %arg2[%dma_wait3A_1028, %dma_wait3A_1029] : memref<10000x128xf32, #tpu.memory_space<hbm>> -> memref<10000x128xf32, #tpu.memory_space<hbm>>
      tpu.wait_indirect_dma semaphore(%arg10 : memref<!tpu.dma_semaphore, #tpu.memory_space<semaphore_mem>>) src(%dma_wait3A_1030 : memref<10000x128xf32, #tpu.memory_space<hbm>>) dst(%dma_wait3A_1024 : memref<72x128xf32, #tpu.memory_space<vmem>>)
      %dma_wait3A_1031 = arith.constant 4 : i32
      %dma_wait3A_1032 = arith.constant 1 : i32
      %dma_wait3A_1033 = arith.constant 0 : i32
      %dma_wait3A_1034 = arith.constant 0 : i32
      %dma_wait3A_1035 = tpu.memref_slice %arg7[%scan3A_570, %dma_wait3A_1033, %dma_wait3A_1034] : memref<4x72x128xf32, #tpu.memory_space<vmem>> -> memref<1x72x128xf32, #tpu.memory_space<vmem>>
      %dma_wait3A_1036 = tpu.memref_squeeze %dma_wait3A_1035 : memref<1x72x128xf32, #tpu.memory_space<vmem>> -> memref<72x128xf32, #tpu.memory_space<vmem>>
      %dma_wait3A_1037 = arith.constant 0 : i32
      %dma_wait3A_1038 = tpu.memref_slice %arg5[%dma_wait3A_1031, %dma_wait3A_1032, %dma_wait3A_1037] : memref<8x2x72xi32, #tpu.memory_space<vmem>> -> memref<1x1x72xi32, #tpu.memory_space<vmem>>
      %dma_wait3A_1039 = tpu.memref_squeeze %dma_wait3A_1038 : memref<1x1x72xi32, #tpu.memory_space<vmem>> -> memref<72xi32, #tpu.memory_space<vmem>>
      %dma_wait3A_1040 = arith.constant 0 : i32
      %dma_wait3A_1041 = arith.constant 0 : i32
      %dma_wait3A_1042 = tpu.memref_slice %arg8[%dma_wait3A_1040, %dma_wait3A_1041] : memref<10000x128xf32, #tpu.memory_space<vmem_shared>> -> memref<10000x128xf32, #tpu.memory_space<vmem_shared>>
      tpu.wait_indirect_dma semaphore(%arg13 : memref<!tpu.dma_semaphore, #tpu.memory_space<semaphore_mem>>) src(%dma_wait3A_1036 : memref<72x128xf32, #tpu.memory_space<vmem>>) dst(%dma_wait3A_1042 : memref<10000x128xf32, #tpu.memory_space<vmem_shared>>)
      %add3A_1043 = arith.constant 3 : i32
      %add3A_1044 = arith.addi %add3A_1018, %add3A_1043 : i32
      %lt3A_1045 = arith.constant 138 : i32
      %lt3A_1046 = arith.cmpi slt, %add3A_1044, %lt3A_1045 : i32
      %convert_element_type3A_1047 = arith.extui %lt3A_1046 : i1 to i32
      %cond3A_1048 = arith.constant 0 : i32
      %cond3A_1049 = arith.cmpi ne, %convert_element_type3A_1047, %cond3A_1048 : i32
      scf.if %cond3A_1049 {
        %add3A_1179 = arith.constant 3 : i32
        %add3A_1180 = arith.addi %add3A_1018, %add3A_1179 : i32
        %mul3A_1181 = arith.constant 72 : i32
        %mul3A_1182 = arith.muli %add3A_1180, %mul3A_1181 : i32
        %add3A_1183 = arith.addi %mul3A_2, %mul3A_1182 : i32
        %dma_wait3A_1184 = arith.constant 0 : i32
        %dma_wait3A_1185 = arith.constant 0 : i32
        %dma_wait3A_1186 = arith.constant 0 : i32
        %dma_wait3A_1187 = tpu.memref_slice %arg5[%dma_wait3A_1184, %dma_wait3A_1185, %dma_wait3A_1186] : memref<8x2x72xi32, #tpu.memory_space<vmem>> -> memref<1x1x72xi32, #tpu.memory_space<vmem>>
        %dma_wait3A_1188 = tpu.memref_squeeze %dma_wait3A_1187 : memref<1x1x72xi32, #tpu.memory_space<vmem>> -> memref<72xi32, #tpu.memory_space<vmem>>
        %dma_wait3A_1189 = tpu.memref_slice %arg3[%add3A_1183] : memref<640000xi32, #tpu.memory_space<hbm>> -> memref<72xi32, #tpu.memory_space<hbm>>
        %dma_wait3A_1190 = arith.constant 0 : i32
        %dma_wait3A_1191 = tpu.memref_slice %arg5[%dma_wait3A_1184, %dma_wait3A_1185, %dma_wait3A_1190] : memref<8x2x72xi32, #tpu.memory_space<vmem>> -> memref<1x1x72xi32, #tpu.memory_space<vmem>>
        %dma_wait3A_1192 = tpu.memref_squeeze %dma_wait3A_1191 : memref<1x1x72xi32, #tpu.memory_space<vmem>> -> memref<72xi32, #tpu.memory_space<vmem>>
        %dma_wait3A_1193 = tpu.memref_slice %arg3[%add3A_1183] : memref<640000xi32, #tpu.memory_space<hbm>> -> memref<72xi32, #tpu.memory_space<hbm>>
        tpu.wait_dma2 semaphore(%arg17 : memref<!tpu.dma_semaphore, #tpu.memory_space<semaphore_mem>>) src(%dma_wait3A_1193 : memref<72xi32, #tpu.memory_space<hbm>>) dst(%dma_wait3A_1192 : memref<72xi32, #tpu.memory_space<vmem>>)
        %add3A_1194 = arith.constant 320000 : i32
        %add3A_1195 = arith.addi %add3A_1194, %add3A_1183 : i32
        %dma_wait3A_1196 = arith.constant 0 : i32
        %dma_wait3A_1197 = arith.constant 1 : i32
        %dma_wait3A_1198 = arith.constant 0 : i32
        %dma_wait3A_1199 = tpu.memref_slice %arg5[%dma_wait3A_1196, %dma_wait3A_1197, %dma_wait3A_1198] : memref<8x2x72xi32, #tpu.memory_space<vmem>> -> memref<1x1x72xi32, #tpu.memory_space<vmem>>
        %dma_wait3A_1200 = tpu.memref_squeeze %dma_wait3A_1199 : memref<1x1x72xi32, #tpu.memory_space<vmem>> -> memref<72xi32, #tpu.memory_space<vmem>>
        %dma_wait3A_1201 = tpu.memref_slice %arg3[%add3A_1195] : memref<640000xi32, #tpu.memory_space<hbm>> -> memref<72xi32, #tpu.memory_space<hbm>>
        %dma_wait3A_1202 = arith.constant 0 : i32
        %dma_wait3A_1203 = tpu.memref_slice %arg5[%dma_wait3A_1196, %dma_wait3A_1197, %dma_wait3A_1202] : memref<8x2x72xi32, #tpu.memory_space<vmem>> -> memref<1x1x72xi32, #tpu.memory_space<vmem>>
        %dma_wait3A_1204 = tpu.memref_squeeze %dma_wait3A_1203 : memref<1x1x72xi32, #tpu.memory_space<vmem>> -> memref<72xi32, #tpu.memory_space<vmem>>
        %dma_wait3A_1205 = tpu.memref_slice %arg3[%add3A_1195] : memref<640000xi32, #tpu.memory_space<hbm>> -> memref<72xi32, #tpu.memory_space<hbm>>
        tpu.wait_dma2 semaphore(%arg17 : memref<!tpu.dma_semaphore, #tpu.memory_space<semaphore_mem>>) src(%dma_wait3A_1205 : memref<72xi32, #tpu.memory_space<hbm>>) dst(%dma_wait3A_1204 : memref<72xi32, #tpu.memory_space<vmem>>)
        %dma_start3A_1206 = arith.constant 0 : i32
        %dma_start3A_1207 = arith.constant 0 : i32
        %dma_start3A_1208 = arith.constant 0 : i32
        %dma_start3A_1209 = arith.constant 0 : i32
        %dma_start3A_1210 = tpu.memref_slice %arg7[%scan3A_570, %dma_start3A_1208, %dma_start3A_1209] : memref<4x72x128xf32, #tpu.memory_space<vmem>> -> memref<1x72x128xf32, #tpu.memory_space<vmem>>
        %dma_start3A_1211 = tpu.memref_squeeze %dma_start3A_1210 : memref<1x72x128xf32, #tpu.memory_space<vmem>> -> memref<72x128xf32, #tpu.memory_space<vmem>>
        %dma_start3A_1212 = arith.constant 0 : i32
        %dma_start3A_1213 = tpu.memref_slice %arg5[%dma_start3A_1206, %dma_start3A_1207, %dma_start3A_1212] : memref<8x2x72xi32, #tpu.memory_space<vmem>> -> memref<1x1x72xi32, #tpu.memory_space<vmem>>
        %dma_start3A_1214 = tpu.memref_squeeze %dma_start3A_1213 : memref<1x1x72xi32, #tpu.memory_space<vmem>> -> memref<72xi32, #tpu.memory_space<vmem>>
        %dma_start3A_1215 = arith.constant 0 : i32
        %dma_start3A_1216 = arith.constant 0 : i32
        %dma_start3A_1217 = tpu.memref_slice %arg2[%dma_start3A_1215, %dma_start3A_1216] : memref<10000x128xf32, #tpu.memory_space<hbm>> -> memref<10000x128xf32, #tpu.memory_space<hbm>>
        tpu.enqueue_indirect_dma source(%dma_start3A_1217 : memref<10000x128xf32, #tpu.memory_space<hbm>>) target(%dma_start3A_1211 : memref<72x128xf32, #tpu.memory_space<vmem>>) offsets(%dma_start3A_1214 : memref<72xi32, #tpu.memory_space<vmem>>) semaphore(%arg9 : memref<!tpu.dma_semaphore, #tpu.memory_space<semaphore_mem>>)
      } else {
      }
      %add3A_1050 = arith.constant 8 : i32
      %add3A_1051 = arith.addi %add3A_1018, %add3A_1050 : i32
      %sub3A_1052 = arith.constant 1 : i32
      %sub3A_1053 = arith.subi %add3A_1051, %sub3A_1052 : i32
      %lt3A_1054 = arith.constant 138 : i32
      %lt3A_1055 = arith.cmpi slt, %sub3A_1053, %lt3A_1054 : i32
      %convert_element_type3A_1056 = arith.extui %lt3A_1055 : i1 to i32
      %cond3A_1057 = arith.constant 0 : i32
      %cond3A_1058 = arith.cmpi ne, %convert_element_type3A_1056, %cond3A_1057 : i32
      scf.if %cond3A_1058 {
        %add3A_1179 = arith.constant 8 : i32
        %add3A_1180 = arith.addi %add3A_1018, %add3A_1179 : i32
        %sub3A_1181 = arith.constant 1 : i32
        %sub3A_1182 = arith.subi %add3A_1180, %sub3A_1181 : i32
        %mul3A_1183 = arith.constant 72 : i32
        %mul3A_1184 = arith.muli %sub3A_1182, %mul3A_1183 : i32
        %add3A_1185 = arith.addi %mul3A_2, %mul3A_1184 : i32
        %dma_start3A_1186 = arith.constant 4 : i32
        %dma_start3A_1187 = arith.constant 0 : i32
        %dma_start3A_1188 = arith.constant 0 : i32
        %dma_start3A_1189 = tpu.memref_slice %arg5[%dma_start3A_1186, %dma_start3A_1187, %dma_start3A_1188] : memref<8x2x72xi32, #tpu.memory_space<vmem>> -> memref<1x1x72xi32, #tpu.memory_space<vmem>>
        %dma_start3A_1190 = tpu.memref_squeeze %dma_start3A_1189 : memref<1x1x72xi32, #tpu.memory_space<vmem>> -> memref<72xi32, #tpu.memory_space<vmem>>
        %dma_start3A_1191 = tpu.memref_slice %arg3[%add3A_1185] : memref<640000xi32, #tpu.memory_space<hbm>> -> memref<72xi32, #tpu.memory_space<hbm>>
        %dma_start3A_1192 = arith.constant 0 : i32
        %dma_start3A_1193 = tpu.memref_slice %arg5[%dma_start3A_1186, %dma_start3A_1187, %dma_start3A_1192] : memref<8x2x72xi32, #tpu.memory_space<vmem>> -> memref<1x1x72xi32, #tpu.memory_space<vmem>>
        %dma_start3A_1194 = tpu.memref_squeeze %dma_start3A_1193 : memref<1x1x72xi32, #tpu.memory_space<vmem>> -> memref<72xi32, #tpu.memory_space<vmem>>
        %dma_start3A_1195 = tpu.memref_slice %arg3[%add3A_1185] : memref<640000xi32, #tpu.memory_space<hbm>> -> memref<72xi32, #tpu.memory_space<hbm>>
        tpu.enqueue_dma source(%dma_start3A_1195 : memref<72xi32, #tpu.memory_space<hbm>>) target(%dma_start3A_1194 : memref<72xi32, #tpu.memory_space<vmem>>) target_semaphore(%arg21 : memref<!tpu.dma_semaphore, #tpu.memory_space<semaphore_mem>>)
        %add3A_1196 = arith.constant 320000 : i32
        %add3A_1197 = arith.addi %add3A_1196, %add3A_1185 : i32
        %dma_start3A_1198 = arith.constant 4 : i32
        %dma_start3A_1199 = arith.constant 1 : i32
        %dma_start3A_1200 = arith.constant 0 : i32
        %dma_start3A_1201 = tpu.memref_slice %arg5[%dma_start3A_1198, %dma_start3A_1199, %dma_start3A_1200] : memref<8x2x72xi32, #tpu.memory_space<vmem>> -> memref<1x1x72xi32, #tpu.memory_space<vmem>>
        %dma_start3A_1202 = tpu.memref_squeeze %dma_start3A_1201 : memref<1x1x72xi32, #tpu.memory_space<vmem>> -> memref<72xi32, #tpu.memory_space<vmem>>
        %dma_start3A_1203 = tpu.memref_slice %arg3[%add3A_1197] : memref<640000xi32, #tpu.memory_space<hbm>> -> memref<72xi32, #tpu.memory_space<hbm>>
        %dma_start3A_1204 = arith.constant 0 : i32
        %dma_start3A_1205 = tpu.memref_slice %arg5[%dma_start3A_1198, %dma_start3A_1199, %dma_start3A_1204] : memref<8x2x72xi32, #tpu.memory_space<vmem>> -> memref<1x1x72xi32, #tpu.memory_space<vmem>>
        %dma_start3A_1206 = tpu.memref_squeeze %dma_start3A_1205 : memref<1x1x72xi32, #tpu.memory_space<vmem>> -> memref<72xi32, #tpu.memory_space<vmem>>
        %dma_start3A_1207 = tpu.memref_slice %arg3[%add3A_1197] : memref<640000xi32, #tpu.memory_space<hbm>> -> memref<72xi32, #tpu.memory_space<hbm>>
        tpu.enqueue_dma source(%dma_start3A_1207 : memref<72xi32, #tpu.memory_space<hbm>>) target(%dma_start3A_1206 : memref<72xi32, #tpu.memory_space<vmem>>) target_semaphore(%arg21 : memref<!tpu.dma_semaphore, #tpu.memory_space<semaphore_mem>>)
      } else {
      }
      %dma_start3A_1059 = arith.constant 5 : i32
      %dma_start3A_1060 = arith.constant 1 : i32
      %dma_start3A_1061 = arith.constant 0 : i32
      %dma_start3A_1062 = arith.constant 0 : i32
      %dma_start3A_1063 = tpu.memref_slice %arg7[%scan3A_572, %dma_start3A_1061, %dma_start3A_1062] : memref<4x72x128xf32, #tpu.memory_space<vmem>> -> memref<1x72x128xf32, #tpu.memory_space<vmem>>
      %dma_start3A_1064 = tpu.memref_squeeze %dma_start3A_1063 : memref<1x72x128xf32, #tpu.memory_space<vmem>> -> memref<72x128xf32, #tpu.memory_space<vmem>>
      %dma_start3A_1065 = arith.constant 0 : i32
      %dma_start3A_1066 = tpu.memref_slice %arg5[%dma_start3A_1059, %dma_start3A_1060, %dma_start3A_1065] : memref<8x2x72xi32, #tpu.memory_space<vmem>> -> memref<1x1x72xi32, #tpu.memory_space<vmem>>
      %dma_start3A_1067 = tpu.memref_squeeze %dma_start3A_1066 : memref<1x1x72xi32, #tpu.memory_space<vmem>> -> memref<72xi32, #tpu.memory_space<vmem>>
      %dma_start3A_1068 = arith.constant 0 : i32
      %dma_start3A_1069 = arith.constant 0 : i32
      %dma_start3A_1070 = tpu.memref_slice %arg8[%dma_start3A_1068, %dma_start3A_1069] : memref<10000x128xf32, #tpu.memory_space<vmem_shared>> -> memref<10000x128xf32, #tpu.memory_space<vmem_shared>>
      tpu.enqueue_indirect_dma source(%dma_start3A_1064 : memref<72x128xf32, #tpu.memory_space<vmem>>) target(%dma_start3A_1070 : memref<10000x128xf32, #tpu.memory_space<vmem_shared>>) offsets(%dma_start3A_1067 : memref<72xi32, #tpu.memory_space<vmem>>) semaphore(%arg14 : memref<!tpu.dma_semaphore, #tpu.memory_space<semaphore_mem>>) {add = true}
      %add3A_1071 = arith.constant 6 : i32
      %add3A_1072 = arith.addi %mul3A_756, %add3A_1071 : i32
      %dma_wait3A_1073 = arith.constant 6 : i32
      %dma_wait3A_1074 = arith.constant 0 : i32
      %dma_wait3A_1075 = arith.constant 0 : i32
      %dma_wait3A_1076 = arith.constant 0 : i32
      %dma_wait3A_1077 = tpu.memref_slice %arg7[%scan3A_573, %dma_wait3A_1075, %dma_wait3A_1076] : memref<4x72x128xf32, #tpu.memory_space<vmem>> -> memref<1x72x128xf32, #tpu.memory_space<vmem>>
      %dma_wait3A_1078 = tpu.memref_squeeze %dma_wait3A_1077 : memref<1x72x128xf32, #tpu.memory_space<vmem>> -> memref<72x128xf32, #tpu.memory_space<vmem>>
      %dma_wait3A_1079 = arith.constant 0 : i32
      %dma_wait3A_1080 = tpu.memref_slice %arg5[%dma_wait3A_1073, %dma_wait3A_1074, %dma_wait3A_1079] : memref<8x2x72xi32, #tpu.memory_space<vmem>> -> memref<1x1x72xi32, #tpu.memory_space<vmem>>
      %dma_wait3A_1081 = tpu.memref_squeeze %dma_wait3A_1080 : memref<1x1x72xi32, #tpu.memory_space<vmem>> -> memref<72xi32, #tpu.memory_space<vmem>>
      %dma_wait3A_1082 = arith.constant 0 : i32
      %dma_wait3A_1083 = arith.constant 0 : i32
      %dma_wait3A_1084 = tpu.memref_slice %arg2[%dma_wait3A_1082, %dma_wait3A_1083] : memref<10000x128xf32, #tpu.memory_space<hbm>> -> memref<10000x128xf32, #tpu.memory_space<hbm>>
      tpu.wait_indirect_dma semaphore(%arg11 : memref<!tpu.dma_semaphore, #tpu.memory_space<semaphore_mem>>) src(%dma_wait3A_1084 : memref<10000x128xf32, #tpu.memory_space<hbm>>) dst(%dma_wait3A_1078 : memref<72x128xf32, #tpu.memory_space<vmem>>)
      %dma_wait3A_1085 = arith.constant 5 : i32
      %dma_wait3A_1086 = arith.constant 1 : i32
      %dma_wait3A_1087 = arith.constant 0 : i32
      %dma_wait3A_1088 = arith.constant 0 : i32
      %dma_wait3A_1089 = tpu.memref_slice %arg7[%scan3A_572, %dma_wait3A_1087, %dma_wait3A_1088] : memref<4x72x128xf32, #tpu.memory_space<vmem>> -> memref<1x72x128xf32, #tpu.memory_space<vmem>>
      %dma_wait3A_1090 = tpu.memref_squeeze %dma_wait3A_1089 : memref<1x72x128xf32, #tpu.memory_space<vmem>> -> memref<72x128xf32, #tpu.memory_space<vmem>>
      %dma_wait3A_1091 = arith.constant 0 : i32
      %dma_wait3A_1092 = tpu.memref_slice %arg5[%dma_wait3A_1085, %dma_wait3A_1086, %dma_wait3A_1091] : memref<8x2x72xi32, #tpu.memory_space<vmem>> -> memref<1x1x72xi32, #tpu.memory_space<vmem>>
      %dma_wait3A_1093 = tpu.memref_squeeze %dma_wait3A_1092 : memref<1x1x72xi32, #tpu.memory_space<vmem>> -> memref<72xi32, #tpu.memory_space<vmem>>
      %dma_wait3A_1094 = arith.constant 0 : i32
      %dma_wait3A_1095 = arith.constant 0 : i32
      %dma_wait3A_1096 = tpu.memref_slice %arg8[%dma_wait3A_1094, %dma_wait3A_1095] : memref<10000x128xf32, #tpu.memory_space<vmem_shared>> -> memref<10000x128xf32, #tpu.memory_space<vmem_shared>>
      tpu.wait_indirect_dma semaphore(%arg14 : memref<!tpu.dma_semaphore, #tpu.memory_space<semaphore_mem>>) src(%dma_wait3A_1090 : memref<72x128xf32, #tpu.memory_space<vmem>>) dst(%dma_wait3A_1096 : memref<10000x128xf32, #tpu.memory_space<vmem_shared>>)
      %add3A_1097 = arith.constant 3 : i32
      %add3A_1098 = arith.addi %add3A_1072, %add3A_1097 : i32
      %lt3A_1099 = arith.constant 138 : i32
      %lt3A_1100 = arith.cmpi slt, %add3A_1098, %lt3A_1099 : i32
      %convert_element_type3A_1101 = arith.extui %lt3A_1100 : i1 to i32
      %cond3A_1102 = arith.constant 0 : i32
      %cond3A_1103 = arith.cmpi ne, %convert_element_type3A_1101, %cond3A_1102 : i32
      scf.if %cond3A_1103 {
        %add3A_1179 = arith.constant 3 : i32
        %add3A_1180 = arith.addi %add3A_1072, %add3A_1179 : i32
        %mul3A_1181 = arith.constant 72 : i32
        %mul3A_1182 = arith.muli %add3A_1180, %mul3A_1181 : i32
        %add3A_1183 = arith.addi %mul3A_2, %mul3A_1182 : i32
        %dma_wait3A_1184 = arith.constant 1 : i32
        %dma_wait3A_1185 = arith.constant 0 : i32
        %dma_wait3A_1186 = arith.constant 0 : i32
        %dma_wait3A_1187 = tpu.memref_slice %arg5[%dma_wait3A_1184, %dma_wait3A_1185, %dma_wait3A_1186] : memref<8x2x72xi32, #tpu.memory_space<vmem>> -> memref<1x1x72xi32, #tpu.memory_space<vmem>>
        %dma_wait3A_1188 = tpu.memref_squeeze %dma_wait3A_1187 : memref<1x1x72xi32, #tpu.memory_space<vmem>> -> memref<72xi32, #tpu.memory_space<vmem>>
        %dma_wait3A_1189 = tpu.memref_slice %arg3[%add3A_1183] : memref<640000xi32, #tpu.memory_space<hbm>> -> memref<72xi32, #tpu.memory_space<hbm>>
        %dma_wait3A_1190 = arith.constant 0 : i32
        %dma_wait3A_1191 = tpu.memref_slice %arg5[%dma_wait3A_1184, %dma_wait3A_1185, %dma_wait3A_1190] : memref<8x2x72xi32, #tpu.memory_space<vmem>> -> memref<1x1x72xi32, #tpu.memory_space<vmem>>
        %dma_wait3A_1192 = tpu.memref_squeeze %dma_wait3A_1191 : memref<1x1x72xi32, #tpu.memory_space<vmem>> -> memref<72xi32, #tpu.memory_space<vmem>>
        %dma_wait3A_1193 = tpu.memref_slice %arg3[%add3A_1183] : memref<640000xi32, #tpu.memory_space<hbm>> -> memref<72xi32, #tpu.memory_space<hbm>>
        tpu.wait_dma2 semaphore(%arg18 : memref<!tpu.dma_semaphore, #tpu.memory_space<semaphore_mem>>) src(%dma_wait3A_1193 : memref<72xi32, #tpu.memory_space<hbm>>) dst(%dma_wait3A_1192 : memref<72xi32, #tpu.memory_space<vmem>>)
        %add3A_1194 = arith.constant 320000 : i32
        %add3A_1195 = arith.addi %add3A_1194, %add3A_1183 : i32
        %dma_wait3A_1196 = arith.constant 1 : i32
        %dma_wait3A_1197 = arith.constant 1 : i32
        %dma_wait3A_1198 = arith.constant 0 : i32
        %dma_wait3A_1199 = tpu.memref_slice %arg5[%dma_wait3A_1196, %dma_wait3A_1197, %dma_wait3A_1198] : memref<8x2x72xi32, #tpu.memory_space<vmem>> -> memref<1x1x72xi32, #tpu.memory_space<vmem>>
        %dma_wait3A_1200 = tpu.memref_squeeze %dma_wait3A_1199 : memref<1x1x72xi32, #tpu.memory_space<vmem>> -> memref<72xi32, #tpu.memory_space<vmem>>
        %dma_wait3A_1201 = tpu.memref_slice %arg3[%add3A_1195] : memref<640000xi32, #tpu.memory_space<hbm>> -> memref<72xi32, #tpu.memory_space<hbm>>
        %dma_wait3A_1202 = arith.constant 0 : i32
        %dma_wait3A_1203 = tpu.memref_slice %arg5[%dma_wait3A_1196, %dma_wait3A_1197, %dma_wait3A_1202] : memref<8x2x72xi32, #tpu.memory_space<vmem>> -> memref<1x1x72xi32, #tpu.memory_space<vmem>>
        %dma_wait3A_1204 = tpu.memref_squeeze %dma_wait3A_1203 : memref<1x1x72xi32, #tpu.memory_space<vmem>> -> memref<72xi32, #tpu.memory_space<vmem>>
        %dma_wait3A_1205 = tpu.memref_slice %arg3[%add3A_1195] : memref<640000xi32, #tpu.memory_space<hbm>> -> memref<72xi32, #tpu.memory_space<hbm>>
        tpu.wait_dma2 semaphore(%arg18 : memref<!tpu.dma_semaphore, #tpu.memory_space<semaphore_mem>>) src(%dma_wait3A_1205 : memref<72xi32, #tpu.memory_space<hbm>>) dst(%dma_wait3A_1204 : memref<72xi32, #tpu.memory_space<vmem>>)
        %dma_start3A_1206 = arith.constant 1 : i32
        %dma_start3A_1207 = arith.constant 0 : i32
        %dma_start3A_1208 = arith.constant 0 : i32
        %dma_start3A_1209 = arith.constant 0 : i32
        %dma_start3A_1210 = tpu.memref_slice %arg7[%scan3A_572, %dma_start3A_1208, %dma_start3A_1209] : memref<4x72x128xf32, #tpu.memory_space<vmem>> -> memref<1x72x128xf32, #tpu.memory_space<vmem>>
        %dma_start3A_1211 = tpu.memref_squeeze %dma_start3A_1210 : memref<1x72x128xf32, #tpu.memory_space<vmem>> -> memref<72x128xf32, #tpu.memory_space<vmem>>
        %dma_start3A_1212 = arith.constant 0 : i32
        %dma_start3A_1213 = tpu.memref_slice %arg5[%dma_start3A_1206, %dma_start3A_1207, %dma_start3A_1212] : memref<8x2x72xi32, #tpu.memory_space<vmem>> -> memref<1x1x72xi32, #tpu.memory_space<vmem>>
        %dma_start3A_1214 = tpu.memref_squeeze %dma_start3A_1213 : memref<1x1x72xi32, #tpu.memory_space<vmem>> -> memref<72xi32, #tpu.memory_space<vmem>>
        %dma_start3A_1215 = arith.constant 0 : i32
        %dma_start3A_1216 = arith.constant 0 : i32
        %dma_start3A_1217 = tpu.memref_slice %arg2[%dma_start3A_1215, %dma_start3A_1216] : memref<10000x128xf32, #tpu.memory_space<hbm>> -> memref<10000x128xf32, #tpu.memory_space<hbm>>
        tpu.enqueue_indirect_dma source(%dma_start3A_1217 : memref<10000x128xf32, #tpu.memory_space<hbm>>) target(%dma_start3A_1211 : memref<72x128xf32, #tpu.memory_space<vmem>>) offsets(%dma_start3A_1214 : memref<72xi32, #tpu.memory_space<vmem>>) semaphore(%arg10 : memref<!tpu.dma_semaphore, #tpu.memory_space<semaphore_mem>>)
      } else {
      }
      %add3A_1104 = arith.constant 8 : i32
      %add3A_1105 = arith.addi %add3A_1072, %add3A_1104 : i32
      %sub3A_1106 = arith.constant 1 : i32
      %sub3A_1107 = arith.subi %add3A_1105, %sub3A_1106 : i32
      %lt3A_1108 = arith.constant 138 : i32
      %lt3A_1109 = arith.cmpi slt, %sub3A_1107, %lt3A_1108 : i32
      %convert_element_type3A_1110 = arith.extui %lt3A_1109 : i1 to i32
      %cond3A_1111 = arith.constant 0 : i32
      %cond3A_1112 = arith.cmpi ne, %convert_element_type3A_1110, %cond3A_1111 : i32
      scf.if %cond3A_1112 {
        %add3A_1179 = arith.constant 8 : i32
        %add3A_1180 = arith.addi %add3A_1072, %add3A_1179 : i32
        %sub3A_1181 = arith.constant 1 : i32
        %sub3A_1182 = arith.subi %add3A_1180, %sub3A_1181 : i32
        %mul3A_1183 = arith.constant 72 : i32
        %mul3A_1184 = arith.muli %sub3A_1182, %mul3A_1183 : i32
        %add3A_1185 = arith.addi %mul3A_2, %mul3A_1184 : i32
        %dma_start3A_1186 = arith.constant 5 : i32
        %dma_start3A_1187 = arith.constant 0 : i32
        %dma_start3A_1188 = arith.constant 0 : i32
        %dma_start3A_1189 = tpu.memref_slice %arg5[%dma_start3A_1186, %dma_start3A_1187, %dma_start3A_1188] : memref<8x2x72xi32, #tpu.memory_space<vmem>> -> memref<1x1x72xi32, #tpu.memory_space<vmem>>
        %dma_start3A_1190 = tpu.memref_squeeze %dma_start3A_1189 : memref<1x1x72xi32, #tpu.memory_space<vmem>> -> memref<72xi32, #tpu.memory_space<vmem>>
        %dma_start3A_1191 = tpu.memref_slice %arg3[%add3A_1185] : memref<640000xi32, #tpu.memory_space<hbm>> -> memref<72xi32, #tpu.memory_space<hbm>>
        %dma_start3A_1192 = arith.constant 0 : i32
        %dma_start3A_1193 = tpu.memref_slice %arg5[%dma_start3A_1186, %dma_start3A_1187, %dma_start3A_1192] : memref<8x2x72xi32, #tpu.memory_space<vmem>> -> memref<1x1x72xi32, #tpu.memory_space<vmem>>
        %dma_start3A_1194 = tpu.memref_squeeze %dma_start3A_1193 : memref<1x1x72xi32, #tpu.memory_space<vmem>> -> memref<72xi32, #tpu.memory_space<vmem>>
        %dma_start3A_1195 = tpu.memref_slice %arg3[%add3A_1185] : memref<640000xi32, #tpu.memory_space<hbm>> -> memref<72xi32, #tpu.memory_space<hbm>>
        tpu.enqueue_dma source(%dma_start3A_1195 : memref<72xi32, #tpu.memory_space<hbm>>) target(%dma_start3A_1194 : memref<72xi32, #tpu.memory_space<vmem>>) target_semaphore(%arg22 : memref<!tpu.dma_semaphore, #tpu.memory_space<semaphore_mem>>)
        %add3A_1196 = arith.constant 320000 : i32
        %add3A_1197 = arith.addi %add3A_1196, %add3A_1185 : i32
        %dma_start3A_1198 = arith.constant 5 : i32
        %dma_start3A_1199 = arith.constant 1 : i32
        %dma_start3A_1200 = arith.constant 0 : i32
        %dma_start3A_1201 = tpu.memref_slice %arg5[%dma_start3A_1198, %dma_start3A_1199, %dma_start3A_1200] : memref<8x2x72xi32, #tpu.memory_space<vmem>> -> memref<1x1x72xi32, #tpu.memory_space<vmem>>
        %dma_start3A_1202 = tpu.memref_squeeze %dma_start3A_1201 : memref<1x1x72xi32, #tpu.memory_space<vmem>> -> memref<72xi32, #tpu.memory_space<vmem>>
        %dma_start3A_1203 = tpu.memref_slice %arg3[%add3A_1197] : memref<640000xi32, #tpu.memory_space<hbm>> -> memref<72xi32, #tpu.memory_space<hbm>>
        %dma_start3A_1204 = arith.constant 0 : i32
        %dma_start3A_1205 = tpu.memref_slice %arg5[%dma_start3A_1198, %dma_start3A_1199, %dma_start3A_1204] : memref<8x2x72xi32, #tpu.memory_space<vmem>> -> memref<1x1x72xi32, #tpu.memory_space<vmem>>
        %dma_start3A_1206 = tpu.memref_squeeze %dma_start3A_1205 : memref<1x1x72xi32, #tpu.memory_space<vmem>> -> memref<72xi32, #tpu.memory_space<vmem>>
        %dma_start3A_1207 = tpu.memref_slice %arg3[%add3A_1197] : memref<640000xi32, #tpu.memory_space<hbm>> -> memref<72xi32, #tpu.memory_space<hbm>>
        tpu.enqueue_dma source(%dma_start3A_1207 : memref<72xi32, #tpu.memory_space<hbm>>) target(%dma_start3A_1206 : memref<72xi32, #tpu.memory_space<vmem>>) target_semaphore(%arg22 : memref<!tpu.dma_semaphore, #tpu.memory_space<semaphore_mem>>)
      } else {
      }
      %dma_start3A_1113 = arith.constant 6 : i32
      %dma_start3A_1114 = arith.constant 1 : i32
      %dma_start3A_1115 = arith.constant 0 : i32
      %dma_start3A_1116 = arith.constant 0 : i32
      %dma_start3A_1117 = tpu.memref_slice %arg7[%scan3A_573, %dma_start3A_1115, %dma_start3A_1116] : memref<4x72x128xf32, #tpu.memory_space<vmem>> -> memref<1x72x128xf32, #tpu.memory_space<vmem>>
      %dma_start3A_1118 = tpu.memref_squeeze %dma_start3A_1117 : memref<1x72x128xf32, #tpu.memory_space<vmem>> -> memref<72x128xf32, #tpu.memory_space<vmem>>
      %dma_start3A_1119 = arith.constant 0 : i32
      %dma_start3A_1120 = tpu.memref_slice %arg5[%dma_start3A_1113, %dma_start3A_1114, %dma_start3A_1119] : memref<8x2x72xi32, #tpu.memory_space<vmem>> -> memref<1x1x72xi32, #tpu.memory_space<vmem>>
      %dma_start3A_1121 = tpu.memref_squeeze %dma_start3A_1120 : memref<1x1x72xi32, #tpu.memory_space<vmem>> -> memref<72xi32, #tpu.memory_space<vmem>>
      %dma_start3A_1122 = arith.constant 0 : i32
      %dma_start3A_1123 = arith.constant 0 : i32
      %dma_start3A_1124 = tpu.memref_slice %arg8[%dma_start3A_1122, %dma_start3A_1123] : memref<10000x128xf32, #tpu.memory_space<vmem_shared>> -> memref<10000x128xf32, #tpu.memory_space<vmem_shared>>
      tpu.enqueue_indirect_dma source(%dma_start3A_1118 : memref<72x128xf32, #tpu.memory_space<vmem>>) target(%dma_start3A_1124 : memref<10000x128xf32, #tpu.memory_space<vmem_shared>>) offsets(%dma_start3A_1121 : memref<72xi32, #tpu.memory_space<vmem>>) semaphore(%arg15 : memref<!tpu.dma_semaphore, #tpu.memory_space<semaphore_mem>>) {add = true}
      %add3A_1125 = arith.constant 7 : i32
      %add3A_1126 = arith.addi %mul3A_756, %add3A_1125 : i32
      %dma_wait3A_1127 = arith.constant 7 : i32
      %dma_wait3A_1128 = arith.constant 0 : i32
      %dma_wait3A_1129 = arith.constant 0 : i32
      %dma_wait3A_1130 = arith.constant 0 : i32
      %dma_wait3A_1131 = tpu.memref_slice %arg7[%scan3A_571, %dma_wait3A_1129, %dma_wait3A_1130] : memref<4x72x128xf32, #tpu.memory_space<vmem>> -> memref<1x72x128xf32, #tpu.memory_space<vmem>>
      %dma_wait3A_1132 = tpu.memref_squeeze %dma_wait3A_1131 : memref<1x72x128xf32, #tpu.memory_space<vmem>> -> memref<72x128xf32, #tpu.memory_space<vmem>>
      %dma_wait3A_1133 = arith.constant 0 : i32
      %dma_wait3A_1134 = tpu.memref_slice %arg5[%dma_wait3A_1127, %dma_wait3A_1128, %dma_wait3A_1133] : memref<8x2x72xi32, #tpu.memory_space<vmem>> -> memref<1x1x72xi32, #tpu.memory_space<vmem>>
      %dma_wait3A_1135 = tpu.memref_squeeze %dma_wait3A_1134 : memref<1x1x72xi32, #tpu.memory_space<vmem>> -> memref<72xi32, #tpu.memory_space<vmem>>
      %dma_wait3A_1136 = arith.constant 0 : i32
      %dma_wait3A_1137 = arith.constant 0 : i32
      %dma_wait3A_1138 = tpu.memref_slice %arg2[%dma_wait3A_1136, %dma_wait3A_1137] : memref<10000x128xf32, #tpu.memory_space<hbm>> -> memref<10000x128xf32, #tpu.memory_space<hbm>>
      tpu.wait_indirect_dma semaphore(%arg12 : memref<!tpu.dma_semaphore, #tpu.memory_space<semaphore_mem>>) src(%dma_wait3A_1138 : memref<10000x128xf32, #tpu.memory_space<hbm>>) dst(%dma_wait3A_1132 : memref<72x128xf32, #tpu.memory_space<vmem>>)
      %dma_wait3A_1139 = arith.constant 6 : i32
      %dma_wait3A_1140 = arith.constant 1 : i32
      %dma_wait3A_1141 = arith.constant 0 : i32
      %dma_wait3A_1142 = arith.constant 0 : i32
      %dma_wait3A_1143 = tpu.memref_slice %arg7[%scan3A_573, %dma_wait3A_1141, %dma_wait3A_1142] : memref<4x72x128xf32, #tpu.memory_space<vmem>> -> memref<1x72x128xf32, #tpu.memory_space<vmem>>
      %dma_wait3A_1144 = tpu.memref_squeeze %dma_wait3A_1143 : memref<1x72x128xf32, #tpu.memory_space<vmem>> -> memref<72x128xf32, #tpu.memory_space<vmem>>
      %dma_wait3A_1145 = arith.constant 0 : i32
      %dma_wait3A_1146 = tpu.memref_slice %arg5[%dma_wait3A_1139, %dma_wait3A_1140, %dma_wait3A_1145] : memref<8x2x72xi32, #tpu.memory_space<vmem>> -> memref<1x1x72xi32, #tpu.memory_space<vmem>>
      %dma_wait3A_1147 = tpu.memref_squeeze %dma_wait3A_1146 : memref<1x1x72xi32, #tpu.memory_space<vmem>> -> memref<72xi32, #tpu.memory_space<vmem>>
      %dma_wait3A_1148 = arith.constant 0 : i32
      %dma_wait3A_1149 = arith.constant 0 : i32
      %dma_wait3A_1150 = tpu.memref_slice %arg8[%dma_wait3A_1148, %dma_wait3A_1149] : memref<10000x128xf32, #tpu.memory_space<vmem_shared>> -> memref<10000x128xf32, #tpu.memory_space<vmem_shared>>
      tpu.wait_indirect_dma semaphore(%arg15 : memref<!tpu.dma_semaphore, #tpu.memory_space<semaphore_mem>>) src(%dma_wait3A_1144 : memref<72x128xf32, #tpu.memory_space<vmem>>) dst(%dma_wait3A_1150 : memref<10000x128xf32, #tpu.memory_space<vmem_shared>>)
      %add3A_1151 = arith.constant 3 : i32
      %add3A_1152 = arith.addi %add3A_1126, %add3A_1151 : i32
      %lt3A_1153 = arith.constant 138 : i32
      %lt3A_1154 = arith.cmpi slt, %add3A_1152, %lt3A_1153 : i32
      %convert_element_type3A_1155 = arith.extui %lt3A_1154 : i1 to i32
      %cond3A_1156 = arith.constant 0 : i32
      %cond3A_1157 = arith.cmpi ne, %convert_element_type3A_1155, %cond3A_1156 : i32
      scf.if %cond3A_1157 {
        %add3A_1179 = arith.constant 3 : i32
        %add3A_1180 = arith.addi %add3A_1126, %add3A_1179 : i32
        %mul3A_1181 = arith.constant 72 : i32
        %mul3A_1182 = arith.muli %add3A_1180, %mul3A_1181 : i32
        %add3A_1183 = arith.addi %mul3A_2, %mul3A_1182 : i32
        %dma_wait3A_1184 = arith.constant 2 : i32
        %dma_wait3A_1185 = arith.constant 0 : i32
        %dma_wait3A_1186 = arith.constant 0 : i32
        %dma_wait3A_1187 = tpu.memref_slice %arg5[%dma_wait3A_1184, %dma_wait3A_1185, %dma_wait3A_1186] : memref<8x2x72xi32, #tpu.memory_space<vmem>> -> memref<1x1x72xi32, #tpu.memory_space<vmem>>
        %dma_wait3A_1188 = tpu.memref_squeeze %dma_wait3A_1187 : memref<1x1x72xi32, #tpu.memory_space<vmem>> -> memref<72xi32, #tpu.memory_space<vmem>>
        %dma_wait3A_1189 = tpu.memref_slice %arg3[%add3A_1183] : memref<640000xi32, #tpu.memory_space<hbm>> -> memref<72xi32, #tpu.memory_space<hbm>>
        %dma_wait3A_1190 = arith.constant 0 : i32
        %dma_wait3A_1191 = tpu.memref_slice %arg5[%dma_wait3A_1184, %dma_wait3A_1185, %dma_wait3A_1190] : memref<8x2x72xi32, #tpu.memory_space<vmem>> -> memref<1x1x72xi32, #tpu.memory_space<vmem>>
        %dma_wait3A_1192 = tpu.memref_squeeze %dma_wait3A_1191 : memref<1x1x72xi32, #tpu.memory_space<vmem>> -> memref<72xi32, #tpu.memory_space<vmem>>
        %dma_wait3A_1193 = tpu.memref_slice %arg3[%add3A_1183] : memref<640000xi32, #tpu.memory_space<hbm>> -> memref<72xi32, #tpu.memory_space<hbm>>
        tpu.wait_dma2 semaphore(%arg19 : memref<!tpu.dma_semaphore, #tpu.memory_space<semaphore_mem>>) src(%dma_wait3A_1193 : memref<72xi32, #tpu.memory_space<hbm>>) dst(%dma_wait3A_1192 : memref<72xi32, #tpu.memory_space<vmem>>)
        %add3A_1194 = arith.constant 320000 : i32
        %add3A_1195 = arith.addi %add3A_1194, %add3A_1183 : i32
        %dma_wait3A_1196 = arith.constant 2 : i32
        %dma_wait3A_1197 = arith.constant 1 : i32
        %dma_wait3A_1198 = arith.constant 0 : i32
        %dma_wait3A_1199 = tpu.memref_slice %arg5[%dma_wait3A_1196, %dma_wait3A_1197, %dma_wait3A_1198] : memref<8x2x72xi32, #tpu.memory_space<vmem>> -> memref<1x1x72xi32, #tpu.memory_space<vmem>>
        %dma_wait3A_1200 = tpu.memref_squeeze %dma_wait3A_1199 : memref<1x1x72xi32, #tpu.memory_space<vmem>> -> memref<72xi32, #tpu.memory_space<vmem>>
        %dma_wait3A_1201 = tpu.memref_slice %arg3[%add3A_1195] : memref<640000xi32, #tpu.memory_space<hbm>> -> memref<72xi32, #tpu.memory_space<hbm>>
        %dma_wait3A_1202 = arith.constant 0 : i32
        %dma_wait3A_1203 = tpu.memref_slice %arg5[%dma_wait3A_1196, %dma_wait3A_1197, %dma_wait3A_1202] : memref<8x2x72xi32, #tpu.memory_space<vmem>> -> memref<1x1x72xi32, #tpu.memory_space<vmem>>
        %dma_wait3A_1204 = tpu.memref_squeeze %dma_wait3A_1203 : memref<1x1x72xi32, #tpu.memory_space<vmem>> -> memref<72xi32, #tpu.memory_space<vmem>>
        %dma_wait3A_1205 = tpu.memref_slice %arg3[%add3A_1195] : memref<640000xi32, #tpu.memory_space<hbm>> -> memref<72xi32, #tpu.memory_space<hbm>>
        tpu.wait_dma2 semaphore(%arg19 : memref<!tpu.dma_semaphore, #tpu.memory_space<semaphore_mem>>) src(%dma_wait3A_1205 : memref<72xi32, #tpu.memory_space<hbm>>) dst(%dma_wait3A_1204 : memref<72xi32, #tpu.memory_space<vmem>>)
        %dma_start3A_1206 = arith.constant 2 : i32
        %dma_start3A_1207 = arith.constant 0 : i32
        %dma_start3A_1208 = arith.constant 0 : i32
        %dma_start3A_1209 = arith.constant 0 : i32
        %dma_start3A_1210 = tpu.memref_slice %arg7[%scan3A_573, %dma_start3A_1208, %dma_start3A_1209] : memref<4x72x128xf32, #tpu.memory_space<vmem>> -> memref<1x72x128xf32, #tpu.memory_space<vmem>>
        %dma_start3A_1211 = tpu.memref_squeeze %dma_start3A_1210 : memref<1x72x128xf32, #tpu.memory_space<vmem>> -> memref<72x128xf32, #tpu.memory_space<vmem>>
        %dma_start3A_1212 = arith.constant 0 : i32
        %dma_start3A_1213 = tpu.memref_slice %arg5[%dma_start3A_1206, %dma_start3A_1207, %dma_start3A_1212] : memref<8x2x72xi32, #tpu.memory_space<vmem>> -> memref<1x1x72xi32, #tpu.memory_space<vmem>>
        %dma_start3A_1214 = tpu.memref_squeeze %dma_start3A_1213 : memref<1x1x72xi32, #tpu.memory_space<vmem>> -> memref<72xi32, #tpu.memory_space<vmem>>
        %dma_start3A_1215 = arith.constant 0 : i32
        %dma_start3A_1216 = arith.constant 0 : i32
        %dma_start3A_1217 = tpu.memref_slice %arg2[%dma_start3A_1215, %dma_start3A_1216] : memref<10000x128xf32, #tpu.memory_space<hbm>> -> memref<10000x128xf32, #tpu.memory_space<hbm>>
        tpu.enqueue_indirect_dma source(%dma_start3A_1217 : memref<10000x128xf32, #tpu.memory_space<hbm>>) target(%dma_start3A_1211 : memref<72x128xf32, #tpu.memory_space<vmem>>) offsets(%dma_start3A_1214 : memref<72xi32, #tpu.memory_space<vmem>>) semaphore(%arg11 : memref<!tpu.dma_semaphore, #tpu.memory_space<semaphore_mem>>)
      } else {
      }
      %add3A_1158 = arith.constant 8 : i32
      %add3A_1159 = arith.addi %add3A_1126, %add3A_1158 : i32
      %sub3A_1160 = arith.constant 1 : i32
      %sub3A_1161 = arith.subi %add3A_1159, %sub3A_1160 : i32
      %lt3A_1162 = arith.constant 138 : i32
      %lt3A_1163 = arith.cmpi slt, %sub3A_1161, %lt3A_1162 : i32
      %convert_element_type3A_1164 = arith.extui %lt3A_1163 : i1 to i32
      %cond3A_1165 = arith.constant 0 : i32
      %cond3A_1166 = arith.cmpi ne, %convert_element_type3A_1164, %cond3A_1165 : i32
      scf.if %cond3A_1166 {
        %add3A_1179 = arith.constant 8 : i32
        %add3A_1180 = arith.addi %add3A_1126, %add3A_1179 : i32
        %sub3A_1181 = arith.constant 1 : i32
        %sub3A_1182 = arith.subi %add3A_1180, %sub3A_1181 : i32
        %mul3A_1183 = arith.constant 72 : i32
        %mul3A_1184 = arith.muli %sub3A_1182, %mul3A_1183 : i32
        %add3A_1185 = arith.addi %mul3A_2, %mul3A_1184 : i32
        %dma_start3A_1186 = arith.constant 6 : i32
        %dma_start3A_1187 = arith.constant 0 : i32
        %dma_start3A_1188 = arith.constant 0 : i32
        %dma_start3A_1189 = tpu.memref_slice %arg5[%dma_start3A_1186, %dma_start3A_1187, %dma_start3A_1188] : memref<8x2x72xi32, #tpu.memory_space<vmem>> -> memref<1x1x72xi32, #tpu.memory_space<vmem>>
        %dma_start3A_1190 = tpu.memref_squeeze %dma_start3A_1189 : memref<1x1x72xi32, #tpu.memory_space<vmem>> -> memref<72xi32, #tpu.memory_space<vmem>>
        %dma_start3A_1191 = tpu.memref_slice %arg3[%add3A_1185] : memref<640000xi32, #tpu.memory_space<hbm>> -> memref<72xi32, #tpu.memory_space<hbm>>
        %dma_start3A_1192 = arith.constant 0 : i32
        %dma_start3A_1193 = tpu.memref_slice %arg5[%dma_start3A_1186, %dma_start3A_1187, %dma_start3A_1192] : memref<8x2x72xi32, #tpu.memory_space<vmem>> -> memref<1x1x72xi32, #tpu.memory_space<vmem>>
        %dma_start3A_1194 = tpu.memref_squeeze %dma_start3A_1193 : memref<1x1x72xi32, #tpu.memory_space<vmem>> -> memref<72xi32, #tpu.memory_space<vmem>>
        %dma_start3A_1195 = tpu.memref_slice %arg3[%add3A_1185] : memref<640000xi32, #tpu.memory_space<hbm>> -> memref<72xi32, #tpu.memory_space<hbm>>
        tpu.enqueue_dma source(%dma_start3A_1195 : memref<72xi32, #tpu.memory_space<hbm>>) target(%dma_start3A_1194 : memref<72xi32, #tpu.memory_space<vmem>>) target_semaphore(%arg23 : memref<!tpu.dma_semaphore, #tpu.memory_space<semaphore_mem>>)
        %add3A_1196 = arith.constant 320000 : i32
        %add3A_1197 = arith.addi %add3A_1196, %add3A_1185 : i32
        %dma_start3A_1198 = arith.constant 6 : i32
        %dma_start3A_1199 = arith.constant 1 : i32
        %dma_start3A_1200 = arith.constant 0 : i32
        %dma_start3A_1201 = tpu.memref_slice %arg5[%dma_start3A_1198, %dma_start3A_1199, %dma_start3A_1200] : memref<8x2x72xi32, #tpu.memory_space<vmem>> -> memref<1x1x72xi32, #tpu.memory_space<vmem>>
        %dma_start3A_1202 = tpu.memref_squeeze %dma_start3A_1201 : memref<1x1x72xi32, #tpu.memory_space<vmem>> -> memref<72xi32, #tpu.memory_space<vmem>>
        %dma_start3A_1203 = tpu.memref_slice %arg3[%add3A_1197] : memref<640000xi32, #tpu.memory_space<hbm>> -> memref<72xi32, #tpu.memory_space<hbm>>
        %dma_start3A_1204 = arith.constant 0 : i32
        %dma_start3A_1205 = tpu.memref_slice %arg5[%dma_start3A_1198, %dma_start3A_1199, %dma_start3A_1204] : memref<8x2x72xi32, #tpu.memory_space<vmem>> -> memref<1x1x72xi32, #tpu.memory_space<vmem>>
        %dma_start3A_1206 = tpu.memref_squeeze %dma_start3A_1205 : memref<1x1x72xi32, #tpu.memory_space<vmem>> -> memref<72xi32, #tpu.memory_space<vmem>>
        %dma_start3A_1207 = tpu.memref_slice %arg3[%add3A_1197] : memref<640000xi32, #tpu.memory_space<hbm>> -> memref<72xi32, #tpu.memory_space<hbm>>
        tpu.enqueue_dma source(%dma_start3A_1207 : memref<72xi32, #tpu.memory_space<hbm>>) target(%dma_start3A_1206 : memref<72xi32, #tpu.memory_space<vmem>>) target_semaphore(%arg23 : memref<!tpu.dma_semaphore, #tpu.memory_space<semaphore_mem>>)
      } else {
      }
      %dma_start3A_1167 = arith.constant 7 : i32
      %dma_start3A_1168 = arith.constant 1 : i32
      %dma_start3A_1169 = arith.constant 0 : i32
      %dma_start3A_1170 = arith.constant 0 : i32
      %dma_start3A_1171 = tpu.memref_slice %arg7[%scan3A_571, %dma_start3A_1169, %dma_start3A_1170] : memref<4x72x128xf32, #tpu.memory_space<vmem>> -> memref<1x72x128xf32, #tpu.memory_space<vmem>>
      %dma_start3A_1172 = tpu.memref_squeeze %dma_start3A_1171 : memref<1x72x128xf32, #tpu.memory_space<vmem>> -> memref<72x128xf32, #tpu.memory_space<vmem>>
      %dma_start3A_1173 = arith.constant 0 : i32
      %dma_start3A_1174 = tpu.memref_slice %arg5[%dma_start3A_1167, %dma_start3A_1168, %dma_start3A_1173] : memref<8x2x72xi32, #tpu.memory_space<vmem>> -> memref<1x1x72xi32, #tpu.memory_space<vmem>>
      %dma_start3A_1175 = tpu.memref_squeeze %dma_start3A_1174 : memref<1x1x72xi32, #tpu.memory_space<vmem>> -> memref<72xi32, #tpu.memory_space<vmem>>
      %dma_start3A_1176 = arith.constant 0 : i32
      %dma_start3A_1177 = arith.constant 0 : i32
      %dma_start3A_1178 = tpu.memref_slice %arg8[%dma_start3A_1176, %dma_start3A_1177] : memref<10000x128xf32, #tpu.memory_space<vmem_shared>> -> memref<10000x128xf32, #tpu.memory_space<vmem_shared>>
      tpu.enqueue_indirect_dma source(%dma_start3A_1172 : memref<72x128xf32, #tpu.memory_space<vmem>>) target(%dma_start3A_1178 : memref<10000x128xf32, #tpu.memory_space<vmem_shared>>) offsets(%dma_start3A_1175 : memref<72xi32, #tpu.memory_space<vmem>>) semaphore(%arg16 : memref<!tpu.dma_semaphore, #tpu.memory_space<semaphore_mem>>) {add = true}
    }
    %scan3A_578 = arith.constant 17 : i32
    %add3A_579 = arith.constant 9936 : i32
    %add3A_580 = arith.addi %mul3A_2, %add3A_579 : i32
    %dma_start3A_581 = arith.constant 0 : i32
    %dma_start3A_582 = arith.constant 0 : i32
    %dma_start3A_583 = tpu.memref_slice %arg6[%dma_start3A_581, %dma_start3A_582] : memref<2x64xi32, #tpu.memory_space<vmem>> -> memref<1x64xi32, #tpu.memory_space<vmem>>
    %dma_start3A_584 = tpu.memref_squeeze %dma_start3A_583 : memref<1x64xi32, #tpu.memory_space<vmem>> -> memref<64xi32, #tpu.memory_space<vmem>>
    %dma_start3A_585 = tpu.memref_slice %arg3[%add3A_580] : memref<640000xi32, #tpu.memory_space<hbm>> -> memref<64xi32, #tpu.memory_space<hbm>>
    %dma_start3A_586 = arith.constant 0 : i32
    %dma_start3A_587 = tpu.memref_slice %arg6[%dma_start3A_581, %dma_start3A_586] : memref<2x64xi32, #tpu.memory_space<vmem>> -> memref<1x64xi32, #tpu.memory_space<vmem>>
    %dma_start3A_588 = tpu.memref_squeeze %dma_start3A_587 : memref<1x64xi32, #tpu.memory_space<vmem>> -> memref<64xi32, #tpu.memory_space<vmem>>
    %dma_start3A_589 = tpu.memref_slice %arg3[%add3A_580] : memref<640000xi32, #tpu.memory_space<hbm>> -> memref<64xi32, #tpu.memory_space<hbm>>
    tpu.enqueue_dma source(%dma_start3A_589 : memref<64xi32, #tpu.memory_space<hbm>>) target(%dma_start3A_588 : memref<64xi32, #tpu.memory_space<vmem>>) target_semaphore(%arg25 : memref<!tpu.dma_semaphore, #tpu.memory_space<semaphore_mem>>)
    %add3A_590 = arith.constant 320000 : i32
    %add3A_591 = arith.addi %add3A_590, %add3A_580 : i32
    %dma_start3A_592 = arith.constant 1 : i32
    %dma_start3A_593 = arith.constant 0 : i32
    %dma_start3A_594 = tpu.memref_slice %arg6[%dma_start3A_592, %dma_start3A_593] : memref<2x64xi32, #tpu.memory_space<vmem>> -> memref<1x64xi32, #tpu.memory_space<vmem>>
    %dma_start3A_595 = tpu.memref_squeeze %dma_start3A_594 : memref<1x64xi32, #tpu.memory_space<vmem>> -> memref<64xi32, #tpu.memory_space<vmem>>
    %dma_start3A_596 = tpu.memref_slice %arg3[%add3A_591] : memref<640000xi32, #tpu.memory_space<hbm>> -> memref<64xi32, #tpu.memory_space<hbm>>
    %dma_start3A_597 = arith.constant 0 : i32
    %dma_start3A_598 = tpu.memref_slice %arg6[%dma_start3A_592, %dma_start3A_597] : memref<2x64xi32, #tpu.memory_space<vmem>> -> memref<1x64xi32, #tpu.memory_space<vmem>>
    %dma_start3A_599 = tpu.memref_squeeze %dma_start3A_598 : memref<1x64xi32, #tpu.memory_space<vmem>> -> memref<64xi32, #tpu.memory_space<vmem>>
    %dma_start3A_600 = tpu.memref_slice %arg3[%add3A_591] : memref<640000xi32, #tpu.memory_space<hbm>> -> memref<64xi32, #tpu.memory_space<hbm>>
    tpu.enqueue_dma source(%dma_start3A_600 : memref<64xi32, #tpu.memory_space<hbm>>) target(%dma_start3A_599 : memref<64xi32, #tpu.memory_space<vmem>>) target_semaphore(%arg25 : memref<!tpu.dma_semaphore, #tpu.memory_space<semaphore_mem>>)
    %dma_wait3A_601 = arith.constant 0 : i32
    %dma_wait3A_602 = arith.constant 0 : i32
    %dma_wait3A_603 = arith.constant 0 : i32
    %dma_wait3A_604 = arith.constant 0 : i32
    %dma_wait3A_605 = arith.constant 0 : i32
    %dma_wait3A_606 = tpu.memref_slice %arg7[%dma_wait3A_603, %dma_wait3A_604, %dma_wait3A_605] : memref<4x72x128xf32, #tpu.memory_space<vmem>> -> memref<1x72x128xf32, #tpu.memory_space<vmem>>
    %dma_wait3A_607 = tpu.memref_squeeze %dma_wait3A_606 : memref<1x72x128xf32, #tpu.memory_space<vmem>> -> memref<72x128xf32, #tpu.memory_space<vmem>>
    %dma_wait3A_608 = arith.constant 0 : i32
    %dma_wait3A_609 = tpu.memref_slice %arg5[%dma_wait3A_601, %dma_wait3A_602, %dma_wait3A_608] : memref<8x2x72xi32, #tpu.memory_space<vmem>> -> memref<1x1x72xi32, #tpu.memory_space<vmem>>
    %dma_wait3A_610 = tpu.memref_squeeze %dma_wait3A_609 : memref<1x1x72xi32, #tpu.memory_space<vmem>> -> memref<72xi32, #tpu.memory_space<vmem>>
    %dma_wait3A_611 = arith.constant 0 : i32
    %dma_wait3A_612 = arith.constant 0 : i32
    %dma_wait3A_613 = tpu.memref_slice %arg2[%dma_wait3A_611, %dma_wait3A_612] : memref<10000x128xf32, #tpu.memory_space<hbm>> -> memref<10000x128xf32, #tpu.memory_space<hbm>>
    tpu.wait_indirect_dma semaphore(%arg9 : memref<!tpu.dma_semaphore, #tpu.memory_space<semaphore_mem>>) src(%dma_wait3A_613 : memref<10000x128xf32, #tpu.memory_space<hbm>>) dst(%dma_wait3A_607 : memref<72x128xf32, #tpu.memory_space<vmem>>)
    %dma_wait3A_614 = arith.constant 3 : i32
    %dma_wait3A_615 = arith.constant 7 : i32
    %dma_wait3A_616 = arith.constant 1 : i32
    %dma_wait3A_617 = arith.constant 0 : i32
    %dma_wait3A_618 = arith.constant 0 : i32
    %dma_wait3A_619 = tpu.memref_slice %arg7[%dma_wait3A_614, %dma_wait3A_617, %dma_wait3A_618] : memref<4x72x128xf32, #tpu.memory_space<vmem>> -> memref<1x72x128xf32, #tpu.memory_space<vmem>>
    %dma_wait3A_620 = tpu.memref_squeeze %dma_wait3A_619 : memref<1x72x128xf32, #tpu.memory_space<vmem>> -> memref<72x128xf32, #tpu.memory_space<vmem>>
    %dma_wait3A_621 = arith.constant 0 : i32
    %dma_wait3A_622 = tpu.memref_slice %arg5[%dma_wait3A_615, %dma_wait3A_616, %dma_wait3A_621] : memref<8x2x72xi32, #tpu.memory_space<vmem>> -> memref<1x1x72xi32, #tpu.memory_space<vmem>>
    %dma_wait3A_623 = tpu.memref_squeeze %dma_wait3A_622 : memref<1x1x72xi32, #tpu.memory_space<vmem>> -> memref<72xi32, #tpu.memory_space<vmem>>
    %dma_wait3A_624 = arith.constant 0 : i32
    %dma_wait3A_625 = arith.constant 0 : i32
    %dma_wait3A_626 = tpu.memref_slice %arg8[%dma_wait3A_624, %dma_wait3A_625] : memref<10000x128xf32, #tpu.memory_space<vmem_shared>> -> memref<10000x128xf32, #tpu.memory_space<vmem_shared>>
    tpu.wait_indirect_dma semaphore(%arg16 : memref<!tpu.dma_semaphore, #tpu.memory_space<semaphore_mem>>) src(%dma_wait3A_620 : memref<72x128xf32, #tpu.memory_space<vmem>>) dst(%dma_wait3A_626 : memref<10000x128xf32, #tpu.memory_space<vmem_shared>>)
    %dma_start3A_627 = arith.constant 0 : i32
    %dma_start3A_628 = arith.constant 0 : i32
    %dma_start3A_629 = arith.constant 1 : i32
    %dma_start3A_630 = arith.constant 0 : i32
    %dma_start3A_631 = arith.constant 0 : i32
    %dma_start3A_632 = tpu.memref_slice %arg7[%dma_start3A_627, %dma_start3A_630, %dma_start3A_631] : memref<4x72x128xf32, #tpu.memory_space<vmem>> -> memref<1x72x128xf32, #tpu.memory_space<vmem>>
    %dma_start3A_633 = tpu.memref_squeeze %dma_start3A_632 : memref<1x72x128xf32, #tpu.memory_space<vmem>> -> memref<72x128xf32, #tpu.memory_space<vmem>>
    %dma_start3A_634 = arith.constant 0 : i32
    %dma_start3A_635 = tpu.memref_slice %arg5[%dma_start3A_628, %dma_start3A_629, %dma_start3A_634] : memref<8x2x72xi32, #tpu.memory_space<vmem>> -> memref<1x1x72xi32, #tpu.memory_space<vmem>>
    %dma_start3A_636 = tpu.memref_squeeze %dma_start3A_635 : memref<1x1x72xi32, #tpu.memory_space<vmem>> -> memref<72xi32, #tpu.memory_space<vmem>>
    %dma_start3A_637 = arith.constant 0 : i32
    %dma_start3A_638 = arith.constant 0 : i32
    %dma_start3A_639 = tpu.memref_slice %arg8[%dma_start3A_637, %dma_start3A_638] : memref<10000x128xf32, #tpu.memory_space<vmem_shared>> -> memref<10000x128xf32, #tpu.memory_space<vmem_shared>>
    tpu.enqueue_indirect_dma source(%dma_start3A_633 : memref<72x128xf32, #tpu.memory_space<vmem>>) target(%dma_start3A_639 : memref<10000x128xf32, #tpu.memory_space<vmem_shared>>) offsets(%dma_start3A_636 : memref<72xi32, #tpu.memory_space<vmem>>) semaphore(%arg13 : memref<!tpu.dma_semaphore, #tpu.memory_space<semaphore_mem>>) {add = true}
    %dma_wait3A_640 = arith.constant 1 : i32
    %dma_wait3A_641 = arith.constant 0 : i32
    %dma_wait3A_642 = arith.constant 1 : i32
    %dma_wait3A_643 = arith.constant 0 : i32
    %dma_wait3A_644 = arith.constant 0 : i32
    %dma_wait3A_645 = tpu.memref_slice %arg7[%dma_wait3A_642, %dma_wait3A_643, %dma_wait3A_644] : memref<4x72x128xf32, #tpu.memory_space<vmem>> -> memref<1x72x128xf32, #tpu.memory_space<vmem>>
    %dma_wait3A_646 = tpu.memref_squeeze %dma_wait3A_645 : memref<1x72x128xf32, #tpu.memory_space<vmem>> -> memref<72x128xf32, #tpu.memory_space<vmem>>
    %dma_wait3A_647 = arith.constant 0 : i32
    %dma_wait3A_648 = tpu.memref_slice %arg5[%dma_wait3A_640, %dma_wait3A_641, %dma_wait3A_647] : memref<8x2x72xi32, #tpu.memory_space<vmem>> -> memref<1x1x72xi32, #tpu.memory_space<vmem>>
    %dma_wait3A_649 = tpu.memref_squeeze %dma_wait3A_648 : memref<1x1x72xi32, #tpu.memory_space<vmem>> -> memref<72xi32, #tpu.memory_space<vmem>>
    %dma_wait3A_650 = arith.constant 0 : i32
    %dma_wait3A_651 = arith.constant 0 : i32
    %dma_wait3A_652 = tpu.memref_slice %arg2[%dma_wait3A_650, %dma_wait3A_651] : memref<10000x128xf32, #tpu.memory_space<hbm>> -> memref<10000x128xf32, #tpu.memory_space<hbm>>
    tpu.wait_indirect_dma semaphore(%arg10 : memref<!tpu.dma_semaphore, #tpu.memory_space<semaphore_mem>>) src(%dma_wait3A_652 : memref<10000x128xf32, #tpu.memory_space<hbm>>) dst(%dma_wait3A_646 : memref<72x128xf32, #tpu.memory_space<vmem>>)
    %dma_wait3A_653 = arith.constant 0 : i32
    %dma_wait3A_654 = arith.constant 0 : i32
    %dma_wait3A_655 = tpu.memref_slice %arg6[%dma_wait3A_653, %dma_wait3A_654] : memref<2x64xi32, #tpu.memory_space<vmem>> -> memref<1x64xi32, #tpu.memory_space<vmem>>
    %dma_wait3A_656 = tpu.memref_squeeze %dma_wait3A_655 : memref<1x64xi32, #tpu.memory_space<vmem>> -> memref<64xi32, #tpu.memory_space<vmem>>
    %dma_wait3A_657 = tpu.memref_slice %arg3[%add3A_580] : memref<640000xi32, #tpu.memory_space<hbm>> -> memref<64xi32, #tpu.memory_space<hbm>>
    %dma_wait3A_658 = arith.constant 0 : i32
    %dma_wait3A_659 = tpu.memref_slice %arg6[%dma_wait3A_653, %dma_wait3A_658] : memref<2x64xi32, #tpu.memory_space<vmem>> -> memref<1x64xi32, #tpu.memory_space<vmem>>
    %dma_wait3A_660 = tpu.memref_squeeze %dma_wait3A_659 : memref<1x64xi32, #tpu.memory_space<vmem>> -> memref<64xi32, #tpu.memory_space<vmem>>
    %dma_wait3A_661 = tpu.memref_slice %arg3[%add3A_580] : memref<640000xi32, #tpu.memory_space<hbm>> -> memref<64xi32, #tpu.memory_space<hbm>>
    tpu.wait_dma2 semaphore(%arg25 : memref<!tpu.dma_semaphore, #tpu.memory_space<semaphore_mem>>) src(%dma_wait3A_661 : memref<64xi32, #tpu.memory_space<hbm>>) dst(%dma_wait3A_660 : memref<64xi32, #tpu.memory_space<vmem>>)
    %add3A_662 = arith.constant 320000 : i32
    %add3A_663 = arith.addi %add3A_662, %add3A_580 : i32
    %dma_wait3A_664 = arith.constant 1 : i32
    %dma_wait3A_665 = arith.constant 0 : i32
    %dma_wait3A_666 = tpu.memref_slice %arg6[%dma_wait3A_664, %dma_wait3A_665] : memref<2x64xi32, #tpu.memory_space<vmem>> -> memref<1x64xi32, #tpu.memory_space<vmem>>
    %dma_wait3A_667 = tpu.memref_squeeze %dma_wait3A_666 : memref<1x64xi32, #tpu.memory_space<vmem>> -> memref<64xi32, #tpu.memory_space<vmem>>
    %dma_wait3A_668 = tpu.memref_slice %arg3[%add3A_663] : memref<640000xi32, #tpu.memory_space<hbm>> -> memref<64xi32, #tpu.memory_space<hbm>>
    %dma_wait3A_669 = arith.constant 0 : i32
    %dma_wait3A_670 = tpu.memref_slice %arg6[%dma_wait3A_664, %dma_wait3A_669] : memref<2x64xi32, #tpu.memory_space<vmem>> -> memref<1x64xi32, #tpu.memory_space<vmem>>
    %dma_wait3A_671 = tpu.memref_squeeze %dma_wait3A_670 : memref<1x64xi32, #tpu.memory_space<vmem>> -> memref<64xi32, #tpu.memory_space<vmem>>
    %dma_wait3A_672 = tpu.memref_slice %arg3[%add3A_663] : memref<640000xi32, #tpu.memory_space<hbm>> -> memref<64xi32, #tpu.memory_space<hbm>>
    tpu.wait_dma2 semaphore(%arg25 : memref<!tpu.dma_semaphore, #tpu.memory_space<semaphore_mem>>) src(%dma_wait3A_672 : memref<64xi32, #tpu.memory_space<hbm>>) dst(%dma_wait3A_671 : memref<64xi32, #tpu.memory_space<vmem>>)
    %dma_start3A_673 = arith.constant 0 : i32
    %dma_start3A_674 = arith.constant 2 : i32
    %dma_start3A_675 = arith.constant 0 : i32
    %dma_start3A_676 = arith.constant 0 : i32
    %dma_start3A_677 = tpu.memref_slice %arg7[%dma_start3A_674, %dma_start3A_675, %dma_start3A_676] : memref<4x72x128xf32, #tpu.memory_space<vmem>> -> memref<1x72x128xf32, #tpu.memory_space<vmem>>
    %dma_start3A_678 = tpu.memref_squeeze %dma_start3A_677 : memref<1x72x128xf32, #tpu.memory_space<vmem>> -> memref<72x128xf32, #tpu.memory_space<vmem>>
    %dma_start3A_679 = arith.constant 0 : i32
    %dma_start3A_680 = arith.constant 0 : i32
    %dma_start3A_681 = tpu.memref_slice %dma_start3A_678[%dma_start3A_679, %dma_start3A_680] : memref<72x128xf32, #tpu.memory_space<vmem>> -> memref<64x128xf32, #tpu.memory_space<vmem>>
    %dma_start3A_682 = arith.constant 0 : i32
    %dma_start3A_683 = tpu.memref_slice %arg6[%dma_start3A_673, %dma_start3A_682] : memref<2x64xi32, #tpu.memory_space<vmem>> -> memref<1x64xi32, #tpu.memory_space<vmem>>
    %dma_start3A_684 = tpu.memref_squeeze %dma_start3A_683 : memref<1x64xi32, #tpu.memory_space<vmem>> -> memref<64xi32, #tpu.memory_space<vmem>>
    %dma_start3A_685 = arith.constant 0 : i32
    %dma_start3A_686 = arith.constant 0 : i32
    %dma_start3A_687 = tpu.memref_slice %arg2[%dma_start3A_685, %dma_start3A_686] : memref<10000x128xf32, #tpu.memory_space<hbm>> -> memref<10000x128xf32, #tpu.memory_space<hbm>>
    tpu.enqueue_indirect_dma source(%dma_start3A_687 : memref<10000x128xf32, #tpu.memory_space<hbm>>) target(%dma_start3A_681 : memref<64x128xf32, #tpu.memory_space<vmem>>) offsets(%dma_start3A_684 : memref<64xi32, #tpu.memory_space<vmem>>) semaphore(%arg11 : memref<!tpu.dma_semaphore, #tpu.memory_space<semaphore_mem>>)
    %dma_start3A_688 = arith.constant 1 : i32
    %dma_start3A_689 = arith.constant 1 : i32
    %dma_start3A_690 = arith.constant 1 : i32
    %dma_start3A_691 = arith.constant 0 : i32
    %dma_start3A_692 = arith.constant 0 : i32
    %dma_start3A_693 = tpu.memref_slice %arg7[%dma_start3A_688, %dma_start3A_691, %dma_start3A_692] : memref<4x72x128xf32, #tpu.memory_space<vmem>> -> memref<1x72x128xf32, #tpu.memory_space<vmem>>
    %dma_start3A_694 = tpu.memref_squeeze %dma_start3A_693 : memref<1x72x128xf32, #tpu.memory_space<vmem>> -> memref<72x128xf32, #tpu.memory_space<vmem>>
    %dma_start3A_695 = arith.constant 0 : i32
    %dma_start3A_696 = tpu.memref_slice %arg5[%dma_start3A_689, %dma_start3A_690, %dma_start3A_695] : memref<8x2x72xi32, #tpu.memory_space<vmem>> -> memref<1x1x72xi32, #tpu.memory_space<vmem>>
    %dma_start3A_697 = tpu.memref_squeeze %dma_start3A_696 : memref<1x1x72xi32, #tpu.memory_space<vmem>> -> memref<72xi32, #tpu.memory_space<vmem>>
    %dma_start3A_698 = arith.constant 0 : i32
    %dma_start3A_699 = arith.constant 0 : i32
    %dma_start3A_700 = tpu.memref_slice %arg8[%dma_start3A_698, %dma_start3A_699] : memref<10000x128xf32, #tpu.memory_space<vmem_shared>> -> memref<10000x128xf32, #tpu.memory_space<vmem_shared>>
    tpu.enqueue_indirect_dma source(%dma_start3A_694 : memref<72x128xf32, #tpu.memory_space<vmem>>) target(%dma_start3A_700 : memref<10000x128xf32, #tpu.memory_space<vmem_shared>>) offsets(%dma_start3A_697 : memref<72xi32, #tpu.memory_space<vmem>>) semaphore(%arg14 : memref<!tpu.dma_semaphore, #tpu.memory_space<semaphore_mem>>) {add = true}
    %dma_wait3A_701 = arith.constant 0 : i32
    %dma_wait3A_702 = arith.constant 2 : i32
    %dma_wait3A_703 = arith.constant 0 : i32
    %dma_wait3A_704 = arith.constant 0 : i32
    %dma_wait3A_705 = tpu.memref_slice %arg7[%dma_wait3A_702, %dma_wait3A_703, %dma_wait3A_704] : memref<4x72x128xf32, #tpu.memory_space<vmem>> -> memref<1x72x128xf32, #tpu.memory_space<vmem>>
    %dma_wait3A_706 = tpu.memref_squeeze %dma_wait3A_705 : memref<1x72x128xf32, #tpu.memory_space<vmem>> -> memref<72x128xf32, #tpu.memory_space<vmem>>
    %dma_wait3A_707 = arith.constant 0 : i32
    %dma_wait3A_708 = arith.constant 0 : i32
    %dma_wait3A_709 = tpu.memref_slice %dma_wait3A_706[%dma_wait3A_707, %dma_wait3A_708] : memref<72x128xf32, #tpu.memory_space<vmem>> -> memref<64x128xf32, #tpu.memory_space<vmem>>
    %dma_wait3A_710 = arith.constant 0 : i32
    %dma_wait3A_711 = tpu.memref_slice %arg6[%dma_wait3A_701, %dma_wait3A_710] : memref<2x64xi32, #tpu.memory_space<vmem>> -> memref<1x64xi32, #tpu.memory_space<vmem>>
    %dma_wait3A_712 = tpu.memref_squeeze %dma_wait3A_711 : memref<1x64xi32, #tpu.memory_space<vmem>> -> memref<64xi32, #tpu.memory_space<vmem>>
    %dma_wait3A_713 = arith.constant 0 : i32
    %dma_wait3A_714 = arith.constant 0 : i32
    %dma_wait3A_715 = tpu.memref_slice %arg2[%dma_wait3A_713, %dma_wait3A_714] : memref<10000x128xf32, #tpu.memory_space<hbm>> -> memref<10000x128xf32, #tpu.memory_space<hbm>>
    tpu.wait_indirect_dma semaphore(%arg11 : memref<!tpu.dma_semaphore, #tpu.memory_space<semaphore_mem>>) src(%dma_wait3A_715 : memref<10000x128xf32, #tpu.memory_space<hbm>>) dst(%dma_wait3A_709 : memref<64x128xf32, #tpu.memory_space<vmem>>)
    %run_scoped3A = arith.constant 2 : i32
    %run_scoped3A_716 = arith.constant 1 : i32
    "tpu.region"() ({
      %run_scoped3A_750 = tpu.sem_alloc : memref<!tpu.dma_semaphore, #tpu.memory_space<semaphore_mem>>
      %dma_start3A_751 = arith.constant 0 : i32
      %dma_start3A_752 = arith.constant 0 : i32
      %dma_start3A_753 = tpu.memref_slice %arg7[%run_scoped3A, %dma_start3A_751, %dma_start3A_752] : memref<4x72x128xf32, #tpu.memory_space<vmem>> -> memref<1x72x128xf32, #tpu.memory_space<vmem>>
      %dma_start3A_754 = tpu.memref_squeeze %dma_start3A_753 : memref<1x72x128xf32, #tpu.memory_space<vmem>> -> memref<72x128xf32, #tpu.memory_space<vmem>>
      %dma_start3A_755 = arith.constant 0 : i32
      %dma_start3A_756 = arith.constant 0 : i32
      %dma_start3A_757 = tpu.memref_slice %dma_start3A_754[%dma_start3A_755, %dma_start3A_756] : memref<72x128xf32, #tpu.memory_space<vmem>> -> memref<64x128xf32, #tpu.memory_space<vmem>>
      %dma_start3A_758 = arith.constant 0 : i32
      %dma_start3A_759 = tpu.memref_slice %arg6[%run_scoped3A_716, %dma_start3A_758] : memref<2x64xi32, #tpu.memory_space<vmem>> -> memref<1x64xi32, #tpu.memory_space<vmem>>
      %dma_start3A_760 = tpu.memref_squeeze %dma_start3A_759 : memref<1x64xi32, #tpu.memory_space<vmem>> -> memref<64xi32, #tpu.memory_space<vmem>>
      %dma_start3A_761 = arith.constant 0 : i32
      %dma_start3A_762 = arith.constant 0 : i32
      %dma_start3A_763 = tpu.memref_slice %arg8[%dma_start3A_761, %dma_start3A_762] : memref<10000x128xf32, #tpu.memory_space<vmem_shared>> -> memref<10000x128xf32, #tpu.memory_space<vmem_shared>>
      tpu.enqueue_indirect_dma source(%dma_start3A_757 : memref<64x128xf32, #tpu.memory_space<vmem>>) target(%dma_start3A_763 : memref<10000x128xf32, #tpu.memory_space<vmem_shared>>) offsets(%dma_start3A_760 : memref<64xi32, #tpu.memory_space<vmem>>) semaphore(%run_scoped3A_750 : memref<!tpu.dma_semaphore, #tpu.memory_space<semaphore_mem>>) {add = true}
      %dma_wait3A_764 = arith.constant 0 : i32
      %dma_wait3A_765 = arith.constant 0 : i32
      %dma_wait3A_766 = tpu.memref_slice %arg7[%run_scoped3A, %dma_wait3A_764, %dma_wait3A_765] : memref<4x72x128xf32, #tpu.memory_space<vmem>> -> memref<1x72x128xf32, #tpu.memory_space<vmem>>
      %dma_wait3A_767 = tpu.memref_squeeze %dma_wait3A_766 : memref<1x72x128xf32, #tpu.memory_space<vmem>> -> memref<72x128xf32, #tpu.memory_space<vmem>>
      %dma_wait3A_768 = arith.constant 0 : i32
      %dma_wait3A_769 = arith.constant 0 : i32
      %dma_wait3A_770 = tpu.memref_slice %dma_wait3A_767[%dma_wait3A_768, %dma_wait3A_769] : memref<72x128xf32, #tpu.memory_space<vmem>> -> memref<64x128xf32, #tpu.memory_space<vmem>>
      %dma_wait3A_771 = arith.constant 0 : i32
      %dma_wait3A_772 = tpu.memref_slice %arg6[%run_scoped3A_716, %dma_wait3A_771] : memref<2x64xi32, #tpu.memory_space<vmem>> -> memref<1x64xi32, #tpu.memory_space<vmem>>
      %dma_wait3A_773 = tpu.memref_squeeze %dma_wait3A_772 : memref<1x64xi32, #tpu.memory_space<vmem>> -> memref<64xi32, #tpu.memory_space<vmem>>
      %dma_wait3A_774 = arith.constant 0 : i32
      %dma_wait3A_775 = arith.constant 0 : i32
      %dma_wait3A_776 = tpu.memref_slice %arg8[%dma_wait3A_774, %dma_wait3A_775] : memref<10000x128xf32, #tpu.memory_space<vmem_shared>> -> memref<10000x128xf32, #tpu.memory_space<vmem_shared>>
      tpu.wait_indirect_dma semaphore(%run_scoped3A_750 : memref<!tpu.dma_semaphore, #tpu.memory_space<semaphore_mem>>) src(%dma_wait3A_770 : memref<64x128xf32, #tpu.memory_space<vmem>>) dst(%dma_wait3A_776 : memref<10000x128xf32, #tpu.memory_space<vmem_shared>>)
      tpu.yield
    }) : () -> ()
    %dma_wait3A_717 = arith.constant 0 : i32
    %dma_wait3A_718 = arith.constant 0 : i32
    %dma_wait3A_719 = arith.constant 1 : i32
    %dma_wait3A_720 = arith.constant 0 : i32
    %dma_wait3A_721 = arith.constant 0 : i32
    %dma_wait3A_722 = tpu.memref_slice %arg7[%dma_wait3A_717, %dma_wait3A_720, %dma_wait3A_721] : memref<4x72x128xf32, #tpu.memory_space<vmem>> -> memref<1x72x128xf32, #tpu.memory_space<vmem>>
    %dma_wait3A_723 = tpu.memref_squeeze %dma_wait3A_722 : memref<1x72x128xf32, #tpu.memory_space<vmem>> -> memref<72x128xf32, #tpu.memory_space<vmem>>
    %dma_wait3A_724 = arith.constant 0 : i32
    %dma_wait3A_725 = tpu.memref_slice %arg5[%dma_wait3A_718, %dma_wait3A_719, %dma_wait3A_724] : memref<8x2x72xi32, #tpu.memory_space<vmem>> -> memref<1x1x72xi32, #tpu.memory_space<vmem>>
    %dma_wait3A_726 = tpu.memref_squeeze %dma_wait3A_725 : memref<1x1x72xi32, #tpu.memory_space<vmem>> -> memref<72xi32, #tpu.memory_space<vmem>>
    %dma_wait3A_727 = arith.constant 0 : i32
    %dma_wait3A_728 = arith.constant 0 : i32
    %dma_wait3A_729 = tpu.memref_slice %arg8[%dma_wait3A_727, %dma_wait3A_728] : memref<10000x128xf32, #tpu.memory_space<vmem_shared>> -> memref<10000x128xf32, #tpu.memory_space<vmem_shared>>
    tpu.wait_indirect_dma semaphore(%arg13 : memref<!tpu.dma_semaphore, #tpu.memory_space<semaphore_mem>>) src(%dma_wait3A_723 : memref<72x128xf32, #tpu.memory_space<vmem>>) dst(%dma_wait3A_729 : memref<10000x128xf32, #tpu.memory_space<vmem_shared>>)
    %dma_wait3A_730 = arith.constant 1 : i32
    %dma_wait3A_731 = arith.constant 1 : i32
    %dma_wait3A_732 = arith.constant 1 : i32
    %dma_wait3A_733 = arith.constant 0 : i32
    %dma_wait3A_734 = arith.constant 0 : i32
    %dma_wait3A_735 = tpu.memref_slice %arg7[%dma_wait3A_730, %dma_wait3A_733, %dma_wait3A_734] : memref<4x72x128xf32, #tpu.memory_space<vmem>> -> memref<1x72x128xf32, #tpu.memory_space<vmem>>
    %dma_wait3A_736 = tpu.memref_squeeze %dma_wait3A_735 : memref<1x72x128xf32, #tpu.memory_space<vmem>> -> memref<72x128xf32, #tpu.memory_space<vmem>>
    %dma_wait3A_737 = arith.constant 0 : i32
    %dma_wait3A_738 = tpu.memref_slice %arg5[%dma_wait3A_731, %dma_wait3A_732, %dma_wait3A_737] : memref<8x2x72xi32, #tpu.memory_space<vmem>> -> memref<1x1x72xi32, #tpu.memory_space<vmem>>
    %dma_wait3A_739 = tpu.memref_squeeze %dma_wait3A_738 : memref<1x1x72xi32, #tpu.memory_space<vmem>> -> memref<72xi32, #tpu.memory_space<vmem>>
    %dma_wait3A_740 = arith.constant 0 : i32
    %dma_wait3A_741 = arith.constant 0 : i32
    %dma_wait3A_742 = tpu.memref_slice %arg8[%dma_wait3A_740, %dma_wait3A_741] : memref<10000x128xf32, #tpu.memory_space<vmem_shared>> -> memref<10000x128xf32, #tpu.memory_space<vmem_shared>>
    tpu.wait_indirect_dma semaphore(%arg14 : memref<!tpu.dma_semaphore, #tpu.memory_space<semaphore_mem>>) src(%dma_wait3A_736 : memref<72x128xf32, #tpu.memory_space<vmem>>) dst(%dma_wait3A_742 : memref<10000x128xf32, #tpu.memory_space<vmem_shared>>)
    %barrier3A_743 = arith.constant 0 : index
    tpu.barrier barrier_id(%barrier3A_743)
    %mul3A_744 = arith.constant 624 : i32
    %mul3A_745 = arith.muli %arg1, %mul3A_744 : i32
    %mul3A_746 = arith.constant 624 : i32
    %mul3A_747 = arith.muli %arg1, %mul3A_746 : i32
    "tpu.region"() ({
      %run_scoped3A_750 = tpu.sem_alloc : memref<!tpu.dma_semaphore, #tpu.memory_space<semaphore_mem>>
      %dma_start3A_751 = arith.constant 0 : i32
      %dma_start3A_752 = tpu.memref_slice %arg4[%arg0, %mul3A_747, %dma_start3A_751] : memref<2x10000x128xf32, #tpu.memory_space<hbm>> -> memref<1x624x128xf32, #tpu.memory_space<hbm>>
      %dma_start3A_753 = tpu.memref_squeeze %dma_start3A_752 : memref<1x624x128xf32, #tpu.memory_space<hbm>> -> memref<624x128xf32, #tpu.memory_space<hbm>>
      %dma_start3A_754 = arith.constant 0 : i32
      %dma_start3A_755 = tpu.memref_slice %arg8[%mul3A_745, %dma_start3A_754] : memref<10000x128xf32, #tpu.memory_space<vmem_shared>> -> memref<624x128xf32, #tpu.memory_space<vmem_shared>>
      tpu.enqueue_dma source(%dma_start3A_755 : memref<624x128xf32, #tpu.memory_space<vmem_shared>>) target(%dma_start3A_753 : memref<624x128xf32, #tpu.memory_space<hbm>>) target_semaphore(%run_scoped3A_750 : memref<!tpu.dma_semaphore, #tpu.memory_space<semaphore_mem>>)
      %dma_wait3A_756 = arith.constant 0 : i32
      %dma_wait3A_757 = tpu.memref_slice %arg4[%arg0, %mul3A_747, %dma_wait3A_756] : memref<2x10000x128xf32, #tpu.memory_space<hbm>> -> memref<1x624x128xf32, #tpu.memory_space<hbm>>
      %dma_wait3A_758 = tpu.memref_squeeze %dma_wait3A_757 : memref<1x624x128xf32, #tpu.memory_space<hbm>> -> memref<624x128xf32, #tpu.memory_space<hbm>>
      %dma_wait3A_759 = arith.constant 0 : i32
      %dma_wait3A_760 = tpu.memref_slice %arg8[%mul3A_745, %dma_wait3A_759] : memref<10000x128xf32, #tpu.memory_space<vmem_shared>> -> memref<624x128xf32, #tpu.memory_space<vmem_shared>>
      tpu.wait_dma2 semaphore(%run_scoped3A_750 : memref<!tpu.dma_semaphore, #tpu.memory_space<semaphore_mem>>) src(%dma_wait3A_760 : memref<624x128xf32, #tpu.memory_space<vmem_shared>>) dst(%dma_wait3A_758 : memref<624x128xf32, #tpu.memory_space<hbm>>)
      tpu.yield
    }) : () -> ()
    %eq3A = arith.constant 0 : i32
    %eq3A_748 = arith.cmpi eq, %arg1, %eq3A : i32
    %convert_element_type3A = arith.extui %eq3A_748 : i1 to i32
    %cond3A = arith.constant 0 : i32
    %cond3A_749 = arith.cmpi ne, %convert_element_type3A, %cond3A : i32
    scf.if %cond3A_749 {
      "tpu.region"() ({
        %run_scoped3A_750 = tpu.sem_alloc : memref<!tpu.dma_semaphore, #tpu.memory_space<semaphore_mem>>
        %dma_start3A_751 = arith.constant 9984 : i32
        %dma_start3A_752 = arith.constant 0 : i32
        %dma_start3A_753 = tpu.memref_slice %arg4[%arg0, %dma_start3A_751, %dma_start3A_752] : memref<2x10000x128xf32, #tpu.memory_space<hbm>> -> memref<1x16x128xf32, #tpu.memory_space<hbm>>
        %dma_start3A_754 = tpu.memref_squeeze %dma_start3A_753 : memref<1x16x128xf32, #tpu.memory_space<hbm>> -> memref<16x128xf32, #tpu.memory_space<hbm>>
        %dma_start3A_755 = arith.constant 9984 : i32
        %dma_start3A_756 = arith.constant 0 : i32
        %dma_start3A_757 = tpu.memref_slice %arg8[%dma_start3A_755, %dma_start3A_756] : memref<10000x128xf32, #tpu.memory_space<vmem_shared>> -> memref<16x128xf32, #tpu.memory_space<vmem_shared>>
        tpu.enqueue_dma source(%dma_start3A_757 : memref<16x128xf32, #tpu.memory_space<vmem_shared>>) target(%dma_start3A_754 : memref<16x128xf32, #tpu.memory_space<hbm>>) target_semaphore(%run_scoped3A_750 : memref<!tpu.dma_semaphore, #tpu.memory_space<semaphore_mem>>)
        %dma_wait3A_758 = arith.constant 9984 : i32
        %dma_wait3A_759 = arith.constant 0 : i32
        %dma_wait3A_760 = tpu.memref_slice %arg4[%arg0, %dma_wait3A_758, %dma_wait3A_759] : memref<2x10000x128xf32, #tpu.memory_space<hbm>> -> memref<1x16x128xf32, #tpu.memory_space<hbm>>
        %dma_wait3A_761 = tpu.memref_squeeze %dma_wait3A_760 : memref<1x16x128xf32, #tpu.memory_space<hbm>> -> memref<16x128xf32, #tpu.memory_space<hbm>>
        %dma_wait3A_762 = arith.constant 9984 : i32
        %dma_wait3A_763 = arith.constant 0 : i32
        %dma_wait3A_764 = tpu.memref_slice %arg8[%dma_wait3A_762, %dma_wait3A_763] : memref<10000x128xf32, #tpu.memory_space<vmem_shared>> -> memref<16x128xf32, #tpu.memory_space<vmem_shared>>
        tpu.wait_dma2 semaphore(%run_scoped3A_750 : memref<!tpu.dma_semaphore, #tpu.memory_space<semaphore_mem>>) src(%dma_wait3A_764 : memref<16x128xf32, #tpu.memory_space<vmem_shared>>) dst(%dma_wait3A_761 : memref<16x128xf32, #tpu.memory_space<hbm>>)
        tpu.yield
      }) : () -> ()
    } else {
    }
    return
  }
}

#map = affine_map<(d0, d1) -> (0, 0)>
#map1 = affine_map<(d0, d1) -> (0)>
#map2 = affine_map<(d0, d1) -> (0, 0, 0)>
module attributes {stable_mosaic.version = 14 : i64} {
  func.func @seg(%arg0: i32, %arg1: i32, %arg2: memref<10000x128xf32, #tpu.memory_space<hbm>>, %arg3: memref<640000xi32, #tpu.memory_space<hbm>>, %arg4: memref<2x10000x128xf32, #tpu.memory_space<hbm>>, %arg5: memref<8x2x72xi32, #tpu.memory_space<vmem>>, %arg6: memref<2x64xi32, #tpu.memory_space<vmem>>, %arg7: memref<4x72x128xf32, #tpu.memory_space<vmem>>, %arg8: memref<10000x128xf32, #tpu.memory_space<vmem_shared>>, %arg9: memref<!tpu.dma_semaphore, #tpu.memory_space<semaphore_mem>>, %arg10: memref<!tpu.dma_semaphore, #tpu.memory_space<semaphore_mem>>, %arg11: memref<!tpu.dma_semaphore, #tpu.memory_space<semaphore_mem>>, %arg12: memref<!tpu.dma_semaphore, #tpu.memory_space<semaphore_mem>>, %arg13: memref<!tpu.dma_semaphore, #tpu.memory_space<semaphore_mem>>, %arg14: memref<!tpu.dma_semaphore, #tpu.memory_space<semaphore_mem>>, %arg15: memref<!tpu.dma_semaphore, #tpu.memory_space<semaphore_mem>>, %arg16: memref<!tpu.dma_semaphore, #tpu.memory_space<semaphore_mem>>, %arg17: memref<!tpu.dma_semaphore, #tpu.memory_space<semaphore_mem>>, %arg18: memref<!tpu.dma_semaphore, #tpu.memory_space<semaphore_mem>>, %arg19: memref<!tpu.dma_semaphore, #tpu.memory_space<semaphore_mem>>, %arg20: memref<!tpu.dma_semaphore, #tpu.memory_space<semaphore_mem>>, %arg21: memref<!tpu.dma_semaphore, #tpu.memory_space<semaphore_mem>>, %arg22: memref<!tpu.dma_semaphore, #tpu.memory_space<semaphore_mem>>, %arg23: memref<!tpu.dma_semaphore, #tpu.memory_space<semaphore_mem>>, %arg24: memref<!tpu.dma_semaphore, #tpu.memory_space<semaphore_mem>>, %arg25: memref<!tpu.dma_semaphore, #tpu.memory_space<semaphore_mem>>) attributes {dimension_semantics = [#tpu.dimension_semantics<core_parallel>, #tpu.dimension_semantics<subcore_parallel>], iteration_bounds = array<i64: 2, 16>, scalar_prefetch = 0 : i64, scratch_operands = 21 : i64, tpu.core_type = #tpu.core_type<sc_vector_subcore>, window_params = [{transform_indices = #map}, {transform_indices = #map1}, {transform_indices = #map2}]} {
    %mul3A = arith.constant 2 : i32
    %mul3A_0 = arith.muli %arg1, %mul3A : i32
    %add3A = arith.addi %mul3A_0, %arg0 : i32
    %mul3A_1 = arith.constant 10000 : i32
    %mul3A_2 = arith.muli %add3A, %mul3A_1 : i32
    %add3A_3 = arith.constant 0 : i32
    %add3A_4 = arith.addi %mul3A_2, %add3A_3 : i32
    %dma_start3A = arith.constant 0 : i32
    %dma_start3A_5 = arith.constant 0 : i32
    %dma_start3A_6 = arith.constant 0 : i32
    %dma_start3A_7 = tpu.memref_slice %arg5[%dma_start3A, %dma_start3A_5, %dma_start3A_6] : memref<8x2x72xi32, #tpu.memory_space<vmem>> -> memref<1x1x72xi32, #tpu.memory_space<vmem>>
    %dma_start3A_8 = tpu.memref_squeeze %dma_start3A_7 : memref<1x1x72xi32, #tpu.memory_space<vmem>> -> memref<72xi32, #tpu.memory_space<vmem>>
    %dma_start3A_9 = tpu.memref_slice %arg3[%add3A_4] : memref<640000xi32, #tpu.memory_space<hbm>> -> memref<72xi32, #tpu.memory_space<hbm>>
    %dma_start3A_10 = arith.constant 0 : i32
    %dma_start3A_11 = tpu.memref_slice %arg5[%dma_start3A, %dma_start3A_5, %dma_start3A_10] : memref<8x2x72xi32, #tpu.memory_space<vmem>> -> memref<1x1x72xi32, #tpu.memory_space<vmem>>
    %dma_start3A_12 = tpu.memref_squeeze %dma_start3A_11 : memref<1x1x72xi32, #tpu.memory_space<vmem>> -> memref<72xi32, #tpu.memory_space<vmem>>
    %dma_start3A_13 = tpu.memref_slice %arg3[%add3A_4] : memref<640000xi32, #tpu.memory_space<hbm>> -> memref<72xi32, #tpu.memory_space<hbm>>
    tpu.enqueue_dma source(%dma_start3A_13 : memref<72xi32, #tpu.memory_space<hbm>>) target(%dma_start3A_12 : memref<72xi32, #tpu.memory_space<vmem>>) target_semaphore(%arg17 : memref<!tpu.dma_semaphore, #tpu.memory_space<semaphore_mem>>)
    %add3A_14 = arith.constant 320000 : i32
    %add3A_15 = arith.addi %add3A_14, %add3A_4 : i32
    %dma_start3A_16 = arith.constant 0 : i32
    %dma_start3A_17 = arith.constant 1 : i32
    %dma_start3A_18 = arith.constant 0 : i32
    %dma_start3A_19 = tpu.memref_slice %arg5[%dma_start3A_16, %dma_start3A_17, %dma_start3A_18] : memref<8x2x72xi32, #tpu.memory_space<vmem>> -> memref<1x1x72xi32, #tpu.memory_space<vmem>>
    %dma_start3A_20 = tpu.memref_squeeze %dma_start3A_19 : memref<1x1x72xi32, #tpu.memory_space<vmem>> -> memref<72xi32, #tpu.memory_space<vmem>>
    %dma_start3A_21 = tpu.memref_slice %arg3[%add3A_15] : memref<640000xi32, #tpu.memory_space<hbm>> -> memref<72xi32, #tpu.memory_space<hbm>>
    %dma_start3A_22 = arith.constant 0 : i32
    %dma_start3A_23 = tpu.memref_slice %arg5[%dma_start3A_16, %dma_start3A_17, %dma_start3A_22] : memref<8x2x72xi32, #tpu.memory_space<vmem>> -> memref<1x1x72xi32, #tpu.memory_space<vmem>>
    %dma_start3A_24 = tpu.memref_squeeze %dma_start3A_23 : memref<1x1x72xi32, #tpu.memory_space<vmem>> -> memref<72xi32, #tpu.memory_space<vmem>>
    %dma_start3A_25 = tpu.memref_slice %arg3[%add3A_15] : memref<640000xi32, #tpu.memory_space<hbm>> -> memref<72xi32, #tpu.memory_space<hbm>>
    tpu.enqueue_dma source(%dma_start3A_25 : memref<72xi32, #tpu.memory_space<hbm>>) target(%dma_start3A_24 : memref<72xi32, #tpu.memory_space<vmem>>) target_semaphore(%arg17 : memref<!tpu.dma_semaphore, #tpu.memory_space<semaphore_mem>>)
    %add3A_26 = arith.constant 72 : i32
    %add3A_27 = arith.addi %mul3A_2, %add3A_26 : i32
    %dma_start3A_28 = arith.constant 1 : i32
    %dma_start3A_29 = arith.constant 0 : i32
    %dma_start3A_30 = arith.constant 0 : i32
    %dma_start3A_31 = tpu.memref_slice %arg5[%dma_start3A_28, %dma_start3A_29, %dma_start3A_30] : memref<8x2x72xi32, #tpu.memory_space<vmem>> -> memref<1x1x72xi32, #tpu.memory_space<vmem>>
    %dma_start3A_32 = tpu.memref_squeeze %dma_start3A_31 : memref<1x1x72xi32, #tpu.memory_space<vmem>> -> memref<72xi32, #tpu.memory_space<vmem>>
    %dma_start3A_33 = tpu.memref_slice %arg3[%add3A_27] : memref<640000xi32, #tpu.memory_space<hbm>> -> memref<72xi32, #tpu.memory_space<hbm>>
    %dma_start3A_34 = arith.constant 0 : i32
    %dma_start3A_35 = tpu.memref_slice %arg5[%dma_start3A_28, %dma_start3A_29, %dma_start3A_34] : memref<8x2x72xi32, #tpu.memory_space<vmem>> -> memref<1x1x72xi32, #tpu.memory_space<vmem>>
    %dma_start3A_36 = tpu.memref_squeeze %dma_start3A_35 : memref<1x1x72xi32, #tpu.memory_space<vmem>> -> memref<72xi32, #tpu.memory_space<vmem>>
    %dma_start3A_37 = tpu.memref_slice %arg3[%add3A_27] : memref<640000xi32, #tpu.memory_space<hbm>> -> memref<72xi32, #tpu.memory_space<hbm>>
    tpu.enqueue_dma source(%dma_start3A_37 : memref<72xi32, #tpu.memory_space<hbm>>) target(%dma_start3A_36 : memref<72xi32, #tpu.memory_space<vmem>>) target_semaphore(%arg18 : memref<!tpu.dma_semaphore, #tpu.memory_space<semaphore_mem>>)
    %add3A_38 = arith.constant 320000 : i32
    %add3A_39 = arith.addi %add3A_38, %add3A_27 : i32
    %dma_start3A_40 = arith.constant 1 : i32
    %dma_start3A_41 = arith.constant 1 : i32
    %dma_start3A_42 = arith.constant 0 : i32
    %dma_start3A_43 = tpu.memref_slice %arg5[%dma_start3A_40, %dma_start3A_41, %dma_start3A_42] : memref<8x2x72xi32, #tpu.memory_space<vmem>> -> memref<1x1x72xi32, #tpu.memory_space<vmem>>
    %dma_start3A_44 = tpu.memref_squeeze %dma_start3A_43 : memref<1x1x72xi32, #tpu.memory_space<vmem>> -> memref<72xi32, #tpu.memory_space<vmem>>
    %dma_start3A_45 = tpu.memref_slice %arg3[%add3A_39] : memref<640000xi32, #tpu.memory_space<hbm>> -> memref<72xi32, #tpu.memory_space<hbm>>
    %dma_start3A_46 = arith.constant 0 : i32
    %dma_start3A_47 = tpu.memref_slice %arg5[%dma_start3A_40, %dma_start3A_41, %dma_start3A_46] : memref<8x2x72xi32, #tpu.memory_space<vmem>> -> memref<1x1x72xi32, #tpu.memory_space<vmem>>
    %dma_start3A_48 = tpu.memref_squeeze %dma_start3A_47 : memref<1x1x72xi32, #tpu.memory_space<vmem>> -> memref<72xi32, #tpu.memory_space<vmem>>
    %dma_start3A_49 = tpu.memref_slice %arg3[%add3A_39] : memref<640000xi32, #tpu.memory_space<hbm>> -> memref<72xi32, #tpu.memory_space<hbm>>
    tpu.enqueue_dma source(%dma_start3A_49 : memref<72xi32, #tpu.memory_space<hbm>>) target(%dma_start3A_48 : memref<72xi32, #tpu.memory_space<vmem>>) target_semaphore(%arg18 : memref<!tpu.dma_semaphore, #tpu.memory_space<semaphore_mem>>)
    %add3A_50 = arith.constant 144 : i32
    %add3A_51 = arith.addi %mul3A_2, %add3A_50 : i32
    %dma_start3A_52 = arith.constant 2 : i32
    %dma_start3A_53 = arith.constant 0 : i32
    %dma_start3A_54 = arith.constant 0 : i32
    %dma_start3A_55 = tpu.memref_slice %arg5[%dma_start3A_52, %dma_start3A_53, %dma_start3A_54] : memref<8x2x72xi32, #tpu.memory_space<vmem>> -> memref<1x1x72xi32, #tpu.memory_space<vmem>>
    %dma_start3A_56 = tpu.memref_squeeze %dma_start3A_55 : memref<1x1x72xi32, #tpu.memory_space<vmem>> -> memref<72xi32, #tpu.memory_space<vmem>>
    %dma_start3A_57 = tpu.memref_slice %arg3[%add3A_51] : memref<640000xi32, #tpu.memory_space<hbm>> -> memref<72xi32, #tpu.memory_space<hbm>>
    %dma_start3A_58 = arith.constant 0 : i32
    %dma_start3A_59 = tpu.memref_slice %arg5[%dma_start3A_52, %dma_start3A_53, %dma_start3A_58] : memref<8x2x72xi32, #tpu.memory_space<vmem>> -> memref<1x1x72xi32, #tpu.memory_space<vmem>>
    %dma_start3A_60 = tpu.memref_squeeze %dma_start3A_59 : memref<1x1x72xi32, #tpu.memory_space<vmem>> -> memref<72xi32, #tpu.memory_space<vmem>>
    %dma_start3A_61 = tpu.memref_slice %arg3[%add3A_51] : memref<640000xi32, #tpu.memory_space<hbm>> -> memref<72xi32, #tpu.memory_space<hbm>>
    tpu.enqueue_dma source(%dma_start3A_61 : memref<72xi32, #tpu.memory_space<hbm>>) target(%dma_start3A_60 : memref<72xi32, #tpu.memory_space<vmem>>) target_semaphore(%arg19 : memref<!tpu.dma_semaphore, #tpu.memory_space<semaphore_mem>>)
    %add3A_62 = arith.constant 320000 : i32
    %add3A_63 = arith.addi %add3A_62, %add3A_51 : i32
    %dma_start3A_64 = arith.constant 2 : i32
    %dma_start3A_65 = arith.constant 1 : i32
    %dma_start3A_66 = arith.constant 0 : i32
    %dma_start3A_67 = tpu.memref_slice %arg5[%dma_start3A_64, %dma_start3A_65, %dma_start3A_66] : memref<8x2x72xi32, #tpu.memory_space<vmem>> -> memref<1x1x72xi32, #tpu.memory_space<vmem>>
    %dma_start3A_68 = tpu.memref_squeeze %dma_start3A_67 : memref<1x1x72xi32, #tpu.memory_space<vmem>> -> memref<72xi32, #tpu.memory_space<vmem>>
    %dma_start3A_69 = tpu.memref_slice %arg3[%add3A_63] : memref<640000xi32, #tpu.memory_space<hbm>> -> memref<72xi32, #tpu.memory_space<hbm>>
    %dma_start3A_70 = arith.constant 0 : i32
    %dma_start3A_71 = tpu.memref_slice %arg5[%dma_start3A_64, %dma_start3A_65, %dma_start3A_70] : memref<8x2x72xi32, #tpu.memory_space<vmem>> -> memref<1x1x72xi32, #tpu.memory_space<vmem>>
    %dma_start3A_72 = tpu.memref_squeeze %dma_start3A_71 : memref<1x1x72xi32, #tpu.memory_space<vmem>> -> memref<72xi32, #tpu.memory_space<vmem>>
    %dma_start3A_73 = tpu.memref_slice %arg3[%add3A_63] : memref<640000xi32, #tpu.memory_space<hbm>> -> memref<72xi32, #tpu.memory_space<hbm>>
    tpu.enqueue_dma source(%dma_start3A_73 : memref<72xi32, #tpu.memory_space<hbm>>) target(%dma_start3A_72 : memref<72xi32, #tpu.memory_space<vmem>>) target_semaphore(%arg19 : memref<!tpu.dma_semaphore, #tpu.memory_space<semaphore_mem>>)
    %add3A_74 = arith.constant 216 : i32
    %add3A_75 = arith.addi %mul3A_2, %add3A_74 : i32
    %dma_start3A_76 = arith.constant 3 : i32
    %dma_start3A_77 = arith.constant 0 : i32
    %dma_start3A_78 = arith.constant 0 : i32
    %dma_start3A_79 = tpu.memref_slice %arg5[%dma_start3A_76, %dma_start3A_77, %dma_start3A_78] : memref<8x2x72xi32, #tpu.memory_space<vmem>> -> memref<1x1x72xi32, #tpu.memory_space<vmem>>
    %dma_start3A_80 = tpu.memref_squeeze %dma_start3A_79 : memref<1x1x72xi32, #tpu.memory_space<vmem>> -> memref<72xi32, #tpu.memory_space<vmem>>
    %dma_start3A_81 = tpu.memref_slice %arg3[%add3A_75] : memref<640000xi32, #tpu.memory_space<hbm>> -> memref<72xi32, #tpu.memory_space<hbm>>
    %dma_start3A_82 = arith.constant 0 : i32
    %dma_start3A_83 = tpu.memref_slice %arg5[%dma_start3A_76, %dma_start3A_77, %dma_start3A_82] : memref<8x2x72xi32, #tpu.memory_space<vmem>> -> memref<1x1x72xi32, #tpu.memory_space<vmem>>
    %dma_start3A_84 = tpu.memref_squeeze %dma_start3A_83 : memref<1x1x72xi32, #tpu.memory_space<vmem>> -> memref<72xi32, #tpu.memory_space<vmem>>
    %dma_start3A_85 = tpu.memref_slice %arg3[%add3A_75] : memref<640000xi32, #tpu.memory_space<hbm>> -> memref<72xi32, #tpu.memory_space<hbm>>
    tpu.enqueue_dma source(%dma_start3A_85 : memref<72xi32, #tpu.memory_space<hbm>>) target(%dma_start3A_84 : memref<72xi32, #tpu.memory_space<vmem>>) target_semaphore(%arg20 : memref<!tpu.dma_semaphore, #tpu.memory_space<semaphore_mem>>)
    %add3A_86 = arith.constant 320000 : i32
    %add3A_87 = arith.addi %add3A_86, %add3A_75 : i32
    %dma_start3A_88 = arith.constant 3 : i32
    %dma_start3A_89 = arith.constant 1 : i32
    %dma_start3A_90 = arith.constant 0 : i32
    %dma_start3A_91 = tpu.memref_slice %arg5[%dma_start3A_88, %dma_start3A_89, %dma_start3A_90] : memref<8x2x72xi32, #tpu.memory_space<vmem>> -> memref<1x1x72xi32, #tpu.memory_space<vmem>>
    %dma_start3A_92 = tpu.memref_squeeze %dma_start3A_91 : memref<1x1x72xi32, #tpu.memory_space<vmem>> -> memref<72xi32, #tpu.memory_space<vmem>>
    %dma_start3A_93 = tpu.memref_slice %arg3[%add3A_87] : memref<640000xi32, #tpu.memory_space<hbm>> -> memref<72xi32, #tpu.memory_space<hbm>>
    %dma_start3A_94 = arith.constant 0 : i32
    %dma_start3A_95 = tpu.memref_slice %arg5[%dma_start3A_88, %dma_start3A_89, %dma_start3A_94] : memref<8x2x72xi32, #tpu.memory_space<vmem>> -> memref<1x1x72xi32, #tpu.memory_space<vmem>>
    %dma_start3A_96 = tpu.memref_squeeze %dma_start3A_95 : memref<1x1x72xi32, #tpu.memory_space<vmem>> -> memref<72xi32, #tpu.memory_space<vmem>>
    %dma_start3A_97 = tpu.memref_slice %arg3[%add3A_87] : memref<640000xi32, #tpu.memory_space<hbm>> -> memref<72xi32, #tpu.memory_space<hbm>>
    tpu.enqueue_dma source(%dma_start3A_97 : memref<72xi32, #tpu.memory_space<hbm>>) target(%dma_start3A_96 : memref<72xi32, #tpu.memory_space<vmem>>) target_semaphore(%arg20 : memref<!tpu.dma_semaphore, #tpu.memory_space<semaphore_mem>>)
    %add3A_98 = arith.constant 288 : i32
    %add3A_99 = arith.addi %mul3A_2, %add3A_98 : i32
    %dma_start3A_100 = arith.constant 4 : i32
    %dma_start3A_101 = arith.constant 0 : i32
    %dma_start3A_102 = arith.constant 0 : i32
    %dma_start3A_103 = tpu.memref_slice %arg5[%dma_start3A_100, %dma_start3A_101, %dma_start3A_102] : memref<8x2x72xi32, #tpu.memory_space<vmem>> -> memref<1x1x72xi32, #tpu.memory_space<vmem>>
    %dma_start3A_104 = tpu.memref_squeeze %dma_start3A_103 : memref<1x1x72xi32, #tpu.memory_space<vmem>> -> memref<72xi32, #tpu.memory_space<vmem>>
    %dma_start3A_105 = tpu.memref_slice %arg3[%add3A_99] : memref<640000xi32, #tpu.memory_space<hbm>> -> memref<72xi32, #tpu.memory_space<hbm>>
    %dma_start3A_106 = arith.constant 0 : i32
    %dma_start3A_107 = tpu.memref_slice %arg5[%dma_start3A_100, %dma_start3A_101, %dma_start3A_106] : memref<8x2x72xi32, #tpu.memory_space<vmem>> -> memref<1x1x72xi32, #tpu.memory_space<vmem>>
    %dma_start3A_108 = tpu.memref_squeeze %dma_start3A_107 : memref<1x1x72xi32, #tpu.memory_space<vmem>> -> memref<72xi32, #tpu.memory_space<vmem>>
    %dma_start3A_109 = tpu.memref_slice %arg3[%add3A_99] : memref<640000xi32, #tpu.memory_space<hbm>> -> memref<72xi32, #tpu.memory_space<hbm>>
    tpu.enqueue_dma source(%dma_start3A_109 : memref<72xi32, #tpu.memory_space<hbm>>) target(%dma_start3A_108 : memref<72xi32, #tpu.memory_space<vmem>>) target_semaphore(%arg21 : memref<!tpu.dma_semaphore, #tpu.memory_space<semaphore_mem>>)
    %add3A_110 = arith.constant 320000 : i32
    %add3A_111 = arith.addi %add3A_110, %add3A_99 : i32
    %dma_start3A_112 = arith.constant 4 : i32
    %dma_start3A_113 = arith.constant 1 : i32
    %dma_start3A_114 = arith.constant 0 : i32
    %dma_start3A_115 = tpu.memref_slice %arg5[%dma_start3A_112, %dma_start3A_113, %dma_start3A_114] : memref<8x2x72xi32, #tpu.memory_space<vmem>> -> memref<1x1x72xi32, #tpu.memory_space<vmem>>
    %dma_start3A_116 = tpu.memref_squeeze %dma_start3A_115 : memref<1x1x72xi32, #tpu.memory_space<vmem>> -> memref<72xi32, #tpu.memory_space<vmem>>
    %dma_start3A_117 = tpu.memref_slice %arg3[%add3A_111] : memref<640000xi32, #tpu.memory_space<hbm>> -> memref<72xi32, #tpu.memory_space<hbm>>
    %dma_start3A_118 = arith.constant 0 : i32
    %dma_start3A_119 = tpu.memref_slice %arg5[%dma_start3A_112, %dma_start3A_113, %dma_start3A_118] : memref<8x2x72xi32, #tpu.memory_space<vmem>> -> memref<1x1x72xi32, #tpu.memory_space<vmem>>
    %dma_start3A_120 = tpu.memref_squeeze %dma_start3A_119 : memref<1x1x72xi32, #tpu.memory_space<vmem>> -> memref<72xi32, #tpu.memory_space<vmem>>
    %dma_start3A_121 = tpu.memref_slice %arg3[%add3A_111] : memref<640000xi32, #tpu.memory_space<hbm>> -> memref<72xi32, #tpu.memory_space<hbm>>
    tpu.enqueue_dma source(%dma_start3A_121 : memref<72xi32, #tpu.memory_space<hbm>>) target(%dma_start3A_120 : memref<72xi32, #tpu.memory_space<vmem>>) target_semaphore(%arg21 : memref<!tpu.dma_semaphore, #tpu.memory_space<semaphore_mem>>)
    %add3A_122 = arith.constant 360 : i32
    %add3A_123 = arith.addi %mul3A_2, %add3A_122 : i32
    %dma_start3A_124 = arith.constant 5 : i32
    %dma_start3A_125 = arith.constant 0 : i32
    %dma_start3A_126 = arith.constant 0 : i32
    %dma_start3A_127 = tpu.memref_slice %arg5[%dma_start3A_124, %dma_start3A_125, %dma_start3A_126] : memref<8x2x72xi32, #tpu.memory_space<vmem>> -> memref<1x1x72xi32, #tpu.memory_space<vmem>>
    %dma_start3A_128 = tpu.memref_squeeze %dma_start3A_127 : memref<1x1x72xi32, #tpu.memory_space<vmem>> -> memref<72xi32, #tpu.memory_space<vmem>>
    %dma_start3A_129 = tpu.memref_slice %arg3[%add3A_123] : memref<640000xi32, #tpu.memory_space<hbm>> -> memref<72xi32, #tpu.memory_space<hbm>>
    %dma_start3A_130 = arith.constant 0 : i32
    %dma_start3A_131 = tpu.memref_slice %arg5[%dma_start3A_124, %dma_start3A_125, %dma_start3A_130] : memref<8x2x72xi32, #tpu.memory_space<vmem>> -> memref<1x1x72xi32, #tpu.memory_space<vmem>>
    %dma_start3A_132 = tpu.memref_squeeze %dma_start3A_131 : memref<1x1x72xi32, #tpu.memory_space<vmem>> -> memref<72xi32, #tpu.memory_space<vmem>>
    %dma_start3A_133 = tpu.memref_slice %arg3[%add3A_123] : memref<640000xi32, #tpu.memory_space<hbm>> -> memref<72xi32, #tpu.memory_space<hbm>>
    tpu.enqueue_dma source(%dma_start3A_133 : memref<72xi32, #tpu.memory_space<hbm>>) target(%dma_start3A_132 : memref<72xi32, #tpu.memory_space<vmem>>) target_semaphore(%arg22 : memref<!tpu.dma_semaphore, #tpu.memory_space<semaphore_mem>>)
    %add3A_134 = arith.constant 320000 : i32
    %add3A_135 = arith.addi %add3A_134, %add3A_123 : i32
    %dma_start3A_136 = arith.constant 5 : i32
    %dma_start3A_137 = arith.constant 1 : i32
    %dma_start3A_138 = arith.constant 0 : i32
    %dma_start3A_139 = tpu.memref_slice %arg5[%dma_start3A_136, %dma_start3A_137, %dma_start3A_138] : memref<8x2x72xi32, #tpu.memory_space<vmem>> -> memref<1x1x72xi32, #tpu.memory_space<vmem>>
    %dma_start3A_140 = tpu.memref_squeeze %dma_start3A_139 : memref<1x1x72xi32, #tpu.memory_space<vmem>> -> memref<72xi32, #tpu.memory_space<vmem>>
    %dma_start3A_141 = tpu.memref_slice %arg3[%add3A_135] : memref<640000xi32, #tpu.memory_space<hbm>> -> memref<72xi32, #tpu.memory_space<hbm>>
    %dma_start3A_142 = arith.constant 0 : i32
    %dma_start3A_143 = tpu.memref_slice %arg5[%dma_start3A_136, %dma_start3A_137, %dma_start3A_142] : memref<8x2x72xi32, #tpu.memory_space<vmem>> -> memref<1x1x72xi32, #tpu.memory_space<vmem>>
    %dma_start3A_144 = tpu.memref_squeeze %dma_start3A_143 : memref<1x1x72xi32, #tpu.memory_space<vmem>> -> memref<72xi32, #tpu.memory_space<vmem>>
    %dma_start3A_145 = tpu.memref_slice %arg3[%add3A_135] : memref<640000xi32, #tpu.memory_space<hbm>> -> memref<72xi32, #tpu.memory_space<hbm>>
    tpu.enqueue_dma source(%dma_start3A_145 : memref<72xi32, #tpu.memory_space<hbm>>) target(%dma_start3A_144 : memref<72xi32, #tpu.memory_space<vmem>>) target_semaphore(%arg22 : memref<!tpu.dma_semaphore, #tpu.memory_space<semaphore_mem>>)
    %add3A_146 = arith.constant 432 : i32
    %add3A_147 = arith.addi %mul3A_2, %add3A_146 : i32
    %dma_start3A_148 = arith.constant 6 : i32
    %dma_start3A_149 = arith.constant 0 : i32
    %dma_start3A_150 = arith.constant 0 : i32
    %dma_start3A_151 = tpu.memref_slice %arg5[%dma_start3A_148, %dma_start3A_149, %dma_start3A_150] : memref<8x2x72xi32, #tpu.memory_space<vmem>> -> memref<1x1x72xi32, #tpu.memory_space<vmem>>
    %dma_start3A_152 = tpu.memref_squeeze %dma_start3A_151 : memref<1x1x72xi32, #tpu.memory_space<vmem>> -> memref<72xi32, #tpu.memory_space<vmem>>
    %dma_start3A_153 = tpu.memref_slice %arg3[%add3A_147] : memref<640000xi32, #tpu.memory_space<hbm>> -> memref<72xi32, #tpu.memory_space<hbm>>
    %dma_start3A_154 = arith.constant 0 : i32
    %dma_start3A_155 = tpu.memref_slice %arg5[%dma_start3A_148, %dma_start3A_149, %dma_start3A_154] : memref<8x2x72xi32, #tpu.memory_space<vmem>> -> memref<1x1x72xi32, #tpu.memory_space<vmem>>
    %dma_start3A_156 = tpu.memref_squeeze %dma_start3A_155 : memref<1x1x72xi32, #tpu.memory_space<vmem>> -> memref<72xi32, #tpu.memory_space<vmem>>
    %dma_start3A_157 = tpu.memref_slice %arg3[%add3A_147] : memref<640000xi32, #tpu.memory_space<hbm>> -> memref<72xi32, #tpu.memory_space<hbm>>
    tpu.enqueue_dma source(%dma_start3A_157 : memref<72xi32, #tpu.memory_space<hbm>>) target(%dma_start3A_156 : memref<72xi32, #tpu.memory_space<vmem>>) target_semaphore(%arg23 : memref<!tpu.dma_semaphore, #tpu.memory_space<semaphore_mem>>)
    %add3A_158 = arith.constant 320000 : i32
    %add3A_159 = arith.addi %add3A_158, %add3A_147 : i32
    %dma_start3A_160 = arith.constant 6 : i32
    %dma_start3A_161 = arith.constant 1 : i32
    %dma_start3A_162 = arith.constant 0 : i32
    %dma_start3A_163 = tpu.memref_slice %arg5[%dma_start3A_160, %dma_start3A_161, %dma_start3A_162] : memref<8x2x72xi32, #tpu.memory_space<vmem>> -> memref<1x1x72xi32, #tpu.memory_space<vmem>>
    %dma_start3A_164 = tpu.memref_squeeze %dma_start3A_163 : memref<1x1x72xi32, #tpu.memory_space<vmem>> -> memref<72xi32, #tpu.memory_space<vmem>>
    %dma_start3A_165 = tpu.memref_slice %arg3[%add3A_159] : memref<640000xi32, #tpu.memory_space<hbm>> -> memref<72xi32, #tpu.memory_space<hbm>>
    %dma_start3A_166 = arith.constant 0 : i32
    %dma_start3A_167 = tpu.memref_slice %arg5[%dma_start3A_160, %dma_start3A_161, %dma_start3A_166] : memref<8x2x72xi32, #tpu.memory_space<vmem>> -> memref<1x1x72xi32, #tpu.memory_space<vmem>>
    %dma_start3A_168 = tpu.memref_squeeze %dma_start3A_167 : memref<1x1x72xi32, #tpu.memory_space<vmem>> -> memref<72xi32, #tpu.memory_space<vmem>>
    %dma_start3A_169 = tpu.memref_slice %arg3[%add3A_159] : memref<640000xi32, #tpu.memory_space<hbm>> -> memref<72xi32, #tpu.memory_space<hbm>>
    tpu.enqueue_dma source(%dma_start3A_169 : memref<72xi32, #tpu.memory_space<hbm>>) target(%dma_start3A_168 : memref<72xi32, #tpu.memory_space<vmem>>) target_semaphore(%arg23 : memref<!tpu.dma_semaphore, #tpu.memory_space<semaphore_mem>>)
    %broadcast_in_dim3A = arith.constant 0.000000e+00 : f32
    %broadcast_in_dim3A_170 = vector.broadcast %broadcast_in_dim3A : f32 to vector<16xf32>
    %scan3A = arith.constant 3 : i32
    %scan3A_171 = arith.constant 0 : i32
    %scan3A_172 = arith.constant 72 : i32
    %scan3A_173 = arith.addi %scan3A_171, %scan3A_172 : i32
    %scan3A_174 = arith.constant 1 : i32
    scf.for %scan3A_750 = %scan3A_171 to %scan3A_173 step %scan3A_174  : i32 {
      %mul3A_751 = arith.constant 1 : i32
      %mul3A_752 = arith.muli %scan3A_750, %mul3A_751 : i32
      %add3A_753 = arith.constant 0 : i32
      %add3A_754 = arith.addi %add3A_753, %mul3A_752 : i32
      %scan3A_755 = arith.constant 0 : i32
      %scan3A_756 = arith.constant 8 : i32
      %scan3A_757 = arith.addi %scan3A_755, %scan3A_756 : i32
      %scan3A_758 = arith.constant 1 : i32
      scf.for %scan3A_760 = %scan3A_755 to %scan3A_757 step %scan3A_758  : i32 {
        %mul3A_761 = arith.constant 16 : i32
        %mul3A_762 = arith.muli %scan3A_760, %mul3A_761 : i32
        %add3A_763 = arith.constant 0 : i32
        %add3A_764 = arith.addi %add3A_763, %mul3A_762 : i32
        %swap3A = arith.constant 0 : i32
        %swap3A_765 = arith.constant 0 : i32
        %swap3A_766 = tpu.memref_slice %arg7[%scan3A, %swap3A, %swap3A_765] : memref<4x72x128xf32, #tpu.memory_space<vmem>> -> memref<1x72x128xf32, #tpu.memory_space<vmem>>
        %swap3A_767 = tpu.memref_squeeze %swap3A_766 : memref<1x72x128xf32, #tpu.memory_space<vmem>> -> memref<72x128xf32, #tpu.memory_space<vmem>>
        %swap3A_768 = arith.index_cast %add3A_754 : i32 to index
        %swap3A_769 = arith.index_cast %add3A_764 : i32 to index
        %swap3A_770 = tpu.vector_load %swap3A_767[%swap3A_768, %swap3A_769] {strides = array<i32>} : memref<72x128xf32, #tpu.memory_space<vmem>>, vector<1x16xf32>,
        %swap3A_771 = vector.shape_cast %swap3A_770 : vector<1x16xf32> to vector<16xf32>
        %swap3A_772 = vector.shape_cast %broadcast_in_dim3A_170 : vector<16xf32> to vector<1x16xf32>
        tpu.vector_store %swap3A_767[%swap3A_768, %swap3A_769], %swap3A_772 {strides = array<i32>} : memref<72x128xf32, #tpu.memory_space<vmem>>, vector<1x16xf32>,
      }
      %scan3A_759 = arith.constant 8 : i32
    }
    %scan3A_175 = arith.constant 72 : i32
    %mul3A_176 = arith.constant 625 : i32
    %mul3A_177 = arith.muli %arg1, %mul3A_176 : i32
    %add3A_178 = arith.constant 0 : i32
    %add3A_179 = arith.addi %mul3A_177, %add3A_178 : i32
    %dma_start3A_180 = arith.constant 3 : i32
    %dma_start3A_181 = arith.constant 0 : i32
    %dma_start3A_182 = arith.constant 0 : i32
    %dma_start3A_183 = tpu.memref_slice %arg7[%dma_start3A_180, %dma_start3A_181, %dma_start3A_182] : memref<4x72x128xf32, #tpu.memory_space<vmem>> -> memref<1x72x128xf32, #tpu.memory_space<vmem>>
    %dma_start3A_184 = tpu.memref_squeeze %dma_start3A_183 : memref<1x72x128xf32, #tpu.memory_space<vmem>> -> memref<72x128xf32, #tpu.memory_space<vmem>>
    %dma_start3A_185 = arith.constant 0 : i32
    %dma_start3A_186 = tpu.memref_slice %arg8[%add3A_179, %dma_start3A_185] : memref<10000x128xf32, #tpu.memory_space<vmem_shared>> -> memref<72x128xf32, #tpu.memory_space<vmem_shared>>
    %dma_start3A_187 = arith.constant 0 : i32
    %dma_start3A_188 = tpu.memref_slice %arg8[%add3A_179, %dma_start3A_187] : memref<10000x128xf32, #tpu.memory_space<vmem_shared>> -> memref<72x128xf32, #tpu.memory_space<vmem_shared>>
    %dma_start3A_189 = arith.constant 0 : i32
    %dma_start3A_190 = arith.constant 0 : i32
    %dma_start3A_191 = tpu.memref_slice %arg7[%dma_start3A_180, %dma_start3A_189, %dma_start3A_190] : memref<4x72x128xf32, #tpu.memory_space<vmem>> -> memref<1x72x128xf32, #tpu.memory_space<vmem>>
    %dma_start3A_192 = tpu.memref_squeeze %dma_start3A_191 : memref<1x72x128xf32, #tpu.memory_space<vmem>> -> memref<72x128xf32, #tpu.memory_space<vmem>>
    tpu.enqueue_dma source(%dma_start3A_192 : memref<72x128xf32, #tpu.memory_space<vmem>>) target(%dma_start3A_188 : memref<72x128xf32, #tpu.memory_space<vmem_shared>>) target_semaphore(%arg13 : memref<!tpu.dma_semaphore, #tpu.memory_space<semaphore_mem>>)
    %add3A_193 = arith.constant 72 : i32
    %add3A_194 = arith.addi %mul3A_177, %add3A_193 : i32
    %dma_start3A_195 = arith.constant 3 : i32
    %dma_start3A_196 = arith.constant 0 : i32
    %dma_start3A_197 = arith.constant 0 : i32
    %dma_start3A_198 = tpu.memref_slice %arg7[%dma_start3A_195, %dma_start3A_196, %dma_start3A_197] : memref<4x72x128xf32, #tpu.memory_space<vmem>> -> memref<1x72x128xf32, #tpu.memory_space<vmem>>
    %dma_start3A_199 = tpu.memref_squeeze %dma_start3A_198 : memref<1x72x128xf32, #tpu.memory_space<vmem>> -> memref<72x128xf32, #tpu.memory_space<vmem>>
    %dma_start3A_200 = arith.constant 0 : i32
    %dma_start3A_201 = tpu.memref_slice %arg8[%add3A_194, %dma_start3A_200] : memref<10000x128xf32, #tpu.memory_space<vmem_shared>> -> memref<72x128xf32, #tpu.memory_space<vmem_shared>>
    %dma_start3A_202 = arith.constant 0 : i32
    %dma_start3A_203 = tpu.memref_slice %arg8[%add3A_194, %dma_start3A_202] : memref<10000x128xf32, #tpu.memory_space<vmem_shared>> -> memref<72x128xf32, #tpu.memory_space<vmem_shared>>
    %dma_start3A_204 = arith.constant 0 : i32
    %dma_start3A_205 = arith.constant 0 : i32
    %dma_start3A_206 = tpu.memref_slice %arg7[%dma_start3A_195, %dma_start3A_204, %dma_start3A_205] : memref<4x72x128xf32, #tpu.memory_space<vmem>> -> memref<1x72x128xf32, #tpu.memory_space<vmem>>
    %dma_start3A_207 = tpu.memref_squeeze %dma_start3A_206 : memref<1x72x128xf32, #tpu.memory_space<vmem>> -> memref<72x128xf32, #tpu.memory_space<vmem>>
    tpu.enqueue_dma source(%dma_start3A_207 : memref<72x128xf32, #tpu.memory_space<vmem>>) target(%dma_start3A_203 : memref<72x128xf32, #tpu.memory_space<vmem_shared>>) target_semaphore(%arg14 : memref<!tpu.dma_semaphore, #tpu.memory_space<semaphore_mem>>)
    %add3A_208 = arith.constant 144 : i32
    %add3A_209 = arith.addi %mul3A_177, %add3A_208 : i32
    %dma_start3A_210 = arith.constant 3 : i32
    %dma_start3A_211 = arith.constant 0 : i32
    %dma_start3A_212 = arith.constant 0 : i32
    %dma_start3A_213 = tpu.memref_slice %arg7[%dma_start3A_210, %dma_start3A_211, %dma_start3A_212] : memref<4x72x128xf32, #tpu.memory_space<vmem>> -> memref<1x72x128xf32, #tpu.memory_space<vmem>>
    %dma_start3A_214 = tpu.memref_squeeze %dma_start3A_213 : memref<1x72x128xf32, #tpu.memory_space<vmem>> -> memref<72x128xf32, #tpu.memory_space<vmem>>
    %dma_start3A_215 = arith.constant 0 : i32
    %dma_start3A_216 = tpu.memref_slice %arg8[%add3A_209, %dma_start3A_215] : memref<10000x128xf32, #tpu.memory_space<vmem_shared>> -> memref<72x128xf32, #tpu.memory_space<vmem_shared>>
    %dma_start3A_217 = arith.constant 0 : i32
    %dma_start3A_218 = tpu.memref_slice %arg8[%add3A_209, %dma_start3A_217] : memref<10000x128xf32, #tpu.memory_space<vmem_shared>> -> memref<72x128xf32, #tpu.memory_space<vmem_shared>>
    %dma_start3A_219 = arith.constant 0 : i32
    %dma_start3A_220 = arith.constant 0 : i32
    %dma_start3A_221 = tpu.memref_slice %arg7[%dma_start3A_210, %dma_start3A_219, %dma_start3A_220] : memref<4x72x128xf32, #tpu.memory_space<vmem>> -> memref<1x72x128xf32, #tpu.memory_space<vmem>>
    %dma_start3A_222 = tpu.memref_squeeze %dma_start3A_221 : memref<1x72x128xf32, #tpu.memory_space<vmem>> -> memref<72x128xf32, #tpu.memory_space<vmem>>
    tpu.enqueue_dma source(%dma_start3A_222 : memref<72x128xf32, #tpu.memory_space<vmem>>) target(%dma_start3A_218 : memref<72x128xf32, #tpu.memory_space<vmem_shared>>) target_semaphore(%arg15 : memref<!tpu.dma_semaphore, #tpu.memory_space<semaphore_mem>>)
    %add3A_223 = arith.constant 216 : i32
    %add3A_224 = arith.addi %mul3A_177, %add3A_223 : i32
    %dma_start3A_225 = arith.constant 3 : i32
    %dma_start3A_226 = arith.constant 0 : i32
    %dma_start3A_227 = arith.constant 0 : i32
    %dma_start3A_228 = tpu.memref_slice %arg7[%dma_start3A_225, %dma_start3A_226, %dma_start3A_227] : memref<4x72x128xf32, #tpu.memory_space<vmem>> -> memref<1x72x128xf32, #tpu.memory_space<vmem>>
    %dma_start3A_229 = tpu.memref_squeeze %dma_start3A_228 : memref<1x72x128xf32, #tpu.memory_space<vmem>> -> memref<72x128xf32, #tpu.memory_space<vmem>>
    %dma_start3A_230 = arith.constant 0 : i32
    %dma_start3A_231 = tpu.memref_slice %arg8[%add3A_224, %dma_start3A_230] : memref<10000x128xf32, #tpu.memory_space<vmem_shared>> -> memref<72x128xf32, #tpu.memory_space<vmem_shared>>
    %dma_start3A_232 = arith.constant 0 : i32
    %dma_start3A_233 = tpu.memref_slice %arg8[%add3A_224, %dma_start3A_232] : memref<10000x128xf32, #tpu.memory_space<vmem_shared>> -> memref<72x128xf32, #tpu.memory_space<vmem_shared>>
    %dma_start3A_234 = arith.constant 0 : i32
    %dma_start3A_235 = arith.constant 0 : i32
    %dma_start3A_236 = tpu.memref_slice %arg7[%dma_start3A_225, %dma_start3A_234, %dma_start3A_235] : memref<4x72x128xf32, #tpu.memory_space<vmem>> -> memref<1x72x128xf32, #tpu.memory_space<vmem>>
    %dma_start3A_237 = tpu.memref_squeeze %dma_start3A_236 : memref<1x72x128xf32, #tpu.memory_space<vmem>> -> memref<72x128xf32, #tpu.memory_space<vmem>>
    tpu.enqueue_dma source(%dma_start3A_237 : memref<72x128xf32, #tpu.memory_space<vmem>>) target(%dma_start3A_233 : memref<72x128xf32, #tpu.memory_space<vmem_shared>>) target_semaphore(%arg16 : memref<!tpu.dma_semaphore, #tpu.memory_space<semaphore_mem>>)
    %add3A_238 = arith.constant 288 : i32
    %add3A_239 = arith.addi %mul3A_177, %add3A_238 : i32
    %dma_start3A_240 = arith.constant 3 : i32
    %dma_start3A_241 = arith.constant 0 : i32
    %dma_start3A_242 = arith.constant 0 : i32
    %dma_start3A_243 = tpu.memref_slice %arg7[%dma_start3A_240, %dma_start3A_241, %dma_start3A_242] : memref<4x72x128xf32, #tpu.memory_space<vmem>> -> memref<1x72x128xf32, #tpu.memory_space<vmem>>
    %dma_start3A_244 = tpu.memref_squeeze %dma_start3A_243 : memref<1x72x128xf32, #tpu.memory_space<vmem>> -> memref<72x128xf32, #tpu.memory_space<vmem>>
    %dma_start3A_245 = arith.constant 0 : i32
    %dma_start3A_246 = tpu.memref_slice %arg8[%add3A_239, %dma_start3A_245] : memref<10000x128xf32, #tpu.memory_space<vmem_shared>> -> memref<72x128xf32, #tpu.memory_space<vmem_shared>>
    %dma_start3A_247 = arith.constant 0 : i32
    %dma_start3A_248 = tpu.memref_slice %arg8[%add3A_239, %dma_start3A_247] : memref<10000x128xf32, #tpu.memory_space<vmem_shared>> -> memref<72x128xf32, #tpu.memory_space<vmem_shared>>
    %dma_start3A_249 = arith.constant 0 : i32
    %dma_start3A_250 = arith.constant 0 : i32
    %dma_start3A_251 = tpu.memref_slice %arg7[%dma_start3A_240, %dma_start3A_249, %dma_start3A_250] : memref<4x72x128xf32, #tpu.memory_space<vmem>> -> memref<1x72x128xf32, #tpu.memory_space<vmem>>
    %dma_start3A_252 = tpu.memref_squeeze %dma_start3A_251 : memref<1x72x128xf32, #tpu.memory_space<vmem>> -> memref<72x128xf32, #tpu.memory_space<vmem>>
    tpu.enqueue_dma source(%dma_start3A_252 : memref<72x128xf32, #tpu.memory_space<vmem>>) target(%dma_start3A_248 : memref<72x128xf32, #tpu.memory_space<vmem_shared>>) target_semaphore(%arg13 : memref<!tpu.dma_semaphore, #tpu.memory_space<semaphore_mem>>)
    %add3A_253 = arith.constant 360 : i32
    %add3A_254 = arith.addi %mul3A_177, %add3A_253 : i32
    %dma_start3A_255 = arith.constant 3 : i32
    %dma_start3A_256 = arith.constant 0 : i32
    %dma_start3A_257 = arith.constant 0 : i32
    %dma_start3A_258 = tpu.memref_slice %arg7[%dma_start3A_255, %dma_start3A_256, %dma_start3A_257] : memref<4x72x128xf32, #tpu.memory_space<vmem>> -> memref<1x72x128xf32, #tpu.memory_space<vmem>>
    %dma_start3A_259 = tpu.memref_squeeze %dma_start3A_258 : memref<1x72x128xf32, #tpu.memory_space<vmem>> -> memref<72x128xf32, #tpu.memory_space<vmem>>
    %dma_start3A_260 = arith.constant 0 : i32
    %dma_start3A_261 = tpu.memref_slice %arg8[%add3A_254, %dma_start3A_260] : memref<10000x128xf32, #tpu.memory_space<vmem_shared>> -> memref<72x128xf32, #tpu.memory_space<vmem_shared>>
    %dma_start3A_262 = arith.constant 0 : i32
    %dma_start3A_263 = tpu.memref_slice %arg8[%add3A_254, %dma_start3A_262] : memref<10000x128xf32, #tpu.memory_space<vmem_shared>> -> memref<72x128xf32, #tpu.memory_space<vmem_shared>>
    %dma_start3A_264 = arith.constant 0 : i32
    %dma_start3A_265 = arith.constant 0 : i32
    %dma_start3A_266 = tpu.memref_slice %arg7[%dma_start3A_255, %dma_start3A_264, %dma_start3A_265] : memref<4x72x128xf32, #tpu.memory_space<vmem>> -> memref<1x72x128xf32, #tpu.memory_space<vmem>>
    %dma_start3A_267 = tpu.memref_squeeze %dma_start3A_266 : memref<1x72x128xf32, #tpu.memory_space<vmem>> -> memref<72x128xf32, #tpu.memory_space<vmem>>
    tpu.enqueue_dma source(%dma_start3A_267 : memref<72x128xf32, #tpu.memory_space<vmem>>) target(%dma_start3A_263 : memref<72x128xf32, #tpu.memory_space<vmem_shared>>) target_semaphore(%arg14 : memref<!tpu.dma_semaphore, #tpu.memory_space<semaphore_mem>>)
    %add3A_268 = arith.constant 432 : i32
    %add3A_269 = arith.addi %mul3A_177, %add3A_268 : i32
    %dma_start3A_270 = arith.constant 3 : i32
    %dma_start3A_271 = arith.constant 0 : i32
    %dma_start3A_272 = arith.constant 0 : i32
    %dma_start3A_273 = tpu.memref_slice %arg7[%dma_start3A_270, %dma_start3A_271, %dma_start3A_272] : memref<4x72x128xf32, #tpu.memory_space<vmem>> -> memref<1x72x128xf32, #tpu.memory_space<vmem>>
    %dma_start3A_274 = tpu.memref_squeeze %dma_start3A_273 : memref<1x72x128xf32, #tpu.memory_space<vmem>> -> memref<72x128xf32, #tpu.memory_space<vmem>>
    %dma_start3A_275 = arith.constant 0 : i32
    %dma_start3A_276 = tpu.memref_slice %arg8[%add3A_269, %dma_start3A_275] : memref<10000x128xf32, #tpu.memory_space<vmem_shared>> -> memref<72x128xf32, #tpu.memory_space<vmem_shared>>
    %dma_start3A_277 = arith.constant 0 : i32
    %dma_start3A_278 = tpu.memref_slice %arg8[%add3A_269, %dma_start3A_277] : memref<10000x128xf32, #tpu.memory_space<vmem_shared>> -> memref<72x128xf32, #tpu.memory_space<vmem_shared>>
    %dma_start3A_279 = arith.constant 0 : i32
    %dma_start3A_280 = arith.constant 0 : i32
    %dma_start3A_281 = tpu.memref_slice %arg7[%dma_start3A_270, %dma_start3A_279, %dma_start3A_280] : memref<4x72x128xf32, #tpu.memory_space<vmem>> -> memref<1x72x128xf32, #tpu.memory_space<vmem>>
    %dma_start3A_282 = tpu.memref_squeeze %dma_start3A_281 : memref<1x72x128xf32, #tpu.memory_space<vmem>> -> memref<72x128xf32, #tpu.memory_space<vmem>>
    tpu.enqueue_dma source(%dma_start3A_282 : memref<72x128xf32, #tpu.memory_space<vmem>>) target(%dma_start3A_278 : memref<72x128xf32, #tpu.memory_space<vmem_shared>>) target_semaphore(%arg15 : memref<!tpu.dma_semaphore, #tpu.memory_space<semaphore_mem>>)
    %add3A_283 = arith.constant 504 : i32
    %add3A_284 = arith.addi %mul3A_177, %add3A_283 : i32
    %dma_start3A_285 = arith.constant 3 : i32
    %dma_start3A_286 = arith.constant 0 : i32
    %dma_start3A_287 = arith.constant 0 : i32
    %dma_start3A_288 = tpu.memref_slice %arg7[%dma_start3A_285, %dma_start3A_286, %dma_start3A_287] : memref<4x72x128xf32, #tpu.memory_space<vmem>> -> memref<1x72x128xf32, #tpu.memory_space<vmem>>
    %dma_start3A_289 = tpu.memref_squeeze %dma_start3A_288 : memref<1x72x128xf32, #tpu.memory_space<vmem>> -> memref<72x128xf32, #tpu.memory_space<vmem>>
    %dma_start3A_290 = arith.constant 0 : i32
    %dma_start3A_291 = tpu.memref_slice %arg8[%add3A_284, %dma_start3A_290] : memref<10000x128xf32, #tpu.memory_space<vmem_shared>> -> memref<72x128xf32, #tpu.memory_space<vmem_shared>>
    %dma_start3A_292 = arith.constant 0 : i32
    %dma_start3A_293 = tpu.memref_slice %arg8[%add3A_284, %dma_start3A_292] : memref<10000x128xf32, #tpu.memory_space<vmem_shared>> -> memref<72x128xf32, #tpu.memory_space<vmem_shared>>
    %dma_start3A_294 = arith.constant 0 : i32
    %dma_start3A_295 = arith.constant 0 : i32
    %dma_start3A_296 = tpu.memref_slice %arg7[%dma_start3A_285, %dma_start3A_294, %dma_start3A_295] : memref<4x72x128xf32, #tpu.memory_space<vmem>> -> memref<1x72x128xf32, #tpu.memory_space<vmem>>
    %dma_start3A_297 = tpu.memref_squeeze %dma_start3A_296 : memref<1x72x128xf32, #tpu.memory_space<vmem>> -> memref<72x128xf32, #tpu.memory_space<vmem>>
    tpu.enqueue_dma source(%dma_start3A_297 : memref<72x128xf32, #tpu.memory_space<vmem>>) target(%dma_start3A_293 : memref<72x128xf32, #tpu.memory_space<vmem_shared>>) target_semaphore(%arg16 : memref<!tpu.dma_semaphore, #tpu.memory_space<semaphore_mem>>)
    %add3A_298 = arith.constant 576 : i32
    %add3A_299 = arith.addi %mul3A_177, %add3A_298 : i32
    %dma_start3A_300 = arith.constant 3 : i32
    %dma_start3A_301 = arith.constant 0 : i32
    %dma_start3A_302 = arith.constant 0 : i32
    %dma_start3A_303 = tpu.memref_slice %arg7[%dma_start3A_300, %dma_start3A_301, %dma_start3A_302] : memref<4x72x128xf32, #tpu.memory_space<vmem>> -> memref<1x72x128xf32, #tpu.memory_space<vmem>>
    %dma_start3A_304 = tpu.memref_squeeze %dma_start3A_303 : memref<1x72x128xf32, #tpu.memory_space<vmem>> -> memref<72x128xf32, #tpu.memory_space<vmem>>
    %dma_start3A_305 = arith.constant 0 : i32
    %dma_start3A_306 = arith.constant 0 : i32
    %dma_start3A_307 = tpu.memref_slice %dma_start3A_304[%dma_start3A_305, %dma_start3A_306] : memref<72x128xf32, #tpu.memory_space<vmem>> -> memref<49x128xf32, #tpu.memory_space<vmem>>
    %dma_start3A_308 = arith.constant 0 : i32
    %dma_start3A_309 = tpu.memref_slice %arg8[%add3A_299, %dma_start3A_308] : memref<10000x128xf32, #tpu.memory_space<vmem_shared>> -> memref<49x128xf32, #tpu.memory_space<vmem_shared>>
    %dma_start3A_310 = arith.constant 0 : i32
    %dma_start3A_311 = tpu.memref_slice %arg8[%add3A_299, %dma_start3A_310] : memref<10000x128xf32, #tpu.memory_space<vmem_shared>> -> memref<49x128xf32, #tpu.memory_space<vmem_shared>>
    %dma_start3A_312 = arith.constant 0 : i32
    %dma_start3A_313 = arith.constant 0 : i32
    %dma_start3A_314 = tpu.memref_slice %arg7[%dma_start3A_300, %dma_start3A_312, %dma_start3A_313] : memref<4x72x128xf32, #tpu.memory_space<vmem>> -> memref<1x72x128xf32, #tpu.memory_space<vmem>>
    %dma_start3A_315 = tpu.memref_squeeze %dma_start3A_314 : memref<1x72x128xf32, #tpu.memory_space<vmem>> -> memref<72x128xf32, #tpu.memory_space<vmem>>
    %dma_start3A_316 = arith.constant 0 : i32
    %dma_start3A_317 = arith.constant 0 : i32
    %dma_start3A_318 = tpu.memref_slice %dma_start3A_315[%dma_start3A_316, %dma_start3A_317] : memref<72x128xf32, #tpu.memory_space<vmem>> -> memref<49x128xf32, #tpu.memory_space<vmem>>
    tpu.enqueue_dma source(%dma_start3A_318 : memref<49x128xf32, #tpu.memory_space<vmem>>) target(%dma_start3A_311 : memref<49x128xf32, #tpu.memory_space<vmem_shared>>) target_semaphore(%arg25 : memref<!tpu.dma_semaphore, #tpu.memory_space<semaphore_mem>>)
    %add3A_319 = arith.constant 0 : i32
    %add3A_320 = arith.addi %mul3A_2, %add3A_319 : i32
    %dma_wait3A = arith.constant 0 : i32
    %dma_wait3A_321 = arith.constant 0 : i32
    %dma_wait3A_322 = arith.constant 0 : i32
    %dma_wait3A_323 = tpu.memref_slice %arg5[%dma_wait3A, %dma_wait3A_321, %dma_wait3A_322] : memref<8x2x72xi32, #tpu.memory_space<vmem>> -> memref<1x1x72xi32, #tpu.memory_space<vmem>>
    %dma_wait3A_324 = tpu.memref_squeeze %dma_wait3A_323 : memref<1x1x72xi32, #tpu.memory_space<vmem>> -> memref<72xi32, #tpu.memory_space<vmem>>
    %dma_wait3A_325 = tpu.memref_slice %arg3[%add3A_320] : memref<640000xi32, #tpu.memory_space<hbm>> -> memref<72xi32, #tpu.memory_space<hbm>>
    %dma_wait3A_326 = arith.constant 0 : i32
    %dma_wait3A_327 = tpu.memref_slice %arg5[%dma_wait3A, %dma_wait3A_321, %dma_wait3A_326] : memref<8x2x72xi32, #tpu.memory_space<vmem>> -> memref<1x1x72xi32, #tpu.memory_space<vmem>>
    %dma_wait3A_328 = tpu.memref_squeeze %dma_wait3A_327 : memref<1x1x72xi32, #tpu.memory_space<vmem>> -> memref<72xi32, #tpu.memory_space<vmem>>
    %dma_wait3A_329 = tpu.memref_slice %arg3[%add3A_320] : memref<640000xi32, #tpu.memory_space<hbm>> -> memref<72xi32, #tpu.memory_space<hbm>>
    tpu.wait_dma2 semaphore(%arg17 : memref<!tpu.dma_semaphore, #tpu.memory_space<semaphore_mem>>) src(%dma_wait3A_329 : memref<72xi32, #tpu.memory_space<hbm>>) dst(%dma_wait3A_328 : memref<72xi32, #tpu.memory_space<vmem>>)
    %add3A_330 = arith.constant 320000 : i32
    %add3A_331 = arith.addi %add3A_330, %add3A_320 : i32
    %dma_wait3A_332 = arith.constant 0 : i32
    %dma_wait3A_333 = arith.constant 1 : i32
    %dma_wait3A_334 = arith.constant 0 : i32
    %dma_wait3A_335 = tpu.memref_slice %arg5[%dma_wait3A_332, %dma_wait3A_333, %dma_wait3A_334] : memref<8x2x72xi32, #tpu.memory_space<vmem>> -> memref<1x1x72xi32, #tpu.memory_space<vmem>>
    %dma_wait3A_336 = tpu.memref_squeeze %dma_wait3A_335 : memref<1x1x72xi32, #tpu.memory_space<vmem>> -> memref<72xi32, #tpu.memory_space<vmem>>
    %dma_wait3A_337 = tpu.memref_slice %arg3[%add3A_331] : memref<640000xi32, #tpu.memory_space<hbm>> -> memref<72xi32, #tpu.memory_space<hbm>>
    %dma_wait3A_338 = arith.constant 0 : i32
    %dma_wait3A_339 = tpu.memref_slice %arg5[%dma_wait3A_332, %dma_wait3A_333, %dma_wait3A_338] : memref<8x2x72xi32, #tpu.memory_space<vmem>> -> memref<1x1x72xi32, #tpu.memory_space<vmem>>
    %dma_wait3A_340 = tpu.memref_squeeze %dma_wait3A_339 : memref<1x1x72xi32, #tpu.memory_space<vmem>> -> memref<72xi32, #tpu.memory_space<vmem>>
    %dma_wait3A_341 = tpu.memref_slice %arg3[%add3A_331] : memref<640000xi32, #tpu.memory_space<hbm>> -> memref<72xi32, #tpu.memory_space<hbm>>
    tpu.wait_dma2 semaphore(%arg17 : memref<!tpu.dma_semaphore, #tpu.memory_space<semaphore_mem>>) src(%dma_wait3A_341 : memref<72xi32, #tpu.memory_space<hbm>>) dst(%dma_wait3A_340 : memref<72xi32, #tpu.memory_space<vmem>>)
    %dma_start3A_342 = arith.constant 0 : i32
    %dma_start3A_343 = arith.constant 0 : i32
    %dma_start3A_344 = arith.constant 0 : i32
    %dma_start3A_345 = arith.constant 0 : i32
    %dma_start3A_346 = arith.constant 0 : i32
    %dma_start3A_347 = tpu.memref_slice %arg7[%dma_start3A_344, %dma_start3A_345, %dma_start3A_346] : memref<4x72x128xf32, #tpu.memory_space<vmem>> -> memref<1x72x128xf32, #tpu.memory_space<vmem>>
    %dma_start3A_348 = tpu.memref_squeeze %dma_start3A_347 : memref<1x72x128xf32, #tpu.memory_space<vmem>> -> memref<72x128xf32, #tpu.memory_space<vmem>>
    %dma_start3A_349 = arith.constant 0 : i32
    %dma_start3A_350 = tpu.memref_slice %arg5[%dma_start3A_342, %dma_start3A_343, %dma_start3A_349] : memref<8x2x72xi32, #tpu.memory_space<vmem>> -> memref<1x1x72xi32, #tpu.memory_space<vmem>>
    %dma_start3A_351 = tpu.memref_squeeze %dma_start3A_350 : memref<1x1x72xi32, #tpu.memory_space<vmem>> -> memref<72xi32, #tpu.memory_space<vmem>>
    %dma_start3A_352 = arith.constant 0 : i32
    %dma_start3A_353 = arith.constant 0 : i32
    %dma_start3A_354 = tpu.memref_slice %arg2[%dma_start3A_352, %dma_start3A_353] : memref<10000x128xf32, #tpu.memory_space<hbm>> -> memref<10000x128xf32, #tpu.memory_space<hbm>>
    tpu.enqueue_indirect_dma source(%dma_start3A_354 : memref<10000x128xf32, #tpu.memory_space<hbm>>) target(%dma_start3A_348 : memref<72x128xf32, #tpu.memory_space<vmem>>) offsets(%dma_start3A_351 : memref<72xi32, #tpu.memory_space<vmem>>) semaphore(%arg9 : memref<!tpu.dma_semaphore, #tpu.memory_space<semaphore_mem>>)
    %add3A_355 = arith.constant 72 : i32
    %add3A_356 = arith.addi %mul3A_2, %add3A_355 : i32
    %dma_wait3A_357 = arith.constant 1 : i32
    %dma_wait3A_358 = arith.constant 0 : i32
    %dma_wait3A_359 = arith.constant 0 : i32
    %dma_wait3A_360 = tpu.memref_slice %arg5[%dma_wait3A_357, %dma_wait3A_358, %dma_wait3A_359] : memref<8x2x72xi32, #tpu.memory_space<vmem>> -> memref<1x1x72xi32, #tpu.memory_space<vmem>>
    %dma_wait3A_361 = tpu.memref_squeeze %dma_wait3A_360 : memref<1x1x72xi32, #tpu.memory_space<vmem>> -> memref<72xi32, #tpu.memory_space<vmem>>
    %dma_wait3A_362 = tpu.memref_slice %arg3[%add3A_356] : memref<640000xi32, #tpu.memory_space<hbm>> -> memref<72xi32, #tpu.memory_space<hbm>>
    %dma_wait3A_363 = arith.constant 0 : i32
    %dma_wait3A_364 = tpu.memref_slice %arg5[%dma_wait3A_357, %dma_wait3A_358, %dma_wait3A_363] : memref<8x2x72xi32, #tpu.memory_space<vmem>> -> memref<1x1x72xi32, #tpu.memory_space<vmem>>
    %dma_wait3A_365 = tpu.memref_squeeze %dma_wait3A_364 : memref<1x1x72xi32, #tpu.memory_space<vmem>> -> memref<72xi32, #tpu.memory_space<vmem>>
    %dma_wait3A_366 = tpu.memref_slice %arg3[%add3A_356] : memref<640000xi32, #tpu.memory_space<hbm>> -> memref<72xi32, #tpu.memory_space<hbm>>
    tpu.wait_dma2 semaphore(%arg18 : memref<!tpu.dma_semaphore, #tpu.memory_space<semaphore_mem>>) src(%dma_wait3A_366 : memref<72xi32, #tpu.memory_space<hbm>>) dst(%dma_wait3A_365 : memref<72xi32, #tpu.memory_space<vmem>>)
    %add3A_367 = arith.constant 320000 : i32
    %add3A_368 = arith.addi %add3A_367, %add3A_356 : i32
    %dma_wait3A_369 = arith.constant 1 : i32
    %dma_wait3A_370 = arith.constant 1 : i32
    %dma_wait3A_371 = arith.constant 0 : i32
    %dma_wait3A_372 = tpu.memref_slice %arg5[%dma_wait3A_369, %dma_wait3A_370, %dma_wait3A_371] : memref<8x2x72xi32, #tpu.memory_space<vmem>> -> memref<1x1x72xi32, #tpu.memory_space<vmem>>
    %dma_wait3A_373 = tpu.memref_squeeze %dma_wait3A_372 : memref<1x1x72xi32, #tpu.memory_space<vmem>> -> memref<72xi32, #tpu.memory_space<vmem>>
    %dma_wait3A_374 = tpu.memref_slice %arg3[%add3A_368] : memref<640000xi32, #tpu.memory_space<hbm>> -> memref<72xi32, #tpu.memory_space<hbm>>
    %dma_wait3A_375 = arith.constant 0 : i32
    %dma_wait3A_376 = tpu.memref_slice %arg5[%dma_wait3A_369, %dma_wait3A_370, %dma_wait3A_375] : memref<8x2x72xi32, #tpu.memory_space<vmem>> -> memref<1x1x72xi32, #tpu.memory_space<vmem>>
    %dma_wait3A_377 = tpu.memref_squeeze %dma_wait3A_376 : memref<1x1x72xi32, #tpu.memory_space<vmem>> -> memref<72xi32, #tpu.memory_space<vmem>>
    %dma_wait3A_378 = tpu.memref_slice %arg3[%add3A_368] : memref<640000xi32, #tpu.memory_space<hbm>> -> memref<72xi32, #tpu.memory_space<hbm>>
    tpu.wait_dma2 semaphore(%arg18 : memref<!tpu.dma_semaphore, #tpu.memory_space<semaphore_mem>>) src(%dma_wait3A_378 : memref<72xi32, #tpu.memory_space<hbm>>) dst(%dma_wait3A_377 : memref<72xi32, #tpu.memory_space<vmem>>)
    %dma_start3A_379 = arith.constant 1 : i32
    %dma_start3A_380 = arith.constant 0 : i32
    %dma_start3A_381 = arith.constant 1 : i32
    %dma_start3A_382 = arith.constant 0 : i32
    %dma_start3A_383 = arith.constant 0 : i32
    %dma_start3A_384 = tpu.memref_slice %arg7[%dma_start3A_381, %dma_start3A_382, %dma_start3A_383] : memref<4x72x128xf32, #tpu.memory_space<vmem>> -> memref<1x72x128xf32, #tpu.memory_space<vmem>>
    %dma_start3A_385 = tpu.memref_squeeze %dma_start3A_384 : memref<1x72x128xf32, #tpu.memory_space<vmem>> -> memref<72x128xf32, #tpu.memory_space<vmem>>
    %dma_start3A_386 = arith.constant 0 : i32
    %dma_start3A_387 = tpu.memref_slice %arg5[%dma_start3A_379, %dma_start3A_380, %dma_start3A_386] : memref<8x2x72xi32, #tpu.memory_space<vmem>> -> memref<1x1x72xi32, #tpu.memory_space<vmem>>
    %dma_start3A_388 = tpu.memref_squeeze %dma_start3A_387 : memref<1x1x72xi32, #tpu.memory_space<vmem>> -> memref<72xi32, #tpu.memory_space<vmem>>
    %dma_start3A_389 = arith.constant 0 : i32
    %dma_start3A_390 = arith.constant 0 : i32
    %dma_start3A_391 = tpu.memref_slice %arg2[%dma_start3A_389, %dma_start3A_390] : memref<10000x128xf32, #tpu.memory_space<hbm>> -> memref<10000x128xf32, #tpu.memory_space<hbm>>
    tpu.enqueue_indirect_dma source(%dma_start3A_391 : memref<10000x128xf32, #tpu.memory_space<hbm>>) target(%dma_start3A_385 : memref<72x128xf32, #tpu.memory_space<vmem>>) offsets(%dma_start3A_388 : memref<72xi32, #tpu.memory_space<vmem>>) semaphore(%arg10 : memref<!tpu.dma_semaphore, #tpu.memory_space<semaphore_mem>>)
    %add3A_392 = arith.constant 144 : i32
    %add3A_393 = arith.addi %mul3A_2, %add3A_392 : i32
    %dma_wait3A_394 = arith.constant 2 : i32
    %dma_wait3A_395 = arith.constant 0 : i32
    %dma_wait3A_396 = arith.constant 0 : i32
    %dma_wait3A_397 = tpu.memref_slice %arg5[%dma_wait3A_394, %dma_wait3A_395, %dma_wait3A_396] : memref<8x2x72xi32, #tpu.memory_space<vmem>> -> memref<1x1x72xi32, #tpu.memory_space<vmem>>
    %dma_wait3A_398 = tpu.memref_squeeze %dma_wait3A_397 : memref<1x1x72xi32, #tpu.memory_space<vmem>> -> memref<72xi32, #tpu.memory_space<vmem>>
    %dma_wait3A_399 = tpu.memref_slice %arg3[%add3A_393] : memref<640000xi32, #tpu.memory_space<hbm>> -> memref<72xi32, #tpu.memory_space<hbm>>
    %dma_wait3A_400 = arith.constant 0 : i32
    %dma_wait3A_401 = tpu.memref_slice %arg5[%dma_wait3A_394, %dma_wait3A_395, %dma_wait3A_400] : memref<8x2x72xi32, #tpu.memory_space<vmem>> -> memref<1x1x72xi32, #tpu.memory_space<vmem>>
    %dma_wait3A_402 = tpu.memref_squeeze %dma_wait3A_401 : memref<1x1x72xi32, #tpu.memory_space<vmem>> -> memref<72xi32, #tpu.memory_space<vmem>>
    %dma_wait3A_403 = tpu.memref_slice %arg3[%add3A_393] : memref<640000xi32, #tpu.memory_space<hbm>> -> memref<72xi32, #tpu.memory_space<hbm>>
    tpu.wait_dma2 semaphore(%arg19 : memref<!tpu.dma_semaphore, #tpu.memory_space<semaphore_mem>>) src(%dma_wait3A_403 : memref<72xi32, #tpu.memory_space<hbm>>) dst(%dma_wait3A_402 : memref<72xi32, #tpu.memory_space<vmem>>)
    %add3A_404 = arith.constant 320000 : i32
    %add3A_405 = arith.addi %add3A_404, %add3A_393 : i32
    %dma_wait3A_406 = arith.constant 2 : i32
    %dma_wait3A_407 = arith.constant 1 : i32
    %dma_wait3A_408 = arith.constant 0 : i32
    %dma_wait3A_409 = tpu.memref_slice %arg5[%dma_wait3A_406, %dma_wait3A_407, %dma_wait3A_408] : memref<8x2x72xi32, #tpu.memory_space<vmem>> -> memref<1x1x72xi32, #tpu.memory_space<vmem>>
    %dma_wait3A_410 = tpu.memref_squeeze %dma_wait3A_409 : memref<1x1x72xi32, #tpu.memory_space<vmem>> -> memref<72xi32, #tpu.memory_space<vmem>>
    %dma_wait3A_411 = tpu.memref_slice %arg3[%add3A_405] : memref<640000xi32, #tpu.memory_space<hbm>> -> memref<72xi32, #tpu.memory_space<hbm>>
    %dma_wait3A_412 = arith.constant 0 : i32
    %dma_wait3A_413 = tpu.memref_slice %arg5[%dma_wait3A_406, %dma_wait3A_407, %dma_wait3A_412] : memref<8x2x72xi32, #tpu.memory_space<vmem>> -> memref<1x1x72xi32, #tpu.memory_space<vmem>>
    %dma_wait3A_414 = tpu.memref_squeeze %dma_wait3A_413 : memref<1x1x72xi32, #tpu.memory_space<vmem>> -> memref<72xi32, #tpu.memory_space<vmem>>
    %dma_wait3A_415 = tpu.memref_slice %arg3[%add3A_405] : memref<640000xi32, #tpu.memory_space<hbm>> -> memref<72xi32, #tpu.memory_space<hbm>>
    tpu.wait_dma2 semaphore(%arg19 : memref<!tpu.dma_semaphore, #tpu.memory_space<semaphore_mem>>) src(%dma_wait3A_415 : memref<72xi32, #tpu.memory_space<hbm>>) dst(%dma_wait3A_414 : memref<72xi32, #tpu.memory_space<vmem>>)
    %dma_start3A_416 = arith.constant 2 : i32
    %dma_start3A_417 = arith.constant 0 : i32
    %dma_start3A_418 = arith.constant 2 : i32
    %dma_start3A_419 = arith.constant 0 : i32
    %dma_start3A_420 = arith.constant 0 : i32
    %dma_start3A_421 = tpu.memref_slice %arg7[%dma_start3A_418, %dma_start3A_419, %dma_start3A_420] : memref<4x72x128xf32, #tpu.memory_space<vmem>> -> memref<1x72x128xf32, #tpu.memory_space<vmem>>
    %dma_start3A_422 = tpu.memref_squeeze %dma_start3A_421 : memref<1x72x128xf32, #tpu.memory_space<vmem>> -> memref<72x128xf32, #tpu.memory_space<vmem>>
    %dma_start3A_423 = arith.constant 0 : i32
    %dma_start3A_424 = tpu.memref_slice %arg5[%dma_start3A_416, %dma_start3A_417, %dma_start3A_423] : memref<8x2x72xi32, #tpu.memory_space<vmem>> -> memref<1x1x72xi32, #tpu.memory_space<vmem>>
    %dma_start3A_425 = tpu.memref_squeeze %dma_start3A_424 : memref<1x1x72xi32, #tpu.memory_space<vmem>> -> memref<72xi32, #tpu.memory_space<vmem>>
    %dma_start3A_426 = arith.constant 0 : i32
    %dma_start3A_427 = arith.constant 0 : i32
    %dma_start3A_428 = tpu.memref_slice %arg2[%dma_start3A_426, %dma_start3A_427] : memref<10000x128xf32, #tpu.memory_space<hbm>> -> memref<10000x128xf32, #tpu.memory_space<hbm>>
    tpu.enqueue_indirect_dma source(%dma_start3A_428 : memref<10000x128xf32, #tpu.memory_space<hbm>>) target(%dma_start3A_422 : memref<72x128xf32, #tpu.memory_space<vmem>>) offsets(%dma_start3A_425 : memref<72xi32, #tpu.memory_space<vmem>>) semaphore(%arg11 : memref<!tpu.dma_semaphore, #tpu.memory_space<semaphore_mem>>)
    %add3A_429 = arith.constant 0 : i32
    %add3A_430 = arith.addi %mul3A_177, %add3A_429 : i32
    %dma_wait3A_431 = arith.constant 3 : i32
    %dma_wait3A_432 = arith.constant 0 : i32
    %dma_wait3A_433 = arith.constant 0 : i32
    %dma_wait3A_434 = tpu.memref_slice %arg7[%dma_wait3A_431, %dma_wait3A_432, %dma_wait3A_433] : memref<4x72x128xf32, #tpu.memory_space<vmem>> -> memref<1x72x128xf32, #tpu.memory_space<vmem>>
    %dma_wait3A_435 = tpu.memref_squeeze %dma_wait3A_434 : memref<1x72x128xf32, #tpu.memory_space<vmem>> -> memref<72x128xf32, #tpu.memory_space<vmem>>
    %dma_wait3A_436 = arith.constant 0 : i32
    %dma_wait3A_437 = tpu.memref_slice %arg8[%add3A_430, %dma_wait3A_436] : memref<10000x128xf32, #tpu.memory_space<vmem_shared>> -> memref<72x128xf32, #tpu.memory_space<vmem_shared>>
    %dma_wait3A_438 = arith.constant 0 : i32
    %dma_wait3A_439 = tpu.memref_slice %arg8[%add3A_430, %dma_wait3A_438] : memref<10000x128xf32, #tpu.memory_space<vmem_shared>> -> memref<72x128xf32, #tpu.memory_space<vmem_shared>>
    %dma_wait3A_440 = arith.constant 0 : i32
    %dma_wait3A_441 = arith.constant 0 : i32
    %dma_wait3A_442 = tpu.memref_slice %arg7[%dma_wait3A_431, %dma_wait3A_440, %dma_wait3A_441] : memref<4x72x128xf32, #tpu.memory_space<vmem>> -> memref<1x72x128xf32, #tpu.memory_space<vmem>>
    %dma_wait3A_443 = tpu.memref_squeeze %dma_wait3A_442 : memref<1x72x128xf32, #tpu.memory_space<vmem>> -> memref<72x128xf32, #tpu.memory_space<vmem>>
    tpu.wait_dma2 semaphore(%arg13 : memref<!tpu.dma_semaphore, #tpu.memory_space<semaphore_mem>>) src(%dma_wait3A_443 : memref<72x128xf32, #tpu.memory_space<vmem>>) dst(%dma_wait3A_439 : memref<72x128xf32, #tpu.memory_space<vmem_shared>>)
    %add3A_444 = arith.constant 72 : i32
    %add3A_445 = arith.addi %mul3A_177, %add3A_444 : i32
    %dma_wait3A_446 = arith.constant 3 : i32
    %dma_wait3A_447 = arith.constant 0 : i32
    %dma_wait3A_448 = arith.constant 0 : i32
    %dma_wait3A_449 = tpu.memref_slice %arg7[%dma_wait3A_446, %dma_wait3A_447, %dma_wait3A_448] : memref<4x72x128xf32, #tpu.memory_space<vmem>> -> memref<1x72x128xf32, #tpu.memory_space<vmem>>
    %dma_wait3A_450 = tpu.memref_squeeze %dma_wait3A_449 : memref<1x72x128xf32, #tpu.memory_space<vmem>> -> memref<72x128xf32, #tpu.memory_space<vmem>>
    %dma_wait3A_451 = arith.constant 0 : i32
    %dma_wait3A_452 = tpu.memref_slice %arg8[%add3A_445, %dma_wait3A_451] : memref<10000x128xf32, #tpu.memory_space<vmem_shared>> -> memref<72x128xf32, #tpu.memory_space<vmem_shared>>
    %dma_wait3A_453 = arith.constant 0 : i32
    %dma_wait3A_454 = tpu.memref_slice %arg8[%add3A_445, %dma_wait3A_453] : memref<10000x128xf32, #tpu.memory_space<vmem_shared>> -> memref<72x128xf32, #tpu.memory_space<vmem_shared>>
    %dma_wait3A_455 = arith.constant 0 : i32
    %dma_wait3A_456 = arith.constant 0 : i32
    %dma_wait3A_457 = tpu.memref_slice %arg7[%dma_wait3A_446, %dma_wait3A_455, %dma_wait3A_456] : memref<4x72x128xf32, #tpu.memory_space<vmem>> -> memref<1x72x128xf32, #tpu.memory_space<vmem>>
    %dma_wait3A_458 = tpu.memref_squeeze %dma_wait3A_457 : memref<1x72x128xf32, #tpu.memory_space<vmem>> -> memref<72x128xf32, #tpu.memory_space<vmem>>
    tpu.wait_dma2 semaphore(%arg14 : memref<!tpu.dma_semaphore, #tpu.memory_space<semaphore_mem>>) src(%dma_wait3A_458 : memref<72x128xf32, #tpu.memory_space<vmem>>) dst(%dma_wait3A_454 : memref<72x128xf32, #tpu.memory_space<vmem_shared>>)
    %add3A_459 = arith.constant 144 : i32
    %add3A_460 = arith.addi %mul3A_177, %add3A_459 : i32
    %dma_wait3A_461 = arith.constant 3 : i32
    %dma_wait3A_462 = arith.constant 0 : i32
    %dma_wait3A_463 = arith.constant 0 : i32
    %dma_wait3A_464 = tpu.memref_slice %arg7[%dma_wait3A_461, %dma_wait3A_462, %dma_wait3A_463] : memref<4x72x128xf32, #tpu.memory_space<vmem>> -> memref<1x72x128xf32, #tpu.memory_space<vmem>>
    %dma_wait3A_465 = tpu.memref_squeeze %dma_wait3A_464 : memref<1x72x128xf32, #tpu.memory_space<vmem>> -> memref<72x128xf32, #tpu.memory_space<vmem>>
    %dma_wait3A_466 = arith.constant 0 : i32
    %dma_wait3A_467 = tpu.memref_slice %arg8[%add3A_460, %dma_wait3A_466] : memref<10000x128xf32, #tpu.memory_space<vmem_shared>> -> memref<72x128xf32, #tpu.memory_space<vmem_shared>>
    %dma_wait3A_468 = arith.constant 0 : i32
    %dma_wait3A_469 = tpu.memref_slice %arg8[%add3A_460, %dma_wait3A_468] : memref<10000x128xf32, #tpu.memory_space<vmem_shared>> -> memref<72x128xf32, #tpu.memory_space<vmem_shared>>
    %dma_wait3A_470 = arith.constant 0 : i32
    %dma_wait3A_471 = arith.constant 0 : i32
    %dma_wait3A_472 = tpu.memref_slice %arg7[%dma_wait3A_461, %dma_wait3A_470, %dma_wait3A_471] : memref<4x72x128xf32, #tpu.memory_space<vmem>> -> memref<1x72x128xf32, #tpu.memory_space<vmem>>
    %dma_wait3A_473 = tpu.memref_squeeze %dma_wait3A_472 : memref<1x72x128xf32, #tpu.memory_space<vmem>> -> memref<72x128xf32, #tpu.memory_space<vmem>>
    tpu.wait_dma2 semaphore(%arg15 : memref<!tpu.dma_semaphore, #tpu.memory_space<semaphore_mem>>) src(%dma_wait3A_473 : memref<72x128xf32, #tpu.memory_space<vmem>>) dst(%dma_wait3A_469 : memref<72x128xf32, #tpu.memory_space<vmem_shared>>)
    %add3A_474 = arith.constant 216 : i32
    %add3A_475 = arith.addi %mul3A_177, %add3A_474 : i32
    %dma_wait3A_476 = arith.constant 3 : i32
    %dma_wait3A_477 = arith.constant 0 : i32
    %dma_wait3A_478 = arith.constant 0 : i32
    %dma_wait3A_479 = tpu.memref_slice %arg7[%dma_wait3A_476, %dma_wait3A_477, %dma_wait3A_478] : memref<4x72x128xf32, #tpu.memory_space<vmem>> -> memref<1x72x128xf32, #tpu.memory_space<vmem>>
    %dma_wait3A_480 = tpu.memref_squeeze %dma_wait3A_479 : memref<1x72x128xf32, #tpu.memory_space<vmem>> -> memref<72x128xf32, #tpu.memory_space<vmem>>
    %dma_wait3A_481 = arith.constant 0 : i32
    %dma_wait3A_482 = tpu.memref_slice %arg8[%add3A_475, %dma_wait3A_481] : memref<10000x128xf32, #tpu.memory_space<vmem_shared>> -> memref<72x128xf32, #tpu.memory_space<vmem_shared>>
    %dma_wait3A_483 = arith.constant 0 : i32
    %dma_wait3A_484 = tpu.memref_slice %arg8[%add3A_475, %dma_wait3A_483] : memref<10000x128xf32, #tpu.memory_space<vmem_shared>> -> memref<72x128xf32, #tpu.memory_space<vmem_shared>>
    %dma_wait3A_485 = arith.constant 0 : i32
    %dma_wait3A_486 = arith.constant 0 : i32
    %dma_wait3A_487 = tpu.memref_slice %arg7[%dma_wait3A_476, %dma_wait3A_485, %dma_wait3A_486] : memref<4x72x128xf32, #tpu.memory_space<vmem>> -> memref<1x72x128xf32, #tpu.memory_space<vmem>>
    %dma_wait3A_488 = tpu.memref_squeeze %dma_wait3A_487 : memref<1x72x128xf32, #tpu.memory_space<vmem>> -> memref<72x128xf32, #tpu.memory_space<vmem>>
    tpu.wait_dma2 semaphore(%arg16 : memref<!tpu.dma_semaphore, #tpu.memory_space<semaphore_mem>>) src(%dma_wait3A_488 : memref<72x128xf32, #tpu.memory_space<vmem>>) dst(%dma_wait3A_484 : memref<72x128xf32, #tpu.memory_space<vmem_shared>>)
    %add3A_489 = arith.constant 288 : i32
    %add3A_490 = arith.addi %mul3A_177, %add3A_489 : i32
    %dma_wait3A_491 = arith.constant 3 : i32
    %dma_wait3A_492 = arith.constant 0 : i32
    %dma_wait3A_493 = arith.constant 0 : i32
    %dma_wait3A_494 = tpu.memref_slice %arg7[%dma_wait3A_491, %dma_wait3A_492, %dma_wait3A_493] : memref<4x72x128xf32, #tpu.memory_space<vmem>> -> memref<1x72x128xf32, #tpu.memory_space<vmem>>
    %dma_wait3A_495 = tpu.memref_squeeze %dma_wait3A_494 : memref<1x72x128xf32, #tpu.memory_space<vmem>> -> memref<72x128xf32, #tpu.memory_space<vmem>>
    %dma_wait3A_496 = arith.constant 0 : i32
    %dma_wait3A_497 = tpu.memref_slice %arg8[%add3A_490, %dma_wait3A_496] : memref<10000x128xf32, #tpu.memory_space<vmem_shared>> -> memref<72x128xf32, #tpu.memory_space<vmem_shared>>
    %dma_wait3A_498 = arith.constant 0 : i32
    %dma_wait3A_499 = tpu.memref_slice %arg8[%add3A_490, %dma_wait3A_498] : memref<10000x128xf32, #tpu.memory_space<vmem_shared>> -> memref<72x128xf32, #tpu.memory_space<vmem_shared>>
    %dma_wait3A_500 = arith.constant 0 : i32
    %dma_wait3A_501 = arith.constant 0 : i32
    %dma_wait3A_502 = tpu.memref_slice %arg7[%dma_wait3A_491, %dma_wait3A_500, %dma_wait3A_501] : memref<4x72x128xf32, #tpu.memory_space<vmem>> -> memref<1x72x128xf32, #tpu.memory_space<vmem>>
    %dma_wait3A_503 = tpu.memref_squeeze %dma_wait3A_502 : memref<1x72x128xf32, #tpu.memory_space<vmem>> -> memref<72x128xf32, #tpu.memory_space<vmem>>
    tpu.wait_dma2 semaphore(%arg13 : memref<!tpu.dma_semaphore, #tpu.memory_space<semaphore_mem>>) src(%dma_wait3A_503 : memref<72x128xf32, #tpu.memory_space<vmem>>) dst(%dma_wait3A_499 : memref<72x128xf32, #tpu.memory_space<vmem_shared>>)
    %add3A_504 = arith.constant 360 : i32
    %add3A_505 = arith.addi %mul3A_177, %add3A_504 : i32
    %dma_wait3A_506 = arith.constant 3 : i32
    %dma_wait3A_507 = arith.constant 0 : i32
    %dma_wait3A_508 = arith.constant 0 : i32
    %dma_wait3A_509 = tpu.memref_slice %arg7[%dma_wait3A_506, %dma_wait3A_507, %dma_wait3A_508] : memref<4x72x128xf32, #tpu.memory_space<vmem>> -> memref<1x72x128xf32, #tpu.memory_space<vmem>>
    %dma_wait3A_510 = tpu.memref_squeeze %dma_wait3A_509 : memref<1x72x128xf32, #tpu.memory_space<vmem>> -> memref<72x128xf32, #tpu.memory_space<vmem>>
    %dma_wait3A_511 = arith.constant 0 : i32
    %dma_wait3A_512 = tpu.memref_slice %arg8[%add3A_505, %dma_wait3A_511] : memref<10000x128xf32, #tpu.memory_space<vmem_shared>> -> memref<72x128xf32, #tpu.memory_space<vmem_shared>>
    %dma_wait3A_513 = arith.constant 0 : i32
    %dma_wait3A_514 = tpu.memref_slice %arg8[%add3A_505, %dma_wait3A_513] : memref<10000x128xf32, #tpu.memory_space<vmem_shared>> -> memref<72x128xf32, #tpu.memory_space<vmem_shared>>
    %dma_wait3A_515 = arith.constant 0 : i32
    %dma_wait3A_516 = arith.constant 0 : i32
    %dma_wait3A_517 = tpu.memref_slice %arg7[%dma_wait3A_506, %dma_wait3A_515, %dma_wait3A_516] : memref<4x72x128xf32, #tpu.memory_space<vmem>> -> memref<1x72x128xf32, #tpu.memory_space<vmem>>
    %dma_wait3A_518 = tpu.memref_squeeze %dma_wait3A_517 : memref<1x72x128xf32, #tpu.memory_space<vmem>> -> memref<72x128xf32, #tpu.memory_space<vmem>>
    tpu.wait_dma2 semaphore(%arg14 : memref<!tpu.dma_semaphore, #tpu.memory_space<semaphore_mem>>) src(%dma_wait3A_518 : memref<72x128xf32, #tpu.memory_space<vmem>>) dst(%dma_wait3A_514 : memref<72x128xf32, #tpu.memory_space<vmem_shared>>)
    %add3A_519 = arith.constant 432 : i32
    %add3A_520 = arith.addi %mul3A_177, %add3A_519 : i32
    %dma_wait3A_521 = arith.constant 3 : i32
    %dma_wait3A_522 = arith.constant 0 : i32
    %dma_wait3A_523 = arith.constant 0 : i32
    %dma_wait3A_524 = tpu.memref_slice %arg7[%dma_wait3A_521, %dma_wait3A_522, %dma_wait3A_523] : memref<4x72x128xf32, #tpu.memory_space<vmem>> -> memref<1x72x128xf32, #tpu.memory_space<vmem>>
    %dma_wait3A_525 = tpu.memref_squeeze %dma_wait3A_524 : memref<1x72x128xf32, #tpu.memory_space<vmem>> -> memref<72x128xf32, #tpu.memory_space<vmem>>
    %dma_wait3A_526 = arith.constant 0 : i32
    %dma_wait3A_527 = tpu.memref_slice %arg8[%add3A_520, %dma_wait3A_526] : memref<10000x128xf32, #tpu.memory_space<vmem_shared>> -> memref<72x128xf32, #tpu.memory_space<vmem_shared>>
    %dma_wait3A_528 = arith.constant 0 : i32
    %dma_wait3A_529 = tpu.memref_slice %arg8[%add3A_520, %dma_wait3A_528] : memref<10000x128xf32, #tpu.memory_space<vmem_shared>> -> memref<72x128xf32, #tpu.memory_space<vmem_shared>>
    %dma_wait3A_530 = arith.constant 0 : i32
    %dma_wait3A_531 = arith.constant 0 : i32
    %dma_wait3A_532 = tpu.memref_slice %arg7[%dma_wait3A_521, %dma_wait3A_530, %dma_wait3A_531] : memref<4x72x128xf32, #tpu.memory_space<vmem>> -> memref<1x72x128xf32, #tpu.memory_space<vmem>>
    %dma_wait3A_533 = tpu.memref_squeeze %dma_wait3A_532 : memref<1x72x128xf32, #tpu.memory_space<vmem>> -> memref<72x128xf32, #tpu.memory_space<vmem>>
    tpu.wait_dma2 semaphore(%arg15 : memref<!tpu.dma_semaphore, #tpu.memory_space<semaphore_mem>>) src(%dma_wait3A_533 : memref<72x128xf32, #tpu.memory_space<vmem>>) dst(%dma_wait3A_529 : memref<72x128xf32, #tpu.memory_space<vmem_shared>>)
    %add3A_534 = arith.constant 504 : i32
    %add3A_535 = arith.addi %mul3A_177, %add3A_534 : i32
    %dma_wait3A_536 = arith.constant 3 : i32
    %dma_wait3A_537 = arith.constant 0 : i32
    %dma_wait3A_538 = arith.constant 0 : i32
    %dma_wait3A_539 = tpu.memref_slice %arg7[%dma_wait3A_536, %dma_wait3A_537, %dma_wait3A_538] : memref<4x72x128xf32, #tpu.memory_space<vmem>> -> memref<1x72x128xf32, #tpu.memory_space<vmem>>
    %dma_wait3A_540 = tpu.memref_squeeze %dma_wait3A_539 : memref<1x72x128xf32, #tpu.memory_space<vmem>> -> memref<72x128xf32, #tpu.memory_space<vmem>>
    %dma_wait3A_541 = arith.constant 0 : i32
    %dma_wait3A_542 = tpu.memref_slice %arg8[%add3A_535, %dma_wait3A_541] : memref<10000x128xf32, #tpu.memory_space<vmem_shared>> -> memref<72x128xf32, #tpu.memory_space<vmem_shared>>
    %dma_wait3A_543 = arith.constant 0 : i32
    %dma_wait3A_544 = tpu.memref_slice %arg8[%add3A_535, %dma_wait3A_543] : memref<10000x128xf32, #tpu.memory_space<vmem_shared>> -> memref<72x128xf32, #tpu.memory_space<vmem_shared>>
    %dma_wait3A_545 = arith.constant 0 : i32
    %dma_wait3A_546 = arith.constant 0 : i32
    %dma_wait3A_547 = tpu.memref_slice %arg7[%dma_wait3A_536, %dma_wait3A_545, %dma_wait3A_546] : memref<4x72x128xf32, #tpu.memory_space<vmem>> -> memref<1x72x128xf32, #tpu.memory_space<vmem>>
    %dma_wait3A_548 = tpu.memref_squeeze %dma_wait3A_547 : memref<1x72x128xf32, #tpu.memory_space<vmem>> -> memref<72x128xf32, #tpu.memory_space<vmem>>
    tpu.wait_dma2 semaphore(%arg16 : memref<!tpu.dma_semaphore, #tpu.memory_space<semaphore_mem>>) src(%dma_wait3A_548 : memref<72x128xf32, #tpu.memory_space<vmem>>) dst(%dma_wait3A_544 : memref<72x128xf32, #tpu.memory_space<vmem_shared>>)
    %add3A_549 = arith.constant 576 : i32
    %add3A_550 = arith.addi %mul3A_177, %add3A_549 : i32
    %dma_wait3A_551 = arith.constant 3 : i32
    %dma_wait3A_552 = arith.constant 0 : i32
    %dma_wait3A_553 = arith.constant 0 : i32
    %dma_wait3A_554 = tpu.memref_slice %arg7[%dma_wait3A_551, %dma_wait3A_552, %dma_wait3A_553] : memref<4x72x128xf32, #tpu.memory_space<vmem>> -> memref<1x72x128xf32, #tpu.memory_space<vmem>>
    %dma_wait3A_555 = tpu.memref_squeeze %dma_wait3A_554 : memref<1x72x128xf32, #tpu.memory_space<vmem>> -> memref<72x128xf32, #tpu.memory_space<vmem>>
    %dma_wait3A_556 = arith.constant 0 : i32
    %dma_wait3A_557 = arith.constant 0 : i32
    %dma_wait3A_558 = tpu.memref_slice %dma_wait3A_555[%dma_wait3A_556, %dma_wait3A_557] : memref<72x128xf32, #tpu.memory_space<vmem>> -> memref<49x128xf32, #tpu.memory_space<vmem>>
    %dma_wait3A_559 = arith.constant 0 : i32
    %dma_wait3A_560 = tpu.memref_slice %arg8[%add3A_550, %dma_wait3A_559] : memref<10000x128xf32, #tpu.memory_space<vmem_shared>> -> memref<49x128xf32, #tpu.memory_space<vmem_shared>>
    %dma_wait3A_561 = arith.constant 0 : i32
    %dma_wait3A_562 = tpu.memref_slice %arg8[%add3A_550, %dma_wait3A_561] : memref<10000x128xf32, #tpu.memory_space<vmem_shared>> -> memref<49x128xf32, #tpu.memory_space<vmem_shared>>
    %dma_wait3A_563 = arith.constant 0 : i32
    %dma_wait3A_564 = arith.constant 0 : i32
    %dma_wait3A_565 = tpu.memref_slice %arg7[%dma_wait3A_551, %dma_wait3A_563, %dma_wait3A_564] : memref<4x72x128xf32, #tpu.memory_space<vmem>> -> memref<1x72x128xf32, #tpu.memory_space<vmem>>
    %dma_wait3A_566 = tpu.memref_squeeze %dma_wait3A_565 : memref<1x72x128xf32, #tpu.memory_space<vmem>> -> memref<72x128xf32, #tpu.memory_space<vmem>>
    %dma_wait3A_567 = arith.constant 0 : i32
    %dma_wait3A_568 = arith.constant 0 : i32
    %dma_wait3A_569 = tpu.memref_slice %dma_wait3A_566[%dma_wait3A_567, %dma_wait3A_568] : memref<72x128xf32, #tpu.memory_space<vmem>> -> memref<49x128xf32, #tpu.memory_space<vmem>>
    tpu.wait_dma2 semaphore(%arg25 : memref<!tpu.dma_semaphore, #tpu.memory_space<semaphore_mem>>) src(%dma_wait3A_569 : memref<49x128xf32, #tpu.memory_space<vmem>>) dst(%dma_wait3A_562 : memref<49x128xf32, #tpu.memory_space<vmem_shared>>)
    %barrier3A = arith.constant 0 : index
    tpu.barrier barrier_id(%barrier3A)
    %scan3A_570 = arith.constant 0 : i32
    %scan3A_571 = arith.constant 3 : i32
    %scan3A_572 = arith.constant 1 : i32
    %scan3A_573 = arith.constant 2 : i32
    %scan3A_574 = arith.constant 0 : i32
    %scan3A_575 = arith.constant 17 : i32
    %scan3A_576 = arith.addi %scan3A_574, %scan3A_575 : i32
    %scan3A_577 = arith.constant 1 : i32
    scf.for %scan3A_750 = %scan3A_574 to %scan3A_576 step %scan3A_577  : i32 {
      %mul3A_751 = arith.constant 1 : i32
      %mul3A_752 = arith.muli %scan3A_750, %mul3A_751 : i32
      %add3A_753 = arith.constant 0 : i32
      %add3A_754 = arith.addi %add3A_753, %mul3A_752 : i32
      %mul3A_755 = arith.constant 8 : i32
      %mul3A_756 = arith.muli %add3A_754, %mul3A_755 : i32
      %add3A_757 = arith.constant 0 : i32
      %add3A_758 = arith.addi %mul3A_756, %add3A_757 : i32
      %dma_wait3A_759 = arith.constant 0 : i32
      %dma_wait3A_760 = arith.constant 0 : i32
      %dma_wait3A_761 = arith.constant 0 : i32
      %dma_wait3A_762 = arith.constant 0 : i32
      %dma_wait3A_763 = tpu.memref_slice %arg7[%scan3A_570, %dma_wait3A_761, %dma_wait3A_762] : memref<4x72x128xf32, #tpu.memory_space<vmem>> -> memref<1x72x128xf32, #tpu.memory_space<vmem>>
      %dma_wait3A_764 = tpu.memref_squeeze %dma_wait3A_763 : memref<1x72x128xf32, #tpu.memory_space<vmem>> -> memref<72x128xf32, #tpu.memory_space<vmem>>
      %dma_wait3A_765 = arith.constant 0 : i32
      %dma_wait3A_766 = tpu.memref_slice %arg5[%dma_wait3A_759, %dma_wait3A_760, %dma_wait3A_765] : memref<8x2x72xi32, #tpu.memory_space<vmem>> -> memref<1x1x72xi32, #tpu.memory_space<vmem>>
      %dma_wait3A_767 = tpu.memref_squeeze %dma_wait3A_766 : memref<1x1x72xi32, #tpu.memory_space<vmem>> -> memref<72xi32, #tpu.memory_space<vmem>>
      %dma_wait3A_768 = arith.constant 0 : i32
      %dma_wait3A_769 = arith.constant 0 : i32
      %dma_wait3A_770 = tpu.memref_slice %arg2[%dma_wait3A_768, %dma_wait3A_769] : memref<10000x128xf32, #tpu.memory_space<hbm>> -> memref<10000x128xf32, #tpu.memory_space<hbm>>
      tpu.wait_indirect_dma semaphore(%arg9 : memref<!tpu.dma_semaphore, #tpu.memory_space<semaphore_mem>>) src(%dma_wait3A_770 : memref<10000x128xf32, #tpu.memory_space<hbm>>) dst(%dma_wait3A_764 : memref<72x128xf32, #tpu.memory_space<vmem>>)
      %gt3A = arith.constant 0 : i32
      %gt3A_771 = arith.cmpi sgt, %add3A_754, %gt3A : i32
      %convert_element_type3A_772 = arith.extui %gt3A_771 : i1 to i32
      %cond3A_773 = arith.constant 0 : i32
      %cond3A_774 = arith.cmpi ne, %convert_element_type3A_772, %cond3A_773 : i32
      scf.if %cond3A_774 {
        %dma_wait3A_1179 = arith.constant 7 : i32
        %dma_wait3A_1180 = arith.constant 1 : i32
        %dma_wait3A_1181 = arith.constant 0 : i32
        %dma_wait3A_1182 = arith.constant 0 : i32
        %dma_wait3A_1183 = tpu.memref_slice %arg7[%scan3A_571, %dma_wait3A_1181, %dma_wait3A_1182] : memref<4x72x128xf32, #tpu.memory_space<vmem>> -> memref<1x72x128xf32, #tpu.memory_space<vmem>>
        %dma_wait3A_1184 = tpu.memref_squeeze %dma_wait3A_1183 : memref<1x72x128xf32, #tpu.memory_space<vmem>> -> memref<72x128xf32, #tpu.memory_space<vmem>>
        %dma_wait3A_1185 = arith.constant 0 : i32
        %dma_wait3A_1186 = tpu.memref_slice %arg5[%dma_wait3A_1179, %dma_wait3A_1180, %dma_wait3A_1185] : memref<8x2x72xi32, #tpu.memory_space<vmem>> -> memref<1x1x72xi32, #tpu.memory_space<vmem>>
        %dma_wait3A_1187 = tpu.memref_squeeze %dma_wait3A_1186 : memref<1x1x72xi32, #tpu.memory_space<vmem>> -> memref<72xi32, #tpu.memory_space<vmem>>
        %dma_wait3A_1188 = arith.constant 0 : i32
        %dma_wait3A_1189 = arith.constant 0 : i32
        %dma_wait3A_1190 = tpu.memref_slice %arg8[%dma_wait3A_1188, %dma_wait3A_1189] : memref<10000x128xf32, #tpu.memory_space<vmem_shared>> -> memref<10000x128xf32, #tpu.memory_space<vmem_shared>>
        tpu.wait_indirect_dma semaphore(%arg16 : memref<!tpu.dma_semaphore, #tpu.memory_space<semaphore_mem>>) src(%dma_wait3A_1184 : memref<72x128xf32, #tpu.memory_space<vmem>>) dst(%dma_wait3A_1190 : memref<10000x128xf32, #tpu.memory_space<vmem_shared>>)
      } else {
      }
      %add3A_775 = arith.constant 3 : i32
      %add3A_776 = arith.addi %add3A_758, %add3A_775 : i32
      %lt3A = arith.constant 138 : i32
      %lt3A_777 = arith.cmpi slt, %add3A_776, %lt3A : i32
      %convert_element_type3A_778 = arith.extui %lt3A_777 : i1 to i32
      %cond3A_779 = arith.constant 0 : i32
      %cond3A_780 = arith.cmpi ne, %convert_element_type3A_778, %cond3A_779 : i32
      scf.if %cond3A_780 {
        %add3A_1179 = arith.constant 3 : i32
        %add3A_1180 = arith.addi %add3A_758, %add3A_1179 : i32
        %mul3A_1181 = arith.constant 72 : i32
        %mul3A_1182 = arith.muli %add3A_1180, %mul3A_1181 : i32
        %add3A_1183 = arith.addi %mul3A_2, %mul3A_1182 : i32
        %dma_wait3A_1184 = arith.constant 3 : i32
        %dma_wait3A_1185 = arith.constant 0 : i32
        %dma_wait3A_1186 = arith.constant 0 : i32
        %dma_wait3A_1187 = tpu.memref_slice %arg5[%dma_wait3A_1184, %dma_wait3A_1185, %dma_wait3A_1186] : memref<8x2x72xi32, #tpu.memory_space<vmem>> -> memref<1x1x72xi32, #tpu.memory_space<vmem>>
        %dma_wait3A_1188 = tpu.memref_squeeze %dma_wait3A_1187 : memref<1x1x72xi32, #tpu.memory_space<vmem>> -> memref<72xi32, #tpu.memory_space<vmem>>
        %dma_wait3A_1189 = tpu.memref_slice %arg3[%add3A_1183] : memref<640000xi32, #tpu.memory_space<hbm>> -> memref<72xi32, #tpu.memory_space<hbm>>
        %dma_wait3A_1190 = arith.constant 0 : i32
        %dma_wait3A_1191 = tpu.memref_slice %arg5[%dma_wait3A_1184, %dma_wait3A_1185, %dma_wait3A_1190] : memref<8x2x72xi32, #tpu.memory_space<vmem>> -> memref<1x1x72xi32, #tpu.memory_space<vmem>>
        %dma_wait3A_1192 = tpu.memref_squeeze %dma_wait3A_1191 : memref<1x1x72xi32, #tpu.memory_space<vmem>> -> memref<72xi32, #tpu.memory_space<vmem>>
        %dma_wait3A_1193 = tpu.memref_slice %arg3[%add3A_1183] : memref<640000xi32, #tpu.memory_space<hbm>> -> memref<72xi32, #tpu.memory_space<hbm>>
        tpu.wait_dma2 semaphore(%arg20 : memref<!tpu.dma_semaphore, #tpu.memory_space<semaphore_mem>>) src(%dma_wait3A_1193 : memref<72xi32, #tpu.memory_space<hbm>>) dst(%dma_wait3A_1192 : memref<72xi32, #tpu.memory_space<vmem>>)
        %add3A_1194 = arith.constant 320000 : i32
        %add3A_1195 = arith.addi %add3A_1194, %add3A_1183 : i32
        %dma_wait3A_1196 = arith.constant 3 : i32
        %dma_wait3A_1197 = arith.constant 1 : i32
        %dma_wait3A_1198 = arith.constant 0 : i32
        %dma_wait3A_1199 = tpu.memref_slice %arg5[%dma_wait3A_1196, %dma_wait3A_1197, %dma_wait3A_1198] : memref<8x2x72xi32, #tpu.memory_space<vmem>> -> memref<1x1x72xi32, #tpu.memory_space<vmem>>
        %dma_wait3A_1200 = tpu.memref_squeeze %dma_wait3A_1199 : memref<1x1x72xi32, #tpu.memory_space<vmem>> -> memref<72xi32, #tpu.memory_space<vmem>>
        %dma_wait3A_1201 = tpu.memref_slice %arg3[%add3A_1195] : memref<640000xi32, #tpu.memory_space<hbm>> -> memref<72xi32, #tpu.memory_space<hbm>>
        %dma_wait3A_1202 = arith.constant 0 : i32
        %dma_wait3A_1203 = tpu.memref_slice %arg5[%dma_wait3A_1196, %dma_wait3A_1197, %dma_wait3A_1202] : memref<8x2x72xi32, #tpu.memory_space<vmem>> -> memref<1x1x72xi32, #tpu.memory_space<vmem>>
        %dma_wait3A_1204 = tpu.memref_squeeze %dma_wait3A_1203 : memref<1x1x72xi32, #tpu.memory_space<vmem>> -> memref<72xi32, #tpu.memory_space<vmem>>
        %dma_wait3A_1205 = tpu.memref_slice %arg3[%add3A_1195] : memref<640000xi32, #tpu.memory_space<hbm>> -> memref<72xi32, #tpu.memory_space<hbm>>
        tpu.wait_dma2 semaphore(%arg20 : memref<!tpu.dma_semaphore, #tpu.memory_space<semaphore_mem>>) src(%dma_wait3A_1205 : memref<72xi32, #tpu.memory_space<hbm>>) dst(%dma_wait3A_1204 : memref<72xi32, #tpu.memory_space<vmem>>)
        %dma_start3A_1206 = arith.constant 3 : i32
        %dma_start3A_1207 = arith.constant 0 : i32
        %dma_start3A_1208 = arith.constant 0 : i32
        %dma_start3A_1209 = arith.constant 0 : i32
        %dma_start3A_1210 = tpu.memref_slice %arg7[%scan3A_571, %dma_start3A_1208, %dma_start3A_1209] : memref<4x72x128xf32, #tpu.memory_space<vmem>> -> memref<1x72x128xf32, #tpu.memory_space<vmem>>
        %dma_start3A_1211 = tpu.memref_squeeze %dma_start3A_1210 : memref<1x72x128xf32, #tpu.memory_space<vmem>> -> memref<72x128xf32, #tpu.memory_space<vmem>>
        %dma_start3A_1212 = arith.constant 0 : i32
        %dma_start3A_1213 = tpu.memref_slice %arg5[%dma_start3A_1206, %dma_start3A_1207, %dma_start3A_1212] : memref<8x2x72xi32, #tpu.memory_space<vmem>> -> memref<1x1x72xi32, #tpu.memory_space<vmem>>
        %dma_start3A_1214 = tpu.memref_squeeze %dma_start3A_1213 : memref<1x1x72xi32, #tpu.memory_space<vmem>> -> memref<72xi32, #tpu.memory_space<vmem>>
        %dma_start3A_1215 = arith.constant 0 : i32
        %dma_start3A_1216 = arith.constant 0 : i32
        %dma_start3A_1217 = tpu.memref_slice %arg2[%dma_start3A_1215, %dma_start3A_1216] : memref<10000x128xf32, #tpu.memory_space<hbm>> -> memref<10000x128xf32, #tpu.memory_space<hbm>>
        tpu.enqueue_indirect_dma source(%dma_start3A_1217 : memref<10000x128xf32, #tpu.memory_space<hbm>>) target(%dma_start3A_1211 : memref<72x128xf32, #tpu.memory_space<vmem>>) offsets(%dma_start3A_1214 : memref<72xi32, #tpu.memory_space<vmem>>) semaphore(%arg12 : memref<!tpu.dma_semaphore, #tpu.memory_space<semaphore_mem>>)
      } else {
      }
      %add3A_781 = arith.constant 8 : i32
      %add3A_782 = arith.addi %add3A_758, %add3A_781 : i32
      %sub3A = arith.constant 1 : i32
      %sub3A_783 = arith.subi %add3A_782, %sub3A : i32
      %lt3A_784 = arith.constant 138 : i32
      %lt3A_785 = arith.cmpi slt, %sub3A_783, %lt3A_784 : i32
      %convert_element_type3A_786 = arith.extui %lt3A_785 : i1 to i32
      %cond3A_787 = arith.constant 0 : i32
      %cond3A_788 = arith.cmpi ne, %convert_element_type3A_786, %cond3A_787 : i32
      scf.if %cond3A_788 {
        %add3A_1179 = arith.constant 8 : i32
        %add3A_1180 = arith.addi %add3A_758, %add3A_1179 : i32
        %sub3A_1181 = arith.constant 1 : i32
        %sub3A_1182 = arith.subi %add3A_1180, %sub3A_1181 : i32
        %mul3A_1183 = arith.constant 72 : i32
        %mul3A_1184 = arith.muli %sub3A_1182, %mul3A_1183 : i32
        %add3A_1185 = arith.addi %mul3A_2, %mul3A_1184 : i32
        %dma_start3A_1186 = arith.constant 7 : i32
        %dma_start3A_1187 = arith.constant 0 : i32
        %dma_start3A_1188 = arith.constant 0 : i32
        %dma_start3A_1189 = tpu.memref_slice %arg5[%dma_start3A_1186, %dma_start3A_1187, %dma_start3A_1188] : memref<8x2x72xi32, #tpu.memory_space<vmem>> -> memref<1x1x72xi32, #tpu.memory_space<vmem>>
        %dma_start3A_1190 = tpu.memref_squeeze %dma_start3A_1189 : memref<1x1x72xi32, #tpu.memory_space<vmem>> -> memref<72xi32, #tpu.memory_space<vmem>>
        %dma_start3A_1191 = tpu.memref_slice %arg3[%add3A_1185] : memref<640000xi32, #tpu.memory_space<hbm>> -> memref<72xi32, #tpu.memory_space<hbm>>
        %dma_start3A_1192 = arith.constant 0 : i32
        %dma_start3A_1193 = tpu.memref_slice %arg5[%dma_start3A_1186, %dma_start3A_1187, %dma_start3A_1192] : memref<8x2x72xi32, #tpu.memory_space<vmem>> -> memref<1x1x72xi32, #tpu.memory_space<vmem>>
        %dma_start3A_1194 = tpu.memref_squeeze %dma_start3A_1193 : memref<1x1x72xi32, #tpu.memory_space<vmem>> -> memref<72xi32, #tpu.memory_space<vmem>>
        %dma_start3A_1195 = tpu.memref_slice %arg3[%add3A_1185] : memref<640000xi32, #tpu.memory_space<hbm>> -> memref<72xi32, #tpu.memory_space<hbm>>
        tpu.enqueue_dma source(%dma_start3A_1195 : memref<72xi32, #tpu.memory_space<hbm>>) target(%dma_start3A_1194 : memref<72xi32, #tpu.memory_space<vmem>>) target_semaphore(%arg24 : memref<!tpu.dma_semaphore, #tpu.memory_space<semaphore_mem>>)
        %add3A_1196 = arith.constant 320000 : i32
        %add3A_1197 = arith.addi %add3A_1196, %add3A_1185 : i32
        %dma_start3A_1198 = arith.constant 7 : i32
        %dma_start3A_1199 = arith.constant 1 : i32
        %dma_start3A_1200 = arith.constant 0 : i32
        %dma_start3A_1201 = tpu.memref_slice %arg5[%dma_start3A_1198, %dma_start3A_1199, %dma_start3A_1200] : memref<8x2x72xi32, #tpu.memory_space<vmem>> -> memref<1x1x72xi32, #tpu.memory_space<vmem>>
        %dma_start3A_1202 = tpu.memref_squeeze %dma_start3A_1201 : memref<1x1x72xi32, #tpu.memory_space<vmem>> -> memref<72xi32, #tpu.memory_space<vmem>>
        %dma_start3A_1203 = tpu.memref_slice %arg3[%add3A_1197] : memref<640000xi32, #tpu.memory_space<hbm>> -> memref<72xi32, #tpu.memory_space<hbm>>
        %dma_start3A_1204 = arith.constant 0 : i32
        %dma_start3A_1205 = tpu.memref_slice %arg5[%dma_start3A_1198, %dma_start3A_1199, %dma_start3A_1204] : memref<8x2x72xi32, #tpu.memory_space<vmem>> -> memref<1x1x72xi32, #tpu.memory_space<vmem>>
        %dma_start3A_1206 = tpu.memref_squeeze %dma_start3A_1205 : memref<1x1x72xi32, #tpu.memory_space<vmem>> -> memref<72xi32, #tpu.memory_space<vmem>>
        %dma_start3A_1207 = tpu.memref_slice %arg3[%add3A_1197] : memref<640000xi32, #tpu.memory_space<hbm>> -> memref<72xi32, #tpu.memory_space<hbm>>
        tpu.enqueue_dma source(%dma_start3A_1207 : memref<72xi32, #tpu.memory_space<hbm>>) target(%dma_start3A_1206 : memref<72xi32, #tpu.memory_space<vmem>>) target_semaphore(%arg24 : memref<!tpu.dma_semaphore, #tpu.memory_space<semaphore_mem>>)
      } else {
      }
      %dma_start3A_789 = arith.constant 0 : i32
      %dma_start3A_790 = arith.constant 1 : i32
      %dma_start3A_791 = arith.constant 0 : i32
      %dma_start3A_792 = arith.constant 0 : i32
      %dma_start3A_793 = tpu.memref_slice %arg7[%scan3A_570, %dma_start3A_791, %dma_start3A_792] : memref<4x72x128xf32, #tpu.memory_space<vmem>> -> memref<1x72x128xf32, #tpu.memory_space<vmem>>
      %dma_start3A_794 = tpu.memref_squeeze %dma_start3A_793 : memref<1x72x128xf32, #tpu.memory_space<vmem>> -> memref<72x128xf32, #tpu.memory_space<vmem>>
      %dma_start3A_795 = arith.constant 0 : i32
      %dma_start3A_796 = tpu.memref_slice %arg5[%dma_start3A_789, %dma_start3A_790, %dma_start3A_795] : memref<8x2x72xi32, #tpu.memory_space<vmem>> -> memref<1x1x72xi32, #tpu.memory_space<vmem>>
      %dma_start3A_797 = tpu.memref_squeeze %dma_start3A_796 : memref<1x1x72xi32, #tpu.memory_space<vmem>> -> memref<72xi32, #tpu.memory_space<vmem>>
      %dma_start3A_798 = arith.constant 0 : i32
      %dma_start3A_799 = arith.constant 0 : i32
      %dma_start3A_800 = tpu.memref_slice %arg8[%dma_start3A_798, %dma_start3A_799] : memref<10000x128xf32, #tpu.memory_space<vmem_shared>> -> memref<10000x128xf32, #tpu.memory_space<vmem_shared>>
      tpu.enqueue_indirect_dma source(%dma_start3A_794 : memref<72x128xf32, #tpu.memory_space<vmem>>) target(%dma_start3A_800 : memref<10000x128xf32, #tpu.memory_space<vmem_shared>>) offsets(%dma_start3A_797 : memref<72xi32, #tpu.memory_space<vmem>>) semaphore(%arg13 : memref<!tpu.dma_semaphore, #tpu.memory_space<semaphore_mem>>) {add = true}
      %add3A_801 = arith.constant 1 : i32
      %add3A_802 = arith.addi %mul3A_756, %add3A_801 : i32
      %dma_wait3A_803 = arith.constant 1 : i32
      %dma_wait3A_804 = arith.constant 0 : i32
      %dma_wait3A_805 = arith.constant 0 : i32
      %dma_wait3A_806 = arith.constant 0 : i32
      %dma_wait3A_807 = tpu.memref_slice %arg7[%scan3A_572, %dma_wait3A_805, %dma_wait3A_806] : memref<4x72x128xf32, #tpu.memory_space<vmem>> -> memref<1x72x128xf32, #tpu.memory_space<vmem>>
      %dma_wait3A_808 = tpu.memref_squeeze %dma_wait3A_807 : memref<1x72x128xf32, #tpu.memory_space<vmem>> -> memref<72x128xf32, #tpu.memory_space<vmem>>
      %dma_wait3A_809 = arith.constant 0 : i32
      %dma_wait3A_810 = tpu.memref_slice %arg5[%dma_wait3A_803, %dma_wait3A_804, %dma_wait3A_809] : memref<8x2x72xi32, #tpu.memory_space<vmem>> -> memref<1x1x72xi32, #tpu.memory_space<vmem>>
      %dma_wait3A_811 = tpu.memref_squeeze %dma_wait3A_810 : memref<1x1x72xi32, #tpu.memory_space<vmem>> -> memref<72xi32, #tpu.memory_space<vmem>>
      %dma_wait3A_812 = arith.constant 0 : i32
      %dma_wait3A_813 = arith.constant 0 : i32
      %dma_wait3A_814 = tpu.memref_slice %arg2[%dma_wait3A_812, %dma_wait3A_813] : memref<10000x128xf32, #tpu.memory_space<hbm>> -> memref<10000x128xf32, #tpu.memory_space<hbm>>
      tpu.wait_indirect_dma semaphore(%arg10 : memref<!tpu.dma_semaphore, #tpu.memory_space<semaphore_mem>>) src(%dma_wait3A_814 : memref<10000x128xf32, #tpu.memory_space<hbm>>) dst(%dma_wait3A_808 : memref<72x128xf32, #tpu.memory_space<vmem>>)
      %dma_wait3A_815 = arith.constant 0 : i32
      %dma_wait3A_816 = arith.constant 1 : i32
      %dma_wait3A_817 = arith.constant 0 : i32
      %dma_wait3A_818 = arith.constant 0 : i32
      %dma_wait3A_819 = tpu.memref_slice %arg7[%scan3A_570, %dma_wait3A_817, %dma_wait3A_818] : memref<4x72x128xf32, #tpu.memory_space<vmem>> -> memref<1x72x128xf32, #tpu.memory_space<vmem>>
      %dma_wait3A_820 = tpu.memref_squeeze %dma_wait3A_819 : memref<1x72x128xf32, #tpu.memory_space<vmem>> -> memref<72x128xf32, #tpu.memory_space<vmem>>
      %dma_wait3A_821 = arith.constant 0 : i32
      %dma_wait3A_822 = tpu.memref_slice %arg5[%dma_wait3A_815, %dma_wait3A_816, %dma_wait3A_821] : memref<8x2x72xi32, #tpu.memory_space<vmem>> -> memref<1x1x72xi32, #tpu.memory_space<vmem>>
      %dma_wait3A_823 = tpu.memref_squeeze %dma_wait3A_822 : memref<1x1x72xi32, #tpu.memory_space<vmem>> -> memref<72xi32, #tpu.memory_space<vmem>>
      %dma_wait3A_824 = arith.constant 0 : i32
      %dma_wait3A_825 = arith.constant 0 : i32
      %dma_wait3A_826 = tpu.memref_slice %arg8[%dma_wait3A_824, %dma_wait3A_825] : memref<10000x128xf32, #tpu.memory_space<vmem_shared>> -> memref<10000x128xf32, #tpu.memory_space<vmem_shared>>
      tpu.wait_indirect_dma semaphore(%arg13 : memref<!tpu.dma_semaphore, #tpu.memory_space<semaphore_mem>>) src(%dma_wait3A_820 : memref<72x128xf32, #tpu.memory_space<vmem>>) dst(%dma_wait3A_826 : memref<10000x128xf32, #tpu.memory_space<vmem_shared>>)
      %add3A_827 = arith.constant 3 : i32
      %add3A_828 = arith.addi %add3A_802, %add3A_827 : i32
      %lt3A_829 = arith.constant 138 : i32
      %lt3A_830 = arith.cmpi slt, %add3A_828, %lt3A_829 : i32
      %convert_element_type3A_831 = arith.extui %lt3A_830 : i1 to i32
      %cond3A_832 = arith.constant 0 : i32
      %cond3A_833 = arith.cmpi ne, %convert_element_type3A_831, %cond3A_832 : i32
      scf.if %cond3A_833 {
        %add3A_1179 = arith.constant 3 : i32
        %add3A_1180 = arith.addi %add3A_802, %add3A_1179 : i32
        %mul3A_1181 = arith.constant 72 : i32
        %mul3A_1182 = arith.muli %add3A_1180, %mul3A_1181 : i32
        %add3A_1183 = arith.addi %mul3A_2, %mul3A_1182 : i32
        %dma_wait3A_1184 = arith.constant 4 : i32
        %dma_wait3A_1185 = arith.constant 0 : i32
        %dma_wait3A_1186 = arith.constant 0 : i32
        %dma_wait3A_1187 = tpu.memref_slice %arg5[%dma_wait3A_1184, %dma_wait3A_1185, %dma_wait3A_1186] : memref<8x2x72xi32, #tpu.memory_space<vmem>> -> memref<1x1x72xi32, #tpu.memory_space<vmem>>
        %dma_wait3A_1188 = tpu.memref_squeeze %dma_wait3A_1187 : memref<1x1x72xi32, #tpu.memory_space<vmem>> -> memref<72xi32, #tpu.memory_space<vmem>>
        %dma_wait3A_1189 = tpu.memref_slice %arg3[%add3A_1183] : memref<640000xi32, #tpu.memory_space<hbm>> -> memref<72xi32, #tpu.memory_space<hbm>>
        %dma_wait3A_1190 = arith.constant 0 : i32
        %dma_wait3A_1191 = tpu.memref_slice %arg5[%dma_wait3A_1184, %dma_wait3A_1185, %dma_wait3A_1190] : memref<8x2x72xi32, #tpu.memory_space<vmem>> -> memref<1x1x72xi32, #tpu.memory_space<vmem>>
        %dma_wait3A_1192 = tpu.memref_squeeze %dma_wait3A_1191 : memref<1x1x72xi32, #tpu.memory_space<vmem>> -> memref<72xi32, #tpu.memory_space<vmem>>
        %dma_wait3A_1193 = tpu.memref_slice %arg3[%add3A_1183] : memref<640000xi32, #tpu.memory_space<hbm>> -> memref<72xi32, #tpu.memory_space<hbm>>
        tpu.wait_dma2 semaphore(%arg21 : memref<!tpu.dma_semaphore, #tpu.memory_space<semaphore_mem>>) src(%dma_wait3A_1193 : memref<72xi32, #tpu.memory_space<hbm>>) dst(%dma_wait3A_1192 : memref<72xi32, #tpu.memory_space<vmem>>)
        %add3A_1194 = arith.constant 320000 : i32
        %add3A_1195 = arith.addi %add3A_1194, %add3A_1183 : i32
        %dma_wait3A_1196 = arith.constant 4 : i32
        %dma_wait3A_1197 = arith.constant 1 : i32
        %dma_wait3A_1198 = arith.constant 0 : i32
        %dma_wait3A_1199 = tpu.memref_slice %arg5[%dma_wait3A_1196, %dma_wait3A_1197, %dma_wait3A_1198] : memref<8x2x72xi32, #tpu.memory_space<vmem>> -> memref<1x1x72xi32, #tpu.memory_space<vmem>>
        %dma_wait3A_1200 = tpu.memref_squeeze %dma_wait3A_1199 : memref<1x1x72xi32, #tpu.memory_space<vmem>> -> memref<72xi32, #tpu.memory_space<vmem>>
        %dma_wait3A_1201 = tpu.memref_slice %arg3[%add3A_1195] : memref<640000xi32, #tpu.memory_space<hbm>> -> memref<72xi32, #tpu.memory_space<hbm>>
        %dma_wait3A_1202 = arith.constant 0 : i32
        %dma_wait3A_1203 = tpu.memref_slice %arg5[%dma_wait3A_1196, %dma_wait3A_1197, %dma_wait3A_1202] : memref<8x2x72xi32, #tpu.memory_space<vmem>> -> memref<1x1x72xi32, #tpu.memory_space<vmem>>
        %dma_wait3A_1204 = tpu.memref_squeeze %dma_wait3A_1203 : memref<1x1x72xi32, #tpu.memory_space<vmem>> -> memref<72xi32, #tpu.memory_space<vmem>>
        %dma_wait3A_1205 = tpu.memref_slice %arg3[%add3A_1195] : memref<640000xi32, #tpu.memory_space<hbm>> -> memref<72xi32, #tpu.memory_space<hbm>>
        tpu.wait_dma2 semaphore(%arg21 : memref<!tpu.dma_semaphore, #tpu.memory_space<semaphore_mem>>) src(%dma_wait3A_1205 : memref<72xi32, #tpu.memory_space<hbm>>) dst(%dma_wait3A_1204 : memref<72xi32, #tpu.memory_space<vmem>>)
        %dma_start3A_1206 = arith.constant 4 : i32
        %dma_start3A_1207 = arith.constant 0 : i32
        %dma_start3A_1208 = arith.constant 0 : i32
        %dma_start3A_1209 = arith.constant 0 : i32
        %dma_start3A_1210 = tpu.memref_slice %arg7[%scan3A_570, %dma_start3A_1208, %dma_start3A_1209] : memref<4x72x128xf32, #tpu.memory_space<vmem>> -> memref<1x72x128xf32, #tpu.memory_space<vmem>>
        %dma_start3A_1211 = tpu.memref_squeeze %dma_start3A_1210 : memref<1x72x128xf32, #tpu.memory_space<vmem>> -> memref<72x128xf32, #tpu.memory_space<vmem>>
        %dma_start3A_1212 = arith.constant 0 : i32
        %dma_start3A_1213 = tpu.memref_slice %arg5[%dma_start3A_1206, %dma_start3A_1207, %dma_start3A_1212] : memref<8x2x72xi32, #tpu.memory_space<vmem>> -> memref<1x1x72xi32, #tpu.memory_space<vmem>>
        %dma_start3A_1214 = tpu.memref_squeeze %dma_start3A_1213 : memref<1x1x72xi32, #tpu.memory_space<vmem>> -> memref<72xi32, #tpu.memory_space<vmem>>
        %dma_start3A_1215 = arith.constant 0 : i32
        %dma_start3A_1216 = arith.constant 0 : i32
        %dma_start3A_1217 = tpu.memref_slice %arg2[%dma_start3A_1215, %dma_start3A_1216] : memref<10000x128xf32, #tpu.memory_space<hbm>> -> memref<10000x128xf32, #tpu.memory_space<hbm>>
        tpu.enqueue_indirect_dma source(%dma_start3A_1217 : memref<10000x128xf32, #tpu.memory_space<hbm>>) target(%dma_start3A_1211 : memref<72x128xf32, #tpu.memory_space<vmem>>) offsets(%dma_start3A_1214 : memref<72xi32, #tpu.memory_space<vmem>>) semaphore(%arg9 : memref<!tpu.dma_semaphore, #tpu.memory_space<semaphore_mem>>)
      } else {
      }
      %add3A_834 = arith.constant 8 : i32
      %add3A_835 = arith.addi %add3A_802, %add3A_834 : i32
      %sub3A_836 = arith.constant 1 : i32
      %sub3A_837 = arith.subi %add3A_835, %sub3A_836 : i32
      %lt3A_838 = arith.constant 138 : i32
      %lt3A_839 = arith.cmpi slt, %sub3A_837, %lt3A_838 : i32
      %convert_element_type3A_840 = arith.extui %lt3A_839 : i1 to i32
      %cond3A_841 = arith.constant 0 : i32
      %cond3A_842 = arith.cmpi ne, %convert_element_type3A_840, %cond3A_841 : i32
      scf.if %cond3A_842 {
        %add3A_1179 = arith.constant 8 : i32
        %add3A_1180 = arith.addi %add3A_802, %add3A_1179 : i32
        %sub3A_1181 = arith.constant 1 : i32
        %sub3A_1182 = arith.subi %add3A_1180, %sub3A_1181 : i32
        %mul3A_1183 = arith.constant 72 : i32
        %mul3A_1184 = arith.muli %sub3A_1182, %mul3A_1183 : i32
        %add3A_1185 = arith.addi %mul3A_2, %mul3A_1184 : i32
        %dma_start3A_1186 = arith.constant 0 : i32
        %dma_start3A_1187 = arith.constant 0 : i32
        %dma_start3A_1188 = arith.constant 0 : i32
        %dma_start3A_1189 = tpu.memref_slice %arg5[%dma_start3A_1186, %dma_start3A_1187, %dma_start3A_1188] : memref<8x2x72xi32, #tpu.memory_space<vmem>> -> memref<1x1x72xi32, #tpu.memory_space<vmem>>
        %dma_start3A_1190 = tpu.memref_squeeze %dma_start3A_1189 : memref<1x1x72xi32, #tpu.memory_space<vmem>> -> memref<72xi32, #tpu.memory_space<vmem>>
        %dma_start3A_1191 = tpu.memref_slice %arg3[%add3A_1185] : memref<640000xi32, #tpu.memory_space<hbm>> -> memref<72xi32, #tpu.memory_space<hbm>>
        %dma_start3A_1192 = arith.constant 0 : i32
        %dma_start3A_1193 = tpu.memref_slice %arg5[%dma_start3A_1186, %dma_start3A_1187, %dma_start3A_1192] : memref<8x2x72xi32, #tpu.memory_space<vmem>> -> memref<1x1x72xi32, #tpu.memory_space<vmem>>
        %dma_start3A_1194 = tpu.memref_squeeze %dma_start3A_1193 : memref<1x1x72xi32, #tpu.memory_space<vmem>> -> memref<72xi32, #tpu.memory_space<vmem>>
        %dma_start3A_1195 = tpu.memref_slice %arg3[%add3A_1185] : memref<640000xi32, #tpu.memory_space<hbm>> -> memref<72xi32, #tpu.memory_space<hbm>>
        tpu.enqueue_dma source(%dma_start3A_1195 : memref<72xi32, #tpu.memory_space<hbm>>) target(%dma_start3A_1194 : memref<72xi32, #tpu.memory_space<vmem>>) target_semaphore(%arg17 : memref<!tpu.dma_semaphore, #tpu.memory_space<semaphore_mem>>)
        %add3A_1196 = arith.constant 320000 : i32
        %add3A_1197 = arith.addi %add3A_1196, %add3A_1185 : i32
        %dma_start3A_1198 = arith.constant 0 : i32
        %dma_start3A_1199 = arith.constant 1 : i32
        %dma_start3A_1200 = arith.constant 0 : i32
        %dma_start3A_1201 = tpu.memref_slice %arg5[%dma_start3A_1198, %dma_start3A_1199, %dma_start3A_1200] : memref<8x2x72xi32, #tpu.memory_space<vmem>> -> memref<1x1x72xi32, #tpu.memory_space<vmem>>
        %dma_start3A_1202 = tpu.memref_squeeze %dma_start3A_1201 : memref<1x1x72xi32, #tpu.memory_space<vmem>> -> memref<72xi32, #tpu.memory_space<vmem>>
        %dma_start3A_1203 = tpu.memref_slice %arg3[%add3A_1197] : memref<640000xi32, #tpu.memory_space<hbm>> -> memref<72xi32, #tpu.memory_space<hbm>>
        %dma_start3A_1204 = arith.constant 0 : i32
        %dma_start3A_1205 = tpu.memref_slice %arg5[%dma_start3A_1198, %dma_start3A_1199, %dma_start3A_1204] : memref<8x2x72xi32, #tpu.memory_space<vmem>> -> memref<1x1x72xi32, #tpu.memory_space<vmem>>
        %dma_start3A_1206 = tpu.memref_squeeze %dma_start3A_1205 : memref<1x1x72xi32, #tpu.memory_space<vmem>> -> memref<72xi32, #tpu.memory_space<vmem>>
        %dma_start3A_1207 = tpu.memref_slice %arg3[%add3A_1197] : memref<640000xi32, #tpu.memory_space<hbm>> -> memref<72xi32, #tpu.memory_space<hbm>>
        tpu.enqueue_dma source(%dma_start3A_1207 : memref<72xi32, #tpu.memory_space<hbm>>) target(%dma_start3A_1206 : memref<72xi32, #tpu.memory_space<vmem>>) target_semaphore(%arg17 : memref<!tpu.dma_semaphore, #tpu.memory_space<semaphore_mem>>)
      } else {
      }
      %dma_start3A_843 = arith.constant 1 : i32
      %dma_start3A_844 = arith.constant 1 : i32
      %dma_start3A_845 = arith.constant 0 : i32
      %dma_start3A_846 = arith.constant 0 : i32
      %dma_start3A_847 = tpu.memref_slice %arg7[%scan3A_572, %dma_start3A_845, %dma_start3A_846] : memref<4x72x128xf32, #tpu.memory_space<vmem>> -> memref<1x72x128xf32, #tpu.memory_space<vmem>>
      %dma_start3A_848 = tpu.memref_squeeze %dma_start3A_847 : memref<1x72x128xf32, #tpu.memory_space<vmem>> -> memref<72x128xf32, #tpu.memory_space<vmem>>
      %dma_start3A_849 = arith.constant 0 : i32
      %dma_start3A_850 = tpu.memref_slice %arg5[%dma_start3A_843, %dma_start3A_844, %dma_start3A_849] : memref<8x2x72xi32, #tpu.memory_space<vmem>> -> memref<1x1x72xi32, #tpu.memory_space<vmem>>
      %dma_start3A_851 = tpu.memref_squeeze %dma_start3A_850 : memref<1x1x72xi32, #tpu.memory_space<vmem>> -> memref<72xi32, #tpu.memory_space<vmem>>
      %dma_start3A_852 = arith.constant 0 : i32
      %dma_start3A_853 = arith.constant 0 : i32
      %dma_start3A_854 = tpu.memref_slice %arg8[%dma_start3A_852, %dma_start3A_853] : memref<10000x128xf32, #tpu.memory_space<vmem_shared>> -> memref<10000x128xf32, #tpu.memory_space<vmem_shared>>
      tpu.enqueue_indirect_dma source(%dma_start3A_848 : memref<72x128xf32, #tpu.memory_space<vmem>>) target(%dma_start3A_854 : memref<10000x128xf32, #tpu.memory_space<vmem_shared>>) offsets(%dma_start3A_851 : memref<72xi32, #tpu.memory_space<vmem>>) semaphore(%arg14 : memref<!tpu.dma_semaphore, #tpu.memory_space<semaphore_mem>>) {add = true}
      %add3A_855 = arith.constant 2 : i32
      %add3A_856 = arith.addi %mul3A_756, %add3A_855 : i32
      %dma_wait3A_857 = arith.constant 2 : i32
      %dma_wait3A_858 = arith.constant 0 : i32
      %dma_wait3A_859 = arith.constant 0 : i32
      %dma_wait3A_860 = arith.constant 0 : i32
      %dma_wait3A_861 = tpu.memref_slice %arg7[%scan3A_573, %dma_wait3A_859, %dma_wait3A_860] : memref<4x72x128xf32, #tpu.memory_space<vmem>> -> memref<1x72x128xf32, #tpu.memory_space<vmem>>
      %dma_wait3A_862 = tpu.memref_squeeze %dma_wait3A_861 : memref<1x72x128xf32, #tpu.memory_space<vmem>> -> memref<72x128xf32, #tpu.memory_space<vmem>>
      %dma_wait3A_863 = arith.constant 0 : i32
      %dma_wait3A_864 = tpu.memref_slice %arg5[%dma_wait3A_857, %dma_wait3A_858, %dma_wait3A_863] : memref<8x2x72xi32, #tpu.memory_space<vmem>> -> memref<1x1x72xi32, #tpu.memory_space<vmem>>
      %dma_wait3A_865 = tpu.memref_squeeze %dma_wait3A_864 : memref<1x1x72xi32, #tpu.memory_space<vmem>> -> memref<72xi32, #tpu.memory_space<vmem>>
      %dma_wait3A_866 = arith.constant 0 : i32
      %dma_wait3A_867 = arith.constant 0 : i32
      %dma_wait3A_868 = tpu.memref_slice %arg2[%dma_wait3A_866, %dma_wait3A_867] : memref<10000x128xf32, #tpu.memory_space<hbm>> -> memref<10000x128xf32, #tpu.memory_space<hbm>>
      tpu.wait_indirect_dma semaphore(%arg11 : memref<!tpu.dma_semaphore, #tpu.memory_space<semaphore_mem>>) src(%dma_wait3A_868 : memref<10000x128xf32, #tpu.memory_space<hbm>>) dst(%dma_wait3A_862 : memref<72x128xf32, #tpu.memory_space<vmem>>)
      %dma_wait3A_869 = arith.constant 1 : i32
      %dma_wait3A_870 = arith.constant 1 : i32
      %dma_wait3A_871 = arith.constant 0 : i32
      %dma_wait3A_872 = arith.constant 0 : i32
      %dma_wait3A_873 = tpu.memref_slice %arg7[%scan3A_572, %dma_wait3A_871, %dma_wait3A_872] : memref<4x72x128xf32, #tpu.memory_space<vmem>> -> memref<1x72x128xf32, #tpu.memory_space<vmem>>
      %dma_wait3A_874 = tpu.memref_squeeze %dma_wait3A_873 : memref<1x72x128xf32, #tpu.memory_space<vmem>> -> memref<72x128xf32, #tpu.memory_space<vmem>>
      %dma_wait3A_875 = arith.constant 0 : i32
      %dma_wait3A_876 = tpu.memref_slice %arg5[%dma_wait3A_869, %dma_wait3A_870, %dma_wait3A_875] : memref<8x2x72xi32, #tpu.memory_space<vmem>> -> memref<1x1x72xi32, #tpu.memory_space<vmem>>
      %dma_wait3A_877 = tpu.memref_squeeze %dma_wait3A_876 : memref<1x1x72xi32, #tpu.memory_space<vmem>> -> memref<72xi32, #tpu.memory_space<vmem>>
      %dma_wait3A_878 = arith.constant 0 : i32
      %dma_wait3A_879 = arith.constant 0 : i32
      %dma_wait3A_880 = tpu.memref_slice %arg8[%dma_wait3A_878, %dma_wait3A_879] : memref<10000x128xf32, #tpu.memory_space<vmem_shared>> -> memref<10000x128xf32, #tpu.memory_space<vmem_shared>>
      tpu.wait_indirect_dma semaphore(%arg14 : memref<!tpu.dma_semaphore, #tpu.memory_space<semaphore_mem>>) src(%dma_wait3A_874 : memref<72x128xf32, #tpu.memory_space<vmem>>) dst(%dma_wait3A_880 : memref<10000x128xf32, #tpu.memory_space<vmem_shared>>)
      %add3A_881 = arith.constant 3 : i32
      %add3A_882 = arith.addi %add3A_856, %add3A_881 : i32
      %lt3A_883 = arith.constant 138 : i32
      %lt3A_884 = arith.cmpi slt, %add3A_882, %lt3A_883 : i32
      %convert_element_type3A_885 = arith.extui %lt3A_884 : i1 to i32
      %cond3A_886 = arith.constant 0 : i32
      %cond3A_887 = arith.cmpi ne, %convert_element_type3A_885, %cond3A_886 : i32
      scf.if %cond3A_887 {
        %add3A_1179 = arith.constant 3 : i32
        %add3A_1180 = arith.addi %add3A_856, %add3A_1179 : i32
        %mul3A_1181 = arith.constant 72 : i32
        %mul3A_1182 = arith.muli %add3A_1180, %mul3A_1181 : i32
        %add3A_1183 = arith.addi %mul3A_2, %mul3A_1182 : i32
        %dma_wait3A_1184 = arith.constant 5 : i32
        %dma_wait3A_1185 = arith.constant 0 : i32
        %dma_wait3A_1186 = arith.constant 0 : i32
        %dma_wait3A_1187 = tpu.memref_slice %arg5[%dma_wait3A_1184, %dma_wait3A_1185, %dma_wait3A_1186] : memref<8x2x72xi32, #tpu.memory_space<vmem>> -> memref<1x1x72xi32, #tpu.memory_space<vmem>>
        %dma_wait3A_1188 = tpu.memref_squeeze %dma_wait3A_1187 : memref<1x1x72xi32, #tpu.memory_space<vmem>> -> memref<72xi32, #tpu.memory_space<vmem>>
        %dma_wait3A_1189 = tpu.memref_slice %arg3[%add3A_1183] : memref<640000xi32, #tpu.memory_space<hbm>> -> memref<72xi32, #tpu.memory_space<hbm>>
        %dma_wait3A_1190 = arith.constant 0 : i32
        %dma_wait3A_1191 = tpu.memref_slice %arg5[%dma_wait3A_1184, %dma_wait3A_1185, %dma_wait3A_1190] : memref<8x2x72xi32, #tpu.memory_space<vmem>> -> memref<1x1x72xi32, #tpu.memory_space<vmem>>
        %dma_wait3A_1192 = tpu.memref_squeeze %dma_wait3A_1191 : memref<1x1x72xi32, #tpu.memory_space<vmem>> -> memref<72xi32, #tpu.memory_space<vmem>>
        %dma_wait3A_1193 = tpu.memref_slice %arg3[%add3A_1183] : memref<640000xi32, #tpu.memory_space<hbm>> -> memref<72xi32, #tpu.memory_space<hbm>>
        tpu.wait_dma2 semaphore(%arg22 : memref<!tpu.dma_semaphore, #tpu.memory_space<semaphore_mem>>) src(%dma_wait3A_1193 : memref<72xi32, #tpu.memory_space<hbm>>) dst(%dma_wait3A_1192 : memref<72xi32, #tpu.memory_space<vmem>>)
        %add3A_1194 = arith.constant 320000 : i32
        %add3A_1195 = arith.addi %add3A_1194, %add3A_1183 : i32
        %dma_wait3A_1196 = arith.constant 5 : i32
        %dma_wait3A_1197 = arith.constant 1 : i32
        %dma_wait3A_1198 = arith.constant 0 : i32
        %dma_wait3A_1199 = tpu.memref_slice %arg5[%dma_wait3A_1196, %dma_wait3A_1197, %dma_wait3A_1198] : memref<8x2x72xi32, #tpu.memory_space<vmem>> -> memref<1x1x72xi32, #tpu.memory_space<vmem>>
        %dma_wait3A_1200 = tpu.memref_squeeze %dma_wait3A_1199 : memref<1x1x72xi32, #tpu.memory_space<vmem>> -> memref<72xi32, #tpu.memory_space<vmem>>
        %dma_wait3A_1201 = tpu.memref_slice %arg3[%add3A_1195] : memref<640000xi32, #tpu.memory_space<hbm>> -> memref<72xi32, #tpu.memory_space<hbm>>
        %dma_wait3A_1202 = arith.constant 0 : i32
        %dma_wait3A_1203 = tpu.memref_slice %arg5[%dma_wait3A_1196, %dma_wait3A_1197, %dma_wait3A_1202] : memref<8x2x72xi32, #tpu.memory_space<vmem>> -> memref<1x1x72xi32, #tpu.memory_space<vmem>>
        %dma_wait3A_1204 = tpu.memref_squeeze %dma_wait3A_1203 : memref<1x1x72xi32, #tpu.memory_space<vmem>> -> memref<72xi32, #tpu.memory_space<vmem>>
        %dma_wait3A_1205 = tpu.memref_slice %arg3[%add3A_1195] : memref<640000xi32, #tpu.memory_space<hbm>> -> memref<72xi32, #tpu.memory_space<hbm>>
        tpu.wait_dma2 semaphore(%arg22 : memref<!tpu.dma_semaphore, #tpu.memory_space<semaphore_mem>>) src(%dma_wait3A_1205 : memref<72xi32, #tpu.memory_space<hbm>>) dst(%dma_wait3A_1204 : memref<72xi32, #tpu.memory_space<vmem>>)
        %dma_start3A_1206 = arith.constant 5 : i32
        %dma_start3A_1207 = arith.constant 0 : i32
        %dma_start3A_1208 = arith.constant 0 : i32
        %dma_start3A_1209 = arith.constant 0 : i32
        %dma_start3A_1210 = tpu.memref_slice %arg7[%scan3A_572, %dma_start3A_1208, %dma_start3A_1209] : memref<4x72x128xf32, #tpu.memory_space<vmem>> -> memref<1x72x128xf32, #tpu.memory_space<vmem>>
        %dma_start3A_1211 = tpu.memref_squeeze %dma_start3A_1210 : memref<1x72x128xf32, #tpu.memory_space<vmem>> -> memref<72x128xf32, #tpu.memory_space<vmem>>
        %dma_start3A_1212 = arith.constant 0 : i32
        %dma_start3A_1213 = tpu.memref_slice %arg5[%dma_start3A_1206, %dma_start3A_1207, %dma_start3A_1212] : memref<8x2x72xi32, #tpu.memory_space<vmem>> -> memref<1x1x72xi32, #tpu.memory_space<vmem>>
        %dma_start3A_1214 = tpu.memref_squeeze %dma_start3A_1213 : memref<1x1x72xi32, #tpu.memory_space<vmem>> -> memref<72xi32, #tpu.memory_space<vmem>>
        %dma_start3A_1215 = arith.constant 0 : i32
        %dma_start3A_1216 = arith.constant 0 : i32
        %dma_start3A_1217 = tpu.memref_slice %arg2[%dma_start3A_1215, %dma_start3A_1216] : memref<10000x128xf32, #tpu.memory_space<hbm>> -> memref<10000x128xf32, #tpu.memory_space<hbm>>
        tpu.enqueue_indirect_dma source(%dma_start3A_1217 : memref<10000x128xf32, #tpu.memory_space<hbm>>) target(%dma_start3A_1211 : memref<72x128xf32, #tpu.memory_space<vmem>>) offsets(%dma_start3A_1214 : memref<72xi32, #tpu.memory_space<vmem>>) semaphore(%arg10 : memref<!tpu.dma_semaphore, #tpu.memory_space<semaphore_mem>>)
      } else {
      }
      %add3A_888 = arith.constant 8 : i32
      %add3A_889 = arith.addi %add3A_856, %add3A_888 : i32
      %sub3A_890 = arith.constant 1 : i32
      %sub3A_891 = arith.subi %add3A_889, %sub3A_890 : i32
      %lt3A_892 = arith.constant 138 : i32
      %lt3A_893 = arith.cmpi slt, %sub3A_891, %lt3A_892 : i32
      %convert_element_type3A_894 = arith.extui %lt3A_893 : i1 to i32
      %cond3A_895 = arith.constant 0 : i32
      %cond3A_896 = arith.cmpi ne, %convert_element_type3A_894, %cond3A_895 : i32
      scf.if %cond3A_896 {
        %add3A_1179 = arith.constant 8 : i32
        %add3A_1180 = arith.addi %add3A_856, %add3A_1179 : i32
        %sub3A_1181 = arith.constant 1 : i32
        %sub3A_1182 = arith.subi %add3A_1180, %sub3A_1181 : i32
        %mul3A_1183 = arith.constant 72 : i32
        %mul3A_1184 = arith.muli %sub3A_1182, %mul3A_1183 : i32
        %add3A_1185 = arith.addi %mul3A_2, %mul3A_1184 : i32
        %dma_start3A_1186 = arith.constant 1 : i32
        %dma_start3A_1187 = arith.constant 0 : i32
        %dma_start3A_1188 = arith.constant 0 : i32
        %dma_start3A_1189 = tpu.memref_slice %arg5[%dma_start3A_1186, %dma_start3A_1187, %dma_start3A_1188] : memref<8x2x72xi32, #tpu.memory_space<vmem>> -> memref<1x1x72xi32, #tpu.memory_space<vmem>>
        %dma_start3A_1190 = tpu.memref_squeeze %dma_start3A_1189 : memref<1x1x72xi32, #tpu.memory_space<vmem>> -> memref<72xi32, #tpu.memory_space<vmem>>
        %dma_start3A_1191 = tpu.memref_slice %arg3[%add3A_1185] : memref<640000xi32, #tpu.memory_space<hbm>> -> memref<72xi32, #tpu.memory_space<hbm>>
        %dma_start3A_1192 = arith.constant 0 : i32
        %dma_start3A_1193 = tpu.memref_slice %arg5[%dma_start3A_1186, %dma_start3A_1187, %dma_start3A_1192] : memref<8x2x72xi32, #tpu.memory_space<vmem>> -> memref<1x1x72xi32, #tpu.memory_space<vmem>>
        %dma_start3A_1194 = tpu.memref_squeeze %dma_start3A_1193 : memref<1x1x72xi32, #tpu.memory_space<vmem>> -> memref<72xi32, #tpu.memory_space<vmem>>
        %dma_start3A_1195 = tpu.memref_slice %arg3[%add3A_1185] : memref<640000xi32, #tpu.memory_space<hbm>> -> memref<72xi32, #tpu.memory_space<hbm>>
        tpu.enqueue_dma source(%dma_start3A_1195 : memref<72xi32, #tpu.memory_space<hbm>>) target(%dma_start3A_1194 : memref<72xi32, #tpu.memory_space<vmem>>) target_semaphore(%arg18 : memref<!tpu.dma_semaphore, #tpu.memory_space<semaphore_mem>>)
        %add3A_1196 = arith.constant 320000 : i32
        %add3A_1197 = arith.addi %add3A_1196, %add3A_1185 : i32
        %dma_start3A_1198 = arith.constant 1 : i32
        %dma_start3A_1199 = arith.constant 1 : i32
        %dma_start3A_1200 = arith.constant 0 : i32
        %dma_start3A_1201 = tpu.memref_slice %arg5[%dma_start3A_1198, %dma_start3A_1199, %dma_start3A_1200] : memref<8x2x72xi32, #tpu.memory_space<vmem>> -> memref<1x1x72xi32, #tpu.memory_space<vmem>>
        %dma_start3A_1202 = tpu.memref_squeeze %dma_start3A_1201 : memref<1x1x72xi32, #tpu.memory_space<vmem>> -> memref<72xi32, #tpu.memory_space<vmem>>
        %dma_start3A_1203 = tpu.memref_slice %arg3[%add3A_1197] : memref<640000xi32, #tpu.memory_space<hbm>> -> memref<72xi32, #tpu.memory_space<hbm>>
        %dma_start3A_1204 = arith.constant 0 : i32
        %dma_start3A_1205 = tpu.memref_slice %arg5[%dma_start3A_1198, %dma_start3A_1199, %dma_start3A_1204] : memref<8x2x72xi32, #tpu.memory_space<vmem>> -> memref<1x1x72xi32, #tpu.memory_space<vmem>>
        %dma_start3A_1206 = tpu.memref_squeeze %dma_start3A_1205 : memref<1x1x72xi32, #tpu.memory_space<vmem>> -> memref<72xi32, #tpu.memory_space<vmem>>
        %dma_start3A_1207 = tpu.memref_slice %arg3[%add3A_1197] : memref<640000xi32, #tpu.memory_space<hbm>> -> memref<72xi32, #tpu.memory_space<hbm>>
        tpu.enqueue_dma source(%dma_start3A_1207 : memref<72xi32, #tpu.memory_space<hbm>>) target(%dma_start3A_1206 : memref<72xi32, #tpu.memory_space<vmem>>) target_semaphore(%arg18 : memref<!tpu.dma_semaphore, #tpu.memory_space<semaphore_mem>>)
      } else {
      }
      %dma_start3A_897 = arith.constant 2 : i32
      %dma_start3A_898 = arith.constant 1 : i32
      %dma_start3A_899 = arith.constant 0 : i32
      %dma_start3A_900 = arith.constant 0 : i32
      %dma_start3A_901 = tpu.memref_slice %arg7[%scan3A_573, %dma_start3A_899, %dma_start3A_900] : memref<4x72x128xf32, #tpu.memory_space<vmem>> -> memref<1x72x128xf32, #tpu.memory_space<vmem>>
      %dma_start3A_902 = tpu.memref_squeeze %dma_start3A_901 : memref<1x72x128xf32, #tpu.memory_space<vmem>> -> memref<72x128xf32, #tpu.memory_space<vmem>>
      %dma_start3A_903 = arith.constant 0 : i32
      %dma_start3A_904 = tpu.memref_slice %arg5[%dma_start3A_897, %dma_start3A_898, %dma_start3A_903] : memref<8x2x72xi32, #tpu.memory_space<vmem>> -> memref<1x1x72xi32, #tpu.memory_space<vmem>>
      %dma_start3A_905 = tpu.memref_squeeze %dma_start3A_904 : memref<1x1x72xi32, #tpu.memory_space<vmem>> -> memref<72xi32, #tpu.memory_space<vmem>>
      %dma_start3A_906 = arith.constant 0 : i32
      %dma_start3A_907 = arith.constant 0 : i32
      %dma_start3A_908 = tpu.memref_slice %arg8[%dma_start3A_906, %dma_start3A_907] : memref<10000x128xf32, #tpu.memory_space<vmem_shared>> -> memref<10000x128xf32, #tpu.memory_space<vmem_shared>>
      tpu.enqueue_indirect_dma source(%dma_start3A_902 : memref<72x128xf32, #tpu.memory_space<vmem>>) target(%dma_start3A_908 : memref<10000x128xf32, #tpu.memory_space<vmem_shared>>) offsets(%dma_start3A_905 : memref<72xi32, #tpu.memory_space<vmem>>) semaphore(%arg15 : memref<!tpu.dma_semaphore, #tpu.memory_space<semaphore_mem>>) {add = true}
      %add3A_909 = arith.constant 3 : i32
      %add3A_910 = arith.addi %mul3A_756, %add3A_909 : i32
      %dma_wait3A_911 = arith.constant 3 : i32
      %dma_wait3A_912 = arith.constant 0 : i32
      %dma_wait3A_913 = arith.constant 0 : i32
      %dma_wait3A_914 = arith.constant 0 : i32
      %dma_wait3A_915 = tpu.memref_slice %arg7[%scan3A_571, %dma_wait3A_913, %dma_wait3A_914] : memref<4x72x128xf32, #tpu.memory_space<vmem>> -> memref<1x72x128xf32, #tpu.memory_space<vmem>>
      %dma_wait3A_916 = tpu.memref_squeeze %dma_wait3A_915 : memref<1x72x128xf32, #tpu.memory_space<vmem>> -> memref<72x128xf32, #tpu.memory_space<vmem>>
      %dma_wait3A_917 = arith.constant 0 : i32
      %dma_wait3A_918 = tpu.memref_slice %arg5[%dma_wait3A_911, %dma_wait3A_912, %dma_wait3A_917] : memref<8x2x72xi32, #tpu.memory_space<vmem>> -> memref<1x1x72xi32, #tpu.memory_space<vmem>>
      %dma_wait3A_919 = tpu.memref_squeeze %dma_wait3A_918 : memref<1x1x72xi32, #tpu.memory_space<vmem>> -> memref<72xi32, #tpu.memory_space<vmem>>
      %dma_wait3A_920 = arith.constant 0 : i32
      %dma_wait3A_921 = arith.constant 0 : i32
      %dma_wait3A_922 = tpu.memref_slice %arg2[%dma_wait3A_920, %dma_wait3A_921] : memref<10000x128xf32, #tpu.memory_space<hbm>> -> memref<10000x128xf32, #tpu.memory_space<hbm>>
      tpu.wait_indirect_dma semaphore(%arg12 : memref<!tpu.dma_semaphore, #tpu.memory_space<semaphore_mem>>) src(%dma_wait3A_922 : memref<10000x128xf32, #tpu.memory_space<hbm>>) dst(%dma_wait3A_916 : memref<72x128xf32, #tpu.memory_space<vmem>>)
      %dma_wait3A_923 = arith.constant 2 : i32
      %dma_wait3A_924 = arith.constant 1 : i32
      %dma_wait3A_925 = arith.constant 0 : i32
      %dma_wait3A_926 = arith.constant 0 : i32
      %dma_wait3A_927 = tpu.memref_slice %arg7[%scan3A_573, %dma_wait3A_925, %dma_wait3A_926] : memref<4x72x128xf32, #tpu.memory_space<vmem>> -> memref<1x72x128xf32, #tpu.memory_space<vmem>>
      %dma_wait3A_928 = tpu.memref_squeeze %dma_wait3A_927 : memref<1x72x128xf32, #tpu.memory_space<vmem>> -> memref<72x128xf32, #tpu.memory_space<vmem>>
      %dma_wait3A_929 = arith.constant 0 : i32
      %dma_wait3A_930 = tpu.memref_slice %arg5[%dma_wait3A_923, %dma_wait3A_924, %dma_wait3A_929] : memref<8x2x72xi32, #tpu.memory_space<vmem>> -> memref<1x1x72xi32, #tpu.memory_space<vmem>>
      %dma_wait3A_931 = tpu.memref_squeeze %dma_wait3A_930 : memref<1x1x72xi32, #tpu.memory_space<vmem>> -> memref<72xi32, #tpu.memory_space<vmem>>
      %dma_wait3A_932 = arith.constant 0 : i32
      %dma_wait3A_933 = arith.constant 0 : i32
      %dma_wait3A_934 = tpu.memref_slice %arg8[%dma_wait3A_932, %dma_wait3A_933] : memref<10000x128xf32, #tpu.memory_space<vmem_shared>> -> memref<10000x128xf32, #tpu.memory_space<vmem_shared>>
      tpu.wait_indirect_dma semaphore(%arg15 : memref<!tpu.dma_semaphore, #tpu.memory_space<semaphore_mem>>) src(%dma_wait3A_928 : memref<72x128xf32, #tpu.memory_space<vmem>>) dst(%dma_wait3A_934 : memref<10000x128xf32, #tpu.memory_space<vmem_shared>>)
      %add3A_935 = arith.constant 3 : i32
      %add3A_936 = arith.addi %add3A_910, %add3A_935 : i32
      %lt3A_937 = arith.constant 138 : i32
      %lt3A_938 = arith.cmpi slt, %add3A_936, %lt3A_937 : i32
      %convert_element_type3A_939 = arith.extui %lt3A_938 : i1 to i32
      %cond3A_940 = arith.constant 0 : i32
      %cond3A_941 = arith.cmpi ne, %convert_element_type3A_939, %cond3A_940 : i32
      scf.if %cond3A_941 {
        %add3A_1179 = arith.constant 3 : i32
        %add3A_1180 = arith.addi %add3A_910, %add3A_1179 : i32
        %mul3A_1181 = arith.constant 72 : i32
        %mul3A_1182 = arith.muli %add3A_1180, %mul3A_1181 : i32
        %add3A_1183 = arith.addi %mul3A_2, %mul3A_1182 : i32
        %dma_wait3A_1184 = arith.constant 6 : i32
        %dma_wait3A_1185 = arith.constant 0 : i32
        %dma_wait3A_1186 = arith.constant 0 : i32
        %dma_wait3A_1187 = tpu.memref_slice %arg5[%dma_wait3A_1184, %dma_wait3A_1185, %dma_wait3A_1186] : memref<8x2x72xi32, #tpu.memory_space<vmem>> -> memref<1x1x72xi32, #tpu.memory_space<vmem>>
        %dma_wait3A_1188 = tpu.memref_squeeze %dma_wait3A_1187 : memref<1x1x72xi32, #tpu.memory_space<vmem>> -> memref<72xi32, #tpu.memory_space<vmem>>
        %dma_wait3A_1189 = tpu.memref_slice %arg3[%add3A_1183] : memref<640000xi32, #tpu.memory_space<hbm>> -> memref<72xi32, #tpu.memory_space<hbm>>
        %dma_wait3A_1190 = arith.constant 0 : i32
        %dma_wait3A_1191 = tpu.memref_slice %arg5[%dma_wait3A_1184, %dma_wait3A_1185, %dma_wait3A_1190] : memref<8x2x72xi32, #tpu.memory_space<vmem>> -> memref<1x1x72xi32, #tpu.memory_space<vmem>>
        %dma_wait3A_1192 = tpu.memref_squeeze %dma_wait3A_1191 : memref<1x1x72xi32, #tpu.memory_space<vmem>> -> memref<72xi32, #tpu.memory_space<vmem>>
        %dma_wait3A_1193 = tpu.memref_slice %arg3[%add3A_1183] : memref<640000xi32, #tpu.memory_space<hbm>> -> memref<72xi32, #tpu.memory_space<hbm>>
        tpu.wait_dma2 semaphore(%arg23 : memref<!tpu.dma_semaphore, #tpu.memory_space<semaphore_mem>>) src(%dma_wait3A_1193 : memref<72xi32, #tpu.memory_space<hbm>>) dst(%dma_wait3A_1192 : memref<72xi32, #tpu.memory_space<vmem>>)
        %add3A_1194 = arith.constant 320000 : i32
        %add3A_1195 = arith.addi %add3A_1194, %add3A_1183 : i32
        %dma_wait3A_1196 = arith.constant 6 : i32
        %dma_wait3A_1197 = arith.constant 1 : i32
        %dma_wait3A_1198 = arith.constant 0 : i32
        %dma_wait3A_1199 = tpu.memref_slice %arg5[%dma_wait3A_1196, %dma_wait3A_1197, %dma_wait3A_1198] : memref<8x2x72xi32, #tpu.memory_space<vmem>> -> memref<1x1x72xi32, #tpu.memory_space<vmem>>
        %dma_wait3A_1200 = tpu.memref_squeeze %dma_wait3A_1199 : memref<1x1x72xi32, #tpu.memory_space<vmem>> -> memref<72xi32, #tpu.memory_space<vmem>>
        %dma_wait3A_1201 = tpu.memref_slice %arg3[%add3A_1195] : memref<640000xi32, #tpu.memory_space<hbm>> -> memref<72xi32, #tpu.memory_space<hbm>>
        %dma_wait3A_1202 = arith.constant 0 : i32
        %dma_wait3A_1203 = tpu.memref_slice %arg5[%dma_wait3A_1196, %dma_wait3A_1197, %dma_wait3A_1202] : memref<8x2x72xi32, #tpu.memory_space<vmem>> -> memref<1x1x72xi32, #tpu.memory_space<vmem>>
        %dma_wait3A_1204 = tpu.memref_squeeze %dma_wait3A_1203 : memref<1x1x72xi32, #tpu.memory_space<vmem>> -> memref<72xi32, #tpu.memory_space<vmem>>
        %dma_wait3A_1205 = tpu.memref_slice %arg3[%add3A_1195] : memref<640000xi32, #tpu.memory_space<hbm>> -> memref<72xi32, #tpu.memory_space<hbm>>
        tpu.wait_dma2 semaphore(%arg23 : memref<!tpu.dma_semaphore, #tpu.memory_space<semaphore_mem>>) src(%dma_wait3A_1205 : memref<72xi32, #tpu.memory_space<hbm>>) dst(%dma_wait3A_1204 : memref<72xi32, #tpu.memory_space<vmem>>)
        %dma_start3A_1206 = arith.constant 6 : i32
        %dma_start3A_1207 = arith.constant 0 : i32
        %dma_start3A_1208 = arith.constant 0 : i32
        %dma_start3A_1209 = arith.constant 0 : i32
        %dma_start3A_1210 = tpu.memref_slice %arg7[%scan3A_573, %dma_start3A_1208, %dma_start3A_1209] : memref<4x72x128xf32, #tpu.memory_space<vmem>> -> memref<1x72x128xf32, #tpu.memory_space<vmem>>
        %dma_start3A_1211 = tpu.memref_squeeze %dma_start3A_1210 : memref<1x72x128xf32, #tpu.memory_space<vmem>> -> memref<72x128xf32, #tpu.memory_space<vmem>>
        %dma_start3A_1212 = arith.constant 0 : i32
        %dma_start3A_1213 = tpu.memref_slice %arg5[%dma_start3A_1206, %dma_start3A_1207, %dma_start3A_1212] : memref<8x2x72xi32, #tpu.memory_space<vmem>> -> memref<1x1x72xi32, #tpu.memory_space<vmem>>
        %dma_start3A_1214 = tpu.memref_squeeze %dma_start3A_1213 : memref<1x1x72xi32, #tpu.memory_space<vmem>> -> memref<72xi32, #tpu.memory_space<vmem>>
        %dma_start3A_1215 = arith.constant 0 : i32
        %dma_start3A_1216 = arith.constant 0 : i32
        %dma_start3A_1217 = tpu.memref_slice %arg2[%dma_start3A_1215, %dma_start3A_1216] : memref<10000x128xf32, #tpu.memory_space<hbm>> -> memref<10000x128xf32, #tpu.memory_space<hbm>>
        tpu.enqueue_indirect_dma source(%dma_start3A_1217 : memref<10000x128xf32, #tpu.memory_space<hbm>>) target(%dma_start3A_1211 : memref<72x128xf32, #tpu.memory_space<vmem>>) offsets(%dma_start3A_1214 : memref<72xi32, #tpu.memory_space<vmem>>) semaphore(%arg11 : memref<!tpu.dma_semaphore, #tpu.memory_space<semaphore_mem>>)
      } else {
      }
      %add3A_942 = arith.constant 8 : i32
      %add3A_943 = arith.addi %add3A_910, %add3A_942 : i32
      %sub3A_944 = arith.constant 1 : i32
      %sub3A_945 = arith.subi %add3A_943, %sub3A_944 : i32
      %lt3A_946 = arith.constant 138 : i32
      %lt3A_947 = arith.cmpi slt, %sub3A_945, %lt3A_946 : i32
      %convert_element_type3A_948 = arith.extui %lt3A_947 : i1 to i32
      %cond3A_949 = arith.constant 0 : i32
      %cond3A_950 = arith.cmpi ne, %convert_element_type3A_948, %cond3A_949 : i32
      scf.if %cond3A_950 {
        %add3A_1179 = arith.constant 8 : i32
        %add3A_1180 = arith.addi %add3A_910, %add3A_1179 : i32
        %sub3A_1181 = arith.constant 1 : i32
        %sub3A_1182 = arith.subi %add3A_1180, %sub3A_1181 : i32
        %mul3A_1183 = arith.constant 72 : i32
        %mul3A_1184 = arith.muli %sub3A_1182, %mul3A_1183 : i32
        %add3A_1185 = arith.addi %mul3A_2, %mul3A_1184 : i32
        %dma_start3A_1186 = arith.constant 2 : i32
        %dma_start3A_1187 = arith.constant 0 : i32
        %dma_start3A_1188 = arith.constant 0 : i32
        %dma_start3A_1189 = tpu.memref_slice %arg5[%dma_start3A_1186, %dma_start3A_1187, %dma_start3A_1188] : memref<8x2x72xi32, #tpu.memory_space<vmem>> -> memref<1x1x72xi32, #tpu.memory_space<vmem>>
        %dma_start3A_1190 = tpu.memref_squeeze %dma_start3A_1189 : memref<1x1x72xi32, #tpu.memory_space<vmem>> -> memref<72xi32, #tpu.memory_space<vmem>>
        %dma_start3A_1191 = tpu.memref_slice %arg3[%add3A_1185] : memref<640000xi32, #tpu.memory_space<hbm>> -> memref<72xi32, #tpu.memory_space<hbm>>
        %dma_start3A_1192 = arith.constant 0 : i32
        %dma_start3A_1193 = tpu.memref_slice %arg5[%dma_start3A_1186, %dma_start3A_1187, %dma_start3A_1192] : memref<8x2x72xi32, #tpu.memory_space<vmem>> -> memref<1x1x72xi32, #tpu.memory_space<vmem>>
        %dma_start3A_1194 = tpu.memref_squeeze %dma_start3A_1193 : memref<1x1x72xi32, #tpu.memory_space<vmem>> -> memref<72xi32, #tpu.memory_space<vmem>>
        %dma_start3A_1195 = tpu.memref_slice %arg3[%add3A_1185] : memref<640000xi32, #tpu.memory_space<hbm>> -> memref<72xi32, #tpu.memory_space<hbm>>
        tpu.enqueue_dma source(%dma_start3A_1195 : memref<72xi32, #tpu.memory_space<hbm>>) target(%dma_start3A_1194 : memref<72xi32, #tpu.memory_space<vmem>>) target_semaphore(%arg19 : memref<!tpu.dma_semaphore, #tpu.memory_space<semaphore_mem>>)
        %add3A_1196 = arith.constant 320000 : i32
        %add3A_1197 = arith.addi %add3A_1196, %add3A_1185 : i32
        %dma_start3A_1198 = arith.constant 2 : i32
        %dma_start3A_1199 = arith.constant 1 : i32
        %dma_start3A_1200 = arith.constant 0 : i32
        %dma_start3A_1201 = tpu.memref_slice %arg5[%dma_start3A_1198, %dma_start3A_1199, %dma_start3A_1200] : memref<8x2x72xi32, #tpu.memory_space<vmem>> -> memref<1x1x72xi32, #tpu.memory_space<vmem>>
        %dma_start3A_1202 = tpu.memref_squeeze %dma_start3A_1201 : memref<1x1x72xi32, #tpu.memory_space<vmem>> -> memref<72xi32, #tpu.memory_space<vmem>>
        %dma_start3A_1203 = tpu.memref_slice %arg3[%add3A_1197] : memref<640000xi32, #tpu.memory_space<hbm>> -> memref<72xi32, #tpu.memory_space<hbm>>
        %dma_start3A_1204 = arith.constant 0 : i32
        %dma_start3A_1205 = tpu.memref_slice %arg5[%dma_start3A_1198, %dma_start3A_1199, %dma_start3A_1204] : memref<8x2x72xi32, #tpu.memory_space<vmem>> -> memref<1x1x72xi32, #tpu.memory_space<vmem>>
        %dma_start3A_1206 = tpu.memref_squeeze %dma_start3A_1205 : memref<1x1x72xi32, #tpu.memory_space<vmem>> -> memref<72xi32, #tpu.memory_space<vmem>>
        %dma_start3A_1207 = tpu.memref_slice %arg3[%add3A_1197] : memref<640000xi32, #tpu.memory_space<hbm>> -> memref<72xi32, #tpu.memory_space<hbm>>
        tpu.enqueue_dma source(%dma_start3A_1207 : memref<72xi32, #tpu.memory_space<hbm>>) target(%dma_start3A_1206 : memref<72xi32, #tpu.memory_space<vmem>>) target_semaphore(%arg19 : memref<!tpu.dma_semaphore, #tpu.memory_space<semaphore_mem>>)
      } else {
      }
      %dma_start3A_951 = arith.constant 3 : i32
      %dma_start3A_952 = arith.constant 1 : i32
      %dma_start3A_953 = arith.constant 0 : i32
      %dma_start3A_954 = arith.constant 0 : i32
      %dma_start3A_955 = tpu.memref_slice %arg7[%scan3A_571, %dma_start3A_953, %dma_start3A_954] : memref<4x72x128xf32, #tpu.memory_space<vmem>> -> memref<1x72x128xf32, #tpu.memory_space<vmem>>
      %dma_start3A_956 = tpu.memref_squeeze %dma_start3A_955 : memref<1x72x128xf32, #tpu.memory_space<vmem>> -> memref<72x128xf32, #tpu.memory_space<vmem>>
      %dma_start3A_957 = arith.constant 0 : i32
      %dma_start3A_958 = tpu.memref_slice %arg5[%dma_start3A_951, %dma_start3A_952, %dma_start3A_957] : memref<8x2x72xi32, #tpu.memory_space<vmem>> -> memref<1x1x72xi32, #tpu.memory_space<vmem>>
      %dma_start3A_959 = tpu.memref_squeeze %dma_start3A_958 : memref<1x1x72xi32, #tpu.memory_space<vmem>> -> memref<72xi32, #tpu.memory_space<vmem>>
      %dma_start3A_960 = arith.constant 0 : i32
      %dma_start3A_961 = arith.constant 0 : i32
      %dma_start3A_962 = tpu.memref_slice %arg8[%dma_start3A_960, %dma_start3A_961] : memref<10000x128xf32, #tpu.memory_space<vmem_shared>> -> memref<10000x128xf32, #tpu.memory_space<vmem_shared>>
      tpu.enqueue_indirect_dma source(%dma_start3A_956 : memref<72x128xf32, #tpu.memory_space<vmem>>) target(%dma_start3A_962 : memref<10000x128xf32, #tpu.memory_space<vmem_shared>>) offsets(%dma_start3A_959 : memref<72xi32, #tpu.memory_space<vmem>>) semaphore(%arg16 : memref<!tpu.dma_semaphore, #tpu.memory_space<semaphore_mem>>) {add = true}
      %add3A_963 = arith.constant 4 : i32
      %add3A_964 = arith.addi %mul3A_756, %add3A_963 : i32
      %dma_wait3A_965 = arith.constant 4 : i32
      %dma_wait3A_966 = arith.constant 0 : i32
      %dma_wait3A_967 = arith.constant 0 : i32
      %dma_wait3A_968 = arith.constant 0 : i32
      %dma_wait3A_969 = tpu.memref_slice %arg7[%scan3A_570, %dma_wait3A_967, %dma_wait3A_968] : memref<4x72x128xf32, #tpu.memory_space<vmem>> -> memref<1x72x128xf32, #tpu.memory_space<vmem>>
      %dma_wait3A_970 = tpu.memref_squeeze %dma_wait3A_969 : memref<1x72x128xf32, #tpu.memory_space<vmem>> -> memref<72x128xf32, #tpu.memory_space<vmem>>
      %dma_wait3A_971 = arith.constant 0 : i32
      %dma_wait3A_972 = tpu.memref_slice %arg5[%dma_wait3A_965, %dma_wait3A_966, %dma_wait3A_971] : memref<8x2x72xi32, #tpu.memory_space<vmem>> -> memref<1x1x72xi32, #tpu.memory_space<vmem>>
      %dma_wait3A_973 = tpu.memref_squeeze %dma_wait3A_972 : memref<1x1x72xi32, #tpu.memory_space<vmem>> -> memref<72xi32, #tpu.memory_space<vmem>>
      %dma_wait3A_974 = arith.constant 0 : i32
      %dma_wait3A_975 = arith.constant 0 : i32
      %dma_wait3A_976 = tpu.memref_slice %arg2[%dma_wait3A_974, %dma_wait3A_975] : memref<10000x128xf32, #tpu.memory_space<hbm>> -> memref<10000x128xf32, #tpu.memory_space<hbm>>
      tpu.wait_indirect_dma semaphore(%arg9 : memref<!tpu.dma_semaphore, #tpu.memory_space<semaphore_mem>>) src(%dma_wait3A_976 : memref<10000x128xf32, #tpu.memory_space<hbm>>) dst(%dma_wait3A_970 : memref<72x128xf32, #tpu.memory_space<vmem>>)
      %dma_wait3A_977 = arith.constant 3 : i32
      %dma_wait3A_978 = arith.constant 1 : i32
      %dma_wait3A_979 = arith.constant 0 : i32
      %dma_wait3A_980 = arith.constant 0 : i32
      %dma_wait3A_981 = tpu.memref_slice %arg7[%scan3A_571, %dma_wait3A_979, %dma_wait3A_980] : memref<4x72x128xf32, #tpu.memory_space<vmem>> -> memref<1x72x128xf32, #tpu.memory_space<vmem>>
      %dma_wait3A_982 = tpu.memref_squeeze %dma_wait3A_981 : memref<1x72x128xf32, #tpu.memory_space<vmem>> -> memref<72x128xf32, #tpu.memory_space<vmem>>
      %dma_wait3A_983 = arith.constant 0 : i32
      %dma_wait3A_984 = tpu.memref_slice %arg5[%dma_wait3A_977, %dma_wait3A_978, %dma_wait3A_983] : memref<8x2x72xi32, #tpu.memory_space<vmem>> -> memref<1x1x72xi32, #tpu.memory_space<vmem>>
      %dma_wait3A_985 = tpu.memref_squeeze %dma_wait3A_984 : memref<1x1x72xi32, #tpu.memory_space<vmem>> -> memref<72xi32, #tpu.memory_space<vmem>>
      %dma_wait3A_986 = arith.constant 0 : i32
      %dma_wait3A_987 = arith.constant 0 : i32
      %dma_wait3A_988 = tpu.memref_slice %arg8[%dma_wait3A_986, %dma_wait3A_987] : memref<10000x128xf32, #tpu.memory_space<vmem_shared>> -> memref<10000x128xf32, #tpu.memory_space<vmem_shared>>
      tpu.wait_indirect_dma semaphore(%arg16 : memref<!tpu.dma_semaphore, #tpu.memory_space<semaphore_mem>>) src(%dma_wait3A_982 : memref<72x128xf32, #tpu.memory_space<vmem>>) dst(%dma_wait3A_988 : memref<10000x128xf32, #tpu.memory_space<vmem_shared>>)
      %add3A_989 = arith.constant 3 : i32
      %add3A_990 = arith.addi %add3A_964, %add3A_989 : i32
      %lt3A_991 = arith.constant 138 : i32
      %lt3A_992 = arith.cmpi slt, %add3A_990, %lt3A_991 : i32
      %convert_element_type3A_993 = arith.extui %lt3A_992 : i1 to i32
      %cond3A_994 = arith.constant 0 : i32
      %cond3A_995 = arith.cmpi ne, %convert_element_type3A_993, %cond3A_994 : i32
      scf.if %cond3A_995 {
        %add3A_1179 = arith.constant 3 : i32
        %add3A_1180 = arith.addi %add3A_964, %add3A_1179 : i32
        %mul3A_1181 = arith.constant 72 : i32
        %mul3A_1182 = arith.muli %add3A_1180, %mul3A_1181 : i32
        %add3A_1183 = arith.addi %mul3A_2, %mul3A_1182 : i32
        %dma_wait3A_1184 = arith.constant 7 : i32
        %dma_wait3A_1185 = arith.constant 0 : i32
        %dma_wait3A_1186 = arith.constant 0 : i32
        %dma_wait3A_1187 = tpu.memref_slice %arg5[%dma_wait3A_1184, %dma_wait3A_1185, %dma_wait3A_1186] : memref<8x2x72xi32, #tpu.memory_space<vmem>> -> memref<1x1x72xi32, #tpu.memory_space<vmem>>
        %dma_wait3A_1188 = tpu.memref_squeeze %dma_wait3A_1187 : memref<1x1x72xi32, #tpu.memory_space<vmem>> -> memref<72xi32, #tpu.memory_space<vmem>>
        %dma_wait3A_1189 = tpu.memref_slice %arg3[%add3A_1183] : memref<640000xi32, #tpu.memory_space<hbm>> -> memref<72xi32, #tpu.memory_space<hbm>>
        %dma_wait3A_1190 = arith.constant 0 : i32
        %dma_wait3A_1191 = tpu.memref_slice %arg5[%dma_wait3A_1184, %dma_wait3A_1185, %dma_wait3A_1190] : memref<8x2x72xi32, #tpu.memory_space<vmem>> -> memref<1x1x72xi32, #tpu.memory_space<vmem>>
        %dma_wait3A_1192 = tpu.memref_squeeze %dma_wait3A_1191 : memref<1x1x72xi32, #tpu.memory_space<vmem>> -> memref<72xi32, #tpu.memory_space<vmem>>
        %dma_wait3A_1193 = tpu.memref_slice %arg3[%add3A_1183] : memref<640000xi32, #tpu.memory_space<hbm>> -> memref<72xi32, #tpu.memory_space<hbm>>
        tpu.wait_dma2 semaphore(%arg24 : memref<!tpu.dma_semaphore, #tpu.memory_space<semaphore_mem>>) src(%dma_wait3A_1193 : memref<72xi32, #tpu.memory_space<hbm>>) dst(%dma_wait3A_1192 : memref<72xi32, #tpu.memory_space<vmem>>)
        %add3A_1194 = arith.constant 320000 : i32
        %add3A_1195 = arith.addi %add3A_1194, %add3A_1183 : i32
        %dma_wait3A_1196 = arith.constant 7 : i32
        %dma_wait3A_1197 = arith.constant 1 : i32
        %dma_wait3A_1198 = arith.constant 0 : i32
        %dma_wait3A_1199 = tpu.memref_slice %arg5[%dma_wait3A_1196, %dma_wait3A_1197, %dma_wait3A_1198] : memref<8x2x72xi32, #tpu.memory_space<vmem>> -> memref<1x1x72xi32, #tpu.memory_space<vmem>>
        %dma_wait3A_1200 = tpu.memref_squeeze %dma_wait3A_1199 : memref<1x1x72xi32, #tpu.memory_space<vmem>> -> memref<72xi32, #tpu.memory_space<vmem>>
        %dma_wait3A_1201 = tpu.memref_slice %arg3[%add3A_1195] : memref<640000xi32, #tpu.memory_space<hbm>> -> memref<72xi32, #tpu.memory_space<hbm>>
        %dma_wait3A_1202 = arith.constant 0 : i32
        %dma_wait3A_1203 = tpu.memref_slice %arg5[%dma_wait3A_1196, %dma_wait3A_1197, %dma_wait3A_1202] : memref<8x2x72xi32, #tpu.memory_space<vmem>> -> memref<1x1x72xi32, #tpu.memory_space<vmem>>
        %dma_wait3A_1204 = tpu.memref_squeeze %dma_wait3A_1203 : memref<1x1x72xi32, #tpu.memory_space<vmem>> -> memref<72xi32, #tpu.memory_space<vmem>>
        %dma_wait3A_1205 = tpu.memref_slice %arg3[%add3A_1195] : memref<640000xi32, #tpu.memory_space<hbm>> -> memref<72xi32, #tpu.memory_space<hbm>>
        tpu.wait_dma2 semaphore(%arg24 : memref<!tpu.dma_semaphore, #tpu.memory_space<semaphore_mem>>) src(%dma_wait3A_1205 : memref<72xi32, #tpu.memory_space<hbm>>) dst(%dma_wait3A_1204 : memref<72xi32, #tpu.memory_space<vmem>>)
        %dma_start3A_1206 = arith.constant 7 : i32
        %dma_start3A_1207 = arith.constant 0 : i32
        %dma_start3A_1208 = arith.constant 0 : i32
        %dma_start3A_1209 = arith.constant 0 : i32
        %dma_start3A_1210 = tpu.memref_slice %arg7[%scan3A_571, %dma_start3A_1208, %dma_start3A_1209] : memref<4x72x128xf32, #tpu.memory_space<vmem>> -> memref<1x72x128xf32, #tpu.memory_space<vmem>>
        %dma_start3A_1211 = tpu.memref_squeeze %dma_start3A_1210 : memref<1x72x128xf32, #tpu.memory_space<vmem>> -> memref<72x128xf32, #tpu.memory_space<vmem>>
        %dma_start3A_1212 = arith.constant 0 : i32
        %dma_start3A_1213 = tpu.memref_slice %arg5[%dma_start3A_1206, %dma_start3A_1207, %dma_start3A_1212] : memref<8x2x72xi32, #tpu.memory_space<vmem>> -> memref<1x1x72xi32, #tpu.memory_space<vmem>>
        %dma_start3A_1214 = tpu.memref_squeeze %dma_start3A_1213 : memref<1x1x72xi32, #tpu.memory_space<vmem>> -> memref<72xi32, #tpu.memory_space<vmem>>
        %dma_start3A_1215 = arith.constant 0 : i32
        %dma_start3A_1216 = arith.constant 0 : i32
        %dma_start3A_1217 = tpu.memref_slice %arg2[%dma_start3A_1215, %dma_start3A_1216] : memref<10000x128xf32, #tpu.memory_space<hbm>> -> memref<10000x128xf32, #tpu.memory_space<hbm>>
        tpu.enqueue_indirect_dma source(%dma_start3A_1217 : memref<10000x128xf32, #tpu.memory_space<hbm>>) target(%dma_start3A_1211 : memref<72x128xf32, #tpu.memory_space<vmem>>) offsets(%dma_start3A_1214 : memref<72xi32, #tpu.memory_space<vmem>>) semaphore(%arg12 : memref<!tpu.dma_semaphore, #tpu.memory_space<semaphore_mem>>)
      } else {
      }
      %add3A_996 = arith.constant 8 : i32
      %add3A_997 = arith.addi %add3A_964, %add3A_996 : i32
      %sub3A_998 = arith.constant 1 : i32
      %sub3A_999 = arith.subi %add3A_997, %sub3A_998 : i32
      %lt3A_1000 = arith.constant 138 : i32
      %lt3A_1001 = arith.cmpi slt, %sub3A_999, %lt3A_1000 : i32
      %convert_element_type3A_1002 = arith.extui %lt3A_1001 : i1 to i32
      %cond3A_1003 = arith.constant 0 : i32
      %cond3A_1004 = arith.cmpi ne, %convert_element_type3A_1002, %cond3A_1003 : i32
      scf.if %cond3A_1004 {
        %add3A_1179 = arith.constant 8 : i32
        %add3A_1180 = arith.addi %add3A_964, %add3A_1179 : i32
        %sub3A_1181 = arith.constant 1 : i32
        %sub3A_1182 = arith.subi %add3A_1180, %sub3A_1181 : i32
        %mul3A_1183 = arith.constant 72 : i32
        %mul3A_1184 = arith.muli %sub3A_1182, %mul3A_1183 : i32
        %add3A_1185 = arith.addi %mul3A_2, %mul3A_1184 : i32
        %dma_start3A_1186 = arith.constant 3 : i32
        %dma_start3A_1187 = arith.constant 0 : i32
        %dma_start3A_1188 = arith.constant 0 : i32
        %dma_start3A_1189 = tpu.memref_slice %arg5[%dma_start3A_1186, %dma_start3A_1187, %dma_start3A_1188] : memref<8x2x72xi32, #tpu.memory_space<vmem>> -> memref<1x1x72xi32, #tpu.memory_space<vmem>>
        %dma_start3A_1190 = tpu.memref_squeeze %dma_start3A_1189 : memref<1x1x72xi32, #tpu.memory_space<vmem>> -> memref<72xi32, #tpu.memory_space<vmem>>
        %dma_start3A_1191 = tpu.memref_slice %arg3[%add3A_1185] : memref<640000xi32, #tpu.memory_space<hbm>> -> memref<72xi32, #tpu.memory_space<hbm>>
        %dma_start3A_1192 = arith.constant 0 : i32
        %dma_start3A_1193 = tpu.memref_slice %arg5[%dma_start3A_1186, %dma_start3A_1187, %dma_start3A_1192] : memref<8x2x72xi32, #tpu.memory_space<vmem>> -> memref<1x1x72xi32, #tpu.memory_space<vmem>>
        %dma_start3A_1194 = tpu.memref_squeeze %dma_start3A_1193 : memref<1x1x72xi32, #tpu.memory_space<vmem>> -> memref<72xi32, #tpu.memory_space<vmem>>
        %dma_start3A_1195 = tpu.memref_slice %arg3[%add3A_1185] : memref<640000xi32, #tpu.memory_space<hbm>> -> memref<72xi32, #tpu.memory_space<hbm>>
        tpu.enqueue_dma source(%dma_start3A_1195 : memref<72xi32, #tpu.memory_space<hbm>>) target(%dma_start3A_1194 : memref<72xi32, #tpu.memory_space<vmem>>) target_semaphore(%arg20 : memref<!tpu.dma_semaphore, #tpu.memory_space<semaphore_mem>>)
        %add3A_1196 = arith.constant 320000 : i32
        %add3A_1197 = arith.addi %add3A_1196, %add3A_1185 : i32
        %dma_start3A_1198 = arith.constant 3 : i32
        %dma_start3A_1199 = arith.constant 1 : i32
        %dma_start3A_1200 = arith.constant 0 : i32
        %dma_start3A_1201 = tpu.memref_slice %arg5[%dma_start3A_1198, %dma_start3A_1199, %dma_start3A_1200] : memref<8x2x72xi32, #tpu.memory_space<vmem>> -> memref<1x1x72xi32, #tpu.memory_space<vmem>>
        %dma_start3A_1202 = tpu.memref_squeeze %dma_start3A_1201 : memref<1x1x72xi32, #tpu.memory_space<vmem>> -> memref<72xi32, #tpu.memory_space<vmem>>
        %dma_start3A_1203 = tpu.memref_slice %arg3[%add3A_1197] : memref<640000xi32, #tpu.memory_space<hbm>> -> memref<72xi32, #tpu.memory_space<hbm>>
        %dma_start3A_1204 = arith.constant 0 : i32
        %dma_start3A_1205 = tpu.memref_slice %arg5[%dma_start3A_1198, %dma_start3A_1199, %dma_start3A_1204] : memref<8x2x72xi32, #tpu.memory_space<vmem>> -> memref<1x1x72xi32, #tpu.memory_space<vmem>>
        %dma_start3A_1206 = tpu.memref_squeeze %dma_start3A_1205 : memref<1x1x72xi32, #tpu.memory_space<vmem>> -> memref<72xi32, #tpu.memory_space<vmem>>
        %dma_start3A_1207 = tpu.memref_slice %arg3[%add3A_1197] : memref<640000xi32, #tpu.memory_space<hbm>> -> memref<72xi32, #tpu.memory_space<hbm>>
        tpu.enqueue_dma source(%dma_start3A_1207 : memref<72xi32, #tpu.memory_space<hbm>>) target(%dma_start3A_1206 : memref<72xi32, #tpu.memory_space<vmem>>) target_semaphore(%arg20 : memref<!tpu.dma_semaphore, #tpu.memory_space<semaphore_mem>>)
      } else {
      }
      %dma_start3A_1005 = arith.constant 4 : i32
      %dma_start3A_1006 = arith.constant 1 : i32
      %dma_start3A_1007 = arith.constant 0 : i32
      %dma_start3A_1008 = arith.constant 0 : i32
      %dma_start3A_1009 = tpu.memref_slice %arg7[%scan3A_570, %dma_start3A_1007, %dma_start3A_1008] : memref<4x72x128xf32, #tpu.memory_space<vmem>> -> memref<1x72x128xf32, #tpu.memory_space<vmem>>
      %dma_start3A_1010 = tpu.memref_squeeze %dma_start3A_1009 : memref<1x72x128xf32, #tpu.memory_space<vmem>> -> memref<72x128xf32, #tpu.memory_space<vmem>>
      %dma_start3A_1011 = arith.constant 0 : i32
      %dma_start3A_1012 = tpu.memref_slice %arg5[%dma_start3A_1005, %dma_start3A_1006, %dma_start3A_1011] : memref<8x2x72xi32, #tpu.memory_space<vmem>> -> memref<1x1x72xi32, #tpu.memory_space<vmem>>
      %dma_start3A_1013 = tpu.memref_squeeze %dma_start3A_1012 : memref<1x1x72xi32, #tpu.memory_space<vmem>> -> memref<72xi32, #tpu.memory_space<vmem>>
      %dma_start3A_1014 = arith.constant 0 : i32
      %dma_start3A_1015 = arith.constant 0 : i32
      %dma_start3A_1016 = tpu.memref_slice %arg8[%dma_start3A_1014, %dma_start3A_1015] : memref<10000x128xf32, #tpu.memory_space<vmem_shared>> -> memref<10000x128xf32, #tpu.memory_space<vmem_shared>>
      tpu.enqueue_indirect_dma source(%dma_start3A_1010 : memref<72x128xf32, #tpu.memory_space<vmem>>) target(%dma_start3A_1016 : memref<10000x128xf32, #tpu.memory_space<vmem_shared>>) offsets(%dma_start3A_1013 : memref<72xi32, #tpu.memory_space<vmem>>) semaphore(%arg13 : memref<!tpu.dma_semaphore, #tpu.memory_space<semaphore_mem>>) {add = true}
      %add3A_1017 = arith.constant 5 : i32
      %add3A_1018 = arith.addi %mul3A_756, %add3A_1017 : i32
      %dma_wait3A_1019 = arith.constant 5 : i32
      %dma_wait3A_1020 = arith.constant 0 : i32
      %dma_wait3A_1021 = arith.constant 0 : i32
      %dma_wait3A_1022 = arith.constant 0 : i32
      %dma_wait3A_1023 = tpu.memref_slice %arg7[%scan3A_572, %dma_wait3A_1021, %dma_wait3A_1022] : memref<4x72x128xf32, #tpu.memory_space<vmem>> -> memref<1x72x128xf32, #tpu.memory_space<vmem>>
      %dma_wait3A_1024 = tpu.memref_squeeze %dma_wait3A_1023 : memref<1x72x128xf32, #tpu.memory_space<vmem>> -> memref<72x128xf32, #tpu.memory_space<vmem>>
      %dma_wait3A_1025 = arith.constant 0 : i32
      %dma_wait3A_1026 = tpu.memref_slice %arg5[%dma_wait3A_1019, %dma_wait3A_1020, %dma_wait3A_1025] : memref<8x2x72xi32, #tpu.memory_space<vmem>> -> memref<1x1x72xi32, #tpu.memory_space<vmem>>
      %dma_wait3A_1027 = tpu.memref_squeeze %dma_wait3A_1026 : memref<1x1x72xi32, #tpu.memory_space<vmem>> -> memref<72xi32, #tpu.memory_space<vmem>>
      %dma_wait3A_1028 = arith.constant 0 : i32
      %dma_wait3A_1029 = arith.constant 0 : i32
      %dma_wait3A_1030 = tpu.memref_slice %arg2[%dma_wait3A_1028, %dma_wait3A_1029] : memref<10000x128xf32, #tpu.memory_space<hbm>> -> memref<10000x128xf32, #tpu.memory_space<hbm>>
      tpu.wait_indirect_dma semaphore(%arg10 : memref<!tpu.dma_semaphore, #tpu.memory_space<semaphore_mem>>) src(%dma_wait3A_1030 : memref<10000x128xf32, #tpu.memory_space<hbm>>) dst(%dma_wait3A_1024 : memref<72x128xf32, #tpu.memory_space<vmem>>)
      %dma_wait3A_1031 = arith.constant 4 : i32
      %dma_wait3A_1032 = arith.constant 1 : i32
      %dma_wait3A_1033 = arith.constant 0 : i32
      %dma_wait3A_1034 = arith.constant 0 : i32
      %dma_wait3A_1035 = tpu.memref_slice %arg7[%scan3A_570, %dma_wait3A_1033, %dma_wait3A_1034] : memref<4x72x128xf32, #tpu.memory_space<vmem>> -> memref<1x72x128xf32, #tpu.memory_space<vmem>>
      %dma_wait3A_1036 = tpu.memref_squeeze %dma_wait3A_1035 : memref<1x72x128xf32, #tpu.memory_space<vmem>> -> memref<72x128xf32, #tpu.memory_space<vmem>>
      %dma_wait3A_1037 = arith.constant 0 : i32
      %dma_wait3A_1038 = tpu.memref_slice %arg5[%dma_wait3A_1031, %dma_wait3A_1032, %dma_wait3A_1037] : memref<8x2x72xi32, #tpu.memory_space<vmem>> -> memref<1x1x72xi32, #tpu.memory_space<vmem>>
      %dma_wait3A_1039 = tpu.memref_squeeze %dma_wait3A_1038 : memref<1x1x72xi32, #tpu.memory_space<vmem>> -> memref<72xi32, #tpu.memory_space<vmem>>
      %dma_wait3A_1040 = arith.constant 0 : i32
      %dma_wait3A_1041 = arith.constant 0 : i32
      %dma_wait3A_1042 = tpu.memref_slice %arg8[%dma_wait3A_1040, %dma_wait3A_1041] : memref<10000x128xf32, #tpu.memory_space<vmem_shared>> -> memref<10000x128xf32, #tpu.memory_space<vmem_shared>>
      tpu.wait_indirect_dma semaphore(%arg13 : memref<!tpu.dma_semaphore, #tpu.memory_space<semaphore_mem>>) src(%dma_wait3A_1036 : memref<72x128xf32, #tpu.memory_space<vmem>>) dst(%dma_wait3A_1042 : memref<10000x128xf32, #tpu.memory_space<vmem_shared>>)
      %add3A_1043 = arith.constant 3 : i32
      %add3A_1044 = arith.addi %add3A_1018, %add3A_1043 : i32
      %lt3A_1045 = arith.constant 138 : i32
      %lt3A_1046 = arith.cmpi slt, %add3A_1044, %lt3A_1045 : i32
      %convert_element_type3A_1047 = arith.extui %lt3A_1046 : i1 to i32
      %cond3A_1048 = arith.constant 0 : i32
      %cond3A_1049 = arith.cmpi ne, %convert_element_type3A_1047, %cond3A_1048 : i32
      scf.if %cond3A_1049 {
        %add3A_1179 = arith.constant 3 : i32
        %add3A_1180 = arith.addi %add3A_1018, %add3A_1179 : i32
        %mul3A_1181 = arith.constant 72 : i32
        %mul3A_1182 = arith.muli %add3A_1180, %mul3A_1181 : i32
        %add3A_1183 = arith.addi %mul3A_2, %mul3A_1182 : i32
        %dma_wait3A_1184 = arith.constant 0 : i32
        %dma_wait3A_1185 = arith.constant 0 : i32
        %dma_wait3A_1186 = arith.constant 0 : i32
        %dma_wait3A_1187 = tpu.memref_slice %arg5[%dma_wait3A_1184, %dma_wait3A_1185, %dma_wait3A_1186] : memref<8x2x72xi32, #tpu.memory_space<vmem>> -> memref<1x1x72xi32, #tpu.memory_space<vmem>>
        %dma_wait3A_1188 = tpu.memref_squeeze %dma_wait3A_1187 : memref<1x1x72xi32, #tpu.memory_space<vmem>> -> memref<72xi32, #tpu.memory_space<vmem>>
        %dma_wait3A_1189 = tpu.memref_slice %arg3[%add3A_1183] : memref<640000xi32, #tpu.memory_space<hbm>> -> memref<72xi32, #tpu.memory_space<hbm>>
        %dma_wait3A_1190 = arith.constant 0 : i32
        %dma_wait3A_1191 = tpu.memref_slice %arg5[%dma_wait3A_1184, %dma_wait3A_1185, %dma_wait3A_1190] : memref<8x2x72xi32, #tpu.memory_space<vmem>> -> memref<1x1x72xi32, #tpu.memory_space<vmem>>
        %dma_wait3A_1192 = tpu.memref_squeeze %dma_wait3A_1191 : memref<1x1x72xi32, #tpu.memory_space<vmem>> -> memref<72xi32, #tpu.memory_space<vmem>>
        %dma_wait3A_1193 = tpu.memref_slice %arg3[%add3A_1183] : memref<640000xi32, #tpu.memory_space<hbm>> -> memref<72xi32, #tpu.memory_space<hbm>>
        tpu.wait_dma2 semaphore(%arg17 : memref<!tpu.dma_semaphore, #tpu.memory_space<semaphore_mem>>) src(%dma_wait3A_1193 : memref<72xi32, #tpu.memory_space<hbm>>) dst(%dma_wait3A_1192 : memref<72xi32, #tpu.memory_space<vmem>>)
        %add3A_1194 = arith.constant 320000 : i32
        %add3A_1195 = arith.addi %add3A_1194, %add3A_1183 : i32
        %dma_wait3A_1196 = arith.constant 0 : i32
        %dma_wait3A_1197 = arith.constant 1 : i32
        %dma_wait3A_1198 = arith.constant 0 : i32
        %dma_wait3A_1199 = tpu.memref_slice %arg5[%dma_wait3A_1196, %dma_wait3A_1197, %dma_wait3A_1198] : memref<8x2x72xi32, #tpu.memory_space<vmem>> -> memref<1x1x72xi32, #tpu.memory_space<vmem>>
        %dma_wait3A_1200 = tpu.memref_squeeze %dma_wait3A_1199 : memref<1x1x72xi32, #tpu.memory_space<vmem>> -> memref<72xi32, #tpu.memory_space<vmem>>
        %dma_wait3A_1201 = tpu.memref_slice %arg3[%add3A_1195] : memref<640000xi32, #tpu.memory_space<hbm>> -> memref<72xi32, #tpu.memory_space<hbm>>
        %dma_wait3A_1202 = arith.constant 0 : i32
        %dma_wait3A_1203 = tpu.memref_slice %arg5[%dma_wait3A_1196, %dma_wait3A_1197, %dma_wait3A_1202] : memref<8x2x72xi32, #tpu.memory_space<vmem>> -> memref<1x1x72xi32, #tpu.memory_space<vmem>>
        %dma_wait3A_1204 = tpu.memref_squeeze %dma_wait3A_1203 : memref<1x1x72xi32, #tpu.memory_space<vmem>> -> memref<72xi32, #tpu.memory_space<vmem>>
        %dma_wait3A_1205 = tpu.memref_slice %arg3[%add3A_1195] : memref<640000xi32, #tpu.memory_space<hbm>> -> memref<72xi32, #tpu.memory_space<hbm>>
        tpu.wait_dma2 semaphore(%arg17 : memref<!tpu.dma_semaphore, #tpu.memory_space<semaphore_mem>>) src(%dma_wait3A_1205 : memref<72xi32, #tpu.memory_space<hbm>>) dst(%dma_wait3A_1204 : memref<72xi32, #tpu.memory_space<vmem>>)
        %dma_start3A_1206 = arith.constant 0 : i32
        %dma_start3A_1207 = arith.constant 0 : i32
        %dma_start3A_1208 = arith.constant 0 : i32
        %dma_start3A_1209 = arith.constant 0 : i32
        %dma_start3A_1210 = tpu.memref_slice %arg7[%scan3A_570, %dma_start3A_1208, %dma_start3A_1209] : memref<4x72x128xf32, #tpu.memory_space<vmem>> -> memref<1x72x128xf32, #tpu.memory_space<vmem>>
        %dma_start3A_1211 = tpu.memref_squeeze %dma_start3A_1210 : memref<1x72x128xf32, #tpu.memory_space<vmem>> -> memref<72x128xf32, #tpu.memory_space<vmem>>
        %dma_start3A_1212 = arith.constant 0 : i32
        %dma_start3A_1213 = tpu.memref_slice %arg5[%dma_start3A_1206, %dma_start3A_1207, %dma_start3A_1212] : memref<8x2x72xi32, #tpu.memory_space<vmem>> -> memref<1x1x72xi32, #tpu.memory_space<vmem>>
        %dma_start3A_1214 = tpu.memref_squeeze %dma_start3A_1213 : memref<1x1x72xi32, #tpu.memory_space<vmem>> -> memref<72xi32, #tpu.memory_space<vmem>>
        %dma_start3A_1215 = arith.constant 0 : i32
        %dma_start3A_1216 = arith.constant 0 : i32
        %dma_start3A_1217 = tpu.memref_slice %arg2[%dma_start3A_1215, %dma_start3A_1216] : memref<10000x128xf32, #tpu.memory_space<hbm>> -> memref<10000x128xf32, #tpu.memory_space<hbm>>
        tpu.enqueue_indirect_dma source(%dma_start3A_1217 : memref<10000x128xf32, #tpu.memory_space<hbm>>) target(%dma_start3A_1211 : memref<72x128xf32, #tpu.memory_space<vmem>>) offsets(%dma_start3A_1214 : memref<72xi32, #tpu.memory_space<vmem>>) semaphore(%arg9 : memref<!tpu.dma_semaphore, #tpu.memory_space<semaphore_mem>>)
      } else {
      }
      %add3A_1050 = arith.constant 8 : i32
      %add3A_1051 = arith.addi %add3A_1018, %add3A_1050 : i32
      %sub3A_1052 = arith.constant 1 : i32
      %sub3A_1053 = arith.subi %add3A_1051, %sub3A_1052 : i32
      %lt3A_1054 = arith.constant 138 : i32
      %lt3A_1055 = arith.cmpi slt, %sub3A_1053, %lt3A_1054 : i32
      %convert_element_type3A_1056 = arith.extui %lt3A_1055 : i1 to i32
      %cond3A_1057 = arith.constant 0 : i32
      %cond3A_1058 = arith.cmpi ne, %convert_element_type3A_1056, %cond3A_1057 : i32
      scf.if %cond3A_1058 {
        %add3A_1179 = arith.constant 8 : i32
        %add3A_1180 = arith.addi %add3A_1018, %add3A_1179 : i32
        %sub3A_1181 = arith.constant 1 : i32
        %sub3A_1182 = arith.subi %add3A_1180, %sub3A_1181 : i32
        %mul3A_1183 = arith.constant 72 : i32
        %mul3A_1184 = arith.muli %sub3A_1182, %mul3A_1183 : i32
        %add3A_1185 = arith.addi %mul3A_2, %mul3A_1184 : i32
        %dma_start3A_1186 = arith.constant 4 : i32
        %dma_start3A_1187 = arith.constant 0 : i32
        %dma_start3A_1188 = arith.constant 0 : i32
        %dma_start3A_1189 = tpu.memref_slice %arg5[%dma_start3A_1186, %dma_start3A_1187, %dma_start3A_1188] : memref<8x2x72xi32, #tpu.memory_space<vmem>> -> memref<1x1x72xi32, #tpu.memory_space<vmem>>
        %dma_start3A_1190 = tpu.memref_squeeze %dma_start3A_1189 : memref<1x1x72xi32, #tpu.memory_space<vmem>> -> memref<72xi32, #tpu.memory_space<vmem>>
        %dma_start3A_1191 = tpu.memref_slice %arg3[%add3A_1185] : memref<640000xi32, #tpu.memory_space<hbm>> -> memref<72xi32, #tpu.memory_space<hbm>>
        %dma_start3A_1192 = arith.constant 0 : i32
        %dma_start3A_1193 = tpu.memref_slice %arg5[%dma_start3A_1186, %dma_start3A_1187, %dma_start3A_1192] : memref<8x2x72xi32, #tpu.memory_space<vmem>> -> memref<1x1x72xi32, #tpu.memory_space<vmem>>
        %dma_start3A_1194 = tpu.memref_squeeze %dma_start3A_1193 : memref<1x1x72xi32, #tpu.memory_space<vmem>> -> memref<72xi32, #tpu.memory_space<vmem>>
        %dma_start3A_1195 = tpu.memref_slice %arg3[%add3A_1185] : memref<640000xi32, #tpu.memory_space<hbm>> -> memref<72xi32, #tpu.memory_space<hbm>>
        tpu.enqueue_dma source(%dma_start3A_1195 : memref<72xi32, #tpu.memory_space<hbm>>) target(%dma_start3A_1194 : memref<72xi32, #tpu.memory_space<vmem>>) target_semaphore(%arg21 : memref<!tpu.dma_semaphore, #tpu.memory_space<semaphore_mem>>)
        %add3A_1196 = arith.constant 320000 : i32
        %add3A_1197 = arith.addi %add3A_1196, %add3A_1185 : i32
        %dma_start3A_1198 = arith.constant 4 : i32
        %dma_start3A_1199 = arith.constant 1 : i32
        %dma_start3A_1200 = arith.constant 0 : i32
        %dma_start3A_1201 = tpu.memref_slice %arg5[%dma_start3A_1198, %dma_start3A_1199, %dma_start3A_1200] : memref<8x2x72xi32, #tpu.memory_space<vmem>> -> memref<1x1x72xi32, #tpu.memory_space<vmem>>
        %dma_start3A_1202 = tpu.memref_squeeze %dma_start3A_1201 : memref<1x1x72xi32, #tpu.memory_space<vmem>> -> memref<72xi32, #tpu.memory_space<vmem>>
        %dma_start3A_1203 = tpu.memref_slice %arg3[%add3A_1197] : memref<640000xi32, #tpu.memory_space<hbm>> -> memref<72xi32, #tpu.memory_space<hbm>>
        %dma_start3A_1204 = arith.constant 0 : i32
        %dma_start3A_1205 = tpu.memref_slice %arg5[%dma_start3A_1198, %dma_start3A_1199, %dma_start3A_1204] : memref<8x2x72xi32, #tpu.memory_space<vmem>> -> memref<1x1x72xi32, #tpu.memory_space<vmem>>
        %dma_start3A_1206 = tpu.memref_squeeze %dma_start3A_1205 : memref<1x1x72xi32, #tpu.memory_space<vmem>> -> memref<72xi32, #tpu.memory_space<vmem>>
        %dma_start3A_1207 = tpu.memref_slice %arg3[%add3A_1197] : memref<640000xi32, #tpu.memory_space<hbm>> -> memref<72xi32, #tpu.memory_space<hbm>>
        tpu.enqueue_dma source(%dma_start3A_1207 : memref<72xi32, #tpu.memory_space<hbm>>) target(%dma_start3A_1206 : memref<72xi32, #tpu.memory_space<vmem>>) target_semaphore(%arg21 : memref<!tpu.dma_semaphore, #tpu.memory_space<semaphore_mem>>)
      } else {
      }
      %dma_start3A_1059 = arith.constant 5 : i32
      %dma_start3A_1060 = arith.constant 1 : i32
      %dma_start3A_1061 = arith.constant 0 : i32
      %dma_start3A_1062 = arith.constant 0 : i32
      %dma_start3A_1063 = tpu.memref_slice %arg7[%scan3A_572, %dma_start3A_1061, %dma_start3A_1062] : memref<4x72x128xf32, #tpu.memory_space<vmem>> -> memref<1x72x128xf32, #tpu.memory_space<vmem>>
      %dma_start3A_1064 = tpu.memref_squeeze %dma_start3A_1063 : memref<1x72x128xf32, #tpu.memory_space<vmem>> -> memref<72x128xf32, #tpu.memory_space<vmem>>
      %dma_start3A_1065 = arith.constant 0 : i32
      %dma_start3A_1066 = tpu.memref_slice %arg5[%dma_start3A_1059, %dma_start3A_1060, %dma_start3A_1065] : memref<8x2x72xi32, #tpu.memory_space<vmem>> -> memref<1x1x72xi32, #tpu.memory_space<vmem>>
      %dma_start3A_1067 = tpu.memref_squeeze %dma_start3A_1066 : memref<1x1x72xi32, #tpu.memory_space<vmem>> -> memref<72xi32, #tpu.memory_space<vmem>>
      %dma_start3A_1068 = arith.constant 0 : i32
      %dma_start3A_1069 = arith.constant 0 : i32
      %dma_start3A_1070 = tpu.memref_slice %arg8[%dma_start3A_1068, %dma_start3A_1069] : memref<10000x128xf32, #tpu.memory_space<vmem_shared>> -> memref<10000x128xf32, #tpu.memory_space<vmem_shared>>
      tpu.enqueue_indirect_dma source(%dma_start3A_1064 : memref<72x128xf32, #tpu.memory_space<vmem>>) target(%dma_start3A_1070 : memref<10000x128xf32, #tpu.memory_space<vmem_shared>>) offsets(%dma_start3A_1067 : memref<72xi32, #tpu.memory_space<vmem>>) semaphore(%arg14 : memref<!tpu.dma_semaphore, #tpu.memory_space<semaphore_mem>>) {add = true}
      %add3A_1071 = arith.constant 6 : i32
      %add3A_1072 = arith.addi %mul3A_756, %add3A_1071 : i32
      %dma_wait3A_1073 = arith.constant 6 : i32
      %dma_wait3A_1074 = arith.constant 0 : i32
      %dma_wait3A_1075 = arith.constant 0 : i32
      %dma_wait3A_1076 = arith.constant 0 : i32
      %dma_wait3A_1077 = tpu.memref_slice %arg7[%scan3A_573, %dma_wait3A_1075, %dma_wait3A_1076] : memref<4x72x128xf32, #tpu.memory_space<vmem>> -> memref<1x72x128xf32, #tpu.memory_space<vmem>>
      %dma_wait3A_1078 = tpu.memref_squeeze %dma_wait3A_1077 : memref<1x72x128xf32, #tpu.memory_space<vmem>> -> memref<72x128xf32, #tpu.memory_space<vmem>>
      %dma_wait3A_1079 = arith.constant 0 : i32
      %dma_wait3A_1080 = tpu.memref_slice %arg5[%dma_wait3A_1073, %dma_wait3A_1074, %dma_wait3A_1079] : memref<8x2x72xi32, #tpu.memory_space<vmem>> -> memref<1x1x72xi32, #tpu.memory_space<vmem>>
      %dma_wait3A_1081 = tpu.memref_squeeze %dma_wait3A_1080 : memref<1x1x72xi32, #tpu.memory_space<vmem>> -> memref<72xi32, #tpu.memory_space<vmem>>
      %dma_wait3A_1082 = arith.constant 0 : i32
      %dma_wait3A_1083 = arith.constant 0 : i32
      %dma_wait3A_1084 = tpu.memref_slice %arg2[%dma_wait3A_1082, %dma_wait3A_1083] : memref<10000x128xf32, #tpu.memory_space<hbm>> -> memref<10000x128xf32, #tpu.memory_space<hbm>>
      tpu.wait_indirect_dma semaphore(%arg11 : memref<!tpu.dma_semaphore, #tpu.memory_space<semaphore_mem>>) src(%dma_wait3A_1084 : memref<10000x128xf32, #tpu.memory_space<hbm>>) dst(%dma_wait3A_1078 : memref<72x128xf32, #tpu.memory_space<vmem>>)
      %dma_wait3A_1085 = arith.constant 5 : i32
      %dma_wait3A_1086 = arith.constant 1 : i32
      %dma_wait3A_1087 = arith.constant 0 : i32
      %dma_wait3A_1088 = arith.constant 0 : i32
      %dma_wait3A_1089 = tpu.memref_slice %arg7[%scan3A_572, %dma_wait3A_1087, %dma_wait3A_1088] : memref<4x72x128xf32, #tpu.memory_space<vmem>> -> memref<1x72x128xf32, #tpu.memory_space<vmem>>
      %dma_wait3A_1090 = tpu.memref_squeeze %dma_wait3A_1089 : memref<1x72x128xf32, #tpu.memory_space<vmem>> -> memref<72x128xf32, #tpu.memory_space<vmem>>
      %dma_wait3A_1091 = arith.constant 0 : i32
      %dma_wait3A_1092 = tpu.memref_slice %arg5[%dma_wait3A_1085, %dma_wait3A_1086, %dma_wait3A_1091] : memref<8x2x72xi32, #tpu.memory_space<vmem>> -> memref<1x1x72xi32, #tpu.memory_space<vmem>>
      %dma_wait3A_1093 = tpu.memref_squeeze %dma_wait3A_1092 : memref<1x1x72xi32, #tpu.memory_space<vmem>> -> memref<72xi32, #tpu.memory_space<vmem>>
      %dma_wait3A_1094 = arith.constant 0 : i32
      %dma_wait3A_1095 = arith.constant 0 : i32
      %dma_wait3A_1096 = tpu.memref_slice %arg8[%dma_wait3A_1094, %dma_wait3A_1095] : memref<10000x128xf32, #tpu.memory_space<vmem_shared>> -> memref<10000x128xf32, #tpu.memory_space<vmem_shared>>
      tpu.wait_indirect_dma semaphore(%arg14 : memref<!tpu.dma_semaphore, #tpu.memory_space<semaphore_mem>>) src(%dma_wait3A_1090 : memref<72x128xf32, #tpu.memory_space<vmem>>) dst(%dma_wait3A_1096 : memref<10000x128xf32, #tpu.memory_space<vmem_shared>>)
      %add3A_1097 = arith.constant 3 : i32
      %add3A_1098 = arith.addi %add3A_1072, %add3A_1097 : i32
      %lt3A_1099 = arith.constant 138 : i32
      %lt3A_1100 = arith.cmpi slt, %add3A_1098, %lt3A_1099 : i32
      %convert_element_type3A_1101 = arith.extui %lt3A_1100 : i1 to i32
      %cond3A_1102 = arith.constant 0 : i32
      %cond3A_1103 = arith.cmpi ne, %convert_element_type3A_1101, %cond3A_1102 : i32
      scf.if %cond3A_1103 {
        %add3A_1179 = arith.constant 3 : i32
        %add3A_1180 = arith.addi %add3A_1072, %add3A_1179 : i32
        %mul3A_1181 = arith.constant 72 : i32
        %mul3A_1182 = arith.muli %add3A_1180, %mul3A_1181 : i32
        %add3A_1183 = arith.addi %mul3A_2, %mul3A_1182 : i32
        %dma_wait3A_1184 = arith.constant 1 : i32
        %dma_wait3A_1185 = arith.constant 0 : i32
        %dma_wait3A_1186 = arith.constant 0 : i32
        %dma_wait3A_1187 = tpu.memref_slice %arg5[%dma_wait3A_1184, %dma_wait3A_1185, %dma_wait3A_1186] : memref<8x2x72xi32, #tpu.memory_space<vmem>> -> memref<1x1x72xi32, #tpu.memory_space<vmem>>
        %dma_wait3A_1188 = tpu.memref_squeeze %dma_wait3A_1187 : memref<1x1x72xi32, #tpu.memory_space<vmem>> -> memref<72xi32, #tpu.memory_space<vmem>>
        %dma_wait3A_1189 = tpu.memref_slice %arg3[%add3A_1183] : memref<640000xi32, #tpu.memory_space<hbm>> -> memref<72xi32, #tpu.memory_space<hbm>>
        %dma_wait3A_1190 = arith.constant 0 : i32
        %dma_wait3A_1191 = tpu.memref_slice %arg5[%dma_wait3A_1184, %dma_wait3A_1185, %dma_wait3A_1190] : memref<8x2x72xi32, #tpu.memory_space<vmem>> -> memref<1x1x72xi32, #tpu.memory_space<vmem>>
        %dma_wait3A_1192 = tpu.memref_squeeze %dma_wait3A_1191 : memref<1x1x72xi32, #tpu.memory_space<vmem>> -> memref<72xi32, #tpu.memory_space<vmem>>
        %dma_wait3A_1193 = tpu.memref_slice %arg3[%add3A_1183] : memref<640000xi32, #tpu.memory_space<hbm>> -> memref<72xi32, #tpu.memory_space<hbm>>
        tpu.wait_dma2 semaphore(%arg18 : memref<!tpu.dma_semaphore, #tpu.memory_space<semaphore_mem>>) src(%dma_wait3A_1193 : memref<72xi32, #tpu.memory_space<hbm>>) dst(%dma_wait3A_1192 : memref<72xi32, #tpu.memory_space<vmem>>)
        %add3A_1194 = arith.constant 320000 : i32
        %add3A_1195 = arith.addi %add3A_1194, %add3A_1183 : i32
        %dma_wait3A_1196 = arith.constant 1 : i32
        %dma_wait3A_1197 = arith.constant 1 : i32
        %dma_wait3A_1198 = arith.constant 0 : i32
        %dma_wait3A_1199 = tpu.memref_slice %arg5[%dma_wait3A_1196, %dma_wait3A_1197, %dma_wait3A_1198] : memref<8x2x72xi32, #tpu.memory_space<vmem>> -> memref<1x1x72xi32, #tpu.memory_space<vmem>>
        %dma_wait3A_1200 = tpu.memref_squeeze %dma_wait3A_1199 : memref<1x1x72xi32, #tpu.memory_space<vmem>> -> memref<72xi32, #tpu.memory_space<vmem>>
        %dma_wait3A_1201 = tpu.memref_slice %arg3[%add3A_1195] : memref<640000xi32, #tpu.memory_space<hbm>> -> memref<72xi32, #tpu.memory_space<hbm>>
        %dma_wait3A_1202 = arith.constant 0 : i32
        %dma_wait3A_1203 = tpu.memref_slice %arg5[%dma_wait3A_1196, %dma_wait3A_1197, %dma_wait3A_1202] : memref<8x2x72xi32, #tpu.memory_space<vmem>> -> memref<1x1x72xi32, #tpu.memory_space<vmem>>
        %dma_wait3A_1204 = tpu.memref_squeeze %dma_wait3A_1203 : memref<1x1x72xi32, #tpu.memory_space<vmem>> -> memref<72xi32, #tpu.memory_space<vmem>>
        %dma_wait3A_1205 = tpu.memref_slice %arg3[%add3A_1195] : memref<640000xi32, #tpu.memory_space<hbm>> -> memref<72xi32, #tpu.memory_space<hbm>>
        tpu.wait_dma2 semaphore(%arg18 : memref<!tpu.dma_semaphore, #tpu.memory_space<semaphore_mem>>) src(%dma_wait3A_1205 : memref<72xi32, #tpu.memory_space<hbm>>) dst(%dma_wait3A_1204 : memref<72xi32, #tpu.memory_space<vmem>>)
        %dma_start3A_1206 = arith.constant 1 : i32
        %dma_start3A_1207 = arith.constant 0 : i32
        %dma_start3A_1208 = arith.constant 0 : i32
        %dma_start3A_1209 = arith.constant 0 : i32
        %dma_start3A_1210 = tpu.memref_slice %arg7[%scan3A_572, %dma_start3A_1208, %dma_start3A_1209] : memref<4x72x128xf32, #tpu.memory_space<vmem>> -> memref<1x72x128xf32, #tpu.memory_space<vmem>>
        %dma_start3A_1211 = tpu.memref_squeeze %dma_start3A_1210 : memref<1x72x128xf32, #tpu.memory_space<vmem>> -> memref<72x128xf32, #tpu.memory_space<vmem>>
        %dma_start3A_1212 = arith.constant 0 : i32
        %dma_start3A_1213 = tpu.memref_slice %arg5[%dma_start3A_1206, %dma_start3A_1207, %dma_start3A_1212] : memref<8x2x72xi32, #tpu.memory_space<vmem>> -> memref<1x1x72xi32, #tpu.memory_space<vmem>>
        %dma_start3A_1214 = tpu.memref_squeeze %dma_start3A_1213 : memref<1x1x72xi32, #tpu.memory_space<vmem>> -> memref<72xi32, #tpu.memory_space<vmem>>
        %dma_start3A_1215 = arith.constant 0 : i32
        %dma_start3A_1216 = arith.constant 0 : i32
        %dma_start3A_1217 = tpu.memref_slice %arg2[%dma_start3A_1215, %dma_start3A_1216] : memref<10000x128xf32, #tpu.memory_space<hbm>> -> memref<10000x128xf32, #tpu.memory_space<hbm>>
        tpu.enqueue_indirect_dma source(%dma_start3A_1217 : memref<10000x128xf32, #tpu.memory_space<hbm>>) target(%dma_start3A_1211 : memref<72x128xf32, #tpu.memory_space<vmem>>) offsets(%dma_start3A_1214 : memref<72xi32, #tpu.memory_space<vmem>>) semaphore(%arg10 : memref<!tpu.dma_semaphore, #tpu.memory_space<semaphore_mem>>)
      } else {
      }
      %add3A_1104 = arith.constant 8 : i32
      %add3A_1105 = arith.addi %add3A_1072, %add3A_1104 : i32
      %sub3A_1106 = arith.constant 1 : i32
      %sub3A_1107 = arith.subi %add3A_1105, %sub3A_1106 : i32
      %lt3A_1108 = arith.constant 138 : i32
      %lt3A_1109 = arith.cmpi slt, %sub3A_1107, %lt3A_1108 : i32
      %convert_element_type3A_1110 = arith.extui %lt3A_1109 : i1 to i32
      %cond3A_1111 = arith.constant 0 : i32
      %cond3A_1112 = arith.cmpi ne, %convert_element_type3A_1110, %cond3A_1111 : i32
      scf.if %cond3A_1112 {
        %add3A_1179 = arith.constant 8 : i32
        %add3A_1180 = arith.addi %add3A_1072, %add3A_1179 : i32
        %sub3A_1181 = arith.constant 1 : i32
        %sub3A_1182 = arith.subi %add3A_1180, %sub3A_1181 : i32
        %mul3A_1183 = arith.constant 72 : i32
        %mul3A_1184 = arith.muli %sub3A_1182, %mul3A_1183 : i32
        %add3A_1185 = arith.addi %mul3A_2, %mul3A_1184 : i32
        %dma_start3A_1186 = arith.constant 5 : i32
        %dma_start3A_1187 = arith.constant 0 : i32
        %dma_start3A_1188 = arith.constant 0 : i32
        %dma_start3A_1189 = tpu.memref_slice %arg5[%dma_start3A_1186, %dma_start3A_1187, %dma_start3A_1188] : memref<8x2x72xi32, #tpu.memory_space<vmem>> -> memref<1x1x72xi32, #tpu.memory_space<vmem>>
        %dma_start3A_1190 = tpu.memref_squeeze %dma_start3A_1189 : memref<1x1x72xi32, #tpu.memory_space<vmem>> -> memref<72xi32, #tpu.memory_space<vmem>>
        %dma_start3A_1191 = tpu.memref_slice %arg3[%add3A_1185] : memref<640000xi32, #tpu.memory_space<hbm>> -> memref<72xi32, #tpu.memory_space<hbm>>
        %dma_start3A_1192 = arith.constant 0 : i32
        %dma_start3A_1193 = tpu.memref_slice %arg5[%dma_start3A_1186, %dma_start3A_1187, %dma_start3A_1192] : memref<8x2x72xi32, #tpu.memory_space<vmem>> -> memref<1x1x72xi32, #tpu.memory_space<vmem>>
        %dma_start3A_1194 = tpu.memref_squeeze %dma_start3A_1193 : memref<1x1x72xi32, #tpu.memory_space<vmem>> -> memref<72xi32, #tpu.memory_space<vmem>>
        %dma_start3A_1195 = tpu.memref_slice %arg3[%add3A_1185] : memref<640000xi32, #tpu.memory_space<hbm>> -> memref<72xi32, #tpu.memory_space<hbm>>
        tpu.enqueue_dma source(%dma_start3A_1195 : memref<72xi32, #tpu.memory_space<hbm>>) target(%dma_start3A_1194 : memref<72xi32, #tpu.memory_space<vmem>>) target_semaphore(%arg22 : memref<!tpu.dma_semaphore, #tpu.memory_space<semaphore_mem>>)
        %add3A_1196 = arith.constant 320000 : i32
        %add3A_1197 = arith.addi %add3A_1196, %add3A_1185 : i32
        %dma_start3A_1198 = arith.constant 5 : i32
        %dma_start3A_1199 = arith.constant 1 : i32
        %dma_start3A_1200 = arith.constant 0 : i32
        %dma_start3A_1201 = tpu.memref_slice %arg5[%dma_start3A_1198, %dma_start3A_1199, %dma_start3A_1200] : memref<8x2x72xi32, #tpu.memory_space<vmem>> -> memref<1x1x72xi32, #tpu.memory_space<vmem>>
        %dma_start3A_1202 = tpu.memref_squeeze %dma_start3A_1201 : memref<1x1x72xi32, #tpu.memory_space<vmem>> -> memref<72xi32, #tpu.memory_space<vmem>>
        %dma_start3A_1203 = tpu.memref_slice %arg3[%add3A_1197] : memref<640000xi32, #tpu.memory_space<hbm>> -> memref<72xi32, #tpu.memory_space<hbm>>
        %dma_start3A_1204 = arith.constant 0 : i32
        %dma_start3A_1205 = tpu.memref_slice %arg5[%dma_start3A_1198, %dma_start3A_1199, %dma_start3A_1204] : memref<8x2x72xi32, #tpu.memory_space<vmem>> -> memref<1x1x72xi32, #tpu.memory_space<vmem>>
        %dma_start3A_1206 = tpu.memref_squeeze %dma_start3A_1205 : memref<1x1x72xi32, #tpu.memory_space<vmem>> -> memref<72xi32, #tpu.memory_space<vmem>>
        %dma_start3A_1207 = tpu.memref_slice %arg3[%add3A_1197] : memref<640000xi32, #tpu.memory_space<hbm>> -> memref<72xi32, #tpu.memory_space<hbm>>
        tpu.enqueue_dma source(%dma_start3A_1207 : memref<72xi32, #tpu.memory_space<hbm>>) target(%dma_start3A_1206 : memref<72xi32, #tpu.memory_space<vmem>>) target_semaphore(%arg22 : memref<!tpu.dma_semaphore, #tpu.memory_space<semaphore_mem>>)
      } else {
      }
      %dma_start3A_1113 = arith.constant 6 : i32
      %dma_start3A_1114 = arith.constant 1 : i32
      %dma_start3A_1115 = arith.constant 0 : i32
      %dma_start3A_1116 = arith.constant 0 : i32
      %dma_start3A_1117 = tpu.memref_slice %arg7[%scan3A_573, %dma_start3A_1115, %dma_start3A_1116] : memref<4x72x128xf32, #tpu.memory_space<vmem>> -> memref<1x72x128xf32, #tpu.memory_space<vmem>>
      %dma_start3A_1118 = tpu.memref_squeeze %dma_start3A_1117 : memref<1x72x128xf32, #tpu.memory_space<vmem>> -> memref<72x128xf32, #tpu.memory_space<vmem>>
      %dma_start3A_1119 = arith.constant 0 : i32
      %dma_start3A_1120 = tpu.memref_slice %arg5[%dma_start3A_1113, %dma_start3A_1114, %dma_start3A_1119] : memref<8x2x72xi32, #tpu.memory_space<vmem>> -> memref<1x1x72xi32, #tpu.memory_space<vmem>>
      %dma_start3A_1121 = tpu.memref_squeeze %dma_start3A_1120 : memref<1x1x72xi32, #tpu.memory_space<vmem>> -> memref<72xi32, #tpu.memory_space<vmem>>
      %dma_start3A_1122 = arith.constant 0 : i32
      %dma_start3A_1123 = arith.constant 0 : i32
      %dma_start3A_1124 = tpu.memref_slice %arg8[%dma_start3A_1122, %dma_start3A_1123] : memref<10000x128xf32, #tpu.memory_space<vmem_shared>> -> memref<10000x128xf32, #tpu.memory_space<vmem_shared>>
      tpu.enqueue_indirect_dma source(%dma_start3A_1118 : memref<72x128xf32, #tpu.memory_space<vmem>>) target(%dma_start3A_1124 : memref<10000x128xf32, #tpu.memory_space<vmem_shared>>) offsets(%dma_start3A_1121 : memref<72xi32, #tpu.memory_space<vmem>>) semaphore(%arg15 : memref<!tpu.dma_semaphore, #tpu.memory_space<semaphore_mem>>) {add = true}
      %add3A_1125 = arith.constant 7 : i32
      %add3A_1126 = arith.addi %mul3A_756, %add3A_1125 : i32
      %dma_wait3A_1127 = arith.constant 7 : i32
      %dma_wait3A_1128 = arith.constant 0 : i32
      %dma_wait3A_1129 = arith.constant 0 : i32
      %dma_wait3A_1130 = arith.constant 0 : i32
      %dma_wait3A_1131 = tpu.memref_slice %arg7[%scan3A_571, %dma_wait3A_1129, %dma_wait3A_1130] : memref<4x72x128xf32, #tpu.memory_space<vmem>> -> memref<1x72x128xf32, #tpu.memory_space<vmem>>
      %dma_wait3A_1132 = tpu.memref_squeeze %dma_wait3A_1131 : memref<1x72x128xf32, #tpu.memory_space<vmem>> -> memref<72x128xf32, #tpu.memory_space<vmem>>
      %dma_wait3A_1133 = arith.constant 0 : i32
      %dma_wait3A_1134 = tpu.memref_slice %arg5[%dma_wait3A_1127, %dma_wait3A_1128, %dma_wait3A_1133] : memref<8x2x72xi32, #tpu.memory_space<vmem>> -> memref<1x1x72xi32, #tpu.memory_space<vmem>>
      %dma_wait3A_1135 = tpu.memref_squeeze %dma_wait3A_1134 : memref<1x1x72xi32, #tpu.memory_space<vmem>> -> memref<72xi32, #tpu.memory_space<vmem>>
      %dma_wait3A_1136 = arith.constant 0 : i32
      %dma_wait3A_1137 = arith.constant 0 : i32
      %dma_wait3A_1138 = tpu.memref_slice %arg2[%dma_wait3A_1136, %dma_wait3A_1137] : memref<10000x128xf32, #tpu.memory_space<hbm>> -> memref<10000x128xf32, #tpu.memory_space<hbm>>
      tpu.wait_indirect_dma semaphore(%arg12 : memref<!tpu.dma_semaphore, #tpu.memory_space<semaphore_mem>>) src(%dma_wait3A_1138 : memref<10000x128xf32, #tpu.memory_space<hbm>>) dst(%dma_wait3A_1132 : memref<72x128xf32, #tpu.memory_space<vmem>>)
      %dma_wait3A_1139 = arith.constant 6 : i32
      %dma_wait3A_1140 = arith.constant 1 : i32
      %dma_wait3A_1141 = arith.constant 0 : i32
      %dma_wait3A_1142 = arith.constant 0 : i32
      %dma_wait3A_1143 = tpu.memref_slice %arg7[%scan3A_573, %dma_wait3A_1141, %dma_wait3A_1142] : memref<4x72x128xf32, #tpu.memory_space<vmem>> -> memref<1x72x128xf32, #tpu.memory_space<vmem>>
      %dma_wait3A_1144 = tpu.memref_squeeze %dma_wait3A_1143 : memref<1x72x128xf32, #tpu.memory_space<vmem>> -> memref<72x128xf32, #tpu.memory_space<vmem>>
      %dma_wait3A_1145 = arith.constant 0 : i32
      %dma_wait3A_1146 = tpu.memref_slice %arg5[%dma_wait3A_1139, %dma_wait3A_1140, %dma_wait3A_1145] : memref<8x2x72xi32, #tpu.memory_space<vmem>> -> memref<1x1x72xi32, #tpu.memory_space<vmem>>
      %dma_wait3A_1147 = tpu.memref_squeeze %dma_wait3A_1146 : memref<1x1x72xi32, #tpu.memory_space<vmem>> -> memref<72xi32, #tpu.memory_space<vmem>>
      %dma_wait3A_1148 = arith.constant 0 : i32
      %dma_wait3A_1149 = arith.constant 0 : i32
      %dma_wait3A_1150 = tpu.memref_slice %arg8[%dma_wait3A_1148, %dma_wait3A_1149] : memref<10000x128xf32, #tpu.memory_space<vmem_shared>> -> memref<10000x128xf32, #tpu.memory_space<vmem_shared>>
      tpu.wait_indirect_dma semaphore(%arg15 : memref<!tpu.dma_semaphore, #tpu.memory_space<semaphore_mem>>) src(%dma_wait3A_1144 : memref<72x128xf32, #tpu.memory_space<vmem>>) dst(%dma_wait3A_1150 : memref<10000x128xf32, #tpu.memory_space<vmem_shared>>)
      %add3A_1151 = arith.constant 3 : i32
      %add3A_1152 = arith.addi %add3A_1126, %add3A_1151 : i32
      %lt3A_1153 = arith.constant 138 : i32
      %lt3A_1154 = arith.cmpi slt, %add3A_1152, %lt3A_1153 : i32
      %convert_element_type3A_1155 = arith.extui %lt3A_1154 : i1 to i32
      %cond3A_1156 = arith.constant 0 : i32
      %cond3A_1157 = arith.cmpi ne, %convert_element_type3A_1155, %cond3A_1156 : i32
      scf.if %cond3A_1157 {
        %add3A_1179 = arith.constant 3 : i32
        %add3A_1180 = arith.addi %add3A_1126, %add3A_1179 : i32
        %mul3A_1181 = arith.constant 72 : i32
        %mul3A_1182 = arith.muli %add3A_1180, %mul3A_1181 : i32
        %add3A_1183 = arith.addi %mul3A_2, %mul3A_1182 : i32
        %dma_wait3A_1184 = arith.constant 2 : i32
        %dma_wait3A_1185 = arith.constant 0 : i32
        %dma_wait3A_1186 = arith.constant 0 : i32
        %dma_wait3A_1187 = tpu.memref_slice %arg5[%dma_wait3A_1184, %dma_wait3A_1185, %dma_wait3A_1186] : memref<8x2x72xi32, #tpu.memory_space<vmem>> -> memref<1x1x72xi32, #tpu.memory_space<vmem>>
        %dma_wait3A_1188 = tpu.memref_squeeze %dma_wait3A_1187 : memref<1x1x72xi32, #tpu.memory_space<vmem>> -> memref<72xi32, #tpu.memory_space<vmem>>
        %dma_wait3A_1189 = tpu.memref_slice %arg3[%add3A_1183] : memref<640000xi32, #tpu.memory_space<hbm>> -> memref<72xi32, #tpu.memory_space<hbm>>
        %dma_wait3A_1190 = arith.constant 0 : i32
        %dma_wait3A_1191 = tpu.memref_slice %arg5[%dma_wait3A_1184, %dma_wait3A_1185, %dma_wait3A_1190] : memref<8x2x72xi32, #tpu.memory_space<vmem>> -> memref<1x1x72xi32, #tpu.memory_space<vmem>>
        %dma_wait3A_1192 = tpu.memref_squeeze %dma_wait3A_1191 : memref<1x1x72xi32, #tpu.memory_space<vmem>> -> memref<72xi32, #tpu.memory_space<vmem>>
        %dma_wait3A_1193 = tpu.memref_slice %arg3[%add3A_1183] : memref<640000xi32, #tpu.memory_space<hbm>> -> memref<72xi32, #tpu.memory_space<hbm>>
        tpu.wait_dma2 semaphore(%arg19 : memref<!tpu.dma_semaphore, #tpu.memory_space<semaphore_mem>>) src(%dma_wait3A_1193 : memref<72xi32, #tpu.memory_space<hbm>>) dst(%dma_wait3A_1192 : memref<72xi32, #tpu.memory_space<vmem>>)
        %add3A_1194 = arith.constant 320000 : i32
        %add3A_1195 = arith.addi %add3A_1194, %add3A_1183 : i32
        %dma_wait3A_1196 = arith.constant 2 : i32
        %dma_wait3A_1197 = arith.constant 1 : i32
        %dma_wait3A_1198 = arith.constant 0 : i32
        %dma_wait3A_1199 = tpu.memref_slice %arg5[%dma_wait3A_1196, %dma_wait3A_1197, %dma_wait3A_1198] : memref<8x2x72xi32, #tpu.memory_space<vmem>> -> memref<1x1x72xi32, #tpu.memory_space<vmem>>
        %dma_wait3A_1200 = tpu.memref_squeeze %dma_wait3A_1199 : memref<1x1x72xi32, #tpu.memory_space<vmem>> -> memref<72xi32, #tpu.memory_space<vmem>>
        %dma_wait3A_1201 = tpu.memref_slice %arg3[%add3A_1195] : memref<640000xi32, #tpu.memory_space<hbm>> -> memref<72xi32, #tpu.memory_space<hbm>>
        %dma_wait3A_1202 = arith.constant 0 : i32
        %dma_wait3A_1203 = tpu.memref_slice %arg5[%dma_wait3A_1196, %dma_wait3A_1197, %dma_wait3A_1202] : memref<8x2x72xi32, #tpu.memory_space<vmem>> -> memref<1x1x72xi32, #tpu.memory_space<vmem>>
        %dma_wait3A_1204 = tpu.memref_squeeze %dma_wait3A_1203 : memref<1x1x72xi32, #tpu.memory_space<vmem>> -> memref<72xi32, #tpu.memory_space<vmem>>
        %dma_wait3A_1205 = tpu.memref_slice %arg3[%add3A_1195] : memref<640000xi32, #tpu.memory_space<hbm>> -> memref<72xi32, #tpu.memory_space<hbm>>
        tpu.wait_dma2 semaphore(%arg19 : memref<!tpu.dma_semaphore, #tpu.memory_space<semaphore_mem>>) src(%dma_wait3A_1205 : memref<72xi32, #tpu.memory_space<hbm>>) dst(%dma_wait3A_1204 : memref<72xi32, #tpu.memory_space<vmem>>)
        %dma_start3A_1206 = arith.constant 2 : i32
        %dma_start3A_1207 = arith.constant 0 : i32
        %dma_start3A_1208 = arith.constant 0 : i32
        %dma_start3A_1209 = arith.constant 0 : i32
        %dma_start3A_1210 = tpu.memref_slice %arg7[%scan3A_573, %dma_start3A_1208, %dma_start3A_1209] : memref<4x72x128xf32, #tpu.memory_space<vmem>> -> memref<1x72x128xf32, #tpu.memory_space<vmem>>
        %dma_start3A_1211 = tpu.memref_squeeze %dma_start3A_1210 : memref<1x72x128xf32, #tpu.memory_space<vmem>> -> memref<72x128xf32, #tpu.memory_space<vmem>>
        %dma_start3A_1212 = arith.constant 0 : i32
        %dma_start3A_1213 = tpu.memref_slice %arg5[%dma_start3A_1206, %dma_start3A_1207, %dma_start3A_1212] : memref<8x2x72xi32, #tpu.memory_space<vmem>> -> memref<1x1x72xi32, #tpu.memory_space<vmem>>
        %dma_start3A_1214 = tpu.memref_squeeze %dma_start3A_1213 : memref<1x1x72xi32, #tpu.memory_space<vmem>> -> memref<72xi32, #tpu.memory_space<vmem>>
        %dma_start3A_1215 = arith.constant 0 : i32
        %dma_start3A_1216 = arith.constant 0 : i32
        %dma_start3A_1217 = tpu.memref_slice %arg2[%dma_start3A_1215, %dma_start3A_1216] : memref<10000x128xf32, #tpu.memory_space<hbm>> -> memref<10000x128xf32, #tpu.memory_space<hbm>>
        tpu.enqueue_indirect_dma source(%dma_start3A_1217 : memref<10000x128xf32, #tpu.memory_space<hbm>>) target(%dma_start3A_1211 : memref<72x128xf32, #tpu.memory_space<vmem>>) offsets(%dma_start3A_1214 : memref<72xi32, #tpu.memory_space<vmem>>) semaphore(%arg11 : memref<!tpu.dma_semaphore, #tpu.memory_space<semaphore_mem>>)
      } else {
      }
      %add3A_1158 = arith.constant 8 : i32
      %add3A_1159 = arith.addi %add3A_1126, %add3A_1158 : i32
      %sub3A_1160 = arith.constant 1 : i32
      %sub3A_1161 = arith.subi %add3A_1159, %sub3A_1160 : i32
      %lt3A_1162 = arith.constant 138 : i32
      %lt3A_1163 = arith.cmpi slt, %sub3A_1161, %lt3A_1162 : i32
      %convert_element_type3A_1164 = arith.extui %lt3A_1163 : i1 to i32
      %cond3A_1165 = arith.constant 0 : i32
      %cond3A_1166 = arith.cmpi ne, %convert_element_type3A_1164, %cond3A_1165 : i32
      scf.if %cond3A_1166 {
        %add3A_1179 = arith.constant 8 : i32
        %add3A_1180 = arith.addi %add3A_1126, %add3A_1179 : i32
        %sub3A_1181 = arith.constant 1 : i32
        %sub3A_1182 = arith.subi %add3A_1180, %sub3A_1181 : i32
        %mul3A_1183 = arith.constant 72 : i32
        %mul3A_1184 = arith.muli %sub3A_1182, %mul3A_1183 : i32
        %add3A_1185 = arith.addi %mul3A_2, %mul3A_1184 : i32
        %dma_start3A_1186 = arith.constant 6 : i32
        %dma_start3A_1187 = arith.constant 0 : i32
        %dma_start3A_1188 = arith.constant 0 : i32
        %dma_start3A_1189 = tpu.memref_slice %arg5[%dma_start3A_1186, %dma_start3A_1187, %dma_start3A_1188] : memref<8x2x72xi32, #tpu.memory_space<vmem>> -> memref<1x1x72xi32, #tpu.memory_space<vmem>>
        %dma_start3A_1190 = tpu.memref_squeeze %dma_start3A_1189 : memref<1x1x72xi32, #tpu.memory_space<vmem>> -> memref<72xi32, #tpu.memory_space<vmem>>
        %dma_start3A_1191 = tpu.memref_slice %arg3[%add3A_1185] : memref<640000xi32, #tpu.memory_space<hbm>> -> memref<72xi32, #tpu.memory_space<hbm>>
        %dma_start3A_1192 = arith.constant 0 : i32
        %dma_start3A_1193 = tpu.memref_slice %arg5[%dma_start3A_1186, %dma_start3A_1187, %dma_start3A_1192] : memref<8x2x72xi32, #tpu.memory_space<vmem>> -> memref<1x1x72xi32, #tpu.memory_space<vmem>>
        %dma_start3A_1194 = tpu.memref_squeeze %dma_start3A_1193 : memref<1x1x72xi32, #tpu.memory_space<vmem>> -> memref<72xi32, #tpu.memory_space<vmem>>
        %dma_start3A_1195 = tpu.memref_slice %arg3[%add3A_1185] : memref<640000xi32, #tpu.memory_space<hbm>> -> memref<72xi32, #tpu.memory_space<hbm>>
        tpu.enqueue_dma source(%dma_start3A_1195 : memref<72xi32, #tpu.memory_space<hbm>>) target(%dma_start3A_1194 : memref<72xi32, #tpu.memory_space<vmem>>) target_semaphore(%arg23 : memref<!tpu.dma_semaphore, #tpu.memory_space<semaphore_mem>>)
        %add3A_1196 = arith.constant 320000 : i32
        %add3A_1197 = arith.addi %add3A_1196, %add3A_1185 : i32
        %dma_start3A_1198 = arith.constant 6 : i32
        %dma_start3A_1199 = arith.constant 1 : i32
        %dma_start3A_1200 = arith.constant 0 : i32
        %dma_start3A_1201 = tpu.memref_slice %arg5[%dma_start3A_1198, %dma_start3A_1199, %dma_start3A_1200] : memref<8x2x72xi32, #tpu.memory_space<vmem>> -> memref<1x1x72xi32, #tpu.memory_space<vmem>>
        %dma_start3A_1202 = tpu.memref_squeeze %dma_start3A_1201 : memref<1x1x72xi32, #tpu.memory_space<vmem>> -> memref<72xi32, #tpu.memory_space<vmem>>
        %dma_start3A_1203 = tpu.memref_slice %arg3[%add3A_1197] : memref<640000xi32, #tpu.memory_space<hbm>> -> memref<72xi32, #tpu.memory_space<hbm>>
        %dma_start3A_1204 = arith.constant 0 : i32
        %dma_start3A_1205 = tpu.memref_slice %arg5[%dma_start3A_1198, %dma_start3A_1199, %dma_start3A_1204] : memref<8x2x72xi32, #tpu.memory_space<vmem>> -> memref<1x1x72xi32, #tpu.memory_space<vmem>>
        %dma_start3A_1206 = tpu.memref_squeeze %dma_start3A_1205 : memref<1x1x72xi32, #tpu.memory_space<vmem>> -> memref<72xi32, #tpu.memory_space<vmem>>
        %dma_start3A_1207 = tpu.memref_slice %arg3[%add3A_1197] : memref<640000xi32, #tpu.memory_space<hbm>> -> memref<72xi32, #tpu.memory_space<hbm>>
        tpu.enqueue_dma source(%dma_start3A_1207 : memref<72xi32, #tpu.memory_space<hbm>>) target(%dma_start3A_1206 : memref<72xi32, #tpu.memory_space<vmem>>) target_semaphore(%arg23 : memref<!tpu.dma_semaphore, #tpu.memory_space<semaphore_mem>>)
      } else {
      }
      %dma_start3A_1167 = arith.constant 7 : i32
      %dma_start3A_1168 = arith.constant 1 : i32
      %dma_start3A_1169 = arith.constant 0 : i32
      %dma_start3A_1170 = arith.constant 0 : i32
      %dma_start3A_1171 = tpu.memref_slice %arg7[%scan3A_571, %dma_start3A_1169, %dma_start3A_1170] : memref<4x72x128xf32, #tpu.memory_space<vmem>> -> memref<1x72x128xf32, #tpu.memory_space<vmem>>
      %dma_start3A_1172 = tpu.memref_squeeze %dma_start3A_1171 : memref<1x72x128xf32, #tpu.memory_space<vmem>> -> memref<72x128xf32, #tpu.memory_space<vmem>>
      %dma_start3A_1173 = arith.constant 0 : i32
      %dma_start3A_1174 = tpu.memref_slice %arg5[%dma_start3A_1167, %dma_start3A_1168, %dma_start3A_1173] : memref<8x2x72xi32, #tpu.memory_space<vmem>> -> memref<1x1x72xi32, #tpu.memory_space<vmem>>
      %dma_start3A_1175 = tpu.memref_squeeze %dma_start3A_1174 : memref<1x1x72xi32, #tpu.memory_space<vmem>> -> memref<72xi32, #tpu.memory_space<vmem>>
      %dma_start3A_1176 = arith.constant 0 : i32
      %dma_start3A_1177 = arith.constant 0 : i32
      %dma_start3A_1178 = tpu.memref_slice %arg8[%dma_start3A_1176, %dma_start3A_1177] : memref<10000x128xf32, #tpu.memory_space<vmem_shared>> -> memref<10000x128xf32, #tpu.memory_space<vmem_shared>>
      tpu.enqueue_indirect_dma source(%dma_start3A_1172 : memref<72x128xf32, #tpu.memory_space<vmem>>) target(%dma_start3A_1178 : memref<10000x128xf32, #tpu.memory_space<vmem_shared>>) offsets(%dma_start3A_1175 : memref<72xi32, #tpu.memory_space<vmem>>) semaphore(%arg16 : memref<!tpu.dma_semaphore, #tpu.memory_space<semaphore_mem>>) {add = true}
    }
    %scan3A_578 = arith.constant 17 : i32
    %add3A_579 = arith.constant 9936 : i32
    %add3A_580 = arith.addi %mul3A_2, %add3A_579 : i32
    %dma_start3A_581 = arith.constant 0 : i32
    %dma_start3A_582 = arith.constant 0 : i32
    %dma_start3A_583 = tpu.memref_slice %arg6[%dma_start3A_581, %dma_start3A_582] : memref<2x64xi32, #tpu.memory_space<vmem>> -> memref<1x64xi32, #tpu.memory_space<vmem>>
    %dma_start3A_584 = tpu.memref_squeeze %dma_start3A_583 : memref<1x64xi32, #tpu.memory_space<vmem>> -> memref<64xi32, #tpu.memory_space<vmem>>
    %dma_start3A_585 = tpu.memref_slice %arg3[%add3A_580] : memref<640000xi32, #tpu.memory_space<hbm>> -> memref<64xi32, #tpu.memory_space<hbm>>
    %dma_start3A_586 = arith.constant 0 : i32
    %dma_start3A_587 = tpu.memref_slice %arg6[%dma_start3A_581, %dma_start3A_586] : memref<2x64xi32, #tpu.memory_space<vmem>> -> memref<1x64xi32, #tpu.memory_space<vmem>>
    %dma_start3A_588 = tpu.memref_squeeze %dma_start3A_587 : memref<1x64xi32, #tpu.memory_space<vmem>> -> memref<64xi32, #tpu.memory_space<vmem>>
    %dma_start3A_589 = tpu.memref_slice %arg3[%add3A_580] : memref<640000xi32, #tpu.memory_space<hbm>> -> memref<64xi32, #tpu.memory_space<hbm>>
    tpu.enqueue_dma source(%dma_start3A_589 : memref<64xi32, #tpu.memory_space<hbm>>) target(%dma_start3A_588 : memref<64xi32, #tpu.memory_space<vmem>>) target_semaphore(%arg25 : memref<!tpu.dma_semaphore, #tpu.memory_space<semaphore_mem>>)
    %add3A_590 = arith.constant 320000 : i32
    %add3A_591 = arith.addi %add3A_590, %add3A_580 : i32
    %dma_start3A_592 = arith.constant 1 : i32
    %dma_start3A_593 = arith.constant 0 : i32
    %dma_start3A_594 = tpu.memref_slice %arg6[%dma_start3A_592, %dma_start3A_593] : memref<2x64xi32, #tpu.memory_space<vmem>> -> memref<1x64xi32, #tpu.memory_space<vmem>>
    %dma_start3A_595 = tpu.memref_squeeze %dma_start3A_594 : memref<1x64xi32, #tpu.memory_space<vmem>> -> memref<64xi32, #tpu.memory_space<vmem>>
    %dma_start3A_596 = tpu.memref_slice %arg3[%add3A_591] : memref<640000xi32, #tpu.memory_space<hbm>> -> memref<64xi32, #tpu.memory_space<hbm>>
    %dma_start3A_597 = arith.constant 0 : i32
    %dma_start3A_598 = tpu.memref_slice %arg6[%dma_start3A_592, %dma_start3A_597] : memref<2x64xi32, #tpu.memory_space<vmem>> -> memref<1x64xi32, #tpu.memory_space<vmem>>
    %dma_start3A_599 = tpu.memref_squeeze %dma_start3A_598 : memref<1x64xi32, #tpu.memory_space<vmem>> -> memref<64xi32, #tpu.memory_space<vmem>>
    %dma_start3A_600 = tpu.memref_slice %arg3[%add3A_591] : memref<640000xi32, #tpu.memory_space<hbm>> -> memref<64xi32, #tpu.memory_space<hbm>>
    tpu.enqueue_dma source(%dma_start3A_600 : memref<64xi32, #tpu.memory_space<hbm>>) target(%dma_start3A_599 : memref<64xi32, #tpu.memory_space<vmem>>) target_semaphore(%arg25 : memref<!tpu.dma_semaphore, #tpu.memory_space<semaphore_mem>>)
    %dma_wait3A_601 = arith.constant 0 : i32
    %dma_wait3A_602 = arith.constant 0 : i32
    %dma_wait3A_603 = arith.constant 0 : i32
    %dma_wait3A_604 = arith.constant 0 : i32
    %dma_wait3A_605 = arith.constant 0 : i32
    %dma_wait3A_606 = tpu.memref_slice %arg7[%dma_wait3A_603, %dma_wait3A_604, %dma_wait3A_605] : memref<4x72x128xf32, #tpu.memory_space<vmem>> -> memref<1x72x128xf32, #tpu.memory_space<vmem>>
    %dma_wait3A_607 = tpu.memref_squeeze %dma_wait3A_606 : memref<1x72x128xf32, #tpu.memory_space<vmem>> -> memref<72x128xf32, #tpu.memory_space<vmem>>
    %dma_wait3A_608 = arith.constant 0 : i32
    %dma_wait3A_609 = tpu.memref_slice %arg5[%dma_wait3A_601, %dma_wait3A_602, %dma_wait3A_608] : memref<8x2x72xi32, #tpu.memory_space<vmem>> -> memref<1x1x72xi32, #tpu.memory_space<vmem>>
    %dma_wait3A_610 = tpu.memref_squeeze %dma_wait3A_609 : memref<1x1x72xi32, #tpu.memory_space<vmem>> -> memref<72xi32, #tpu.memory_space<vmem>>
    %dma_wait3A_611 = arith.constant 0 : i32
    %dma_wait3A_612 = arith.constant 0 : i32
    %dma_wait3A_613 = tpu.memref_slice %arg2[%dma_wait3A_611, %dma_wait3A_612] : memref<10000x128xf32, #tpu.memory_space<hbm>> -> memref<10000x128xf32, #tpu.memory_space<hbm>>
    tpu.wait_indirect_dma semaphore(%arg9 : memref<!tpu.dma_semaphore, #tpu.memory_space<semaphore_mem>>) src(%dma_wait3A_613 : memref<10000x128xf32, #tpu.memory_space<hbm>>) dst(%dma_wait3A_607 : memref<72x128xf32, #tpu.memory_space<vmem>>)
    %dma_wait3A_614 = arith.constant 3 : i32
    %dma_wait3A_615 = arith.constant 7 : i32
    %dma_wait3A_616 = arith.constant 1 : i32
    %dma_wait3A_617 = arith.constant 0 : i32
    %dma_wait3A_618 = arith.constant 0 : i32
    %dma_wait3A_619 = tpu.memref_slice %arg7[%dma_wait3A_614, %dma_wait3A_617, %dma_wait3A_618] : memref<4x72x128xf32, #tpu.memory_space<vmem>> -> memref<1x72x128xf32, #tpu.memory_space<vmem>>
    %dma_wait3A_620 = tpu.memref_squeeze %dma_wait3A_619 : memref<1x72x128xf32, #tpu.memory_space<vmem>> -> memref<72x128xf32, #tpu.memory_space<vmem>>
    %dma_wait3A_621 = arith.constant 0 : i32
    %dma_wait3A_622 = tpu.memref_slice %arg5[%dma_wait3A_615, %dma_wait3A_616, %dma_wait3A_621] : memref<8x2x72xi32, #tpu.memory_space<vmem>> -> memref<1x1x72xi32, #tpu.memory_space<vmem>>
    %dma_wait3A_623 = tpu.memref_squeeze %dma_wait3A_622 : memref<1x1x72xi32, #tpu.memory_space<vmem>> -> memref<72xi32, #tpu.memory_space<vmem>>
    %dma_wait3A_624 = arith.constant 0 : i32
    %dma_wait3A_625 = arith.constant 0 : i32
    %dma_wait3A_626 = tpu.memref_slice %arg8[%dma_wait3A_624, %dma_wait3A_625] : memref<10000x128xf32, #tpu.memory_space<vmem_shared>> -> memref<10000x128xf32, #tpu.memory_space<vmem_shared>>
    tpu.wait_indirect_dma semaphore(%arg16 : memref<!tpu.dma_semaphore, #tpu.memory_space<semaphore_mem>>) src(%dma_wait3A_620 : memref<72x128xf32, #tpu.memory_space<vmem>>) dst(%dma_wait3A_626 : memref<10000x128xf32, #tpu.memory_space<vmem_shared>>)
    %dma_start3A_627 = arith.constant 0 : i32
    %dma_start3A_628 = arith.constant 0 : i32
    %dma_start3A_629 = arith.constant 1 : i32
    %dma_start3A_630 = arith.constant 0 : i32
    %dma_start3A_631 = arith.constant 0 : i32
    %dma_start3A_632 = tpu.memref_slice %arg7[%dma_start3A_627, %dma_start3A_630, %dma_start3A_631] : memref<4x72x128xf32, #tpu.memory_space<vmem>> -> memref<1x72x128xf32, #tpu.memory_space<vmem>>
    %dma_start3A_633 = tpu.memref_squeeze %dma_start3A_632 : memref<1x72x128xf32, #tpu.memory_space<vmem>> -> memref<72x128xf32, #tpu.memory_space<vmem>>
    %dma_start3A_634 = arith.constant 0 : i32
    %dma_start3A_635 = tpu.memref_slice %arg5[%dma_start3A_628, %dma_start3A_629, %dma_start3A_634] : memref<8x2x72xi32, #tpu.memory_space<vmem>> -> memref<1x1x72xi32, #tpu.memory_space<vmem>>
    %dma_start3A_636 = tpu.memref_squeeze %dma_start3A_635 : memref<1x1x72xi32, #tpu.memory_space<vmem>> -> memref<72xi32, #tpu.memory_space<vmem>>
    %dma_start3A_637 = arith.constant 0 : i32
    %dma_start3A_638 = arith.constant 0 : i32
    %dma_start3A_639 = tpu.memref_slice %arg8[%dma_start3A_637, %dma_start3A_638] : memref<10000x128xf32, #tpu.memory_space<vmem_shared>> -> memref<10000x128xf32, #tpu.memory_space<vmem_shared>>
    tpu.enqueue_indirect_dma source(%dma_start3A_633 : memref<72x128xf32, #tpu.memory_space<vmem>>) target(%dma_start3A_639 : memref<10000x128xf32, #tpu.memory_space<vmem_shared>>) offsets(%dma_start3A_636 : memref<72xi32, #tpu.memory_space<vmem>>) semaphore(%arg13 : memref<!tpu.dma_semaphore, #tpu.memory_space<semaphore_mem>>) {add = true}
    %dma_wait3A_640 = arith.constant 1 : i32
    %dma_wait3A_641 = arith.constant 0 : i32
    %dma_wait3A_642 = arith.constant 1 : i32
    %dma_wait3A_643 = arith.constant 0 : i32
    %dma_wait3A_644 = arith.constant 0 : i32
    %dma_wait3A_645 = tpu.memref_slice %arg7[%dma_wait3A_642, %dma_wait3A_643, %dma_wait3A_644] : memref<4x72x128xf32, #tpu.memory_space<vmem>> -> memref<1x72x128xf32, #tpu.memory_space<vmem>>
    %dma_wait3A_646 = tpu.memref_squeeze %dma_wait3A_645 : memref<1x72x128xf32, #tpu.memory_space<vmem>> -> memref<72x128xf32, #tpu.memory_space<vmem>>
    %dma_wait3A_647 = arith.constant 0 : i32
    %dma_wait3A_648 = tpu.memref_slice %arg5[%dma_wait3A_640, %dma_wait3A_641, %dma_wait3A_647] : memref<8x2x72xi32, #tpu.memory_space<vmem>> -> memref<1x1x72xi32, #tpu.memory_space<vmem>>
    %dma_wait3A_649 = tpu.memref_squeeze %dma_wait3A_648 : memref<1x1x72xi32, #tpu.memory_space<vmem>> -> memref<72xi32, #tpu.memory_space<vmem>>
    %dma_wait3A_650 = arith.constant 0 : i32
    %dma_wait3A_651 = arith.constant 0 : i32
    %dma_wait3A_652 = tpu.memref_slice %arg2[%dma_wait3A_650, %dma_wait3A_651] : memref<10000x128xf32, #tpu.memory_space<hbm>> -> memref<10000x128xf32, #tpu.memory_space<hbm>>
    tpu.wait_indirect_dma semaphore(%arg10 : memref<!tpu.dma_semaphore, #tpu.memory_space<semaphore_mem>>) src(%dma_wait3A_652 : memref<10000x128xf32, #tpu.memory_space<hbm>>) dst(%dma_wait3A_646 : memref<72x128xf32, #tpu.memory_space<vmem>>)
    %dma_wait3A_653 = arith.constant 0 : i32
    %dma_wait3A_654 = arith.constant 0 : i32
    %dma_wait3A_655 = tpu.memref_slice %arg6[%dma_wait3A_653, %dma_wait3A_654] : memref<2x64xi32, #tpu.memory_space<vmem>> -> memref<1x64xi32, #tpu.memory_space<vmem>>
    %dma_wait3A_656 = tpu.memref_squeeze %dma_wait3A_655 : memref<1x64xi32, #tpu.memory_space<vmem>> -> memref<64xi32, #tpu.memory_space<vmem>>
    %dma_wait3A_657 = tpu.memref_slice %arg3[%add3A_580] : memref<640000xi32, #tpu.memory_space<hbm>> -> memref<64xi32, #tpu.memory_space<hbm>>
    %dma_wait3A_658 = arith.constant 0 : i32
    %dma_wait3A_659 = tpu.memref_slice %arg6[%dma_wait3A_653, %dma_wait3A_658] : memref<2x64xi32, #tpu.memory_space<vmem>> -> memref<1x64xi32, #tpu.memory_space<vmem>>
    %dma_wait3A_660 = tpu.memref_squeeze %dma_wait3A_659 : memref<1x64xi32, #tpu.memory_space<vmem>> -> memref<64xi32, #tpu.memory_space<vmem>>
    %dma_wait3A_661 = tpu.memref_slice %arg3[%add3A_580] : memref<640000xi32, #tpu.memory_space<hbm>> -> memref<64xi32, #tpu.memory_space<hbm>>
    tpu.wait_dma2 semaphore(%arg25 : memref<!tpu.dma_semaphore, #tpu.memory_space<semaphore_mem>>) src(%dma_wait3A_661 : memref<64xi32, #tpu.memory_space<hbm>>) dst(%dma_wait3A_660 : memref<64xi32, #tpu.memory_space<vmem>>)
    %add3A_662 = arith.constant 320000 : i32
    %add3A_663 = arith.addi %add3A_662, %add3A_580 : i32
    %dma_wait3A_664 = arith.constant 1 : i32
    %dma_wait3A_665 = arith.constant 0 : i32
    %dma_wait3A_666 = tpu.memref_slice %arg6[%dma_wait3A_664, %dma_wait3A_665] : memref<2x64xi32, #tpu.memory_space<vmem>> -> memref<1x64xi32, #tpu.memory_space<vmem>>
    %dma_wait3A_667 = tpu.memref_squeeze %dma_wait3A_666 : memref<1x64xi32, #tpu.memory_space<vmem>> -> memref<64xi32, #tpu.memory_space<vmem>>
    %dma_wait3A_668 = tpu.memref_slice %arg3[%add3A_663] : memref<640000xi32, #tpu.memory_space<hbm>> -> memref<64xi32, #tpu.memory_space<hbm>>
    %dma_wait3A_669 = arith.constant 0 : i32
    %dma_wait3A_670 = tpu.memref_slice %arg6[%dma_wait3A_664, %dma_wait3A_669] : memref<2x64xi32, #tpu.memory_space<vmem>> -> memref<1x64xi32, #tpu.memory_space<vmem>>
    %dma_wait3A_671 = tpu.memref_squeeze %dma_wait3A_670 : memref<1x64xi32, #tpu.memory_space<vmem>> -> memref<64xi32, #tpu.memory_space<vmem>>
    %dma_wait3A_672 = tpu.memref_slice %arg3[%add3A_663] : memref<640000xi32, #tpu.memory_space<hbm>> -> memref<64xi32, #tpu.memory_space<hbm>>
    tpu.wait_dma2 semaphore(%arg25 : memref<!tpu.dma_semaphore, #tpu.memory_space<semaphore_mem>>) src(%dma_wait3A_672 : memref<64xi32, #tpu.memory_space<hbm>>) dst(%dma_wait3A_671 : memref<64xi32, #tpu.memory_space<vmem>>)
    %dma_start3A_673 = arith.constant 0 : i32
    %dma_start3A_674 = arith.constant 2 : i32
    %dma_start3A_675 = arith.constant 0 : i32
    %dma_start3A_676 = arith.constant 0 : i32
    %dma_start3A_677 = tpu.memref_slice %arg7[%dma_start3A_674, %dma_start3A_675, %dma_start3A_676] : memref<4x72x128xf32, #tpu.memory_space<vmem>> -> memref<1x72x128xf32, #tpu.memory_space<vmem>>
    %dma_start3A_678 = tpu.memref_squeeze %dma_start3A_677 : memref<1x72x128xf32, #tpu.memory_space<vmem>> -> memref<72x128xf32, #tpu.memory_space<vmem>>
    %dma_start3A_679 = arith.constant 0 : i32
    %dma_start3A_680 = arith.constant 0 : i32
    %dma_start3A_681 = tpu.memref_slice %dma_start3A_678[%dma_start3A_679, %dma_start3A_680] : memref<72x128xf32, #tpu.memory_space<vmem>> -> memref<64x128xf32, #tpu.memory_space<vmem>>
    %dma_start3A_682 = arith.constant 0 : i32
    %dma_start3A_683 = tpu.memref_slice %arg6[%dma_start3A_673, %dma_start3A_682] : memref<2x64xi32, #tpu.memory_space<vmem>> -> memref<1x64xi32, #tpu.memory_space<vmem>>
    %dma_start3A_684 = tpu.memref_squeeze %dma_start3A_683 : memref<1x64xi32, #tpu.memory_space<vmem>> -> memref<64xi32, #tpu.memory_space<vmem>>
    %dma_start3A_685 = arith.constant 0 : i32
    %dma_start3A_686 = arith.constant 0 : i32
    %dma_start3A_687 = tpu.memref_slice %arg2[%dma_start3A_685, %dma_start3A_686] : memref<10000x128xf32, #tpu.memory_space<hbm>> -> memref<10000x128xf32, #tpu.memory_space<hbm>>
    tpu.enqueue_indirect_dma source(%dma_start3A_687 : memref<10000x128xf32, #tpu.memory_space<hbm>>) target(%dma_start3A_681 : memref<64x128xf32, #tpu.memory_space<vmem>>) offsets(%dma_start3A_684 : memref<64xi32, #tpu.memory_space<vmem>>) semaphore(%arg11 : memref<!tpu.dma_semaphore, #tpu.memory_space<semaphore_mem>>)
    %dma_start3A_688 = arith.constant 1 : i32
    %dma_start3A_689 = arith.constant 1 : i32
    %dma_start3A_690 = arith.constant 1 : i32
    %dma_start3A_691 = arith.constant 0 : i32
    %dma_start3A_692 = arith.constant 0 : i32
    %dma_start3A_693 = tpu.memref_slice %arg7[%dma_start3A_688, %dma_start3A_691, %dma_start3A_692] : memref<4x72x128xf32, #tpu.memory_space<vmem>> -> memref<1x72x128xf32, #tpu.memory_space<vmem>>
    %dma_start3A_694 = tpu.memref_squeeze %dma_start3A_693 : memref<1x72x128xf32, #tpu.memory_space<vmem>> -> memref<72x128xf32, #tpu.memory_space<vmem>>
    %dma_start3A_695 = arith.constant 0 : i32
    %dma_start3A_696 = tpu.memref_slice %arg5[%dma_start3A_689, %dma_start3A_690, %dma_start3A_695] : memref<8x2x72xi32, #tpu.memory_space<vmem>> -> memref<1x1x72xi32, #tpu.memory_space<vmem>>
    %dma_start3A_697 = tpu.memref_squeeze %dma_start3A_696 : memref<1x1x72xi32, #tpu.memory_space<vmem>> -> memref<72xi32, #tpu.memory_space<vmem>>
    %dma_start3A_698 = arith.constant 0 : i32
    %dma_start3A_699 = arith.constant 0 : i32
    %dma_start3A_700 = tpu.memref_slice %arg8[%dma_start3A_698, %dma_start3A_699] : memref<10000x128xf32, #tpu.memory_space<vmem_shared>> -> memref<10000x128xf32, #tpu.memory_space<vmem_shared>>
    tpu.enqueue_indirect_dma source(%dma_start3A_694 : memref<72x128xf32, #tpu.memory_space<vmem>>) target(%dma_start3A_700 : memref<10000x128xf32, #tpu.memory_space<vmem_shared>>) offsets(%dma_start3A_697 : memref<72xi32, #tpu.memory_space<vmem>>) semaphore(%arg14 : memref<!tpu.dma_semaphore, #tpu.memory_space<semaphore_mem>>) {add = true}
    %dma_wait3A_701 = arith.constant 0 : i32
    %dma_wait3A_702 = arith.constant 2 : i32
    %dma_wait3A_703 = arith.constant 0 : i32
    %dma_wait3A_704 = arith.constant 0 : i32
    %dma_wait3A_705 = tpu.memref_slice %arg7[%dma_wait3A_702, %dma_wait3A_703, %dma_wait3A_704] : memref<4x72x128xf32, #tpu.memory_space<vmem>> -> memref<1x72x128xf32, #tpu.memory_space<vmem>>
    %dma_wait3A_706 = tpu.memref_squeeze %dma_wait3A_705 : memref<1x72x128xf32, #tpu.memory_space<vmem>> -> memref<72x128xf32, #tpu.memory_space<vmem>>
    %dma_wait3A_707 = arith.constant 0 : i32
    %dma_wait3A_708 = arith.constant 0 : i32
    %dma_wait3A_709 = tpu.memref_slice %dma_wait3A_706[%dma_wait3A_707, %dma_wait3A_708] : memref<72x128xf32, #tpu.memory_space<vmem>> -> memref<64x128xf32, #tpu.memory_space<vmem>>
    %dma_wait3A_710 = arith.constant 0 : i32
    %dma_wait3A_711 = tpu.memref_slice %arg6[%dma_wait3A_701, %dma_wait3A_710] : memref<2x64xi32, #tpu.memory_space<vmem>> -> memref<1x64xi32, #tpu.memory_space<vmem>>
    %dma_wait3A_712 = tpu.memref_squeeze %dma_wait3A_711 : memref<1x64xi32, #tpu.memory_space<vmem>> -> memref<64xi32, #tpu.memory_space<vmem>>
    %dma_wait3A_713 = arith.constant 0 : i32
    %dma_wait3A_714 = arith.constant 0 : i32
    %dma_wait3A_715 = tpu.memref_slice %arg2[%dma_wait3A_713, %dma_wait3A_714] : memref<10000x128xf32, #tpu.memory_space<hbm>> -> memref<10000x128xf32, #tpu.memory_space<hbm>>
    tpu.wait_indirect_dma semaphore(%arg11 : memref<!tpu.dma_semaphore, #tpu.memory_space<semaphore_mem>>) src(%dma_wait3A_715 : memref<10000x128xf32, #tpu.memory_space<hbm>>) dst(%dma_wait3A_709 : memref<64x128xf32, #tpu.memory_space<vmem>>)
    %run_scoped3A = arith.constant 2 : i32
    %run_scoped3A_716 = arith.constant 1 : i32
    "tpu.region"() ({
      %run_scoped3A_750 = tpu.sem_alloc : memref<!tpu.dma_semaphore, #tpu.memory_space<semaphore_mem>>
      %dma_start3A_751 = arith.constant 0 : i32
      %dma_start3A_752 = arith.constant 0 : i32
      %dma_start3A_753 = tpu.memref_slice %arg7[%run_scoped3A, %dma_start3A_751, %dma_start3A_752] : memref<4x72x128xf32, #tpu.memory_space<vmem>> -> memref<1x72x128xf32, #tpu.memory_space<vmem>>
      %dma_start3A_754 = tpu.memref_squeeze %dma_start3A_753 : memref<1x72x128xf32, #tpu.memory_space<vmem>> -> memref<72x128xf32, #tpu.memory_space<vmem>>
      %dma_start3A_755 = arith.constant 0 : i32
      %dma_start3A_756 = arith.constant 0 : i32
      %dma_start3A_757 = tpu.memref_slice %dma_start3A_754[%dma_start3A_755, %dma_start3A_756] : memref<72x128xf32, #tpu.memory_space<vmem>> -> memref<64x128xf32, #tpu.memory_space<vmem>>
      %dma_start3A_758 = arith.constant 0 : i32
      %dma_start3A_759 = tpu.memref_slice %arg6[%run_scoped3A_716, %dma_start3A_758] : memref<2x64xi32, #tpu.memory_space<vmem>> -> memref<1x64xi32, #tpu.memory_space<vmem>>
      %dma_start3A_760 = tpu.memref_squeeze %dma_start3A_759 : memref<1x64xi32, #tpu.memory_space<vmem>> -> memref<64xi32, #tpu.memory_space<vmem>>
      %dma_start3A_761 = arith.constant 0 : i32
      %dma_start3A_762 = arith.constant 0 : i32
      %dma_start3A_763 = tpu.memref_slice %arg8[%dma_start3A_761, %dma_start3A_762] : memref<10000x128xf32, #tpu.memory_space<vmem_shared>> -> memref<10000x128xf32, #tpu.memory_space<vmem_shared>>
      tpu.enqueue_indirect_dma source(%dma_start3A_757 : memref<64x128xf32, #tpu.memory_space<vmem>>) target(%dma_start3A_763 : memref<10000x128xf32, #tpu.memory_space<vmem_shared>>) offsets(%dma_start3A_760 : memref<64xi32, #tpu.memory_space<vmem>>) semaphore(%run_scoped3A_750 : memref<!tpu.dma_semaphore, #tpu.memory_space<semaphore_mem>>) {add = true}
      %dma_wait3A_764 = arith.constant 0 : i32
      %dma_wait3A_765 = arith.constant 0 : i32
      %dma_wait3A_766 = tpu.memref_slice %arg7[%run_scoped3A, %dma_wait3A_764, %dma_wait3A_765] : memref<4x72x128xf32, #tpu.memory_space<vmem>> -> memref<1x72x128xf32, #tpu.memory_space<vmem>>
      %dma_wait3A_767 = tpu.memref_squeeze %dma_wait3A_766 : memref<1x72x128xf32, #tpu.memory_space<vmem>> -> memref<72x128xf32, #tpu.memory_space<vmem>>
      %dma_wait3A_768 = arith.constant 0 : i32
      %dma_wait3A_769 = arith.constant 0 : i32
      %dma_wait3A_770 = tpu.memref_slice %dma_wait3A_767[%dma_wait3A_768, %dma_wait3A_769] : memref<72x128xf32, #tpu.memory_space<vmem>> -> memref<64x128xf32, #tpu.memory_space<vmem>>
      %dma_wait3A_771 = arith.constant 0 : i32
      %dma_wait3A_772 = tpu.memref_slice %arg6[%run_scoped3A_716, %dma_wait3A_771] : memref<2x64xi32, #tpu.memory_space<vmem>> -> memref<1x64xi32, #tpu.memory_space<vmem>>
      %dma_wait3A_773 = tpu.memref_squeeze %dma_wait3A_772 : memref<1x64xi32, #tpu.memory_space<vmem>> -> memref<64xi32, #tpu.memory_space<vmem>>
      %dma_wait3A_774 = arith.constant 0 : i32
      %dma_wait3A_775 = arith.constant 0 : i32
      %dma_wait3A_776 = tpu.memref_slice %arg8[%dma_wait3A_774, %dma_wait3A_775] : memref<10000x128xf32, #tpu.memory_space<vmem_shared>> -> memref<10000x128xf32, #tpu.memory_space<vmem_shared>>
      tpu.wait_indirect_dma semaphore(%run_scoped3A_750 : memref<!tpu.dma_semaphore, #tpu.memory_space<semaphore_mem>>) src(%dma_wait3A_770 : memref<64x128xf32, #tpu.memory_space<vmem>>) dst(%dma_wait3A_776 : memref<10000x128xf32, #tpu.memory_space<vmem_shared>>)
      tpu.yield
    }) : () -> ()
    %dma_wait3A_717 = arith.constant 0 : i32
    %dma_wait3A_718 = arith.constant 0 : i32
    %dma_wait3A_719 = arith.constant 1 : i32
    %dma_wait3A_720 = arith.constant 0 : i32
    %dma_wait3A_721 = arith.constant 0 : i32
    %dma_wait3A_722 = tpu.memref_slice %arg7[%dma_wait3A_717, %dma_wait3A_720, %dma_wait3A_721] : memref<4x72x128xf32, #tpu.memory_space<vmem>> -> memref<1x72x128xf32, #tpu.memory_space<vmem>>
    %dma_wait3A_723 = tpu.memref_squeeze %dma_wait3A_722 : memref<1x72x128xf32, #tpu.memory_space<vmem>> -> memref<72x128xf32, #tpu.memory_space<vmem>>
    %dma_wait3A_724 = arith.constant 0 : i32
    %dma_wait3A_725 = tpu.memref_slice %arg5[%dma_wait3A_718, %dma_wait3A_719, %dma_wait3A_724] : memref<8x2x72xi32, #tpu.memory_space<vmem>> -> memref<1x1x72xi32, #tpu.memory_space<vmem>>
    %dma_wait3A_726 = tpu.memref_squeeze %dma_wait3A_725 : memref<1x1x72xi32, #tpu.memory_space<vmem>> -> memref<72xi32, #tpu.memory_space<vmem>>
    %dma_wait3A_727 = arith.constant 0 : i32
    %dma_wait3A_728 = arith.constant 0 : i32
    %dma_wait3A_729 = tpu.memref_slice %arg8[%dma_wait3A_727, %dma_wait3A_728] : memref<10000x128xf32, #tpu.memory_space<vmem_shared>> -> memref<10000x128xf32, #tpu.memory_space<vmem_shared>>
    tpu.wait_indirect_dma semaphore(%arg13 : memref<!tpu.dma_semaphore, #tpu.memory_space<semaphore_mem>>) src(%dma_wait3A_723 : memref<72x128xf32, #tpu.memory_space<vmem>>) dst(%dma_wait3A_729 : memref<10000x128xf32, #tpu.memory_space<vmem_shared>>)
    %dma_wait3A_730 = arith.constant 1 : i32
    %dma_wait3A_731 = arith.constant 1 : i32
    %dma_wait3A_732 = arith.constant 1 : i32
    %dma_wait3A_733 = arith.constant 0 : i32
    %dma_wait3A_734 = arith.constant 0 : i32
    %dma_wait3A_735 = tpu.memref_slice %arg7[%dma_wait3A_730, %dma_wait3A_733, %dma_wait3A_734] : memref<4x72x128xf32, #tpu.memory_space<vmem>> -> memref<1x72x128xf32, #tpu.memory_space<vmem>>
    %dma_wait3A_736 = tpu.memref_squeeze %dma_wait3A_735 : memref<1x72x128xf32, #tpu.memory_space<vmem>> -> memref<72x128xf32, #tpu.memory_space<vmem>>
    %dma_wait3A_737 = arith.constant 0 : i32
    %dma_wait3A_738 = tpu.memref_slice %arg5[%dma_wait3A_731, %dma_wait3A_732, %dma_wait3A_737] : memref<8x2x72xi32, #tpu.memory_space<vmem>> -> memref<1x1x72xi32, #tpu.memory_space<vmem>>
    %dma_wait3A_739 = tpu.memref_squeeze %dma_wait3A_738 : memref<1x1x72xi32, #tpu.memory_space<vmem>> -> memref<72xi32, #tpu.memory_space<vmem>>
    %dma_wait3A_740 = arith.constant 0 : i32
    %dma_wait3A_741 = arith.constant 0 : i32
    %dma_wait3A_742 = tpu.memref_slice %arg8[%dma_wait3A_740, %dma_wait3A_741] : memref<10000x128xf32, #tpu.memory_space<vmem_shared>> -> memref<10000x128xf32, #tpu.memory_space<vmem_shared>>
    tpu.wait_indirect_dma semaphore(%arg14 : memref<!tpu.dma_semaphore, #tpu.memory_space<semaphore_mem>>) src(%dma_wait3A_736 : memref<72x128xf32, #tpu.memory_space<vmem>>) dst(%dma_wait3A_742 : memref<10000x128xf32, #tpu.memory_space<vmem_shared>>)
    %barrier3A_743 = arith.constant 0 : index
    tpu.barrier barrier_id(%barrier3A_743)
    %mul3A_744 = arith.constant 624 : i32
    %mul3A_745 = arith.muli %arg1, %mul3A_744 : i32
    %mul3A_746 = arith.constant 624 : i32
    %mul3A_747 = arith.muli %arg1, %mul3A_746 : i32
    "tpu.region"() ({
      %run_scoped3A_750 = tpu.sem_alloc : memref<!tpu.dma_semaphore, #tpu.memory_space<semaphore_mem>>
      %dma_start3A_751 = arith.constant 0 : i32
      %dma_start3A_752 = tpu.memref_slice %arg4[%arg0, %mul3A_747, %dma_start3A_751] : memref<2x10000x128xf32, #tpu.memory_space<hbm>> -> memref<1x624x128xf32, #tpu.memory_space<hbm>>
      %dma_start3A_753 = tpu.memref_squeeze %dma_start3A_752 : memref<1x624x128xf32, #tpu.memory_space<hbm>> -> memref<624x128xf32, #tpu.memory_space<hbm>>
      %dma_start3A_754 = arith.constant 0 : i32
      %dma_start3A_755 = tpu.memref_slice %arg8[%mul3A_745, %dma_start3A_754] : memref<10000x128xf32, #tpu.memory_space<vmem_shared>> -> memref<624x128xf32, #tpu.memory_space<vmem_shared>>
      tpu.enqueue_dma source(%dma_start3A_755 : memref<624x128xf32, #tpu.memory_space<vmem_shared>>) target(%dma_start3A_753 : memref<624x128xf32, #tpu.memory_space<hbm>>) target_semaphore(%run_scoped3A_750 : memref<!tpu.dma_semaphore, #tpu.memory_space<semaphore_mem>>)
      %dma_wait3A_756 = arith.constant 0 : i32
      %dma_wait3A_757 = tpu.memref_slice %arg4[%arg0, %mul3A_747, %dma_wait3A_756] : memref<2x10000x128xf32, #tpu.memory_space<hbm>> -> memref<1x624x128xf32, #tpu.memory_space<hbm>>
      %dma_wait3A_758 = tpu.memref_squeeze %dma_wait3A_757 : memref<1x624x128xf32, #tpu.memory_space<hbm>> -> memref<624x128xf32, #tpu.memory_space<hbm>>
      %dma_wait3A_759 = arith.constant 0 : i32
      %dma_wait3A_760 = tpu.memref_slice %arg8[%mul3A_745, %dma_wait3A_759] : memref<10000x128xf32, #tpu.memory_space<vmem_shared>> -> memref<624x128xf32, #tpu.memory_space<vmem_shared>>
      tpu.wait_dma2 semaphore(%run_scoped3A_750 : memref<!tpu.dma_semaphore, #tpu.memory_space<semaphore_mem>>) src(%dma_wait3A_760 : memref<624x128xf32, #tpu.memory_space<vmem_shared>>) dst(%dma_wait3A_758 : memref<624x128xf32, #tpu.memory_space<hbm>>)
      tpu.yield
    }) : () -> ()
    %eq3A = arith.constant 0 : i32
    %eq3A_748 = arith.cmpi eq, %arg1, %eq3A : i32
    %convert_element_type3A = arith.extui %eq3A_748 : i1 to i32
    %cond3A = arith.constant 0 : i32
    %cond3A_749 = arith.cmpi ne, %convert_element_type3A, %cond3A : i32
    scf.if %cond3A_749 {
      "tpu.region"() ({
        %run_scoped3A_750 = tpu.sem_alloc : memref<!tpu.dma_semaphore, #tpu.memory_space<semaphore_mem>>
        %dma_start3A_751 = arith.constant 9984 : i32
        %dma_start3A_752 = arith.constant 0 : i32
        %dma_start3A_753 = tpu.memref_slice %arg4[%arg0, %dma_start3A_751, %dma_start3A_752] : memref<2x10000x128xf32, #tpu.memory_space<hbm>> -> memref<1x16x128xf32, #tpu.memory_space<hbm>>
        %dma_start3A_754 = tpu.memref_squeeze %dma_start3A_753 : memref<1x16x128xf32, #tpu.memory_space<hbm>> -> memref<16x128xf32, #tpu.memory_space<hbm>>
        %dma_start3A_755 = arith.constant 9984 : i32
        %dma_start3A_756 = arith.constant 0 : i32
        %dma_start3A_757 = tpu.memref_slice %arg8[%dma_start3A_755, %dma_start3A_756] : memref<10000x128xf32, #tpu.memory_space<vmem_shared>> -> memref<16x128xf32, #tpu.memory_space<vmem_shared>>
        tpu.enqueue_dma source(%dma_start3A_757 : memref<16x128xf32, #tpu.memory_space<vmem_shared>>) target(%dma_start3A_754 : memref<16x128xf32, #tpu.memory_space<hbm>>) target_semaphore(%run_scoped3A_750 : memref<!tpu.dma_semaphore, #tpu.memory_space<semaphore_mem>>)
        %dma_wait3A_758 = arith.constant 9984 : i32
        %dma_wait3A_759 = arith.constant 0 : i32
        %dma_wait3A_760 = tpu.memref_slice %arg4[%arg0, %dma_wait3A_758, %dma_wait3A_759] : memref<2x10000x128xf32, #tpu.memory_space<hbm>> -> memref<1x16x128xf32, #tpu.memory_space<hbm>>
        %dma_wait3A_761 = tpu.memref_squeeze %dma_wait3A_760 : memref<1x16x128xf32, #tpu.memory_space<hbm>> -> memref<16x128xf32, #tpu.memory_space<hbm>>
        %dma_wait3A_762 = arith.constant 9984 : i32
        %dma_wait3A_763 = arith.constant 0 : i32
        %dma_wait3A_764 = tpu.memref_slice %arg8[%dma_wait3A_762, %dma_wait3A_763] : memref<10000x128xf32, #tpu.memory_space<vmem_shared>> -> memref<16x128xf32, #tpu.memory_space<vmem_shared>>
        tpu.wait_dma2 semaphore(%run_scoped3A_750 : memref<!tpu.dma_semaphore, #tpu.memory_space<semaphore_mem>>) src(%dma_wait3A_764 : memref<16x128xf32, #tpu.memory_space<vmem_shared>>) dst(%dma_wait3A_761 : memref<16x128xf32, #tpu.memory_space<hbm>>)
        tpu.yield
      }) : () -> ()
    } else {
    }
    return
  }
}

module attributes {stable_mosaic.version = 14 : i64} {
  func.func @body(%arg0: memref<10000x128xf32, #tpu.memory_space<vmem>>, %arg1: memref<2x10000x128xf32, #tpu.memory_space<vmem>>, %arg2: memref<128x128xf32, #tpu.memory_space<vmem>>, %arg3: memref<1x128xf32, #tpu.memory_space<vmem>>, %arg4: memref<10000x128xf32, #tpu.memory_space<vmem>>) attributes {dimension_semantics = [], scalar_prefetch = 0 : i64, scratch_operands = 0 : i64, tpu.core_type = #tpu.core_type<tc>} {
    %get3A = arith.constant 0 : index
    %get3A_0 = arith.constant 0 : index
    %get3A_1 = vector.load %arg0[%get3A, %get3A_0] : memref<10000x128xf32, #tpu.memory_space<vmem>>, vector<10000x128xf32>
    %get3A_2 = arith.constant 0 : index
    %get3A_3 = arith.constant 0 : index
    %get3A_4 = arith.constant 0 : index
    %get3A_5 = vector.load %arg1[%get3A_2, %get3A_3, %get3A_4] : memref<2x10000x128xf32, #tpu.memory_space<vmem>>, vector<1x10000x128xf32>
    %get3A_6 = vector.shape_cast %get3A_5 : vector<1x10000x128xf32> to vector<10000x128xf32>
    %add3A = arith.addf %get3A_1, %get3A_6 : vector<10000x128xf32>
    %get3A_7 = arith.constant 1 : index
    %get3A_8 = arith.constant 0 : index
    %get3A_9 = arith.constant 0 : index
    %get3A_10 = vector.load %arg1[%get3A_7, %get3A_8, %get3A_9] : memref<2x10000x128xf32, #tpu.memory_space<vmem>>, vector<1x10000x128xf32>
    %get3A_11 = vector.shape_cast %get3A_10 : vector<1x10000x128xf32> to vector<10000x128xf32>
    %add3A_12 = arith.addf %add3A, %get3A_11 : vector<10000x128xf32>
    %get3A_13 = arith.constant 0 : index
    %get3A_14 = arith.constant 0 : index
    %get3A_15 = vector.load %arg2[%get3A_13, %get3A_14] : memref<128x128xf32, #tpu.memory_space<vmem>>, vector<128x128xf32>
    %dot_general3A = arith.constant dense<0.000000e+00> : vector<10000x128xf32>
    %dot_general3A_16 = tpu.matmul %add3A_12, %get3A_15, %dot_general3A {dimension_numbers = #tpu.dot_dimension_numbers<[1], [0], [0], [1], [0, 0, 1, 1], [], []>, precision = #tpu.contract_precision<fp32>, transpose_lhs_hint = false} : vector<10000x128xf32>, vector<128x128xf32>, vector<10000x128xf32> -> vector<10000x128xf32>
    %get3A_17 = arith.constant 0 : index
    %get3A_18 = arith.constant 0 : index
    %get3A_19 = vector.load %arg3[%get3A_17, %get3A_18] : memref<1x128xf32, #tpu.memory_space<vmem>>, vector<1x128xf32>
    %add3A_20 = vector.broadcast %get3A_19 : vector<1x128xf32> to vector<10000x128xf32>
    %add3A_21 = arith.addf %dot_general3A_16, %add3A_20 : vector<10000x128xf32>
    %swap3A = arith.constant 0 : index
    %swap3A_22 = arith.constant 0 : index
    %swap3A_23 = vector.load %arg4[%swap3A, %swap3A_22] : memref<10000x128xf32, #tpu.memory_space<vmem>>, vector<10000x128xf32>
    tpu.vector_store %arg4[%swap3A, %swap3A_22], %add3A_21 {strides = array<i32>} : memref<10000x128xf32, #tpu.memory_space<vmem>>, vector<10000x128xf32>,
    return
  }
}

module attributes {stable_mosaic.version = 14 : i64} {
  func.func @body(%arg0: memref<10000x128xf32, #tpu.memory_space<vmem>>, %arg1: memref<10000x128xf32, #tpu.memory_space<vmem>>, %arg2: memref<2x10000x128xf32, #tpu.memory_space<vmem>>, %arg3: memref<128x128xf32, #tpu.memory_space<vmem>>, %arg4: memref<1x128xf32, #tpu.memory_space<vmem>>, %arg5: memref<10000x128xf32, #tpu.memory_space<vmem>>) attributes {dimension_semantics = [], scalar_prefetch = 0 : i64, scratch_operands = 0 : i64, tpu.core_type = #tpu.core_type<tc>} {
    %get3A = arith.constant 0 : index
    %get3A_0 = arith.constant 0 : index
    %get3A_1 = vector.load %arg1[%get3A, %get3A_0] : memref<10000x128xf32, #tpu.memory_space<vmem>>, vector<10000x128xf32>
    %get3A_2 = arith.constant 0 : index
    %get3A_3 = arith.constant 0 : index
    %get3A_4 = arith.constant 0 : index
    %get3A_5 = vector.load %arg2[%get3A_2, %get3A_3, %get3A_4] : memref<2x10000x128xf32, #tpu.memory_space<vmem>>, vector<1x10000x128xf32>
    %get3A_6 = vector.shape_cast %get3A_5 : vector<1x10000x128xf32> to vector<10000x128xf32>
    %add3A = arith.addf %get3A_1, %get3A_6 : vector<10000x128xf32>
    %get3A_7 = arith.constant 1 : index
    %get3A_8 = arith.constant 0 : index
    %get3A_9 = arith.constant 0 : index
    %get3A_10 = vector.load %arg2[%get3A_7, %get3A_8, %get3A_9] : memref<2x10000x128xf32, #tpu.memory_space<vmem>>, vector<1x10000x128xf32>
    %get3A_11 = vector.shape_cast %get3A_10 : vector<1x10000x128xf32> to vector<10000x128xf32>
    %add3A_12 = arith.addf %add3A, %get3A_11 : vector<10000x128xf32>
    %get3A_13 = arith.constant 0 : index
    %get3A_14 = arith.constant 0 : index
    %get3A_15 = vector.load %arg3[%get3A_13, %get3A_14] : memref<128x128xf32, #tpu.memory_space<vmem>>, vector<128x128xf32>
    %dot_general3A = arith.constant dense<0.000000e+00> : vector<10000x128xf32>
    %dot_general3A_16 = tpu.matmul %add3A_12, %get3A_15, %dot_general3A {dimension_numbers = #tpu.dot_dimension_numbers<[1], [0], [0], [1], [0, 0, 1, 1], [], []>, precision = #tpu.contract_precision<fp32>, transpose_lhs_hint = false} : vector<10000x128xf32>, vector<128x128xf32>, vector<10000x128xf32> -> vector<10000x128xf32>
    %get3A_17 = arith.constant 0 : index
    %get3A_18 = arith.constant 0 : index
    %get3A_19 = vector.load %arg0[%get3A_17, %get3A_18] : memref<10000x128xf32, #tpu.memory_space<vmem>>, vector<10000x128xf32>
    %get3A_20 = arith.constant 0 : index
    %get3A_21 = arith.constant 0 : index
    %get3A_22 = vector.load %arg4[%get3A_20, %get3A_21] : memref<1x128xf32, #tpu.memory_space<vmem>>, vector<1x128xf32>
    %add3A_23 = vector.broadcast %get3A_22 : vector<1x128xf32> to vector<10000x128xf32>
    %add3A_24 = arith.addf %dot_general3A_16, %add3A_23 : vector<10000x128xf32>
    %max3A = arith.constant 0.000000e+00 : f32
    %max3A_25 = vector.broadcast %max3A : f32 to vector<10000x128xf32>
    %max3A_26 = arith.maximumf %add3A_24, %max3A_25 : vector<10000x128xf32>
    %add3A_27 = arith.addf %get3A_19, %max3A_26 : vector<10000x128xf32>
    %mul3A = arith.mulf %add3A_27, %add3A_27 : vector<10000x128xf32>
    %reduce_sum3A = arith.constant dense<0.000000e+00> : vector<10000xf32>
    %reduce_sum3A_28 = vector.multi_reduction <add>, %mul3A, %reduce_sum3A [1] : vector<10000x128xf32> to vector<10000xf32>
    %broadcast_in_dim3A = vector.shape_cast %reduce_sum3A_28 : vector<10000xf32> to vector<10000x1xf32>
    %sqrt3A = math.sqrt %broadcast_in_dim3A : vector<10000x1xf32>
    %max3A_29 = arith.constant 1.000000e+00 : f32
    %max3A_30 = vector.broadcast %max3A_29 : f32 to vector<10000x1xf32>
    %max3A_31 = arith.maximumf %sqrt3A, %max3A_30 : vector<10000x1xf32>
    %div3A = arith.constant 1.000000e+00 : f32
    %div3A_32 = vector.broadcast %div3A : f32 to vector<10000x1xf32>
    %div3A_33 = arith.divf %div3A_32, %max3A_31 : vector<10000x1xf32>
    %mul3A_34 = vector.broadcast %div3A_33 : vector<10000x1xf32> to vector<10000x128xf32>
    %mul3A_35 = arith.mulf %add3A_27, %mul3A_34 : vector<10000x128xf32>
    %swap3A = arith.constant 0 : index
    %swap3A_36 = arith.constant 0 : index
    %swap3A_37 = vector.load %arg5[%swap3A, %swap3A_36] : memref<10000x128xf32, #tpu.memory_space<vmem>>, vector<10000x128xf32>
    tpu.vector_store %arg5[%swap3A, %swap3A_36], %mul3A_35 {strides = array<i32>} : memref<10000x128xf32, #tpu.memory_space<vmem>>, vector<10000x128xf32>,
    return
  }
}

module attributes {stable_mosaic.version = 14 : i64} {
  func.func @body(%arg0: memref<10000x128xf32, #tpu.memory_space<vmem>>, %arg1: memref<2x320000xi32, #tpu.memory_space<vmem>>, %arg2: memref<10000x128xf32, #tpu.memory_space<vmem>>, %arg3: memref<640000xi32, #tpu.memory_space<vmem>>) attributes {dimension_semantics = [], scalar_prefetch = 0 : i64, scratch_operands = 0 : i64, tpu.core_type = #tpu.core_type<tc>} {
    %get3A = arith.constant 0 : index
    %get3A_0 = arith.constant 0 : index
    %get3A_1 = vector.load %arg0[%get3A, %get3A_0] : memref<10000x128xf32, #tpu.memory_space<vmem>>, vector<10000x128xf32>
    %mul3A = arith.mulf %get3A_1, %get3A_1 : vector<10000x128xf32>
    %reduce_sum3A = arith.constant dense<0.000000e+00> : vector<10000xf32>
    %reduce_sum3A_2 = vector.multi_reduction <add>, %mul3A, %reduce_sum3A [1] : vector<10000x128xf32> to vector<10000xf32>
    %broadcast_in_dim3A = vector.shape_cast %reduce_sum3A_2 : vector<10000xf32> to vector<10000x1xf32>
    %sqrt3A = math.sqrt %broadcast_in_dim3A : vector<10000x1xf32>
    %max3A = arith.constant 1.000000e+00 : f32
    %max3A_3 = vector.broadcast %max3A : f32 to vector<10000x1xf32>
    %max3A_4 = arith.maximumf %sqrt3A, %max3A_3 : vector<10000x1xf32>
    %div3A = arith.constant 1.000000e+00 : f32
    %div3A_5 = vector.broadcast %div3A : f32 to vector<10000x1xf32>
    %div3A_6 = arith.divf %div3A_5, %max3A_4 : vector<10000x1xf32>
    %mul3A_7 = vector.broadcast %div3A_6 : vector<10000x1xf32> to vector<10000x128xf32>
    %mul3A_8 = arith.mulf %get3A_1, %mul3A_7 : vector<10000x128xf32>
    %swap3A = arith.constant 0 : index
    %swap3A_9 = arith.constant 0 : index
    %swap3A_10 = vector.load %arg2[%swap3A, %swap3A_9] : memref<10000x128xf32, #tpu.memory_space<vmem>>, vector<10000x128xf32>
    tpu.vector_store %arg2[%swap3A, %swap3A_9], %mul3A_8 {strides = array<i32>} : memref<10000x128xf32, #tpu.memory_space<vmem>>, vector<10000x128xf32>,
    %get3A_11 = arith.constant 0 : index
    %get3A_12 = arith.constant 0 : index
    %get3A_13 = vector.load %arg1[%get3A_11, %get3A_12] : memref<2x320000xi32, #tpu.memory_space<vmem>>, vector<1x320000xi32>
    %get3A_14 = vector.shape_cast %get3A_13 : vector<1x320000xi32> to vector<320000xi32>
    %swap3A_15 = arith.constant 0 : index
    %swap3A_16 = vector.load %arg3[%swap3A_15] : memref<640000xi32, #tpu.memory_space<vmem>>, vector<320000xi32>
    tpu.vector_store %arg3[%swap3A_15], %get3A_14 {strides = array<i32>} : memref<640000xi32, #tpu.memory_space<vmem>>, vector<320000xi32>,
    %get3A_17 = arith.constant 1 : index
    %get3A_18 = arith.constant 0 : index
    %get3A_19 = vector.load %arg1[%get3A_17, %get3A_18] : memref<2x320000xi32, #tpu.memory_space<vmem>>, vector<1x320000xi32>
    %get3A_20 = vector.shape_cast %get3A_19 : vector<1x320000xi32> to vector<320000xi32>
    %swap3A_21 = arith.constant 320000 : index
    %swap3A_22 = vector.load %arg3[%swap3A_21] : memref<640000xi32, #tpu.memory_space<vmem>>, vector<320000xi32>
    tpu.vector_store %arg3[%swap3A_21], %get3A_20 {strides = array<i32>} : memref<640000xi32, #tpu.memory_space<vmem>>, vector<320000xi32>,
    return
  }
}

</mosaic_0001>

<sc_bundles>
// kernel: kernel.10.cloned.1.call-start
scs
__scs_entry_jumppad:
0x0: {  	(pc) =	sbr.rel $0x88, $3  }
0x1: {  	(tag) =	ssettag $0x0;
	lr =	simm.s32 $0x1  }
0x2: {  	[smem:$0x3F9B] =	sst lr;
	_ =	strace $0xD0000000  }
0x3: {  	_ = 	snop  }
0x4: {  	_ = 	snop  }
0x5: {  	_ = 	snop  }
0x6: {  	_ = 	snop  }
0x7: {  	_ = 	snop  }
__scs_overlays_trampoline_lowered:
0x8: {  	[smem:$0x3FAA] =	sst s0  }
0x9: {  	[smem:$0x3FAB] =	sst s1  }
0xa: {  	[smem:$0x3FAC] =	sst s2  }
0xb: {  	[smem:$0x3FAD] =	sst s3  }
0xc: {  	[smem:$0x3FAE] =	sst s4  }
0xd: {  	[smem:$0x3FAF] =	sst s5  }
0xe: {  	[smem:$0x3FB0] =	sst s6  }
0xf: {  	[smem:$0x3FB1] =	sst s7  }
0x10: {  	[smem:$0x3FB2] =	sst s8  }
0x11: {  	[smem:$0x3FB3] =	sst s9;
	s0 =	simm.s32 @!p0 $0x0  }
0x12: {  	s1 =	sld [smem:$0x3F99];
	s0 =	simm.s32 @p0 $0x1  }
0x13: {  	[smem:$0x3FB4] =	sst s0;
	s0 =	simm.s32 @!p1 $0x0  }
0x14: {  	s2 =	sld [smem:$0x3F98];
	s0 =	simm.s32 @p1 $0x1  }
0x15: {  	[smem:$0x3FB5] =	sst s0;
	s0 =	simm.s32 @!p2 $0x0  }
0x16: {  	s3 =	sld [smem:$0x3FDB];
	s0 =	simm.s32 @p2 $0x1  }
0x17: {  	s4 =	simm.s32 $0x1BF5;
	[smem:$0x3FB7] =	sst s0  }
0x18: {  	s0 =	sld [smem:$0x3F9A];
	_ =	swait.ge [sflag:s4], $0x0  }
0x19: {  	s7 =	sld [smem:$0x3F9B]  }
0x1a: {  	s8 =	sadd.s32 $0xFFFFE003, lr  }
0x1b: {  	s9 =	sadd.s32 $0xFFFFFEF7, lr;
	s5 =	simm.s32 $0xFFFFFFFF;
	p2 =	slt.u32 s8, $0xFFFFF086  }
0x1c: {  	p1 =	slt.u32 s9, $0xF7A;
	s5 =	simm.s32 @!p2 $0x0  }
0x1d: {  	s5 =	simm.s32 @p1 $0x1;
	p0 =	seq.s32 s7, s2  }
0x1e: {  	s7 =	smul.u32 @!p0 $0xF7A, s2;
	p2 =	seq.s32 @!p0 s5, $0x0  }
0x1f: {  	s9 =	smul.u32 $0xF7A, s1;
	s8 =	simm.s32 @!p0 $0x1BF5;
	p2 =	por !p2, p0  }
0x20: {  	[sflag:s8] =	ssyncset.s32 @!p0 $0xFFFFF086;
	s6 =	sadd.s32 @!p0 s3, s7;
	s7 =	simm.s32 @!p0 $0x108  }
0x21: {  	s3 =	sadd.s32 s3, s9;
	s6 =	sadd.s32 @!p0 $0x88, s6;
	s7 =	simm.s32 @p2 $0x1082  }
0x22: {  	[simem:s7], [sflag:s8] =	dma.local @!p0 [hbm:s6], $0xF7A  }
0x23: {  	s9 =	sor.u32 $0xD0000000, s2;
	s6 =	simm.s32 $0x108;
	_ =	swait.ge @!p0 [sflag:s8], $0x0  }
0x24: {  	s3 =	sadd.s32 $0x88, s3;
	s6 =	simm.s32 @!p1 $0x1082;
	[sflag:s4] =	ssyncset.s32 $0xFFFFF086  }
0x25: {  	[simem:s6], [sflag:s4] =	dma.local [hbm:s3], $0xF7A  }
0x26: {  	[smem:$0x3F9B] =	sst s1;
	(tag) =	ssettag s2;
	_ =	strace s9  }
0x27: {  	s1 =	sld [smem:$0x3FAB]  }
0x28: {  	s2 =	sld [smem:$0x3FAC]  }
0x29: {  	s4 =	sld [smem:$0x3FAE]  }
0x2a: {  	p0 =	seq.s32 s5, $0x0;
	s5 =	sld [smem:$0x3FAF]  }
0x2b: {  	s6 =	sld [smem:$0x3FB0]  }
0x2c: {  	s7 =	sld [smem:$0x3FB1]  }
0x2d: {  	s3 =	simm.s32 $0x108;
	s8 =	sld [smem:$0x3FB2]  }
0x2e: {  	s3 =	simm.s32 @!p0 $0x1082;
	s9 =	sld [smem:$0x3FB3]  }
0x2f: {  	lr =	sadd.s32 s0, s3;
	s0 =	sld [smem:$0x3FAA]  }
0x30: {  	s3 =	sld [smem:$0x3FAD]  }
0x31: {  	[smem:$0x3FB6] =	sst s10  }
0x32: {  	s10 =	sld [smem:$0x3FB4];
	_ =	sdelay $0x3  }
0x33: {  	p0 =	seq.s32 s10, $0x1;
	s10 =	sld [smem:$0x3FB6];
	_ =	sdelay $0x3  }
0x34: {  	[smem:$0x3FB6] =	sst s10  }
0x35: {  	s10 =	sld [smem:$0x3FB5];
	_ =	sdelay $0x3  }
0x36: {  	p1 =	seq.s32 s10, $0x1;
	s10 =	sld [smem:$0x3FB6];
	_ =	sdelay $0x3  }
0x37: {  	[smem:$0x3FB6] =	sst s10  }
0x38: {  	s10 =	sld [smem:$0x3FB7]  }
0x39: {  	_ = 	snop;
	(pc) =	sbr.ind lr, $3  }
0x3a: {  	_ = 	snop  }
0x3b: {  	_ = 	snop  }
0x3c: {  	p2 =	seq.s32 s10, $0x1;
	s10 =	sld [smem:$0x3FB6]  }
0x3d: {  	_ =	shalt  }
0x3e: {  	_ =	shalt  }
0x3f: {  	_ =	shalt  }
0x40: {  	_ =	shalt  }
0x41: {  	_ =	shalt  }
0x42: {  	_ =	shalt  }
0x43: {  	_ =	shalt  }
0x44: {  	_ =	shalt  }
0x45: {  	_ =	shalt  }
0x46: {  	_ =	shalt  }
0x47: {  	_ =	shalt  }
0x48: {  	_ =	shalt  }
0x49: {  	_ =	shalt  }
0x4a: {  	_ =	shalt  }
0x4b: {  	_ =	shalt  }
0x4c: {  	_ =	shalt  }
0x4d: {  	_ =	shalt  }
0x4e: {  	_ =	shalt  }
0x4f: {  	_ =	shalt  }
0x50: {  	_ =	shalt  }
0x51: {  	_ =	shalt  }
0x52: {  	_ =	shalt  }
0x53: {  	_ =	shalt  }
0x54: {  	_ =	shalt  }
0x55: {  	_ =	shalt  }
0x56: {  	_ =	shalt  }
0x57: {  	_ =	shalt  }
0x58: {  	_ =	shalt  }
0x59: {  	_ =	shalt  }
0x5a: {  	_ =	shalt  }
0x5b: {  	_ =	shalt  }
0x5c: {  	_ =	shalt  }
0x5d: {  	_ =	shalt  }
0x5e: {  	_ =	shalt  }
0x5f: {  	_ =	shalt  }
0x60: {  	_ =	shalt  }
0x61: {  	_ =	shalt  }
0x62: {  	_ =	shalt  }
0x63: {  	_ =	shalt  }
0x64: {  	_ =	shalt  }
0x65: {  	_ =	shalt  }
0x66: {  	_ =	shalt  }
0x67: {  	_ =	shalt  }
0x68: {  	_ =	shalt  }
0x69: {  	_ =	shalt  }
0x6a: {  	_ =	shalt  }
0x6b: {  	_ =	shalt  }
0x6c: {  	_ =	shalt  }
0x6d: {  	_ =	shalt  }
0x6e: {  	_ =	shalt  }
0x6f: {  	_ =	shalt  }
0x70: {  	_ =	shalt  }
0x71: {  	_ =	shalt  }
0x72: {  	_ =	shalt  }
0x73: {  	_ =	shalt  }
0x74: {  	_ =	shalt  }
0x75: {  	_ =	shalt  }
0x76: {  	_ =	shalt  }
0x77: {  	_ =	shalt  }
0x78: {  	_ =	shalt  }
0x79: {  	_ =	shalt  }
0x7a: {  	_ =	shalt  }
0x7b: {  	_ =	shalt  }
0x7c: {  	_ =	shalt  }
0x7d: {  	_ =	shalt  }
0x7e: {  	_ =	shalt  }
0x7f: {  	_ =	shalt  }
0x80: {  	_ =	shalt  }
0x81: {  	_ =	shalt  }
0x82: {  	_ =	shalt  }
0x83: {  	_ =	shalt  }
0x84: {  	_ =	shalt  }
0x85: {  	_ =	shalt  }
0x86: {  	_ =	shalt  }
0x87: {  	_ =	shalt  }
.Lfunc_end0:
.L_simem_size_0:
called_computation.1_lowered:
.L_overlay_start_0:
0x88: {  	s2 =	sld [smem:$0x3FD9]  }
0x89: {  	s3 =	sld [smem:$0x3FFE];
	_ =	sdelay $0x1  }
0x8a: {  	s1 =	srdreg.scid  }
0x8b: {  	s0 =	sand.u32 $0x1, s1  }
0x8c: {  	s17 =	sshll.u32 s0, $0xA;
	s2 =	sadd.s32 s3, s2  }
0x8d: {  	s2 =	sadd.s32 s2, s17  }
0x8e: {  	[smem:$0x3FC2] =	sst s2  }
0x8f: {  	_ = 	snop  }
0x90: {  	s2 =	sld [smem:$0x3FD0];
	(tm) =	ssettm $0x1  }
0x91: {  	s18 =	sld [smem:$0x3FFB];
	_ =	sdelay $0x3  }
0x92: {  	_ =	strace s18  }
0x93: {  	s3 =	sld [smem:$0x3FFC];
	_ =	sdelay $0x3  }
0x94: {  	_ =	strace s3  }
0x95: {  	s3 =	sld [smem:$0x3FFD];
	_ =	sdelay $0x3  }
0x96: {  	_ =	strace s3  }
0x97: {  	_ =	strace $0x8FFFFFFF  }
0x98: {  	s19 =	sld [smem:$0x3FDB];
	_ =	sdelay $0x1  }
0x99: {  	s4 =	simm.s32 $_scs_section_size  }
0x9a: {  	s5 =	simm.s32 $_size__tile_overlayer_lowered;
	s6 =	simm.s32 $_tile_overlayer_lowered  }
0x9b: {  	s22 =	simm.s32 $0x1BFF;
	s21 =	sshll.u32 s6, $0x1;
	s3 =	sadd.s32 s4, s19  }
0x9c: {  	s7 =	simm.s32 $0x0;
	s20 =	sshll.u32 s5, $0x1;
	s5 =	sadd.s32 s21, s3  }
0x9d: {  	[timem:s7], [sflag:s22] =	dma.local [hbm:s5], s20  }
0x9e: {  	_ =	swait.ge [sflag:s22], s20  }
0x9f: {  	s4 =	ssub.s32 $0x0, s20;
	[sflag:s22] =	ssyncset.done $0x0  }
0xa0: {  	[sflag:s22] =	ssyncadd.s32 s4;
	_ =	sdelay $0x1  }
0xa1: {  	s23 =	simm.s32 $0x1B8B  }
0xa2: {  	_ =	swait.ge [sflag:s23], $0x1  }
0xa3: {  	[sflag:s23] =	ssyncset.done $0x0  }
0xa4: {  	s25 =	simm.s32 $0x1B8E;
	s24 =	sld [smem:$0x3FFE];
	[sflag:s23] =	ssyncadd.s32 $0xFFFFFFFF  }
0xa5: {  	s26 =	simm.s32 $execute0_lowered;
	[smem:$0x3FD2] =	sst s25  }
0xa6: {  	s5 =	sshll.u32 s26, $0x1;
	_ =	strace $0x80000049;
	[dreg:$0x1] =	wrdreg $0xFFFFFFFF  }
0xa7: {  	s28 =	simm.s32 $_size_execute0_lowered;
	s3 =	sadd.s32 s3, s5;
	[dreg:$0x0] =	wrdreg $0x0  }
0xa8: {  	s5 =	sshll.u32 s28, $0x1;
	[dreg:$0x2] =	wrdreg s3  }
0xa9: {  	[dreg:$0x3] =	wrdreg s5  }
0xaa: {  	[dreg:$0x4] =	wrdreg $0xC0  }
0xab: {  	_ =	task [dreg:s7], $0x5FFFF  }
0xac: {  	[dreg:$0x1] =	wrdreg $0xFFFFFFFF  }
0xad: {  	[dreg:$0x0] =	wrdreg $0x60  }
0xae: {  	[dreg:$0x2] =	wrdreg s2  }
0xaf: {  	[dreg:$0x3] =	wrdreg s24  }
0xb0: {  	[dreg:$0x4] =	wrdreg $0x99000  }
0xb1: {  	[dreg:$0x5] =	wrdreg $0x9  }
0xb2: {  	_ =	task.clear_ibuf [dreg:s7], $0x6FFFF;
	_ =	strace $0x90000049  }
0xb3: {  	s29 =	simm.s32 $0x9;
	_ =	strace $0x8000004B  }
0xb4: {  	_ =	swait.ge [sflag:s29], $0x1  }
0xb5: {  	[sflag:s29] =	ssyncadd.s32 $0xFFFFFFFF  }
0xb6: {  	_ =	strace $0x9000004B  }
0xb7: {  	_ =	sfence  }
0xb8: {  	s30 =	sld [smem:$0x0];
	_ =	sdelay $0x2  }
0xb9: {  	s31 =	sshll.u32 s1, $0xD;
	s1 =	sshrl.u32 s1, $0x2  }
0xba: {  	s3 =	sand.u32 $0x4000, s31;
	s1 =	sadd.s32 s1, s30  }
0xbb: {  	s0 =	sor.u32 s3, s0;
	s1 =	sshll.u32 s1, $0x11  }
0xbc: {  	s0 =	sor.u32 s1, s0  }
0xbd: {  	s0 =	sadd.s32 $0x8F2B, s0  }
0xbe: {  	[sflag:s0] =	ssyncadd.remote.s32 $0x1  }
0xbf: {  	_ =	sfence.sel $0xFFFF  }
0xc0: {  	[dreg:$0x0] =	wrdreg $0xFFFFFFFF;
	(pc) =	sbr.abs _section_cstart, $3  }
0xc1: {  	[dreg:$0x1] =	wrdreg $0xFFFFFFFF  }
0xc2: {  	_ =	task.clear_ibuf [dreg:s7], $0x2FFFF;
	_ =	strace $0x9FFFFFFF  }
0xc3: {  	(tm) =	ssettm $0x7FFFFFFF  }
tec
execute0_lowered:
.L_overlay_start_1:
0x0: {  	(tag) =	ssettag $0x1  }
0x1: {  	s1 =	rddreg [dreg:$0x1]  }
0x2: {  	s2 =	srdreg.scid;
	s11 =	stileid.u32  }
0x3: {  	s0 =	rddreg [dreg:$0x2];
	s4 =	simm.s32 $0x0;
	s29 =	simm.s32 $0x100  }
0x4: {  	s30 =	simm.s32 $0x600;
	s28 =	simm.s32 $0xC;
	s22 =	smul.u32 $0x4E200, s11  }
0x5: {  	s31 =	simm.s32 $0x3;
	s2 =	sand.u32 $0x1, s2;
	s10 =	smul.u32 $0x13800, s11  }
0x6: {  	s5 =	sshll.u32 s11, $0x1;
	[smem:$0x7FF] =	sst s4;
	s25 =	smul.u32 $0x4E000, s11  }
0x7: {  	s12 =	sadd.s32 $0x2A00, s1;
	s1 =	sadd.s32 $0x16400, s1;
	s3 =	smul.u32 $0x4E20, s11  }
0x8: {  	p0 =	sne.s32 s11, $0x0;
	s5 =	sor.u32 s2, s5;
	s24 =	smul.u32 $0x138800, s2  }
0x9: {  	_ =	strace $0x8000004A;
	s6 =	ssub.s32 $0x2, s2;
	s2 =	smul.u32 $0x2710, s2  }
0xa: {  	[dreg:$0x4] =	wrdreg s12;
	s5 =	smul.u32 $0x2710, s5;
	s7 =	sshrl.u32 s6, $0x1  }
0xb: {  	s6 =	ssub.s32 s6, s7;
	s26 =	sadd.s32 s10, s24;
	s2 =	sadd.s32 s2, s3  }
0xc: {  	s8 =	sadd.s32 $0x48, s5;
	s15 =	sshrl.u32 s5, $0x3;
	s17 =	sadd.s32 $0x4E248, s5  }
0xd: {  	s18 =	sadd.s32 $0xD8, s5;
	s9 =	sadd.s32 $0x4E2D8, s5;
	s23 =	sadd.s32 $0x168, s5  }
0xe: {  	s5 =	sadd.s32 $0x4E368, s5;
	s10 =	sadd.s32 $0x4E560, s2;
	s8 =	sshrl.u32 s8, $0x3  }
0xf: {  	s13 =	sadd.s32 s12, s15;
	s7 =	sshrl.u32 s17, $0x3;
	s19 =	sshrl.u32 s18, $0x3  }
0x10: {  	s20 =	sshrl.u32 s9, $0x3;
	s5 =	sshrl.u32 s5, $0x3;
	s15 =	sshrl.u32 s24, $0x3  }
0x11: {  	s17 =	sadd.s32 $0x4E440, s2;
	s18 =	sadd.s32 $0x288, s2;
	s24 =	sadd.s32 $0x4E4D0, s2  }
0x12: {  	s9 =	sadd.s32 $0x360, s2;
	s16 =	sadd.s32 s12, s8;
	[dreg:$0x5] =	wrdreg s13  }
0x13: {  	s7 =	sadd.s32 s12, s7;
	s21 =	sadd.s32 s12, s20;
	[dreg:$0x6] =	wrdreg s16  }
0x14: {  	s8 =	sshrl.u32 s23, $0x3;
	s5 =	sadd.s32 s12, s5;
	[dreg:$0x7] =	wrdreg s7  }
0x15: {  	s20 =	sshrl.u32 s18, $0x3;
	s23 =	sadd.s32 $0x2D0, s2;
	[dreg:$0x9] =	wrdreg s21  }
0x16: {  	s18 =	sadd.s32 $0x3A8, s2;
	s11 =	sadd.s32 $0x24, s13;
	[dreg:$0xb] =	wrdreg s5  }
0x17: {  	s7 =	sadd.s32 s12, s19;
	s8 =	sadd.s32 s12, s8;
	[smem:$0x7F0] =	sst s11  }
0x18: {  	s5 =	sshrl.u32 s25, $0x2;
	s16 =	smax.u32 s6, $0x1;
	[dreg:$0x8] =	wrdreg s7  }
0x19: {  	s19 =	sadd.s32 $0x4E488, s2;
	s25 =	sadd.s32 $0x318, s2;
	[dreg:$0xa] =	wrdreg s8  }
0x1a: {  	s7 =	sshrl.u32 s22, $0x2;
	s8 =	sshrl.u32 s26, $0x3;
	[dreg:$0xf] =	wrdreg s16  }
0x1b: {  	s21 =	sshrl.u32 s19, $0x3;
	s26 =	sshrl.u32 s24, $0x3;
	s24 =	sadd.s32 $0x240, s2  }
0x1c: {  	s16 =	sshrl.u32 s10, $0x3;
	s10 =	sadd.s32 $0x9C52, s13;
	[dreg:$0x1c] =	wrdreg s24  }
0x1d: {  	s14 =	sadd.s32 s7, s0;
	s7 =	sadd.s32 s1, s8;
	[smem:$0x7EF] =	sst s10  }
0x1e: {  	s1 =	sadd.s32 s1, s15;
	s22 =	sadd.s32 s21, s12;
	[dreg:$0xd] =	wrdreg s7  }
0x1f: {  	s15 =	sshrl.u32 s9, $0x3;
	s9 =	sadd.s32 $0x12, s13;
	[dreg:$0x12] =	wrdreg s22  }
0x20: {  	s11 =	simm.s32 $0x780;
	s5 =	sadd.s32 s5, s0;
	[smem:$0x7EE] =	sst s9  }
0x21: {  	s3 =	sshrl.u32 s25, $0x3;
	s1 =	sadd.s32 $0x27000, s1;
	[dreg:$0xc] =	wrdreg s14  }
0x22: {  	s19 =	sadd.s32 $0x4E5A8, s2;
	s7 =	sadd.s32 s3, s12;
	[dreg:$0xe] =	wrdreg s1  }
0x23: {  	s21 =	sshrl.u32 s19, $0x3;
	s19 =	sadd.s32 $0x6C00, s14;
	[dreg:$0x15] =	wrdreg s7  }
0x24: {  	s25 =	sadd.s32 $0x4E5F0, s2;
	s24 =	sadd.s32 $0x12000, s14;
	[smem:$0x7F6] =	sst s19  }
0x25: {  	s1 =	sshrl.u32 s17, $0x3;
	s17 =	sadd.s32 s16, s12;
	[smem:$0x7FB] =	sst s24  }
0x26: {  	s8 =	sadd.s32 $0x4E518, s2;
	s7 =	sshrl.u32 s5, $0x3;
	[dreg:$0x18] =	wrdreg s17  }
0x27: {  	s10 =	simm.s32 $0x5100;
	s16 =	sadd.s32 $0x9C76, s13;
	[smem:$0x7EB] =	sst s7  }
0x28: {  	s5 =	simm.s32 $0x2D00;
	s1 =	sadd.s32 s1, s12;
	[smem:$0x7F3] =	sst s16  }
0x29: {  	s19 =	simm.s32 $0x5;
	s17 =	sadd.s32 $0x2400, s14;
	[dreg:$0x10] =	wrdreg s1  }
0x2a: {  	s24 =	simm.s32 $0x2;
	s1 =	sadd.s32 s20, s12;
	[smem:$0x7F4] =	sst s17  }
0x2b: {  	s16 =	simm.s32 $0xF;
	s20 =	sadd.s32 $0x3F0, s2;
	[dreg:$0x11] =	wrdreg s1  }
0x2c: {  	s1 =	sshrl.u32 s23, $0x3;
	s22 =	sshrl.u32 s20, $0x3;
	s20 =	sadd.s32 $0x9000, s14  }
0x2d: {  	s1 =	sadd.s32 s1, s12;
	s23 =	sadd.s32 s22, s12;
	[smem:$0x7F7] =	sst s20  }
0x2e: {  	s22 =	sadd.s32 $0xD800, s14;
	s20 =	simm.s32 $0x6;
	[dreg:$0x13] =	wrdreg s1  }
0x2f: {  	s1 =	sadd.s32 s26, s12;
	[dreg:$0x1b] =	wrdreg s23;
	s26 =	sadd.s32 $0x1F8, s2  }
0x30: {  	s2 =	sadd.s32 $0x4E3F8, s2;
	[smem:$0x7F9] =	sst s22;
	s23 =	sadd.s32 $0xFC00, s14  }
0x31: {  	s22 =	simm.s32 $0x680;
	[dreg:$0x14] =	wrdreg s1;
	s1 =	sshrl.u32 s8, $0x3  }
0x32: {  	s6 =	sshrl.u32 s26, $0x3;
	s8 =	sadd.s32 $0x9C40, s13;
	[smem:$0x7FA] =	sst s23  }
0x33: {  	s2 =	sshrl.u32 s2, $0x3;
	s26 =	sadd.s32 $0xA11A, s13;
	[smem:$0x7ED] =	sst s8  }
0x34: {  	s23 =	simm.s32 $0x500;
	s1 =	sadd.s32 s1, s12;
	[smem:$0x7FD] =	sst s26  }
0x35: {  	s3 =	sadd.s32 s6, s12;
	s6 =	sadd.s32 s2, s12;
	[dreg:$0x16] =	wrdreg s1  }
0x36: {  	s8 =	simm.s32 $0x80;
	s26 =	simm.s32 $0x1;
	[dreg:$0x1e] =	wrdreg s3  }
0x37: {  	s2 =	simm.s32 $0x4;
	s1 =	sadd.s32 s15, s12;
	[dreg:$0x1f] =	wrdreg s6  }
0x38: {  	s15 =	sadd.s32 $0x36, s13;
	s6 =	simm.s32 $0x10;
	[dreg:$0x17] =	wrdreg s1  }
0x39: {  	s1 =	sshrl.u32 s18, $0x3;
	[smem:$0x7F2] =	sst s15;
	s18 =	sadd.s32 $0x4800, s14  }
0x3a: {  	s15 =	simm.s32 $0xA;
	s1 =	sadd.s32 s1, s12;
	[smem:$0x7F5] =	sst s18  }
0x3b: {  	s18 =	simm.s32 $0x7500;
	[dreg:$0x19] =	wrdreg s1;
	s1 =	sadd.s32 s21, s12  }
0x3c: {  	s21 =	sadd.s32 $0xB400, s14;
	s14 =	simm.s32 $0x900;
	[dreg:$0x1a] =	wrdreg s1  }
0x3d: {  	s1 =	sshrl.u32 s25, $0x3;
	[smem:$0x7F8] =	sst s21;
	s25 =	sadd.s32 $0x4DA, s13  }
.Ltmp0:
0x3e: {  	s21 =	simm.s32 $0x7;
	s1 =	sadd.s32 s1, s12;
	(pc) =	sbr.rel .LBB2_1-.Ltmp0, $4  }
0x3f: {  	s12 =	sadd.s32 $0x9C64, s13;
	[smem:$0x7FC] =	sst s25;
	s13 =	simm.s32 $0x180  }
0x40: {  	s25 =	simm.s32 $0xD;
	[dreg:$0x1d] =	wrdreg s1;
	s1 =	sadd.s32 $0x138000, s0  }
0x41: {  	[smem:$0x7F1] =	sst s12;
	s12 =	simm.s32 $0x48;
	s1 =	sshrl.u32 @!p0 s1, $0x3  }
0x42: {  	v0 =	vimm.f32 $0.0e+00;
	s0 =	simm.s32 $0x0;
	[smem:$0x7EC] =	sst s1;
	s1 =	simm.s32 $0xE  }
.LBB2_6:
0x43: {  	s22 =	simm.s32 $0x680  }
0x44: {  	[spmem:s17] =	stream.indirect.scatter.add.f32 [tilespmem:s10], [sflag:$0x7], $0x80, s22, s12, $0xb8;
	[tilespmem:$0x1D180] =	vst v63  }
0x45: {  	_ =	swait.ge [sflag:s2], $0x2400  }
0x46: {  	[sflag:s2] =	ssyncset.done $0x0  }
0x47: {  	[sflag:s2] =	ssyncadd.s32 $0xFFFFDC00  }
0x48: {  	_ =	swait.ge [sflag:s21], $0x2400  }
0x49: {  	[sflag:s21] =	ssyncset.done $0x0  }
0x4a: {  	s7 =	sld [smem:$0x7FC];
	[sflag:s21] =	ssyncadd.s32 $0xFFFFDC00  }
0x4b: {  	[spmem:s17] =	stream.indirect.scatter.add.f32 [tilespmem:s0], [sflag:$0x8], $0x80, s11, s12, $0xb8;
	[tilespmem:$0x1D180] =	vst v63  }
0x4c: {  	s23 =	sld [smem:$0x7FD];
	s0 =	simm.s32 $0x800  }
0x4d: {  	[tilespmem:s0], [sflag:$0x11] =	stream.linear.gather [hbm4b:s7+s4], $0x40, $0x38;
	[tilespmem:$0x1D180] =	vst v63  }
0x4e: {  	s8 =	simm.s32 $0x880  }
0x4f: {  	[tilespmem:s8], [sflag:$0x11] =	stream.linear.gather [hbm4b:s23+s4], $0x40, $0x38;
	[tilespmem:$0x1D180] =	vst v63  }
0x50: {  	_ =	swait.ge [sflag:s26], $0x2400  }
0x51: {  	[sflag:s26] =	ssyncset.done $0x0  }
0x52: {  	s9 =	simm.s32 $0x8;
	[sflag:s26] =	ssyncadd.s32 $0xFFFFDC00  }
0x53: {  	_ =	swait.ge [sflag:s9], $0x2400  }
0x54: {  	[sflag:s9] =	ssyncset.done $0x0  }
0x55: {  	s13 =	simm.s32 $0x80;
	[sflag:s9] =	ssyncadd.s32 $0xFFFFDC00  }
0x56: {  	[spmem:s17] =	stream.indirect.scatter.add.f32 [tilespmem:s14], [sflag:$0x5], $0x80, s13, s12, $0xb8;
	[tilespmem:$0x1D180] =	vst v63  }
0x57: {  	_ =	swait.ge [sflag:s24], $0x2400  }
0x58: {  	[sflag:s24] =	ssyncset.done $0x0  }
0x59: {  	s18 =	simm.s32 $0x11;
	[sflag:s24] =	ssyncadd.s32 $0xFFFFDC00  }
0x5a: {  	_ =	swait.ge [sflag:s18], $0x40  }
0x5b: {  	[sflag:s18] =	ssyncset.done $0x0  }
0x5c: {  	[sflag:s18] =	ssyncadd.s32 $0xFFFFFFC0  }
0x5d: {  	_ =	swait.ge [sflag:s18], $0x40  }
0x5e: {  	[sflag:s18] =	ssyncset.done $0x0  }
0x5f: {  	s23 =	simm.s32 $0x40;
	[sflag:s18] =	ssyncadd.s32 $0xFFFFFFC0  }
0x60: {  	[tilespmem:s10], [sflag:$0x3] =	stream.indirect.gather [hbm4b:s3+s23], $0x80, s0, s23, $0xb8;
	[tilespmem:$0x1D180] =	vst v63  }
0x61: {  	s13 =	simm.s32 $0x180  }
0x62: {  	[spmem:s17] =	stream.indirect.scatter.add.f32 [tilespmem:s5], [sflag:$0x6], $0x80, s13, s12, $0xb8;
	[tilespmem:$0x1D180] =	vst v63  }
0x63: {  	_ =	swait.ge [sflag:s31], $0x2000  }
0x64: {  	[sflag:s31] =	ssyncset.done $0x0  }
0x65: {  	s3 =	simm.s32 $0x12;
	[sflag:s31] =	ssyncadd.s32 $0xFFFFE000  }
0x66: {  	[spmem:s17] =	stream.indirect.scatter.add.f32 [tilespmem:s10], [sflag:$0x12], $0x80, s8, s23, $0xb8;
	[tilespmem:$0x1D180] =	vst v63  }
0x67: {  	_ =	swait.ge [sflag:s3], $0x2000  }
0x68: {  	[sflag:s3] =	ssyncset.done $0x0  }
0x69: {  	[sflag:s3] =	ssyncadd.s32 $0xFFFFE000  }
0x6a: {  	_ =	swait.ge [sflag:s19], $0x2400  }
0x6b: {  	[sflag:s19] =	ssyncset.done $0x0  }
0x6c: {  	[sflag:s19] =	ssyncadd.s32 $0xFFFFDC00  }
0x6d: {  	_ =	swait.ge [sflag:s20], $0x2400  }
0x6e: {  	[sflag:s20] =	ssyncset.done $0x0  }
0x6f: {  	[sflag:s20] =	ssyncadd.s32 $0xFFFFDC00  }
0x70: {  	[bflag:$0x0] =	sbarrier.arrive $0xFFFF  }
0x71: {  	s10 =	stileid.u32;
	s9 =	sld [smem:$0x7EB]  }
0x72: {  	s7 =	sshll.u32 s10, $0x6  }
0x73: {  	s7 =	sor.u32 $0x1C12, s7;
	s17 =	rddreg [dreg:$0xd]  }
0x74: {  	[hbm:s17], [sflag:s7] =	dma.local [spmem:s9], $0x2700  }
0x75: {  	_ =	swait.ge [sflag:s3], $0x2700  }
0x76: {  	s9 =	sld [smem:$0x7EC]  }
0x77: {  	[sflag:s3] =	ssyncset.done $0x0  }
0x78: {  	s8 =	rddreg [dreg:$0xe];
	[sflag:s3] =	ssyncadd.s32 $0xFFFFD900  }
0x79: {  	[hbm:s8], [sflag:s7] =	dma.local @!p0 [spmem:s9], $0x100  }
0x7a: {  	s7 =	simm.s32 @!p0 $0x12  }
0x7b: {  	_ =	swait.ge @!p0 [sflag:s7], $0x100  }
0x7c: {  	s18 =	sld [smem:$0x7EA];
	_ =	sdelay $0x2  }
0x7d: {  	s23 =	rddreg [dreg:$0xf];
	s0 =	sadd.s32 $0x1, s18  }
0x7e: {  	p1 =	sne.s32 s0, s23  }
.Ltmp1:
0x7f: {  	_ = 	snop;
	(pc) =	sbr.rel @!p1 .LBB2_7-.Ltmp1, $4  }
0x80: {  	_ = 	snop  }
0x81: {  	s30 =	simm.s32 $0x600  }
0x82: {  	s10 =	simm.s32 $0x5100;
	s8 =	simm.s32 $0x80;
	[sflag:s7] =	ssyncset.done @!p0 $0x0  }
0x83: {  	[sflag:s7] =	ssyncadd.s32 @!p0 $0xFFFFFF00;
	s18 =	simm.s32 $0x7500;
	s23 =	simm.s32 $0x500  }
.LBB2_1:
0x84: {  	[smem:$0x7EA] =	sst s0  }
0x85: {  	s7 =	rddreg [dreg:$0x5]  }
0x86: {  	s9 =	sld [smem:$0x7ED]  }
0x87: {  	[tilespmem:s4], [sflag:$0x9] =	stream.linear.gather [hbm4b:s7+s4], $0x48, $0x38;
	[tilespmem:$0x1D180] =	vst v63  }
0x88: {  	s17 =	rddreg [dreg:$0x6]  }
0x89: {  	[tilespmem:s8], [sflag:$0x9] =	stream.linear.gather [hbm4b:s9+s4], $0x48, $0x38;
	[tilespmem:$0x1D180] =	vst v63  }
0x8a: {  	s0 =	rddreg [dreg:$0x7]  }
0x8b: {  	[tilespmem:s29], [sflag:$0xA] =	stream.linear.gather [hbm4b:s17+s4], $0x48, $0x38;
	[tilespmem:$0x1D180] =	vst v63  }
0x8c: {  	s3 =	sld [smem:$0x7EE]  }
0x8d: {  	[tilespmem:s13], [sflag:$0xA] =	stream.linear.gather [hbm4b:s0+s4], $0x48, $0x38;
	[tilespmem:$0x1D180] =	vst v63  }
0x8e: {  	s9 =	simm.s32 $0x200;
	s13 =	sld [smem:$0x7EF]  }
0x8f: {  	[tilespmem:s9], [sflag:$0xB] =	stream.linear.gather [hbm4b:s3+s4], $0x48, $0x38;
	[tilespmem:$0x1D180] =	vst v63  }
0x90: {  	s17 =	simm.s32 $0x280;
	s0 =	rddreg [dreg:$0x8]  }
0x91: {  	[tilespmem:s17], [sflag:$0xB] =	stream.linear.gather [hbm4b:s13+s4], $0x48, $0x38;
	[tilespmem:$0x1D180] =	vst v63  }
0x92: {  	s3 =	simm.s32 $0x300;
	s13 =	rddreg [dreg:$0x9]  }
0x93: {  	[tilespmem:s3], [sflag:$0xC] =	stream.linear.gather [hbm4b:s0+s4], $0x48, $0x38;
	[tilespmem:$0x1D180] =	vst v63  }
0x94: {  	s17 =	simm.s32 $0x380;
	s0 =	sld [smem:$0x7F0]  }
0x95: {  	[tilespmem:s17], [sflag:$0xC] =	stream.linear.gather [hbm4b:s13+s4], $0x48, $0x38;
	[tilespmem:$0x1D180] =	vst v63  }
0x96: {  	s9 =	sld [smem:$0x7F1];
	s3 =	simm.s32 $0x400  }
0x97: {  	[tilespmem:s3], [sflag:$0xD] =	stream.linear.gather [hbm4b:s0+s4], $0x48, $0x38;
	[tilespmem:$0x1D180] =	vst v63  }
0x98: {  	s13 =	simm.s32 $0x480;
	s17 =	rddreg [dreg:$0xa]  }
0x99: {  	[tilespmem:s13], [sflag:$0xD] =	stream.linear.gather [hbm4b:s9+s4], $0x48, $0x38;
	[tilespmem:$0x1D180] =	vst v63  }
0x9a: {  	s0 =	rddreg [dreg:$0xb]  }
0x9b: {  	[tilespmem:s23], [sflag:$0xE] =	stream.linear.gather [hbm4b:s17+s4], $0x48, $0x38;
	[tilespmem:$0x1D180] =	vst v63  }
0x9c: {  	s3 =	simm.s32 $0x580;
	s13 =	sld [smem:$0x7F2]  }
0x9d: {  	[tilespmem:s3], [sflag:$0xE] =	stream.linear.gather [hbm4b:s0+s4], $0x48, $0x38;
	[tilespmem:$0x1D180] =	vst v63  }
0x9e: {  	s17 =	sld [smem:$0x7F3]  }
0x9f: {  	[tilespmem:s30], [sflag:$0xF] =	stream.linear.gather [hbm4b:s13+s4], $0x48, $0x38;
	[tilespmem:$0x1D180] =	vst v63  }
0xa0: {  	s13 =	simm.s32 $0x0;
	s30 =	simm.s32 $0x200  }
0xa1: {  	[tilespmem:s22], [sflag:$0xF] =	stream.linear.gather [hbm4b:s17+s4], $0x48, $0x38;
	[tilespmem:$0x1D180] =	vst v63  }
.LBB2_2:
0xa2: {  	p1 =	sne.s32 s30, $0x8E00;
	[tilespmem:s13+$0x7570] =	vst v0  }
0xa3: {  	[tilespmem:s13+$0x7500] =	vst v0  }
0xa4: {  	[tilespmem:s13+$0x7510] =	vst v0  }
.Ltmp2:
0xa5: {  	[tilespmem:s13+$0x7520] =	vst v0;
	(pc) =	sbr.rel @p1 .LBB2_2-.Ltmp2, $4  }
0xa6: {  	[tilespmem:s13+$0x7530] =	vst v0  }
0xa7: {  	[tilespmem:s13+$0x7540] =	vst v0  }
0xa8: {  	[tilespmem:s13+$0x7550] =	vst v0  }
0xa9: {  	[tilespmem:s13+$0x7560] =	vst v0;
	s13 =	sshra.s32 s30, $0x2;
	s30 =	sadd.s32 $0x200, s30  }
0xaa: {  	[tilespmem:s13+$0x7570] =	vst v0  }
0xab: {  	[tilespmem:s13+$0x7500] =	vst v0  }
0xac: {  	[tilespmem:s13+$0x7510] =	vst v0  }
0xad: {  	[tilespmem:s13+$0x7520] =	vst v0  }
0xae: {  	[tilespmem:s13+$0x7530] =	vst v0  }
0xaf: {  	[tilespmem:s13+$0x7540] =	vst v0  }
0xb0: {  	[tilespmem:s13+$0x7550] =	vst v0;
	s7 =	rddreg [dreg:$0xc]  }
0xb1: {  	[tilespmem:s13+$0x7560] =	vst v0;
	s0 =	sld [smem:$0x7F4]  }
0xb2: {  	[spmem:s7] =	stream.linear.scatter [tilespmem:s18], [sflag:$0x5], $0x2400, $0x38;
	[tilespmem:$0x1D180] =	vst v63  }
0xb3: {  	s3 =	sld [smem:$0x7F5]  }
0xb4: {  	[spmem:s0] =	stream.linear.scatter [tilespmem:s18], [sflag:$0x6], $0x2400, $0x38;
	[tilespmem:$0x1D180] =	vst v63  }
0xb5: {  	s9 =	sld [smem:$0x7F6]  }
0xb6: {  	[spmem:s3] =	stream.linear.scatter [tilespmem:s18], [sflag:$0x7], $0x2400, $0x38;
	[tilespmem:$0x1D180] =	vst v63  }
0xb7: {  	s13 =	sld [smem:$0x7F7]  }
0xb8: {  	[spmem:s9] =	stream.linear.scatter [tilespmem:s18], [sflag:$0x8], $0x2400, $0x38;
	[tilespmem:$0x1D180] =	vst v63  }
0xb9: {  	s17 =	sld [smem:$0x7F8]  }
0xba: {  	[spmem:s13] =	stream.linear.scatter [tilespmem:s18], [sflag:$0x5], $0x2400, $0x38;
	[tilespmem:$0x1D180] =	vst v63  }
0xbb: {  	s22 =	sld [smem:$0x7F9]  }
0xbc: {  	[spmem:s17] =	stream.linear.scatter [tilespmem:s18], [sflag:$0x6], $0x2400, $0x38;
	[tilespmem:$0x1D180] =	vst v63  }
0xbd: {  	s0 =	sld [smem:$0x7FA]  }
0xbe: {  	[spmem:s22] =	stream.linear.scatter [tilespmem:s18], [sflag:$0x7], $0x2400, $0x38;
	[tilespmem:$0x1D180] =	vst v63  }
0xbf: {  	s3 =	sld [smem:$0x7FB]  }
0xc0: {  	[spmem:s0] =	stream.linear.scatter [tilespmem:s18], [sflag:$0x8], $0x2400, $0x38;
	[tilespmem:$0x1D180] =	vst v63  }
0xc1: {  	s0 =	simm.s32 $0x9  }
0xc2: {  	[spmem:s3] =	stream.linear.scatter [tilespmem:s18], [sflag:$0x11], $0x1880, $0x38;
	[tilespmem:$0x1D180] =	vst v63  }
0xc3: {  	_ =	swait.ge [sflag:s0], $0x48  }
0xc4: {  	[sflag:s0] =	ssyncset.done $0x0  }
0xc5: {  	[sflag:s0] =	ssyncadd.s32 $0xFFFFFFB8  }
0xc6: {  	_ =	swait.ge [sflag:s0], $0x48  }
0xc7: {  	[sflag:s0] =	ssyncset.done $0x0  }
0xc8: {  	[sflag:s0] =	ssyncadd.s32 $0xFFFFFFB8  }
0xc9: {  	s13 =	simm.s32 $0x0;
	s3 =	rddreg [dreg:$0x0]  }
0xca: {  	[tilespmem:s14], [sflag:$0x1] =	stream.indirect.gather [hbm4b:s3+s12], $0x80, s13, s12, $0xb8;
	[tilespmem:$0x1D180] =	vst v63  }
0xcb: {  	_ =	swait.ge [sflag:s15], $0x48  }
0xcc: {  	[sflag:s15] =	ssyncset.done $0x0  }
0xcd: {  	[sflag:s15] =	ssyncadd.s32 $0xFFFFFFB8  }
0xce: {  	_ =	swait.ge [sflag:s15], $0x48  }
0xcf: {  	[sflag:s15] =	ssyncset.done $0x0  }
0xd0: {  	s9 =	simm.s32 $0xB;
	[sflag:s15] =	ssyncadd.s32 $0xFFFFFFB8  }
0xd1: {  	[tilespmem:s5], [sflag:$0x2] =	stream.indirect.gather [hbm4b:s3+s12], $0x80, s29, s12, $0xb8;
	[tilespmem:$0x1D180] =	vst v63  }
0xd2: {  	_ =	swait.ge [sflag:s9], $0x48  }
0xd3: {  	[sflag:s9] =	ssyncset.done $0x0  }
0xd4: {  	[sflag:s9] =	ssyncadd.s32 $0xFFFFFFB8  }
0xd5: {  	_ =	swait.ge [sflag:s9], $0x48  }
0xd6: {  	[sflag:s9] =	ssyncset.done $0x0  }
0xd7: {  	s14 =	simm.s32 $0x200;
	[sflag:s9] =	ssyncadd.s32 $0xFFFFFFB8  }
0xd8: {  	[tilespmem:s10], [sflag:$0x3] =	stream.indirect.gather [hbm4b:s3+s12], $0x80, s14, s12, $0xb8;
	[tilespmem:$0x1D180] =	vst v63  }
0xd9: {  	_ =	swait.ge [sflag:s19], $0x2400  }
0xda: {  	[sflag:s19] =	ssyncset.done $0x0  }
0xdb: {  	[sflag:s19] =	ssyncadd.s32 $0xFFFFDC00  }
0xdc: {  	_ =	swait.ge [sflag:s20], $0x2400  }
0xdd: {  	[sflag:s20] =	ssyncset.done $0x0  }
0xde: {  	[sflag:s20] =	ssyncadd.s32 $0xFFFFDC00  }
0xdf: {  	_ =	swait.ge [sflag:s21], $0x2400  }
0xe0: {  	[sflag:s21] =	ssyncset.done $0x0  }
0xe1: {  	s17 =	simm.s32 $0x8;
	[sflag:s21] =	ssyncadd.s32 $0xFFFFDC00  }
0xe2: {  	_ =	swait.ge [sflag:s17], $0x2400  }
0xe3: {  	[sflag:s17] =	ssyncset.done $0x0  }
0xe4: {  	[sflag:s17] =	ssyncadd.s32 $0xFFFFDC00  }
0xe5: {  	_ =	swait.ge [sflag:s19], $0x2400  }
0xe6: {  	[sflag:s19] =	ssyncset.done $0x0  }
0xe7: {  	[sflag:s19] =	ssyncadd.s32 $0xFFFFDC00  }
0xe8: {  	_ =	swait.ge [sflag:s20], $0x2400  }
0xe9: {  	[sflag:s20] =	ssyncset.done $0x0  }
0xea: {  	[sflag:s20] =	ssyncadd.s32 $0xFFFFDC00  }
0xeb: {  	_ =	swait.ge [sflag:s21], $0x2400  }
0xec: {  	[sflag:s21] =	ssyncset.done $0x0  }
0xed: {  	[sflag:s21] =	ssyncadd.s32 $0xFFFFDC00  }
0xee: {  	_ =	swait.ge [sflag:s17], $0x2400  }
0xef: {  	[sflag:s17] =	ssyncset.done $0x0  }
0xf0: {  	s22 =	simm.s32 $0x11;
	[sflag:s17] =	ssyncadd.s32 $0xFFFFDC00  }
0xf1: {  	_ =	swait.ge [sflag:s22], $0x1880  }
0xf2: {  	[sflag:s22] =	ssyncset.done $0x0  }
0xf3: {  	[sflag:s22] =	ssyncadd.s32 $0xFFFFE780  }
0xf4: {  	[bflag:$0x0] =	sbarrier.arrive $0xFFFF  }
0xf5: {  	s0 =	simm.s32 $0x780;
	s30 =	rddreg [dreg:$0x1c]  }
0xf6: {  	s29 =	simm.s32 $0x580;
	s10 =	simm.s32 $0x5100;
	s17 =	rddreg [dreg:$0x2]  }
.LBB2_4:
0xf7: {  	_ =	swait.ge [sflag:s26], $0x2400  }
0xf8: {  	p1 =	seq.s32 s13, $0x0;
	[sflag:s26] =	ssyncset.done $0x0  }
0xf9: {  	s9 =	simm.s32 @!p1 $0x8;
	[sflag:s26] =	ssyncadd.s32 $0xFFFFDC00  }
0xfa: {  	_ =	swait.ge @!p1 [sflag:s9], $0x2400  }
0xfb: {  	[sflag:s9] =	ssyncset.done @!p1 $0x0  }
0xfc: {  	[sflag:s9] =	ssyncadd.s32 @!p1 $0xFFFFDC00  }
0xfd: {  	_ =	swait.ge [sflag:s28], $0x48  }
0xfe: {  	[sflag:s28] =	ssyncset.done $0x0  }
0xff: {  	[sflag:s28] =	ssyncadd.s32 $0xFFFFFFB8  }
0x100: {  	_ =	swait.ge [sflag:s28], $0x48  }
0x101: {  	[sflag:s28] =	ssyncset.done $0x0  }
0x102: {  	s7 =	simm.s32 $0x300;
	[sflag:s28] =	ssyncadd.s32 $0xFFFFFFB8  }
0x103: {  	[tilespmem:s18], [sflag:$0x4] =	stream.indirect.gather [hbm4b:s3+s12], $0x80, s7, s12, $0xb8;
	[tilespmem:$0x1D180] =	vst v63  }
0x104: {  	s18 =	rddreg [dreg:$0x1e]  }
0x105: {  	s14 =	simm.s32 $0x700;
	s5 =	rddreg [dreg:$0x1f];
	s22 =	sadd.s32 s13, s18  }
0x106: {  	[tilespmem:s14], [sflag:$0x10] =	stream.linear.gather [hbm4b:s22+s4], $0x48, $0x38;
	[tilespmem:$0x1D180] =	vst v63  }
0x107: {  	s7 =	sadd.s32 s13, s5  }
0x108: {  	[tilespmem:s0], [sflag:$0x10] =	stream.linear.gather [hbm4b:s7+s4], $0x48, $0x38;
	[tilespmem:$0x1D180] =	vst v63  }
0x109: {  	s5 =	simm.s32 $0x900  }
0x10a: {  	[spmem:s17] =	stream.indirect.scatter.add.f32 [tilespmem:s5], [sflag:$0x5], $0x80, s8, s12, $0xb8;
	[tilespmem:$0x1D180] =	vst v63  }
0x10b: {  	_ =	swait.ge [sflag:s24], $0x2400  }
0x10c: {  	[sflag:s24] =	ssyncset.done $0x0  }
0x10d: {  	[sflag:s24] =	ssyncadd.s32 $0xFFFFDC00  }
0x10e: {  	_ =	swait.ge [sflag:s19], $0x2400  }
0x10f: {  	[sflag:s19] =	ssyncset.done $0x0  }
0x110: {  	[sflag:s19] =	ssyncadd.s32 $0xFFFFDC00  }
0x111: {  	_ =	swait.ge [sflag:s25], $0x48  }
0x112: {  	[sflag:s25] =	ssyncset.done $0x0  }
0x113: {  	[sflag:s25] =	ssyncadd.s32 $0xFFFFFFB8  }
0x114: {  	_ =	swait.ge [sflag:s25], $0x48  }
0x115: {  	s18 =	simm.s32 $0x400;
	[sflag:s25] =	ssyncset.done $0x0  }
0x116: {  	s22 =	sshrl.u32 s30, $0x3;
	s0 =	rddreg [dreg:$0x4];
	[sflag:s25] =	ssyncadd.s32 $0xFFFFFFB8  }
0x117: {  	[tilespmem:s5], [sflag:$0x1] =	stream.indirect.gather [hbm4b:s3+s12], $0x80, s18, s12, $0xb8;
	[tilespmem:$0x1D180] =	vst v63  }
0x118: {  	s9 =	sadd.s32 s0, s22;
	s18 =	rddreg [dreg:$0x10]  }
0x119: {  	[tilespmem:s4], [sflag:$0x9] =	stream.linear.gather [hbm4b:s9+s4], $0x48, $0x38;
	[tilespmem:$0x1D180] =	vst v63  }
0x11a: {  	s22 =	sadd.s32 s13, s18  }
0x11b: {  	[tilespmem:s8], [sflag:$0x9] =	stream.linear.gather [hbm4b:s22+s4], $0x48, $0x38;
	[tilespmem:$0x1D180] =	vst v63  }
0x11c: {  	s18 =	simm.s32 $0x2D00;
	s8 =	simm.s32 $0x180  }
0x11d: {  	[spmem:s17] =	stream.indirect.scatter.add.f32 [tilespmem:s18], [sflag:$0x6], $0x80, s8, s12, $0xb8;
	[tilespmem:$0x1D180] =	vst v63  }
0x11e: {  	_ =	swait.ge [sflag:s31], $0x2400  }
0x11f: {  	[sflag:s31] =	ssyncset.done $0x0  }
0x120: {  	[sflag:s31] =	ssyncadd.s32 $0xFFFFDC00  }
0x121: {  	_ =	swait.ge [sflag:s20], $0x2400  }
0x122: {  	[sflag:s20] =	ssyncset.done $0x0  }
0x123: {  	[sflag:s20] =	ssyncadd.s32 $0xFFFFDC00  }
0x124: {  	_ =	swait.ge [sflag:s1], $0x48  }
0x125: {  	[sflag:s1] =	ssyncset.done $0x0  }
0x126: {  	[sflag:s1] =	ssyncadd.s32 $0xFFFFFFB8  }
0x127: {  	_ =	swait.ge [sflag:s1], $0x48  }
0x128: {  	[sflag:s1] =	ssyncset.done $0x0  }
0x129: {  	[sflag:s1] =	ssyncadd.s32 $0xFFFFFFB8  }
0x12a: {  	[tilespmem:s18], [sflag:$0x2] =	stream.indirect.gather [hbm4b:s3+s12], $0x80, s23, s12, $0xb8;
	[tilespmem:$0x1D180] =	vst v63  }
0x12b: {  	s23 =	rddreg [dreg:$0x11]  }
0x12c: {  	s9 =	rddreg [dreg:$0x12];
	s7 =	sadd.s32 s13, s23;
	s23 =	simm.s32 $0x100  }
0x12d: {  	[tilespmem:s23], [sflag:$0xA] =	stream.linear.gather [hbm4b:s7+s4], $0x48, $0x38;
	[tilespmem:$0x1D180] =	vst v63  }
0x12e: {  	s7 =	sadd.s32 s13, s9  }
0x12f: {  	[tilespmem:s8], [sflag:$0xA] =	stream.linear.gather [hbm4b:s7+s4], $0x48, $0x38;
	[tilespmem:$0x1D180] =	vst v63  }
0x130: {  	s9 =	simm.s32 $0x280  }
0x131: {  	[spmem:s17] =	stream.indirect.scatter.add.f32 [tilespmem:s10], [sflag:$0x7], $0x80, s9, s12, $0xb8;
	[tilespmem:$0x1D180] =	vst v63  }
0x132: {  	_ =	swait.ge [sflag:s2], $0x2400  }
0x133: {  	[sflag:s2] =	ssyncset.done $0x0  }
0x134: {  	[sflag:s2] =	ssyncadd.s32 $0xFFFFDC00  }
0x135: {  	_ =	swait.ge [sflag:s21], $0x2400  }
0x136: {  	[sflag:s21] =	ssyncset.done $0x0  }
0x137: {  	[sflag:s21] =	ssyncadd.s32 $0xFFFFDC00  }
0x138: {  	_ =	swait.ge [sflag:s16], $0x48  }
0x139: {  	[sflag:s16] =	ssyncset.done $0x0  }
0x13a: {  	[sflag:s16] =	ssyncadd.s32 $0xFFFFFFB8  }
0x13b: {  	_ =	swait.ge [sflag:s16], $0x48  }
0x13c: {  	p1 =	seq.s32 s13, $0x480;
	[sflag:s16] =	ssyncset.done $0x0  }
0x13d: {  	s8 =	simm.s32 $0x600;
	s7 =	rddreg [dreg:$0x13];
	[sflag:s16] =	ssyncadd.s32 $0xFFFFFFB8  }
0x13e: {  	[tilespmem:s10], [sflag:$0x3] =	stream.indirect.gather [hbm4b:s3+s12], $0x80, s8, s12, $0xb8;
	[tilespmem:$0x1D180] =	vst v63  }
0x13f: {  	s9 =	sadd.s32 @!p1 s13, s7;
	s7 =	simm.s32 @!p1 $0x0;
	s8 =	simm.s32 @!p1 $0x200  }
0x140: {  	[tilespmem:s8], [sflag:$0xB] =	stream.linear.gather @!p1 [hbm4b:s9+s7], $0x48, $0x38;
	[tilespmem:$0x1D180] =	vst v63  }
0x141: {  	s8 =	rddreg [dreg:$0x14]  }
0x142: {  	s9 =	simm.s32 @!p1 $0x280;
	s8 =	sadd.s32 @!p1 s13, s8  }
0x143: {  	[tilespmem:s9], [sflag:$0xB] =	stream.linear.gather @!p1 [hbm4b:s8+s7], $0x48, $0x38;
	[tilespmem:$0x1D180] =	vst v63  }
0x144: {  	s0 =	simm.s32 $0x7500;
	s9 =	simm.s32 $0x380  }
0x145: {  	[spmem:s17] =	stream.indirect.scatter.add.f32 [tilespmem:s0], [sflag:$0x8], $0x80, s9, s12, $0xb8;
	[tilespmem:$0x1D180] =	vst v63  }
0x146: {  	_ =	swait.ge [sflag:s26], $0x2400  }
0x147: {  	[sflag:s26] =	ssyncset.done $0x0  }
0x148: {  	s9 =	simm.s32 $0x8;
	[sflag:s26] =	ssyncadd.s32 $0xFFFFDC00  }
0x149: {  	_ =	swait.ge [sflag:s9], $0x2400  }
0x14a: {  	[sflag:s9] =	ssyncset.done $0x0  }
0x14b: {  	[sflag:s9] =	ssyncadd.s32 $0xFFFFDC00  }
0x14c: {  	_ =	swait.ge [sflag:s6], $0x48  }
0x14d: {  	[sflag:s6] =	ssyncset.done $0x0  }
0x14e: {  	[sflag:s6] =	ssyncadd.s32 $0xFFFFFFB8  }
0x14f: {  	_ =	swait.ge [sflag:s6], $0x48  }
0x150: {  	[sflag:s6] =	ssyncset.done $0x0  }
0x151: {  	s8 =	rddreg [dreg:$0x15];
	[sflag:s6] =	ssyncadd.s32 $0xFFFFFFB8  }
0x152: {  	[tilespmem:s0], [sflag:$0x4] =	stream.indirect.gather [hbm4b:s3+s12], $0x80, s14, s12, $0xb8;
	[tilespmem:$0x1D180] =	vst v63  }
0x153: {  	s9 =	simm.s32 @!p1 $0x300;
	s8 =	sadd.s32 @!p1 s13, s8  }
0x154: {  	[tilespmem:s9], [sflag:$0xC] =	stream.linear.gather @!p1 [hbm4b:s8+s7], $0x48, $0x38;
	[tilespmem:$0x1D180] =	vst v63  }
0x155: {  	s8 =	rddreg [dreg:$0x16]  }
0x156: {  	s9 =	simm.s32 @!p1 $0x380;
	s8 =	sadd.s32 @!p1 s13, s8  }
0x157: {  	[tilespmem:s9], [sflag:$0xC] =	stream.linear.gather @!p1 [hbm4b:s8+s7], $0x48, $0x38;
	[tilespmem:$0x1D180] =	vst v63  }
0x158: {  	s9 =	simm.s32 $0x480  }
0x159: {  	[spmem:s17] =	stream.indirect.scatter.add.f32 [tilespmem:s5], [sflag:$0x5], $0x80, s9, s12, $0xb8;
	[tilespmem:$0x1D180] =	vst v63  }
0x15a: {  	_ =	swait.ge [sflag:s24], $0x2400  }
0x15b: {  	[sflag:s24] =	ssyncset.done $0x0  }
0x15c: {  	[sflag:s24] =	ssyncadd.s32 $0xFFFFDC00  }
0x15d: {  	_ =	swait.ge [sflag:s19], $0x2400  }
0x15e: {  	[sflag:s19] =	ssyncset.done $0x0  }
0x15f: {  	s14 =	simm.s32 $0x9;
	[sflag:s19] =	ssyncadd.s32 $0xFFFFDC00  }
0x160: {  	_ =	swait.ge [sflag:s14], $0x48  }
0x161: {  	[sflag:s14] =	ssyncset.done $0x0  }
0x162: {  	[sflag:s14] =	ssyncadd.s32 $0xFFFFFFB8  }
0x163: {  	_ =	swait.ge [sflag:s14], $0x48  }
0x164: {  	[sflag:s14] =	ssyncset.done $0x0  }
0x165: {  	s8 =	rddreg [dreg:$0x17];
	[sflag:s14] =	ssyncadd.s32 $0xFFFFFFB8  }
0x166: {  	[tilespmem:s5], [sflag:$0x1] =	stream.indirect.gather [hbm4b:s3+s12], $0x80, s4, s12, $0xb8;
	[tilespmem:$0x1D180] =	vst v63  }
0x167: {  	s9 =	simm.s32 @!p1 $0x400;
	s8 =	sadd.s32 @!p1 s13, s8  }
0x168: {  	[tilespmem:s9], [sflag:$0xD] =	stream.linear.gather @!p1 [hbm4b:s8+s7], $0x48, $0x38;
	[tilespmem:$0x1D180] =	vst v63  }
0x169: {  	s8 =	rddreg [dreg:$0x18]  }
0x16a: {  	s9 =	simm.s32 @!p1 $0x480;
	s8 =	sadd.s32 @!p1 s13, s8  }
0x16b: {  	[tilespmem:s9], [sflag:$0xD] =	stream.linear.gather @!p1 [hbm4b:s8+s7], $0x48, $0x38;
	[tilespmem:$0x1D180] =	vst v63  }
0x16c: {  	_ = 	snop  }
0x16d: {  	[spmem:s17] =	stream.indirect.scatter.add.f32 [tilespmem:s18], [sflag:$0x6], $0x80, s29, s12, $0xb8;
	[tilespmem:$0x1D180] =	vst v63  }
0x16e: {  	_ =	swait.ge [sflag:s31], $0x2400  }
0x16f: {  	[sflag:s31] =	ssyncset.done $0x0  }
0x170: {  	[sflag:s31] =	ssyncadd.s32 $0xFFFFDC00  }
0x171: {  	_ =	swait.ge [sflag:s20], $0x2400  }
0x172: {  	[sflag:s20] =	ssyncset.done $0x0  }
0x173: {  	[sflag:s20] =	ssyncadd.s32 $0xFFFFDC00  }
0x174: {  	_ =	swait.ge [sflag:s15], $0x48  }
0x175: {  	[sflag:s15] =	ssyncset.done $0x0  }
.Ltmp3:
0x176: {  	[sflag:s15] =	ssyncadd.s32 $0xFFFFFFB8;
	(pc) =	sbr.rel @p1 .LBB2_6-.Ltmp3, $4  }
0x177: {  	s22 =	simm.s32 $0x500;
	_ =	swait.ge [sflag:s15], $0x48  }
0x178: {  	s14 =	simm.s32 $0x900;
	s5 =	simm.s32 $0x2D00;
	[sflag:s15] =	ssyncset.done $0x0  }
0x179: {  	s8 =	simm.s32 $0x580;
	s29 =	simm.s32 $0x100;
	[sflag:s15] =	ssyncadd.s32 $0xFFFFFFB8  }
0x17a: {  	[tilespmem:s18], [sflag:$0x2] =	stream.indirect.gather [hbm4b:s3+s12], $0x80, s23, s12, $0xb8;
	[tilespmem:$0x1D180] =	vst v63  }
0x17b: {  	s7 =	rddreg [dreg:$0x19]  }
0x17c: {  	s5 =	rddreg [dreg:$0x1a];
	s7 =	sadd.s32 s13, s7  }
0x17d: {  	[tilespmem:s22], [sflag:$0xE] =	stream.linear.gather [hbm4b:s7+s4], $0x48, $0x38;
	[tilespmem:$0x1D180] =	vst v63  }
0x17e: {  	s7 =	sadd.s32 s13, s5  }
0x17f: {  	[tilespmem:s8], [sflag:$0xE] =	stream.linear.gather [hbm4b:s7+s4], $0x48, $0x38;
	[tilespmem:$0x1D180] =	vst v63  }
0x180: {  	s9 =	simm.s32 $0x680  }
0x181: {  	[spmem:s17] =	stream.indirect.scatter.add.f32 [tilespmem:s10], [sflag:$0x7], $0x80, s9, s12, $0xb8;
	[tilespmem:$0x1D180] =	vst v63  }
0x182: {  	_ =	swait.ge [sflag:s2], $0x2400  }
0x183: {  	[sflag:s2] =	ssyncset.done $0x0  }
0x184: {  	[sflag:s2] =	ssyncadd.s32 $0xFFFFDC00  }
0x185: {  	_ =	swait.ge [sflag:s21], $0x2400  }
0x186: {  	[sflag:s21] =	ssyncset.done $0x0  }
0x187: {  	s5 =	simm.s32 $0xB;
	[sflag:s21] =	ssyncadd.s32 $0xFFFFDC00  }
0x188: {  	_ =	swait.ge [sflag:s5], $0x48  }
0x189: {  	[sflag:s5] =	ssyncset.done $0x0  }
0x18a: {  	[sflag:s5] =	ssyncadd.s32 $0xFFFFFFB8  }
0x18b: {  	_ =	swait.ge [sflag:s5], $0x48  }
0x18c: {  	[sflag:s5] =	ssyncset.done $0x0  }
0x18d: {  	s14 =	simm.s32 $0x200;
	s18 =	rddreg [dreg:$0x1b];
	[sflag:s5] =	ssyncadd.s32 $0xFFFFFFB8  }
0x18e: {  	[tilespmem:s10], [sflag:$0x3] =	stream.indirect.gather [hbm4b:s3+s12], $0x80, s14, s12, $0xb8;
	[tilespmem:$0x1D180] =	vst v63  }
0x18f: {  	s22 =	simm.s32 $0x600;
	s23 =	rddreg [dreg:$0x1d];
	s7 =	sadd.s32 s13, s18  }
0x190: {  	[tilespmem:s22], [sflag:$0xF] =	stream.linear.gather [hbm4b:s7+s4], $0x48, $0x38;
	[tilespmem:$0x1D180] =	vst v63  }
.Ltmp4:
0x191: {  	s30 =	sadd.s32 $0x240, s30;
	s7 =	sadd.s32 s13, s23;
	(pc) =	sbr.rel .LBB2_4-.Ltmp4, $4  }
0x192: {  	[tilespmem:s9], [sflag:$0xF] =	stream.linear.gather [hbm4b:s7+s4], $0x48, $0x38;
	[tilespmem:$0x1D180] =	vst v63  }
0x193: {  	s29 =	simm.s32 $0x580;
	s8 =	simm.s32 $0x80;
	s18 =	simm.s32 $0x7500  }
0x194: {  	[spmem:s17] =	stream.indirect.scatter.add.f32 [tilespmem:s0], [sflag:$0x8], $0x80, s11, s12, $0xb8;
	[tilespmem:$0x1D180] =	vst v63  }
0x195: {  	s13 =	sadd.s32 $0x48, s13;
	s23 =	simm.s32 $0x500;
	s0 =	simm.s32 $0x780  }
.LBB2_7:
0x196: {  	_ =	sfence.sel $0x180000  }
0x197: {  	[bflag:$0x0] =	sbarrier.arrive $0xFFFF  }
0x198: {  	_ =	strace $0x9000004A  }
0x199: {  	[bflag:$0x2] =	sbarrier.arrive $0xFFFF  }
0x19a: {  	s0 =	rddreg [dreg:$0x3]  }
0x19b: {  	s0 =	sadd.s32 @!p0 $0x100000, s0  }
0x19c: {  	[sflag:s0] =	ssyncadd.tile.s32 @!p0 $0x1;
	_ =	shalt  }
.Lfunc_end2:
_tile_overlayer_lowered:
.L_overlay_start_2:
0x19d: {  	(tag) =	ssettag $0x2  }
0x19e: {  	s0 =	rddreg [dreg:$0x0];
	s2 =	stileid.u32  }
0x19f: {  	s1 =	rddreg [dreg:$0x1];
	p0 =	sne.s32 s2, $0x0  }
0x1a0: {  	s3 =	rddreg [dreg:$0x2];
	[bflag:$0x3] =	sbarrier.arrive $0xFFFF;
	s2 =	simm.s32 @!p0 $0x1C12  }
0x1a1: {  	[timem:s3], [sflag:s2] =	dma.local @!p0 [hbm:s0], s1  }
0x1a2: {  	s0 =	simm.s32 @!p0 $0x12  }
0x1a3: {  	_ =	swait.ge @!p0 [sflag:s0], s1  }
0x1a4: {  	s1 =	ssub.s32 @!p0 $0x0, s1;
	[sflag:s0] =	ssyncset.done @!p0 $0x0  }
0x1a5: {  	[sflag:s0] =	ssyncadd.s32 @!p0 s1  }
0x1a6: {  	[bflag:$0x3] =	sbarrier.arrive $0xFFFF  }
0x1a7: {  	_ =	shalt  }

// kernel: kernel.7.cloned.1.call-start
scs
__scs_entry_jumppad:
0x0: {  	(pc) =	sbr.rel $0x88, $3  }
0x1: {  	(tag) =	ssettag $0x0;
	lr =	simm.s32 $0x1  }
0x2: {  	[smem:$0x3F9B] =	sst lr;
	_ =	strace $0xD0000000  }
0x3: {  	_ = 	snop  }
0x4: {  	_ = 	snop  }
0x5: {  	_ = 	snop  }
0x6: {  	_ = 	snop  }
0x7: {  	_ = 	snop  }
__scs_overlays_trampoline_lowered:
0x8: {  	[smem:$0x3FAA] =	sst s0  }
0x9: {  	[smem:$0x3FAB] =	sst s1  }
0xa: {  	[smem:$0x3FAC] =	sst s2  }
0xb: {  	[smem:$0x3FAD] =	sst s3  }
0xc: {  	[smem:$0x3FAE] =	sst s4  }
0xd: {  	[smem:$0x3FAF] =	sst s5  }
0xe: {  	[smem:$0x3FB0] =	sst s6  }
0xf: {  	[smem:$0x3FB1] =	sst s7  }
0x10: {  	[smem:$0x3FB2] =	sst s8  }
0x11: {  	[smem:$0x3FB3] =	sst s9;
	s0 =	simm.s32 @!p0 $0x0  }
0x12: {  	s1 =	sld [smem:$0x3F99];
	s0 =	simm.s32 @p0 $0x1  }
0x13: {  	[smem:$0x3FB4] =	sst s0;
	s0 =	simm.s32 @!p1 $0x0  }
0x14: {  	s2 =	sld [smem:$0x3F98];
	s0 =	simm.s32 @p1 $0x1  }
0x15: {  	[smem:$0x3FB5] =	sst s0;
	s0 =	simm.s32 @!p2 $0x0  }
0x16: {  	s3 =	sld [smem:$0x3FDB];
	s0 =	simm.s32 @p2 $0x1  }
0x17: {  	s4 =	simm.s32 $0x1BF5;
	[smem:$0x3FB7] =	sst s0  }
0x18: {  	s0 =	sld [smem:$0x3F9A];
	_ =	swait.ge [sflag:s4], $0x0  }
0x19: {  	s7 =	sld [smem:$0x3F9B]  }
0x1a: {  	s8 =	sadd.s32 $0xFFFFE003, lr  }
0x1b: {  	s9 =	sadd.s32 $0xFFFFFEF7, lr;
	s5 =	simm.s32 $0xFFFFFFFF;
	p2 =	slt.u32 s8, $0xFFFFF086  }
0x1c: {  	p1 =	slt.u32 s9, $0xF7A;
	s5 =	simm.s32 @!p2 $0x0  }
0x1d: {  	s5 =	simm.s32 @p1 $0x1;
	p0 =	seq.s32 s7, s2  }
0x1e: {  	s7 =	smul.u32 @!p0 $0xF7A, s2;
	p2 =	seq.s32 @!p0 s5, $0x0  }
0x1f: {  	s9 =	smul.u32 $0xF7A, s1;
	s8 =	simm.s32 @!p0 $0x1BF5;
	p2 =	por !p2, p0  }
0x20: {  	[sflag:s8] =	ssyncset.s32 @!p0 $0xFFFFF086;
	s6 =	sadd.s32 @!p0 s3, s7;
	s7 =	simm.s32 @!p0 $0x108  }
0x21: {  	s3 =	sadd.s32 s3, s9;
	s6 =	sadd.s32 @!p0 $0x88, s6;
	s7 =	simm.s32 @p2 $0x1082  }
0x22: {  	[simem:s7], [sflag:s8] =	dma.local @!p0 [hbm:s6], $0xF7A  }
0x23: {  	s9 =	sor.u32 $0xD0000000, s2;
	s6 =	simm.s32 $0x108;
	_ =	swait.ge @!p0 [sflag:s8], $0x0  }
0x24: {  	s3 =	sadd.s32 $0x88, s3;
	s6 =	simm.s32 @!p1 $0x1082;
	[sflag:s4] =	ssyncset.s32 $0xFFFFF086  }
0x25: {  	[simem:s6], [sflag:s4] =	dma.local [hbm:s3], $0xF7A  }
0x26: {  	[smem:$0x3F9B] =	sst s1;
	(tag) =	ssettag s2;
	_ =	strace s9  }
0x27: {  	s1 =	sld [smem:$0x3FAB]  }
0x28: {  	s2 =	sld [smem:$0x3FAC]  }
0x29: {  	s4 =	sld [smem:$0x3FAE]  }
0x2a: {  	p0 =	seq.s32 s5, $0x0;
	s5 =	sld [smem:$0x3FAF]  }
0x2b: {  	s6 =	sld [smem:$0x3FB0]  }
0x2c: {  	s7 =	sld [smem:$0x3FB1]  }
0x2d: {  	s3 =	simm.s32 $0x108;
	s8 =	sld [smem:$0x3FB2]  }
0x2e: {  	s3 =	simm.s32 @!p0 $0x1082;
	s9 =	sld [smem:$0x3FB3]  }
0x2f: {  	lr =	sadd.s32 s0, s3;
	s0 =	sld [smem:$0x3FAA]  }
0x30: {  	s3 =	sld [smem:$0x3FAD]  }
0x31: {  	[smem:$0x3FB6] =	sst s10  }
0x32: {  	s10 =	sld [smem:$0x3FB4];
	_ =	sdelay $0x3  }
0x33: {  	p0 =	seq.s32 s10, $0x1;
	s10 =	sld [smem:$0x3FB6];
	_ =	sdelay $0x3  }
0x34: {  	[smem:$0x3FB6] =	sst s10  }
0x35: {  	s10 =	sld [smem:$0x3FB5];
	_ =	sdelay $0x3  }
0x36: {  	p1 =	seq.s32 s10, $0x1;
	s10 =	sld [smem:$0x3FB6];
	_ =	sdelay $0x3  }
0x37: {  	[smem:$0x3FB6] =	sst s10  }
0x38: {  	s10 =	sld [smem:$0x3FB7]  }
0x39: {  	_ = 	snop;
	(pc) =	sbr.ind lr, $3  }
0x3a: {  	_ = 	snop  }
0x3b: {  	_ = 	snop  }
0x3c: {  	p2 =	seq.s32 s10, $0x1;
	s10 =	sld [smem:$0x3FB6]  }
0x3d: {  	_ =	shalt  }
0x3e: {  	_ =	shalt  }
0x3f: {  	_ =	shalt  }
0x40: {  	_ =	shalt  }
0x41: {  	_ =	shalt  }
0x42: {  	_ =	shalt  }
0x43: {  	_ =	shalt  }
0x44: {  	_ =	shalt  }
0x45: {  	_ =	shalt  }
0x46: {  	_ =	shalt  }
0x47: {  	_ =	shalt  }
0x48: {  	_ =	shalt  }
0x49: {  	_ =	shalt  }
0x4a: {  	_ =	shalt  }
0x4b: {  	_ =	shalt  }
0x4c: {  	_ =	shalt  }
0x4d: {  	_ =	shalt  }
0x4e: {  	_ =	shalt  }
0x4f: {  	_ =	shalt  }
0x50: {  	_ =	shalt  }
0x51: {  	_ =	shalt  }
0x52: {  	_ =	shalt  }
0x53: {  	_ =	shalt  }
0x54: {  	_ =	shalt  }
0x55: {  	_ =	shalt  }
0x56: {  	_ =	shalt  }
0x57: {  	_ =	shalt  }
0x58: {  	_ =	shalt  }
0x59: {  	_ =	shalt  }
0x5a: {  	_ =	shalt  }
0x5b: {  	_ =	shalt  }
0x5c: {  	_ =	shalt  }
0x5d: {  	_ =	shalt  }
0x5e: {  	_ =	shalt  }
0x5f: {  	_ =	shalt  }
0x60: {  	_ =	shalt  }
0x61: {  	_ =	shalt  }
0x62: {  	_ =	shalt  }
0x63: {  	_ =	shalt  }
0x64: {  	_ =	shalt  }
0x65: {  	_ =	shalt  }
0x66: {  	_ =	shalt  }
0x67: {  	_ =	shalt  }
0x68: {  	_ =	shalt  }
0x69: {  	_ =	shalt  }
0x6a: {  	_ =	shalt  }
0x6b: {  	_ =	shalt  }
0x6c: {  	_ =	shalt  }
0x6d: {  	_ =	shalt  }
0x6e: {  	_ =	shalt  }
0x6f: {  	_ =	shalt  }
0x70: {  	_ =	shalt  }
0x71: {  	_ =	shalt  }
0x72: {  	_ =	shalt  }
0x73: {  	_ =	shalt  }
0x74: {  	_ =	shalt  }
0x75: {  	_ =	shalt  }
0x76: {  	_ =	shalt  }
0x77: {  	_ =	shalt  }
0x78: {  	_ =	shalt  }
0x79: {  	_ =	shalt  }
0x7a: {  	_ =	shalt  }
0x7b: {  	_ =	shalt  }
0x7c: {  	_ =	shalt  }
0x7d: {  	_ =	shalt  }
0x7e: {  	_ =	shalt  }
0x7f: {  	_ =	shalt  }
0x80: {  	_ =	shalt  }
0x81: {  	_ =	shalt  }
0x82: {  	_ =	shalt  }
0x83: {  	_ =	shalt  }
0x84: {  	_ =	shalt  }
0x85: {  	_ =	shalt  }
0x86: {  	_ =	shalt  }
0x87: {  	_ =	shalt  }
.Lfunc_end0:
.L_simem_size_0:
called_computation_lowered:
.L_overlay_start_0:
0x88: {  	s2 =	sld [smem:$0x3FD9]  }
0x89: {  	s3 =	sld [smem:$0x3FFE];
	_ =	sdelay $0x1  }
0x8a: {  	s1 =	srdreg.scid  }
0x8b: {  	s0 =	sand.u32 $0x1, s1  }
0x8c: {  	s17 =	sshll.u32 s0, $0xA;
	s2 =	sadd.s32 s3, s2  }
0x8d: {  	s2 =	sadd.s32 s2, s17  }
0x8e: {  	[smem:$0x3FC2] =	sst s2  }
0x8f: {  	_ = 	snop  }
0x90: {  	s2 =	sld [smem:$0x3FD0];
	(tm) =	ssettm $0x1  }
0x91: {  	s18 =	sld [smem:$0x3FFB];
	_ =	sdelay $0x3  }
0x92: {  	_ =	strace s18  }
0x93: {  	s3 =	sld [smem:$0x3FFC];
	_ =	sdelay $0x3  }
0x94: {  	_ =	strace s3  }
0x95: {  	s3 =	sld [smem:$0x3FFD];
	_ =	sdelay $0x3  }
0x96: {  	_ =	strace s3  }
0x97: {  	_ =	strace $0x8FFFFFFF  }
0x98: {  	s19 =	sld [smem:$0x3FDB];
	_ =	sdelay $0x1  }
0x99: {  	s4 =	simm.s32 $_scs_section_size  }
0x9a: {  	s5 =	simm.s32 $_size__tile_overlayer_lowered;
	s6 =	simm.s32 $_tile_overlayer_lowered  }
0x9b: {  	s22 =	simm.s32 $0x1BFF;
	s21 =	sshll.u32 s6, $0x1;
	s3 =	sadd.s32 s4, s19  }
0x9c: {  	s7 =	simm.s32 $0x0;
	s20 =	sshll.u32 s5, $0x1;
	s5 =	sadd.s32 s21, s3  }
0x9d: {  	[timem:s7], [sflag:s22] =	dma.local [hbm:s5], s20  }
0x9e: {  	_ =	swait.ge [sflag:s22], s20  }
0x9f: {  	s4 =	ssub.s32 $0x0, s20;
	[sflag:s22] =	ssyncset.done $0x0  }
0xa0: {  	[sflag:s22] =	ssyncadd.s32 s4;
	_ =	sdelay $0x1  }
0xa1: {  	s23 =	simm.s32 $0x1B8B  }
0xa2: {  	_ =	swait.ge [sflag:s23], $0x1  }
0xa3: {  	[sflag:s23] =	ssyncset.done $0x0  }
0xa4: {  	s25 =	simm.s32 $0x1B8E;
	s24 =	sld [smem:$0x3FFE];
	[sflag:s23] =	ssyncadd.s32 $0xFFFFFFFF  }
0xa5: {  	s26 =	simm.s32 $execute0_lowered;
	[smem:$0x3FD2] =	sst s25  }
0xa6: {  	s5 =	sshll.u32 s26, $0x1;
	_ =	strace $0x80000046;
	[dreg:$0x1] =	wrdreg $0xFFFFFFFF  }
0xa7: {  	s28 =	simm.s32 $_size_execute0_lowered;
	s3 =	sadd.s32 s3, s5;
	[dreg:$0x0] =	wrdreg $0x0  }
0xa8: {  	s5 =	sshll.u32 s28, $0x1;
	[dreg:$0x2] =	wrdreg s3  }
0xa9: {  	[dreg:$0x3] =	wrdreg s5  }
0xaa: {  	[dreg:$0x4] =	wrdreg $0xC0  }
0xab: {  	_ =	task [dreg:s7], $0x5FFFF  }
0xac: {  	[dreg:$0x1] =	wrdreg $0xFFFFFFFF  }
0xad: {  	[dreg:$0x0] =	wrdreg $0x60  }
0xae: {  	[dreg:$0x2] =	wrdreg s2  }
0xaf: {  	[dreg:$0x3] =	wrdreg s24  }
0xb0: {  	[dreg:$0x4] =	wrdreg $0x99000  }
0xb1: {  	[dreg:$0x5] =	wrdreg $0x9  }
0xb2: {  	_ =	task.clear_ibuf [dreg:s7], $0x6FFFF;
	_ =	strace $0x90000046  }
0xb3: {  	s29 =	simm.s32 $0x9;
	_ =	strace $0x80000048  }
0xb4: {  	_ =	swait.ge [sflag:s29], $0x1  }
0xb5: {  	[sflag:s29] =	ssyncadd.s32 $0xFFFFFFFF  }
0xb6: {  	_ =	strace $0x90000048  }
0xb7: {  	_ =	sfence  }
0xb8: {  	s30 =	sld [smem:$0x0];
	_ =	sdelay $0x2  }
0xb9: {  	s31 =	sshll.u32 s1, $0xD;
	s1 =	sshrl.u32 s1, $0x2  }
0xba: {  	s3 =	sand.u32 $0x4000, s31;
	s1 =	sadd.s32 s1, s30  }
0xbb: {  	s0 =	sor.u32 s3, s0;
	s1 =	sshll.u32 s1, $0x11  }
0xbc: {  	s0 =	sor.u32 s1, s0  }
0xbd: {  	s0 =	sadd.s32 $0x8F2B, s0  }
0xbe: {  	[sflag:s0] =	ssyncadd.remote.s32 $0x1  }
0xbf: {  	_ =	sfence.sel $0xFFFF  }
0xc0: {  	[dreg:$0x0] =	wrdreg $0xFFFFFFFF;
	(pc) =	sbr.abs _section_cstart, $3  }
0xc1: {  	[dreg:$0x1] =	wrdreg $0xFFFFFFFF  }
0xc2: {  	_ =	task.clear_ibuf [dreg:s7], $0x2FFFF;
	_ =	strace $0x9FFFFFFF  }
0xc3: {  	(tm) =	ssettm $0x7FFFFFFF  }
tec
execute0_lowered:
.L_overlay_start_1:
0x0: {  	(tag) =	ssettag $0x1  }
0x1: {  	s1 =	rddreg [dreg:$0x1]  }
0x2: {  	s2 =	srdreg.scid;
	s11 =	stileid.u32  }
0x3: {  	s0 =	rddreg [dreg:$0x2];
	s4 =	simm.s32 $0x0;
	s29 =	simm.s32 $0x100  }
0x4: {  	s30 =	simm.s32 $0x600;
	s28 =	simm.s32 $0xC;
	s22 =	smul.u32 $0x4E200, s11  }
0x5: {  	s31 =	simm.s32 $0x3;
	s2 =	sand.u32 $0x1, s2;
	s10 =	smul.u32 $0x13800, s11  }
0x6: {  	s5 =	sshll.u32 s11, $0x1;
	[smem:$0x7FF] =	sst s4;
	s25 =	smul.u32 $0x4E000, s11  }
0x7: {  	s12 =	sadd.s32 $0x2A00, s1;
	s1 =	sadd.s32 $0x16400, s1;
	s3 =	smul.u32 $0x4E20, s11  }
0x8: {  	p0 =	sne.s32 s11, $0x0;
	s5 =	sor.u32 s2, s5;
	s24 =	smul.u32 $0x138800, s2  }
0x9: {  	_ =	strace $0x80000047;
	s6 =	ssub.s32 $0x2, s2;
	s2 =	smul.u32 $0x2710, s2  }
0xa: {  	[dreg:$0x4] =	wrdreg s12;
	s5 =	smul.u32 $0x2710, s5;
	s7 =	sshrl.u32 s6, $0x1  }
0xb: {  	s6 =	ssub.s32 s6, s7;
	s26 =	sadd.s32 s10, s24;
	s2 =	sadd.s32 s2, s3  }
0xc: {  	s8 =	sadd.s32 $0x48, s5;
	s15 =	sshrl.u32 s5, $0x3;
	s17 =	sadd.s32 $0x4E248, s5  }
0xd: {  	s18 =	sadd.s32 $0xD8, s5;
	s9 =	sadd.s32 $0x4E2D8, s5;
	s23 =	sadd.s32 $0x168, s5  }
0xe: {  	s5 =	sadd.s32 $0x4E368, s5;
	s10 =	sadd.s32 $0x4E560, s2;
	s8 =	sshrl.u32 s8, $0x3  }
0xf: {  	s13 =	sadd.s32 s12, s15;
	s7 =	sshrl.u32 s17, $0x3;
	s19 =	sshrl.u32 s18, $0x3  }
0x10: {  	s20 =	sshrl.u32 s9, $0x3;
	s5 =	sshrl.u32 s5, $0x3;
	s15 =	sshrl.u32 s24, $0x3  }
0x11: {  	s17 =	sadd.s32 $0x4E440, s2;
	s18 =	sadd.s32 $0x288, s2;
	s24 =	sadd.s32 $0x4E4D0, s2  }
0x12: {  	s9 =	sadd.s32 $0x360, s2;
	s16 =	sadd.s32 s12, s8;
	[dreg:$0x5] =	wrdreg s13  }
0x13: {  	s7 =	sadd.s32 s12, s7;
	s21 =	sadd.s32 s12, s20;
	[dreg:$0x6] =	wrdreg s16  }
0x14: {  	s8 =	sshrl.u32 s23, $0x3;
	s5 =	sadd.s32 s12, s5;
	[dreg:$0x7] =	wrdreg s7  }
0x15: {  	s20 =	sshrl.u32 s18, $0x3;
	s23 =	sadd.s32 $0x2D0, s2;
	[dreg:$0x9] =	wrdreg s21  }
0x16: {  	s18 =	sadd.s32 $0x3A8, s2;
	s11 =	sadd.s32 $0x24, s13;
	[dreg:$0xb] =	wrdreg s5  }
0x17: {  	s7 =	sadd.s32 s12, s19;
	s8 =	sadd.s32 s12, s8;
	[smem:$0x7F0] =	sst s11  }
0x18: {  	s5 =	sshrl.u32 s25, $0x2;
	s16 =	smax.u32 s6, $0x1;
	[dreg:$0x8] =	wrdreg s7  }
0x19: {  	s19 =	sadd.s32 $0x4E488, s2;
	s25 =	sadd.s32 $0x318, s2;
	[dreg:$0xa] =	wrdreg s8  }
0x1a: {  	s7 =	sshrl.u32 s22, $0x2;
	s8 =	sshrl.u32 s26, $0x3;
	[dreg:$0xf] =	wrdreg s16  }
0x1b: {  	s21 =	sshrl.u32 s19, $0x3;
	s26 =	sshrl.u32 s24, $0x3;
	s24 =	sadd.s32 $0x240, s2  }
0x1c: {  	s16 =	sshrl.u32 s10, $0x3;
	s10 =	sadd.s32 $0x9C52, s13;
	[dreg:$0x1c] =	wrdreg s24  }
0x1d: {  	s14 =	sadd.s32 s7, s0;
	s7 =	sadd.s32 s1, s8;
	[smem:$0x7EF] =	sst s10  }
0x1e: {  	s1 =	sadd.s32 s1, s15;
	s22 =	sadd.s32 s21, s12;
	[dreg:$0xd] =	wrdreg s7  }
0x1f: {  	s15 =	sshrl.u32 s9, $0x3;
	s9 =	sadd.s32 $0x12, s13;
	[dreg:$0x12] =	wrdreg s22  }
0x20: {  	s11 =	simm.s32 $0x780;
	s5 =	sadd.s32 s5, s0;
	[smem:$0x7EE] =	sst s9  }
0x21: {  	s3 =	sshrl.u32 s25, $0x3;
	s1 =	sadd.s32 $0x27000, s1;
	[dreg:$0xc] =	wrdreg s14  }
0x22: {  	s19 =	sadd.s32 $0x4E5A8, s2;
	s7 =	sadd.s32 s3, s12;
	[dreg:$0xe] =	wrdreg s1  }
0x23: {  	s21 =	sshrl.u32 s19, $0x3;
	s19 =	sadd.s32 $0x6C00, s14;
	[dreg:$0x15] =	wrdreg s7  }
0x24: {  	s25 =	sadd.s32 $0x4E5F0, s2;
	s24 =	sadd.s32 $0x12000, s14;
	[smem:$0x7F6] =	sst s19  }
0x25: {  	s1 =	sshrl.u32 s17, $0x3;
	s17 =	sadd.s32 s16, s12;
	[smem:$0x7FB] =	sst s24  }
0x26: {  	s8 =	sadd.s32 $0x4E518, s2;
	s7 =	sshrl.u32 s5, $0x3;
	[dreg:$0x18] =	wrdreg s17  }
0x27: {  	s10 =	simm.s32 $0x5100;
	s16 =	sadd.s32 $0x9C76, s13;
	[smem:$0x7EB] =	sst s7  }
0x28: {  	s5 =	simm.s32 $0x2D00;
	s1 =	sadd.s32 s1, s12;
	[smem:$0x7F3] =	sst s16  }
0x29: {  	s19 =	simm.s32 $0x5;
	s17 =	sadd.s32 $0x2400, s14;
	[dreg:$0x10] =	wrdreg s1  }
0x2a: {  	s24 =	simm.s32 $0x2;
	s1 =	sadd.s32 s20, s12;
	[smem:$0x7F4] =	sst s17  }
0x2b: {  	s16 =	simm.s32 $0xF;
	s20 =	sadd.s32 $0x3F0, s2;
	[dreg:$0x11] =	wrdreg s1  }
0x2c: {  	s1 =	sshrl.u32 s23, $0x3;
	s22 =	sshrl.u32 s20, $0x3;
	s20 =	sadd.s32 $0x9000, s14  }
0x2d: {  	s1 =	sadd.s32 s1, s12;
	s23 =	sadd.s32 s22, s12;
	[smem:$0x7F7] =	sst s20  }
0x2e: {  	s22 =	sadd.s32 $0xD800, s14;
	s20 =	simm.s32 $0x6;
	[dreg:$0x13] =	wrdreg s1  }
0x2f: {  	s1 =	sadd.s32 s26, s12;
	[dreg:$0x1b] =	wrdreg s23;
	s26 =	sadd.s32 $0x1F8, s2  }
0x30: {  	s2 =	sadd.s32 $0x4E3F8, s2;
	[smem:$0x7F9] =	sst s22;
	s23 =	sadd.s32 $0xFC00, s14  }
0x31: {  	s22 =	simm.s32 $0x680;
	[dreg:$0x14] =	wrdreg s1;
	s1 =	sshrl.u32 s8, $0x3  }
0x32: {  	s6 =	sshrl.u32 s26, $0x3;
	s8 =	sadd.s32 $0x9C40, s13;
	[smem:$0x7FA] =	sst s23  }
0x33: {  	s2 =	sshrl.u32 s2, $0x3;
	s26 =	sadd.s32 $0xA11A, s13;
	[smem:$0x7ED] =	sst s8  }
0x34: {  	s23 =	simm.s32 $0x500;
	s1 =	sadd.s32 s1, s12;
	[smem:$0x7FD] =	sst s26  }
0x35: {  	s3 =	sadd.s32 s6, s12;
	s6 =	sadd.s32 s2, s12;
	[dreg:$0x16] =	wrdreg s1  }
0x36: {  	s8 =	simm.s32 $0x80;
	s26 =	simm.s32 $0x1;
	[dreg:$0x1e] =	wrdreg s3  }
0x37: {  	s2 =	simm.s32 $0x4;
	s1 =	sadd.s32 s15, s12;
	[dreg:$0x1f] =	wrdreg s6  }
0x38: {  	s15 =	sadd.s32 $0x36, s13;
	s6 =	simm.s32 $0x10;
	[dreg:$0x17] =	wrdreg s1  }
0x39: {  	s1 =	sshrl.u32 s18, $0x3;
	[smem:$0x7F2] =	sst s15;
	s18 =	sadd.s32 $0x4800, s14  }
0x3a: {  	s15 =	simm.s32 $0xA;
	s1 =	sadd.s32 s1, s12;
	[smem:$0x7F5] =	sst s18  }
0x3b: {  	s18 =	simm.s32 $0x7500;
	[dreg:$0x19] =	wrdreg s1;
	s1 =	sadd.s32 s21, s12  }
0x3c: {  	s21 =	sadd.s32 $0xB400, s14;
	s14 =	simm.s32 $0x900;
	[dreg:$0x1a] =	wrdreg s1  }
0x3d: {  	s1 =	sshrl.u32 s25, $0x3;
	[smem:$0x7F8] =	sst s21;
	s25 =	sadd.s32 $0x4DA, s13  }
.Ltmp0:
0x3e: {  	s21 =	simm.s32 $0x7;
	s1 =	sadd.s32 s1, s12;
	(pc) =	sbr.rel .LBB2_1-.Ltmp0, $4  }
0x3f: {  	s12 =	sadd.s32 $0x9C64, s13;
	[smem:$0x7FC] =	sst s25;
	s13 =	simm.s32 $0x180  }
0x40: {  	s25 =	simm.s32 $0xD;
	[dreg:$0x1d] =	wrdreg s1;
	s1 =	sadd.s32 $0x138000, s0  }
0x41: {  	[smem:$0x7F1] =	sst s12;
	s12 =	simm.s32 $0x48;
	s1 =	sshrl.u32 @!p0 s1, $0x3  }
0x42: {  	v0 =	vimm.f32 $0.0e+00;
	s0 =	simm.s32 $0x0;
	[smem:$0x7EC] =	sst s1;
	s1 =	simm.s32 $0xE  }
.LBB2_6:
0x43: {  	s22 =	simm.s32 $0x680  }
0x44: {  	[spmem:s17] =	stream.indirect.scatter.add.f32 [tilespmem:s10], [sflag:$0x7], $0x80, s22, s12, $0xb8;
	[tilespmem:$0x1D180] =	vst v63  }
0x45: {  	_ =	swait.ge [sflag:s2], $0x2400  }
0x46: {  	[sflag:s2] =	ssyncset.done $0x0  }
0x47: {  	[sflag:s2] =	ssyncadd.s32 $0xFFFFDC00  }
0x48: {  	_ =	swait.ge [sflag:s21], $0x2400  }
0x49: {  	[sflag:s21] =	ssyncset.done $0x0  }
0x4a: {  	s7 =	sld [smem:$0x7FC];
	[sflag:s21] =	ssyncadd.s32 $0xFFFFDC00  }
0x4b: {  	[spmem:s17] =	stream.indirect.scatter.add.f32 [tilespmem:s0], [sflag:$0x8], $0x80, s11, s12, $0xb8;
	[tilespmem:$0x1D180] =	vst v63  }
0x4c: {  	s23 =	sld [smem:$0x7FD];
	s0 =	simm.s32 $0x800  }
0x4d: {  	[tilespmem:s0], [sflag:$0x11] =	stream.linear.gather [hbm4b:s7+s4], $0x40, $0x38;
	[tilespmem:$0x1D180] =	vst v63  }
0x4e: {  	s8 =	simm.s32 $0x880  }
0x4f: {  	[tilespmem:s8], [sflag:$0x11] =	stream.linear.gather [hbm4b:s23+s4], $0x40, $0x38;
	[tilespmem:$0x1D180] =	vst v63  }
0x50: {  	_ =	swait.ge [sflag:s26], $0x2400  }
0x51: {  	[sflag:s26] =	ssyncset.done $0x0  }
0x52: {  	s9 =	simm.s32 $0x8;
	[sflag:s26] =	ssyncadd.s32 $0xFFFFDC00  }
0x53: {  	_ =	swait.ge [sflag:s9], $0x2400  }
0x54: {  	[sflag:s9] =	ssyncset.done $0x0  }
0x55: {  	s13 =	simm.s32 $0x80;
	[sflag:s9] =	ssyncadd.s32 $0xFFFFDC00  }
0x56: {  	[spmem:s17] =	stream.indirect.scatter.add.f32 [tilespmem:s14], [sflag:$0x5], $0x80, s13, s12, $0xb8;
	[tilespmem:$0x1D180] =	vst v63  }
0x57: {  	_ =	swait.ge [sflag:s24], $0x2400  }
0x58: {  	[sflag:s24] =	ssyncset.done $0x0  }
0x59: {  	s18 =	simm.s32 $0x11;
	[sflag:s24] =	ssyncadd.s32 $0xFFFFDC00  }
0x5a: {  	_ =	swait.ge [sflag:s18], $0x40  }
0x5b: {  	[sflag:s18] =	ssyncset.done $0x0  }
0x5c: {  	[sflag:s18] =	ssyncadd.s32 $0xFFFFFFC0  }
0x5d: {  	_ =	swait.ge [sflag:s18], $0x40  }
0x5e: {  	[sflag:s18] =	ssyncset.done $0x0  }
0x5f: {  	s23 =	simm.s32 $0x40;
	[sflag:s18] =	ssyncadd.s32 $0xFFFFFFC0  }
0x60: {  	[tilespmem:s10], [sflag:$0x3] =	stream.indirect.gather [hbm4b:s3+s23], $0x80, s0, s23, $0xb8;
	[tilespmem:$0x1D180] =	vst v63  }
0x61: {  	s13 =	simm.s32 $0x180  }
0x62: {  	[spmem:s17] =	stream.indirect.scatter.add.f32 [tilespmem:s5], [sflag:$0x6], $0x80, s13, s12, $0xb8;
	[tilespmem:$0x1D180] =	vst v63  }
0x63: {  	_ =	swait.ge [sflag:s31], $0x2000  }
0x64: {  	[sflag:s31] =	ssyncset.done $0x0  }
0x65: {  	s3 =	simm.s32 $0x12;
	[sflag:s31] =	ssyncadd.s32 $0xFFFFE000  }
0x66: {  	[spmem:s17] =	stream.indirect.scatter.add.f32 [tilespmem:s10], [sflag:$0x12], $0x80, s8, s23, $0xb8;
	[tilespmem:$0x1D180] =	vst v63  }
0x67: {  	_ =	swait.ge [sflag:s3], $0x2000  }
0x68: {  	[sflag:s3] =	ssyncset.done $0x0  }
0x69: {  	[sflag:s3] =	ssyncadd.s32 $0xFFFFE000  }
0x6a: {  	_ =	swait.ge [sflag:s19], $0x2400  }
0x6b: {  	[sflag:s19] =	ssyncset.done $0x0  }
0x6c: {  	[sflag:s19] =	ssyncadd.s32 $0xFFFFDC00  }
0x6d: {  	_ =	swait.ge [sflag:s20], $0x2400  }
0x6e: {  	[sflag:s20] =	ssyncset.done $0x0  }
0x6f: {  	[sflag:s20] =	ssyncadd.s32 $0xFFFFDC00  }
0x70: {  	[bflag:$0x0] =	sbarrier.arrive $0xFFFF  }
0x71: {  	s10 =	stileid.u32;
	s9 =	sld [smem:$0x7EB]  }
0x72: {  	s7 =	sshll.u32 s10, $0x6  }
0x73: {  	s7 =	sor.u32 $0x1C12, s7;
	s17 =	rddreg [dreg:$0xd]  }
0x74: {  	[hbm:s17], [sflag:s7] =	dma.local [spmem:s9], $0x2700  }
0x75: {  	_ =	swait.ge [sflag:s3], $0x2700  }
0x76: {  	s9 =	sld [smem:$0x7EC]  }
0x77: {  	[sflag:s3] =	ssyncset.done $0x0  }
0x78: {  	s8 =	rddreg [dreg:$0xe];
	[sflag:s3] =	ssyncadd.s32 $0xFFFFD900  }
0x79: {  	[hbm:s8], [sflag:s7] =	dma.local @!p0 [spmem:s9], $0x100  }
0x7a: {  	s7 =	simm.s32 @!p0 $0x12  }
0x7b: {  	_ =	swait.ge @!p0 [sflag:s7], $0x100  }
0x7c: {  	s18 =	sld [smem:$0x7EA];
	_ =	sdelay $0x2  }
0x7d: {  	s23 =	rddreg [dreg:$0xf];
	s0 =	sadd.s32 $0x1, s18  }
0x7e: {  	p1 =	sne.s32 s0, s23  }
.Ltmp1:
0x7f: {  	_ = 	snop;
	(pc) =	sbr.rel @!p1 .LBB2_7-.Ltmp1, $4  }
0x80: {  	_ = 	snop  }
0x81: {  	s30 =	simm.s32 $0x600  }
0x82: {  	s10 =	simm.s32 $0x5100;
	s8 =	simm.s32 $0x80;
	[sflag:s7] =	ssyncset.done @!p0 $0x0  }
0x83: {  	[sflag:s7] =	ssyncadd.s32 @!p0 $0xFFFFFF00;
	s18 =	simm.s32 $0x7500;
	s23 =	simm.s32 $0x500  }
.LBB2_1:
0x84: {  	[smem:$0x7EA] =	sst s0  }
0x85: {  	s7 =	rddreg [dreg:$0x5]  }
0x86: {  	s9 =	sld [smem:$0x7ED]  }
0x87: {  	[tilespmem:s4], [sflag:$0x9] =	stream.linear.gather [hbm4b:s7+s4], $0x48, $0x38;
	[tilespmem:$0x1D180] =	vst v63  }
0x88: {  	s17 =	rddreg [dreg:$0x6]  }
0x89: {  	[tilespmem:s8], [sflag:$0x9] =	stream.linear.gather [hbm4b:s9+s4], $0x48, $0x38;
	[tilespmem:$0x1D180] =	vst v63  }
0x8a: {  	s0 =	rddreg [dreg:$0x7]  }
0x8b: {  	[tilespmem:s29], [sflag:$0xA] =	stream.linear.gather [hbm4b:s17+s4], $0x48, $0x38;
	[tilespmem:$0x1D180] =	vst v63  }
0x8c: {  	s3 =	sld [smem:$0x7EE]  }
0x8d: {  	[tilespmem:s13], [sflag:$0xA] =	stream.linear.gather [hbm4b:s0+s4], $0x48, $0x38;
	[tilespmem:$0x1D180] =	vst v63  }
0x8e: {  	s9 =	simm.s32 $0x200;
	s13 =	sld [smem:$0x7EF]  }
0x8f: {  	[tilespmem:s9], [sflag:$0xB] =	stream.linear.gather [hbm4b:s3+s4], $0x48, $0x38;
	[tilespmem:$0x1D180] =	vst v63  }
0x90: {  	s17 =	simm.s32 $0x280;
	s0 =	rddreg [dreg:$0x8]  }
0x91: {  	[tilespmem:s17], [sflag:$0xB] =	stream.linear.gather [hbm4b:s13+s4], $0x48, $0x38;
	[tilespmem:$0x1D180] =	vst v63  }
0x92: {  	s3 =	simm.s32 $0x300;
	s13 =	rddreg [dreg:$0x9]  }
0x93: {  	[tilespmem:s3], [sflag:$0xC] =	stream.linear.gather [hbm4b:s0+s4], $0x48, $0x38;
	[tilespmem:$0x1D180] =	vst v63  }
0x94: {  	s17 =	simm.s32 $0x380;
	s0 =	sld [smem:$0x7F0]  }
0x95: {  	[tilespmem:s17], [sflag:$0xC] =	stream.linear.gather [hbm4b:s13+s4], $0x48, $0x38;
	[tilespmem:$0x1D180] =	vst v63  }
0x96: {  	s9 =	sld [smem:$0x7F1];
	s3 =	simm.s32 $0x400  }
0x97: {  	[tilespmem:s3], [sflag:$0xD] =	stream.linear.gather [hbm4b:s0+s4], $0x48, $0x38;
	[tilespmem:$0x1D180] =	vst v63  }
0x98: {  	s13 =	simm.s32 $0x480;
	s17 =	rddreg [dreg:$0xa]  }
0x99: {  	[tilespmem:s13], [sflag:$0xD] =	stream.linear.gather [hbm4b:s9+s4], $0x48, $0x38;
	[tilespmem:$0x1D180] =	vst v63  }
0x9a: {  	s0 =	rddreg [dreg:$0xb]  }
0x9b: {  	[tilespmem:s23], [sflag:$0xE] =	stream.linear.gather [hbm4b:s17+s4], $0x48, $0x38;
	[tilespmem:$0x1D180] =	vst v63  }
0x9c: {  	s3 =	simm.s32 $0x580;
	s13 =	sld [smem:$0x7F2]  }
0x9d: {  	[tilespmem:s3], [sflag:$0xE] =	stream.linear.gather [hbm4b:s0+s4], $0x48, $0x38;
	[tilespmem:$0x1D180] =	vst v63  }
0x9e: {  	s17 =	sld [smem:$0x7F3]  }
0x9f: {  	[tilespmem:s30], [sflag:$0xF] =	stream.linear.gather [hbm4b:s13+s4], $0x48, $0x38;
	[tilespmem:$0x1D180] =	vst v63  }
0xa0: {  	s13 =	simm.s32 $0x0;
	s30 =	simm.s32 $0x200  }
0xa1: {  	[tilespmem:s22], [sflag:$0xF] =	stream.linear.gather [hbm4b:s17+s4], $0x48, $0x38;
	[tilespmem:$0x1D180] =	vst v63  }
.LBB2_2:
0xa2: {  	p1 =	sne.s32 s30, $0x8E00;
	[tilespmem:s13+$0x7570] =	vst v0  }
0xa3: {  	[tilespmem:s13+$0x7500] =	vst v0  }
0xa4: {  	[tilespmem:s13+$0x7510] =	vst v0  }
.Ltmp2:
0xa5: {  	[tilespmem:s13+$0x7520] =	vst v0;
	(pc) =	sbr.rel @p1 .LBB2_2-.Ltmp2, $4  }
0xa6: {  	[tilespmem:s13+$0x7530] =	vst v0  }
0xa7: {  	[tilespmem:s13+$0x7540] =	vst v0  }
0xa8: {  	[tilespmem:s13+$0x7550] =	vst v0  }
0xa9: {  	[tilespmem:s13+$0x7560] =	vst v0;
	s13 =	sshra.s32 s30, $0x2;
	s30 =	sadd.s32 $0x200, s30  }
0xaa: {  	[tilespmem:s13+$0x7570] =	vst v0  }
0xab: {  	[tilespmem:s13+$0x7500] =	vst v0  }
0xac: {  	[tilespmem:s13+$0x7510] =	vst v0  }
0xad: {  	[tilespmem:s13+$0x7520] =	vst v0  }
0xae: {  	[tilespmem:s13+$0x7530] =	vst v0  }
0xaf: {  	[tilespmem:s13+$0x7540] =	vst v0  }
0xb0: {  	[tilespmem:s13+$0x7550] =	vst v0;
	s7 =	rddreg [dreg:$0xc]  }
0xb1: {  	[tilespmem:s13+$0x7560] =	vst v0;
	s0 =	sld [smem:$0x7F4]  }
0xb2: {  	[spmem:s7] =	stream.linear.scatter [tilespmem:s18], [sflag:$0x5], $0x2400, $0x38;
	[tilespmem:$0x1D180] =	vst v63  }
0xb3: {  	s3 =	sld [smem:$0x7F5]  }
0xb4: {  	[spmem:s0] =	stream.linear.scatter [tilespmem:s18], [sflag:$0x6], $0x2400, $0x38;
	[tilespmem:$0x1D180] =	vst v63  }
0xb5: {  	s9 =	sld [smem:$0x7F6]  }
0xb6: {  	[spmem:s3] =	stream.linear.scatter [tilespmem:s18], [sflag:$0x7], $0x2400, $0x38;
	[tilespmem:$0x1D180] =	vst v63  }
0xb7: {  	s13 =	sld [smem:$0x7F7]  }
0xb8: {  	[spmem:s9] =	stream.linear.scatter [tilespmem:s18], [sflag:$0x8], $0x2400, $0x38;
	[tilespmem:$0x1D180] =	vst v63  }
0xb9: {  	s17 =	sld [smem:$0x7F8]  }
0xba: {  	[spmem:s13] =	stream.linear.scatter [tilespmem:s18], [sflag:$0x5], $0x2400, $0x38;
	[tilespmem:$0x1D180] =	vst v63  }
0xbb: {  	s22 =	sld [smem:$0x7F9]  }
0xbc: {  	[spmem:s17] =	stream.linear.scatter [tilespmem:s18], [sflag:$0x6], $0x2400, $0x38;
	[tilespmem:$0x1D180] =	vst v63  }
0xbd: {  	s0 =	sld [smem:$0x7FA]  }
0xbe: {  	[spmem:s22] =	stream.linear.scatter [tilespmem:s18], [sflag:$0x7], $0x2400, $0x38;
	[tilespmem:$0x1D180] =	vst v63  }
0xbf: {  	s3 =	sld [smem:$0x7FB]  }
0xc0: {  	[spmem:s0] =	stream.linear.scatter [tilespmem:s18], [sflag:$0x8], $0x2400, $0x38;
	[tilespmem:$0x1D180] =	vst v63  }
0xc1: {  	s0 =	simm.s32 $0x9  }
0xc2: {  	[spmem:s3] =	stream.linear.scatter [tilespmem:s18], [sflag:$0x11], $0x1880, $0x38;
	[tilespmem:$0x1D180] =	vst v63  }
0xc3: {  	_ =	swait.ge [sflag:s0], $0x48  }
0xc4: {  	[sflag:s0] =	ssyncset.done $0x0  }
0xc5: {  	[sflag:s0] =	ssyncadd.s32 $0xFFFFFFB8  }
0xc6: {  	_ =	swait.ge [sflag:s0], $0x48  }
0xc7: {  	[sflag:s0] =	ssyncset.done $0x0  }
0xc8: {  	[sflag:s0] =	ssyncadd.s32 $0xFFFFFFB8  }
0xc9: {  	s13 =	simm.s32 $0x0;
	s3 =	rddreg [dreg:$0x0]  }
0xca: {  	[tilespmem:s14], [sflag:$0x1] =	stream.indirect.gather [hbm4b:s3+s12], $0x80, s13, s12, $0xb8;
	[tilespmem:$0x1D180] =	vst v63  }
0xcb: {  	_ =	swait.ge [sflag:s15], $0x48  }
0xcc: {  	[sflag:s15] =	ssyncset.done $0x0  }
0xcd: {  	[sflag:s15] =	ssyncadd.s32 $0xFFFFFFB8  }
0xce: {  	_ =	swait.ge [sflag:s15], $0x48  }
0xcf: {  	[sflag:s15] =	ssyncset.done $0x0  }
0xd0: {  	s9 =	simm.s32 $0xB;
	[sflag:s15] =	ssyncadd.s32 $0xFFFFFFB8  }
0xd1: {  	[tilespmem:s5], [sflag:$0x2] =	stream.indirect.gather [hbm4b:s3+s12], $0x80, s29, s12, $0xb8;
	[tilespmem:$0x1D180] =	vst v63  }
0xd2: {  	_ =	swait.ge [sflag:s9], $0x48  }
0xd3: {  	[sflag:s9] =	ssyncset.done $0x0  }
0xd4: {  	[sflag:s9] =	ssyncadd.s32 $0xFFFFFFB8  }
0xd5: {  	_ =	swait.ge [sflag:s9], $0x48  }
0xd6: {  	[sflag:s9] =	ssyncset.done $0x0  }
0xd7: {  	s14 =	simm.s32 $0x200;
	[sflag:s9] =	ssyncadd.s32 $0xFFFFFFB8  }
0xd8: {  	[tilespmem:s10], [sflag:$0x3] =	stream.indirect.gather [hbm4b:s3+s12], $0x80, s14, s12, $0xb8;
	[tilespmem:$0x1D180] =	vst v63  }
0xd9: {  	_ =	swait.ge [sflag:s19], $0x2400  }
0xda: {  	[sflag:s19] =	ssyncset.done $0x0  }
0xdb: {  	[sflag:s19] =	ssyncadd.s32 $0xFFFFDC00  }
0xdc: {  	_ =	swait.ge [sflag:s20], $0x2400  }
0xdd: {  	[sflag:s20] =	ssyncset.done $0x0  }
0xde: {  	[sflag:s20] =	ssyncadd.s32 $0xFFFFDC00  }
0xdf: {  	_ =	swait.ge [sflag:s21], $0x2400  }
0xe0: {  	[sflag:s21] =	ssyncset.done $0x0  }
0xe1: {  	s17 =	simm.s32 $0x8;
	[sflag:s21] =	ssyncadd.s32 $0xFFFFDC00  }
0xe2: {  	_ =	swait.ge [sflag:s17], $0x2400  }
0xe3: {  	[sflag:s17] =	ssyncset.done $0x0  }
0xe4: {  	[sflag:s17] =	ssyncadd.s32 $0xFFFFDC00  }
0xe5: {  	_ =	swait.ge [sflag:s19], $0x2400  }
0xe6: {  	[sflag:s19] =	ssyncset.done $0x0  }
0xe7: {  	[sflag:s19] =	ssyncadd.s32 $0xFFFFDC00  }
0xe8: {  	_ =	swait.ge [sflag:s20], $0x2400  }
0xe9: {  	[sflag:s20] =	ssyncset.done $0x0  }
0xea: {  	[sflag:s20] =	ssyncadd.s32 $0xFFFFDC00  }
0xeb: {  	_ =	swait.ge [sflag:s21], $0x2400  }
0xec: {  	[sflag:s21] =	ssyncset.done $0x0  }
0xed: {  	[sflag:s21] =	ssyncadd.s32 $0xFFFFDC00  }
0xee: {  	_ =	swait.ge [sflag:s17], $0x2400  }
0xef: {  	[sflag:s17] =	ssyncset.done $0x0  }
0xf0: {  	s22 =	simm.s32 $0x11;
	[sflag:s17] =	ssyncadd.s32 $0xFFFFDC00  }
0xf1: {  	_ =	swait.ge [sflag:s22], $0x1880  }
0xf2: {  	[sflag:s22] =	ssyncset.done $0x0  }
0xf3: {  	[sflag:s22] =	ssyncadd.s32 $0xFFFFE780  }
0xf4: {  	[bflag:$0x0] =	sbarrier.arrive $0xFFFF  }
0xf5: {  	s0 =	simm.s32 $0x780;
	s30 =	rddreg [dreg:$0x1c]  }
0xf6: {  	s29 =	simm.s32 $0x580;
	s10 =	simm.s32 $0x5100;
	s17 =	rddreg [dreg:$0x2]  }
.LBB2_4:
0xf7: {  	_ =	swait.ge [sflag:s26], $0x2400  }
0xf8: {  	p1 =	seq.s32 s13, $0x0;
	[sflag:s26] =	ssyncset.done $0x0  }
0xf9: {  	s9 =	simm.s32 @!p1 $0x8;
	[sflag:s26] =	ssyncadd.s32 $0xFFFFDC00  }
0xfa: {  	_ =	swait.ge @!p1 [sflag:s9], $0x2400  }
0xfb: {  	[sflag:s9] =	ssyncset.done @!p1 $0x0  }
0xfc: {  	[sflag:s9] =	ssyncadd.s32 @!p1 $0xFFFFDC00  }
0xfd: {  	_ =	swait.ge [sflag:s28], $0x48  }
0xfe: {  	[sflag:s28] =	ssyncset.done $0x0  }
0xff: {  	[sflag:s28] =	ssyncadd.s32 $0xFFFFFFB8  }
0x100: {  	_ =	swait.ge [sflag:s28], $0x48  }
0x101: {  	[sflag:s28] =	ssyncset.done $0x0  }
0x102: {  	s7 =	simm.s32 $0x300;
	[sflag:s28] =	ssyncadd.s32 $0xFFFFFFB8  }
0x103: {  	[tilespmem:s18], [sflag:$0x4] =	stream.indirect.gather [hbm4b:s3+s12], $0x80, s7, s12, $0xb8;
	[tilespmem:$0x1D180] =	vst v63  }
0x104: {  	s18 =	rddreg [dreg:$0x1e]  }
0x105: {  	s14 =	simm.s32 $0x700;
	s5 =	rddreg [dreg:$0x1f];
	s22 =	sadd.s32 s13, s18  }
0x106: {  	[tilespmem:s14], [sflag:$0x10] =	stream.linear.gather [hbm4b:s22+s4], $0x48, $0x38;
	[tilespmem:$0x1D180] =	vst v63  }
0x107: {  	s7 =	sadd.s32 s13, s5  }
0x108: {  	[tilespmem:s0], [sflag:$0x10] =	stream.linear.gather [hbm4b:s7+s4], $0x48, $0x38;
	[tilespmem:$0x1D180] =	vst v63  }
0x109: {  	s5 =	simm.s32 $0x900  }
0x10a: {  	[spmem:s17] =	stream.indirect.scatter.add.f32 [tilespmem:s5], [sflag:$0x5], $0x80, s8, s12, $0xb8;
	[tilespmem:$0x1D180] =	vst v63  }
0x10b: {  	_ =	swait.ge [sflag:s24], $0x2400  }
0x10c: {  	[sflag:s24] =	ssyncset.done $0x0  }
0x10d: {  	[sflag:s24] =	ssyncadd.s32 $0xFFFFDC00  }
0x10e: {  	_ =	swait.ge [sflag:s19], $0x2400  }
0x10f: {  	[sflag:s19] =	ssyncset.done $0x0  }
0x110: {  	[sflag:s19] =	ssyncadd.s32 $0xFFFFDC00  }
0x111: {  	_ =	swait.ge [sflag:s25], $0x48  }
0x112: {  	[sflag:s25] =	ssyncset.done $0x0  }
0x113: {  	[sflag:s25] =	ssyncadd.s32 $0xFFFFFFB8  }
0x114: {  	_ =	swait.ge [sflag:s25], $0x48  }
0x115: {  	s18 =	simm.s32 $0x400;
	[sflag:s25] =	ssyncset.done $0x0  }
0x116: {  	s22 =	sshrl.u32 s30, $0x3;
	s0 =	rddreg [dreg:$0x4];
	[sflag:s25] =	ssyncadd.s32 $0xFFFFFFB8  }
0x117: {  	[tilespmem:s5], [sflag:$0x1] =	stream.indirect.gather [hbm4b:s3+s12], $0x80, s18, s12, $0xb8;
	[tilespmem:$0x1D180] =	vst v63  }
0x118: {  	s9 =	sadd.s32 s0, s22;
	s18 =	rddreg [dreg:$0x10]  }
0x119: {  	[tilespmem:s4], [sflag:$0x9] =	stream.linear.gather [hbm4b:s9+s4], $0x48, $0x38;
	[tilespmem:$0x1D180] =	vst v63  }
0x11a: {  	s22 =	sadd.s32 s13, s18  }
0x11b: {  	[tilespmem:s8], [sflag:$0x9] =	stream.linear.gather [hbm4b:s22+s4], $0x48, $0x38;
	[tilespmem:$0x1D180] =	vst v63  }
0x11c: {  	s18 =	simm.s32 $0x2D00;
	s8 =	simm.s32 $0x180  }
0x11d: {  	[spmem:s17] =	stream.indirect.scatter.add.f32 [tilespmem:s18], [sflag:$0x6], $0x80, s8, s12, $0xb8;
	[tilespmem:$0x1D180] =	vst v63  }
0x11e: {  	_ =	swait.ge [sflag:s31], $0x2400  }
0x11f: {  	[sflag:s31] =	ssyncset.done $0x0  }
0x120: {  	[sflag:s31] =	ssyncadd.s32 $0xFFFFDC00  }
0x121: {  	_ =	swait.ge [sflag:s20], $0x2400  }
0x122: {  	[sflag:s20] =	ssyncset.done $0x0  }
0x123: {  	[sflag:s20] =	ssyncadd.s32 $0xFFFFDC00  }
0x124: {  	_ =	swait.ge [sflag:s1], $0x48  }
0x125: {  	[sflag:s1] =	ssyncset.done $0x0  }
0x126: {  	[sflag:s1] =	ssyncadd.s32 $0xFFFFFFB8  }
0x127: {  	_ =	swait.ge [sflag:s1], $0x48  }
0x128: {  	[sflag:s1] =	ssyncset.done $0x0  }
0x129: {  	[sflag:s1] =	ssyncadd.s32 $0xFFFFFFB8  }
0x12a: {  	[tilespmem:s18], [sflag:$0x2] =	stream.indirect.gather [hbm4b:s3+s12], $0x80, s23, s12, $0xb8;
	[tilespmem:$0x1D180] =	vst v63  }
0x12b: {  	s23 =	rddreg [dreg:$0x11]  }
0x12c: {  	s9 =	rddreg [dreg:$0x12];
	s7 =	sadd.s32 s13, s23;
	s23 =	simm.s32 $0x100  }
0x12d: {  	[tilespmem:s23], [sflag:$0xA] =	stream.linear.gather [hbm4b:s7+s4], $0x48, $0x38;
	[tilespmem:$0x1D180] =	vst v63  }
0x12e: {  	s7 =	sadd.s32 s13, s9  }
0x12f: {  	[tilespmem:s8], [sflag:$0xA] =	stream.linear.gather [hbm4b:s7+s4], $0x48, $0x38;
	[tilespmem:$0x1D180] =	vst v63  }
0x130: {  	s9 =	simm.s32 $0x280  }
0x131: {  	[spmem:s17] =	stream.indirect.scatter.add.f32 [tilespmem:s10], [sflag:$0x7], $0x80, s9, s12, $0xb8;
	[tilespmem:$0x1D180] =	vst v63  }
0x132: {  	_ =	swait.ge [sflag:s2], $0x2400  }
0x133: {  	[sflag:s2] =	ssyncset.done $0x0  }
0x134: {  	[sflag:s2] =	ssyncadd.s32 $0xFFFFDC00  }
0x135: {  	_ =	swait.ge [sflag:s21], $0x2400  }
0x136: {  	[sflag:s21] =	ssyncset.done $0x0  }
0x137: {  	[sflag:s21] =	ssyncadd.s32 $0xFFFFDC00  }
0x138: {  	_ =	swait.ge [sflag:s16], $0x48  }
0x139: {  	[sflag:s16] =	ssyncset.done $0x0  }
0x13a: {  	[sflag:s16] =	ssyncadd.s32 $0xFFFFFFB8  }
0x13b: {  	_ =	swait.ge [sflag:s16], $0x48  }
0x13c: {  	p1 =	seq.s32 s13, $0x480;
	[sflag:s16] =	ssyncset.done $0x0  }
0x13d: {  	s8 =	simm.s32 $0x600;
	s7 =	rddreg [dreg:$0x13];
	[sflag:s16] =	ssyncadd.s32 $0xFFFFFFB8  }
0x13e: {  	[tilespmem:s10], [sflag:$0x3] =	stream.indirect.gather [hbm4b:s3+s12], $0x80, s8, s12, $0xb8;
	[tilespmem:$0x1D180] =	vst v63  }
0x13f: {  	s9 =	sadd.s32 @!p1 s13, s7;
	s7 =	simm.s32 @!p1 $0x0;
	s8 =	simm.s32 @!p1 $0x200  }
0x140: {  	[tilespmem:s8], [sflag:$0xB] =	stream.linear.gather @!p1 [hbm4b:s9+s7], $0x48, $0x38;
	[tilespmem:$0x1D180] =	vst v63  }
0x141: {  	s8 =	rddreg [dreg:$0x14]  }
0x142: {  	s9 =	simm.s32 @!p1 $0x280;
	s8 =	sadd.s32 @!p1 s13, s8  }
0x143: {  	[tilespmem:s9], [sflag:$0xB] =	stream.linear.gather @!p1 [hbm4b:s8+s7], $0x48, $0x38;
	[tilespmem:$0x1D180] =	vst v63  }
0x144: {  	s0 =	simm.s32 $0x7500;
	s9 =	simm.s32 $0x380  }
0x145: {  	[spmem:s17] =	stream.indirect.scatter.add.f32 [tilespmem:s0], [sflag:$0x8], $0x80, s9, s12, $0xb8;
	[tilespmem:$0x1D180] =	vst v63  }
0x146: {  	_ =	swait.ge [sflag:s26], $0x2400  }
0x147: {  	[sflag:s26] =	ssyncset.done $0x0  }
0x148: {  	s9 =	simm.s32 $0x8;
	[sflag:s26] =	ssyncadd.s32 $0xFFFFDC00  }
0x149: {  	_ =	swait.ge [sflag:s9], $0x2400  }
0x14a: {  	[sflag:s9] =	ssyncset.done $0x0  }
0x14b: {  	[sflag:s9] =	ssyncadd.s32 $0xFFFFDC00  }
0x14c: {  	_ =	swait.ge [sflag:s6], $0x48  }
0x14d: {  	[sflag:s6] =	ssyncset.done $0x0  }
0x14e: {  	[sflag:s6] =	ssyncadd.s32 $0xFFFFFFB8  }
0x14f: {  	_ =	swait.ge [sflag:s6], $0x48  }
0x150: {  	[sflag:s6] =	ssyncset.done $0x0  }
0x151: {  	s8 =	rddreg [dreg:$0x15];
	[sflag:s6] =	ssyncadd.s32 $0xFFFFFFB8  }
0x152: {  	[tilespmem:s0], [sflag:$0x4] =	stream.indirect.gather [hbm4b:s3+s12], $0x80, s14, s12, $0xb8;
	[tilespmem:$0x1D180] =	vst v63  }
0x153: {  	s9 =	simm.s32 @!p1 $0x300;
	s8 =	sadd.s32 @!p1 s13, s8  }
0x154: {  	[tilespmem:s9], [sflag:$0xC] =	stream.linear.gather @!p1 [hbm4b:s8+s7], $0x48, $0x38;
	[tilespmem:$0x1D180] =	vst v63  }
0x155: {  	s8 =	rddreg [dreg:$0x16]  }
0x156: {  	s9 =	simm.s32 @!p1 $0x380;
	s8 =	sadd.s32 @!p1 s13, s8  }
0x157: {  	[tilespmem:s9], [sflag:$0xC] =	stream.linear.gather @!p1 [hbm4b:s8+s7], $0x48, $0x38;
	[tilespmem:$0x1D180] =	vst v63  }
0x158: {  	s9 =	simm.s32 $0x480  }
0x159: {  	[spmem:s17] =	stream.indirect.scatter.add.f32 [tilespmem:s5], [sflag:$0x5], $0x80, s9, s12, $0xb8;
	[tilespmem:$0x1D180] =	vst v63  }
0x15a: {  	_ =	swait.ge [sflag:s24], $0x2400  }
0x15b: {  	[sflag:s24] =	ssyncset.done $0x0  }
0x15c: {  	[sflag:s24] =	ssyncadd.s32 $0xFFFFDC00  }
0x15d: {  	_ =	swait.ge [sflag:s19], $0x2400  }
0x15e: {  	[sflag:s19] =	ssyncset.done $0x0  }
0x15f: {  	s14 =	simm.s32 $0x9;
	[sflag:s19] =	ssyncadd.s32 $0xFFFFDC00  }
0x160: {  	_ =	swait.ge [sflag:s14], $0x48  }
0x161: {  	[sflag:s14] =	ssyncset.done $0x0  }
0x162: {  	[sflag:s14] =	ssyncadd.s32 $0xFFFFFFB8  }
0x163: {  	_ =	swait.ge [sflag:s14], $0x48  }
0x164: {  	[sflag:s14] =	ssyncset.done $0x0  }
0x165: {  	s8 =	rddreg [dreg:$0x17];
	[sflag:s14] =	ssyncadd.s32 $0xFFFFFFB8  }
0x166: {  	[tilespmem:s5], [sflag:$0x1] =	stream.indirect.gather [hbm4b:s3+s12], $0x80, s4, s12, $0xb8;
	[tilespmem:$0x1D180] =	vst v63  }
0x167: {  	s9 =	simm.s32 @!p1 $0x400;
	s8 =	sadd.s32 @!p1 s13, s8  }
0x168: {  	[tilespmem:s9], [sflag:$0xD] =	stream.linear.gather @!p1 [hbm4b:s8+s7], $0x48, $0x38;
	[tilespmem:$0x1D180] =	vst v63  }
0x169: {  	s8 =	rddreg [dreg:$0x18]  }
0x16a: {  	s9 =	simm.s32 @!p1 $0x480;
	s8 =	sadd.s32 @!p1 s13, s8  }
0x16b: {  	[tilespmem:s9], [sflag:$0xD] =	stream.linear.gather @!p1 [hbm4b:s8+s7], $0x48, $0x38;
	[tilespmem:$0x1D180] =	vst v63  }
0x16c: {  	_ = 	snop  }
0x16d: {  	[spmem:s17] =	stream.indirect.scatter.add.f32 [tilespmem:s18], [sflag:$0x6], $0x80, s29, s12, $0xb8;
	[tilespmem:$0x1D180] =	vst v63  }
0x16e: {  	_ =	swait.ge [sflag:s31], $0x2400  }
0x16f: {  	[sflag:s31] =	ssyncset.done $0x0  }
0x170: {  	[sflag:s31] =	ssyncadd.s32 $0xFFFFDC00  }
0x171: {  	_ =	swait.ge [sflag:s20], $0x2400  }
0x172: {  	[sflag:s20] =	ssyncset.done $0x0  }
0x173: {  	[sflag:s20] =	ssyncadd.s32 $0xFFFFDC00  }
0x174: {  	_ =	swait.ge [sflag:s15], $0x48  }
0x175: {  	[sflag:s15] =	ssyncset.done $0x0  }
.Ltmp3:
0x176: {  	[sflag:s15] =	ssyncadd.s32 $0xFFFFFFB8;
	(pc) =	sbr.rel @p1 .LBB2_6-.Ltmp3, $4  }
0x177: {  	s22 =	simm.s32 $0x500;
	_ =	swait.ge [sflag:s15], $0x48  }
0x178: {  	s14 =	simm.s32 $0x900;
	s5 =	simm.s32 $0x2D00;
	[sflag:s15] =	ssyncset.done $0x0  }
0x179: {  	s8 =	simm.s32 $0x580;
	s29 =	simm.s32 $0x100;
	[sflag:s15] =	ssyncadd.s32 $0xFFFFFFB8  }
0x17a: {  	[tilespmem:s18], [sflag:$0x2] =	stream.indirect.gather [hbm4b:s3+s12], $0x80, s23, s12, $0xb8;
	[tilespmem:$0x1D180] =	vst v63  }
0x17b: {  	s7 =	rddreg [dreg:$0x19]  }
0x17c: {  	s5 =	rddreg [dreg:$0x1a];
	s7 =	sadd.s32 s13, s7  }
0x17d: {  	[tilespmem:s22], [sflag:$0xE] =	stream.linear.gather [hbm4b:s7+s4], $0x48, $0x38;
	[tilespmem:$0x1D180] =	vst v63  }
0x17e: {  	s7 =	sadd.s32 s13, s5  }
0x17f: {  	[tilespmem:s8], [sflag:$0xE] =	stream.linear.gather [hbm4b:s7+s4], $0x48, $0x38;
	[tilespmem:$0x1D180] =	vst v63  }
0x180: {  	s9 =	simm.s32 $0x680  }
0x181: {  	[spmem:s17] =	stream.indirect.scatter.add.f32 [tilespmem:s10], [sflag:$0x7], $0x80, s9, s12, $0xb8;
	[tilespmem:$0x1D180] =	vst v63  }
0x182: {  	_ =	swait.ge [sflag:s2], $0x2400  }
0x183: {  	[sflag:s2] =	ssyncset.done $0x0  }
0x184: {  	[sflag:s2] =	ssyncadd.s32 $0xFFFFDC00  }
0x185: {  	_ =	swait.ge [sflag:s21], $0x2400  }
0x186: {  	[sflag:s21] =	ssyncset.done $0x0  }
0x187: {  	s5 =	simm.s32 $0xB;
	[sflag:s21] =	ssyncadd.s32 $0xFFFFDC00  }
0x188: {  	_ =	swait.ge [sflag:s5], $0x48  }
0x189: {  	[sflag:s5] =	ssyncset.done $0x0  }
0x18a: {  	[sflag:s5] =	ssyncadd.s32 $0xFFFFFFB8  }
0x18b: {  	_ =	swait.ge [sflag:s5], $0x48  }
0x18c: {  	[sflag:s5] =	ssyncset.done $0x0  }
0x18d: {  	s14 =	simm.s32 $0x200;
	s18 =	rddreg [dreg:$0x1b];
	[sflag:s5] =	ssyncadd.s32 $0xFFFFFFB8  }
0x18e: {  	[tilespmem:s10], [sflag:$0x3] =	stream.indirect.gather [hbm4b:s3+s12], $0x80, s14, s12, $0xb8;
	[tilespmem:$0x1D180] =	vst v63  }
0x18f: {  	s22 =	simm.s32 $0x600;
	s23 =	rddreg [dreg:$0x1d];
	s7 =	sadd.s32 s13, s18  }
0x190: {  	[tilespmem:s22], [sflag:$0xF] =	stream.linear.gather [hbm4b:s7+s4], $0x48, $0x38;
	[tilespmem:$0x1D180] =	vst v63  }
.Ltmp4:
0x191: {  	s30 =	sadd.s32 $0x240, s30;
	s7 =	sadd.s32 s13, s23;
	(pc) =	sbr.rel .LBB2_4-.Ltmp4, $4  }
0x192: {  	[tilespmem:s9], [sflag:$0xF] =	stream.linear.gather [hbm4b:s7+s4], $0x48, $0x38;
	[tilespmem:$0x1D180] =	vst v63  }
0x193: {  	s29 =	simm.s32 $0x580;
	s8 =	simm.s32 $0x80;
	s18 =	simm.s32 $0x7500  }
0x194: {  	[spmem:s17] =	stream.indirect.scatter.add.f32 [tilespmem:s0], [sflag:$0x8], $0x80, s11, s12, $0xb8;
	[tilespmem:$0x1D180] =	vst v63  }
0x195: {  	s13 =	sadd.s32 $0x48, s13;
	s23 =	simm.s32 $0x500;
	s0 =	simm.s32 $0x780  }
.LBB2_7:
0x196: {  	_ =	sfence.sel $0x180000  }
0x197: {  	[bflag:$0x0] =	sbarrier.arrive $0xFFFF  }
0x198: {  	_ =	strace $0x90000047  }
0x199: {  	[bflag:$0x2] =	sbarrier.arrive $0xFFFF  }
0x19a: {  	s0 =	rddreg [dreg:$0x3]  }
0x19b: {  	s0 =	sadd.s32 @!p0 $0x100000, s0  }
0x19c: {  	[sflag:s0] =	ssyncadd.tile.s32 @!p0 $0x1;
	_ =	shalt  }
.Lfunc_end2:
_tile_overlayer_lowered:
.L_overlay_start_2:
0x19d: {  	(tag) =	ssettag $0x2  }
0x19e: {  	s0 =	rddreg [dreg:$0x0];
	s2 =	stileid.u32  }
0x19f: {  	s1 =	rddreg [dreg:$0x1];
	p0 =	sne.s32 s2, $0x0  }
0x1a0: {  	s3 =	rddreg [dreg:$0x2];
	[bflag:$0x3] =	sbarrier.arrive $0xFFFF;
	s2 =	simm.s32 @!p0 $0x1C12  }
0x1a1: {  	[timem:s3], [sflag:s2] =	dma.local @!p0 [hbm:s0], s1  }
0x1a2: {  	s0 =	simm.s32 @!p0 $0x12  }
0x1a3: {  	_ =	swait.ge @!p0 [sflag:s0], s1  }
0x1a4: {  	s1 =	ssub.s32 @!p0 $0x0, s1;
	[sflag:s0] =	ssyncset.done @!p0 $0x0  }
0x1a5: {  	[sflag:s0] =	ssyncadd.s32 @!p0 s1  }
0x1a6: {  	[bflag:$0x3] =	sbarrier.arrive $0xFFFF  }
0x1a7: {  	_ =	shalt  }

</sc_bundles>
